<compile_context>
chip_gen: v7x
topology: tpu7x:2x2x1
jax: 0.10.2.dev20260603
libtpu: 0.0.44.dev20260713+nightly
codegen_flags: <defaults>
</compile_context>

<pallas_src>
import jax
import jax.numpy as jnp
from jax import lax
from jax.experimental import pallas as pl
from jax.experimental.pallas import tpu as pltpu
from jax.experimental.pallas import tpu_sc as plsc

N = 100000
E = 6400000
NC = 2
NS = 16
L = 16
NW = NC * NS
N_PAD = 100352
SLICE = N_PAD // NS
E_PER_TILE = E // NW
CHUNK = 1600
N_CHUNKS = E_PER_TILE // CHUNK
ROWS = N_PAD // 128

_mesh = plsc.VectorSubcoreMesh(
    core_axis_name="c", subcore_axis_name="s", num_cores=NC, num_subcores=NS
)


def _make_edge_pass(with_deg, depth, chunk=CHUNK):
    out_type = [jax.ShapeDtypeStruct((NC * N_PAD,), jnp.float32)]
    scratch = (
        [pltpu.VMEM((N_PAD,), jnp.float32)]
        + [pltpu.VMEM((chunk,), jnp.int32)] * 2
        + [pltpu.VMEM((chunk,), jnp.int32)] * depth
        + [pltpu.VMEM((chunk,), jnp.float32)] * depth
        + [
            pltpu.VMEM_SHARED((N_PAD,), jnp.float32),
            pltpu.SemaphoreType.DMA((2,)),
            pltpu.SemaphoreType.DMA((depth,)),
            pltpu.SemaphoreType.DMA((depth,)),
        ]
    )
    if with_deg:
        out_type.append(jax.ShapeDtypeStruct((NC * N_PAD,), jnp.float32))
        scratch.append(pltpu.VMEM((chunk,), jnp.float32))
        scratch.append(pltpu.VMEM_SHARED((N_PAD,), jnp.float32))
        scratch.append(pltpu.SemaphoreType.DMA((depth,)))

    n_chunks = E_PER_TILE // chunk
    grp = 2 * depth if depth % 2 else depth
    total_iters = n_chunks + depth - 1
    n_groups = (total_iters + grp - 1) // grp

    def body(values_hbm, ei_hbm, s_out, *rest):
        rest = list(rest)
        if with_deg:
            deg_out = rest.pop(0)
        table = rest.pop(0)
        srcb = [rest.pop(0) for _ in range(2)]
        dstb = [rest.pop(0) for _ in range(depth)]
        valb = [rest.pop(0) for _ in range(depth)]
        s_sh, es, ed, sc = rest[:4]
        if with_deg:
            onesb, deg_sh, dg = rest[4:]
        c = lax.axis_index("c")
        s = lax.axis_index("s")
        wid = s * NC + c
        ebase = wid * E_PER_TILE

        pltpu.async_copy(ei_hbm.at[pl.ds(ebase, chunk)], srcb[0],
                         es.at[0])
        pltpu.async_copy(ei_hbm.at[pl.ds(E + ebase, chunk)], dstb[0],
                         ed.at[0])

        pltpu.sync_copy(values_hbm, table.at[pl.ds(0, values_hbm.shape[0])])

        zb = valb[depth - 1]

        def zloop(i, carry):
            zb[pl.ds(i * L, L)] = jnp.zeros((L,), jnp.float32)
            return carry
        lax.fori_loop(0, chunk // L, zloop, 0)
        zdsts = [s_sh] + ([deg_sh] if with_deg else [])
        for zdst in zdsts:
            for k in range(SLICE // chunk):
                pltpu.sync_copy(
                    zb, zdst.at[pl.ds(s * SLICE + k * chunk, chunk)])
            rem = SLICE % chunk
            if rem:
                pltpu.sync_copy(
                    zb.at[pl.ds(0, rem)],
                    zdst.at[pl.ds(s * SLICE + SLICE - rem, rem)])
        if with_deg:
            def oloop(i, carry):
                onesb[pl.ds(i * L, L)] = jnp.ones((L,), jnp.float32)
                return carry
            lax.fori_loop(0, chunk // L, oloop, 0)
        plsc.subcore_barrier()

        def group_body(g, carry):
            for k in range(grp):
                ci = g * grp + k
                sl = k % depth
                nsl = (k + 1) % depth
                s2 = k % 2
                ns2 = (k + 1) % 2

                @pl.when(jnp.logical_and(ci >= depth - 1,
                                         ci < n_chunks + depth - 1))
                def _wait_scatter():
                    pltpu.make_async_copy(
                        valb[nsl], s_sh.at[dstb[nsl]], sc.at[nsl]).wait()
                    if with_deg:
                        pltpu.make_async_copy(
                            onesb, deg_sh.at[dstb[nsl]], dg.at[nsl]).wait()

                @pl.when(ci + 1 < n_chunks)
                def _prefetch():
                    nbase = ebase + (ci + 1) * chunk
                    pltpu.async_copy(ei_hbm.at[pl.ds(nbase, chunk)],
                                     srcb[ns2], es.at[ns2])
                    pltpu.async_copy(ei_hbm.at[pl.ds(E + nbase, chunk)],
                                     dstb[nsl], ed.at[nsl])

                @pl.when(ci < n_chunks)
                def _process():
                    pltpu.make_async_copy(
                        ei_hbm.at[pl.ds(ebase + ci * chunk, chunk)],
                        srcb[s2], es.at[s2]).wait()
                    pltpu.make_async_copy(
                        ei_hbm.at[pl.ds(E + ebase + ci * chunk, chunk)],
                        dstb[sl], ed.at[sl]).wait()

                    sbb, dbb, vbb = srcb[s2], dstb[sl], valb[sl]

                    @plsc.parallel_loop(0, chunk // L, unroll=5)
                    def _gather(i):
                        idx = sbb[pl.ds(i * L, L)]
                        vbb[pl.ds(i * L, L)] = plsc.load_gather(table, [idx])

                    pltpu.async_copy(vbb, s_sh.at[dbb], sc.at[sl], add=True)
                    if with_deg:
                        pltpu.async_copy(onesb, deg_sh.at[dbb],
                                         dg.at[sl], add=True)
            return carry
        lax.fori_loop(0, n_groups, group_body, 0)

        plsc.subcore_barrier()
        off = c * N_PAD + s * SLICE
        pltpu.sync_copy(s_sh.at[pl.ds(s * SLICE, SLICE)],
                        s_out.at[pl.ds(off, SLICE)])
        if with_deg:
            pltpu.sync_copy(deg_sh.at[pl.ds(s * SLICE, SLICE)],
                            deg_out.at[pl.ds(off, SLICE)])

    return pl.kernel(body, out_type=out_type, mesh=_mesh,
                     scratch_types=scratch,
                     compiler_params=pltpu.CompilerParams(
                         needs_layout_passes=False))


_edge_l1 = _make_edge_pass(with_deg=True, depth=4, chunk=800)
_edge_l2 = _make_edge_pass(with_deg=False, depth=5)


def _node_pass1_body(p_ref, s_ref, d_ref, h2_ref, dinv_ref):
    s1 = s_ref[0] + s_ref[1]
    cnt = d_ref[0] + d_ref[1]
    deg = jnp.maximum(cnt, 1.0)
    dinv = 1.0 / deg
    t = s1 * dinv
    h2 = jnp.zeros_like(t)
    for j in range(3):
        h2 = h2 + jnp.maximum(t * p_ref[j] + p_ref[3 + j], 0.0) * p_ref[6 + j]
    h2_ref[...] = h2
    dinv_ref[...] = dinv


_node_pass1 = pl.pallas_call(
    _node_pass1_body,
    out_shape=[jax.ShapeDtypeStruct((ROWS, 128), jnp.float32),
               jax.ShapeDtypeStruct((ROWS, 128), jnp.float32)],
    in_specs=[pl.BlockSpec(memory_space=pltpu.SMEM),
              pl.BlockSpec(memory_space=pltpu.VMEM),
              pl.BlockSpec(memory_space=pltpu.VMEM)],
)


def _node_pass2_body(p_ref, s_ref, dinv_ref, out_ref):
    s2 = s_ref[0] + s_ref[1]
    out_ref[...] = jnp.maximum(s2 * dinv_ref[...] + p_ref[0], 0.0)


_node_pass2 = pl.pallas_call(
    _node_pass2_body,
    out_shape=jax.ShapeDtypeStruct((ROWS, 128), jnp.float32),
    in_specs=[pl.BlockSpec(memory_space=pltpu.SMEM),
              pl.BlockSpec(memory_space=pltpu.VMEM),
              pl.BlockSpec(memory_space=pltpu.VMEM)],
)


@jax.jit
def kernel(feat, edge_index, W1, b1, W2, b2):
    f32 = jnp.float32
    vals0 = feat[:, 0].astype(f32)

    ei_flat = edge_index.reshape(-1)
    s1p, degp = _edge_l1(vals0, ei_flat)
    params1 = jnp.concatenate([
        W1[0].astype(f32), b1.astype(f32), W2[:, 0].astype(f32),
        jnp.zeros((7,), f32),
    ])
    h2, dinv = _node_pass1(params1,
                           s1p.reshape(NC, ROWS, 128),
                           degp.reshape(NC, ROWS, 128))

    (s2p,) = _edge_l2(h2.reshape(-1), ei_flat)
    params2 = jnp.concatenate([b2.astype(f32), jnp.zeros((7,), f32)])
    out = _node_pass2(params2, s2p.reshape(NC, ROWS, 128), dinv)
    return out.reshape(-1)[:N][:, None]

# --- scband reference (transcript-rebuilt; emitter-appended) ---
"""Pipeline reference for scband-gcnprotein-62380105008026 (READ-ONLY COPY).

The authoritative reference and input builder live on the scoring server;
editing this copy changes nothing except your own understanding.
"""

import jax, jax.numpy as jnp
import numpy as np

N_NODES = 100000
N_EDGES = 6400000


def _gcn_layer(feat, edge_index, W, b, activation=True):
    # linear transform then mean-aggregate over incoming edges (GCN-style propagation)
    h = feat @ W  # [N, out]
    src = edge_index[0]
    dst = edge_index[1]
    msgs = jnp.take(h, src, axis=0)  # gather: [E, out]
    agg = jax.ops.segment_sum(msgs, dst, num_segments=N_NODES)  # scatter-add
    deg = jax.ops.segment_sum(jnp.ones((N_EDGES,), dtype=h.dtype), dst, num_segments=N_NODES)
    deg = jnp.clip(deg, 1.0, None)[:, None]
    out = agg / deg + b
    if activation:
        out = jax.nn.relu(out)
    return out


def setup_inputs(seed: int = 0) -> dict:
    key = jax.random.key(seed)
    k1, k2, k3, k4, k5, k6 = jax.random.split(key, 6)
    feat = jax.random.normal(k1, (N_NODES, 1), dtype=jnp.float32)
    edge_index = jax.random.randint(k2, (2, N_EDGES), 0, N_NODES, dtype=jnp.int32)
    # learned parameters: layer1 (1->3), layer2 (3->1), glorot-style init
    W1 = jax.random.normal(k3, (1, 3), dtype=jnp.float32) * (1.0 / np.sqrt(1.0))
    b1 = jnp.zeros((3,), dtype=jnp.float32)
    W2 = jax.random.normal(k4, (3, 1), dtype=jnp.float32) * (1.0 / np.sqrt(3.0))
    b2 = jnp.zeros((1,), dtype=jnp.float32)
    return {"feat": feat, "edge_index": edge_index, "W1": W1, "b1": b1, "W2": W2, "b2": b2}


def reference(feat, edge_index, W1, b1, W2, b2):
    h = _gcn_layer(feat, edge_index, W1, b1, activation=True)
    logits = _gcn_layer(h, edge_index, W2, b2, activation=True)
    return logits

if __name__ == "__main__":
    import jax
    _d = setup_inputs()
    print(jax.jit(kernel)(*tuple(_d.values())))

</pallas_src>

<mosaic_0001>
#map = affine_map<(d0, d1) -> (0)>
module attributes {stable_mosaic.version = 14 : i64} {
  func.func @body(%arg0: i32, %arg1: i32, %arg2: memref<100000xf32, #tpu.memory_space<hbm>>, %arg3: memref<12800000xi32, #tpu.memory_space<hbm>>, %arg4: memref<200704xf32, #tpu.memory_space<hbm>>, %arg5: memref<200704xf32, #tpu.memory_space<hbm>>, %arg6: memref<100352xf32, #tpu.memory_space<vmem>>, %arg7: memref<800xi32, #tpu.memory_space<vmem>>, %arg8: memref<800xi32, #tpu.memory_space<vmem>>, %arg9: memref<800xi32, #tpu.memory_space<vmem>>, %arg10: memref<800xi32, #tpu.memory_space<vmem>>, %arg11: memref<800xi32, #tpu.memory_space<vmem>>, %arg12: memref<800xi32, #tpu.memory_space<vmem>>, %arg13: memref<800xf32, #tpu.memory_space<vmem>>, %arg14: memref<800xf32, #tpu.memory_space<vmem>>, %arg15: memref<800xf32, #tpu.memory_space<vmem>>, %arg16: memref<800xf32, #tpu.memory_space<vmem>>, %arg17: memref<100352xf32, #tpu.memory_space<vmem_shared>>, %arg18: memref<2x!tpu.dma_semaphore, #tpu.memory_space<semaphore_mem>>, %arg19: memref<4x!tpu.dma_semaphore, #tpu.memory_space<semaphore_mem>>, %arg20: memref<4x!tpu.dma_semaphore, #tpu.memory_space<semaphore_mem>>, %arg21: memref<800xf32, #tpu.memory_space<vmem>>, %arg22: memref<100352xf32, #tpu.memory_space<vmem_shared>>, %arg23: memref<4x!tpu.dma_semaphore, #tpu.memory_space<semaphore_mem>>) attributes {dimension_semantics = [#tpu.dimension_semantics<core_parallel>, #tpu.dimension_semantics<subcore_parallel>], iteration_bounds = array<i64: 2, 16>, scalar_prefetch = 0 : i64, scratch_operands = 18 : i64, tpu.core_type = #tpu.core_type<sc_vector_subcore>, window_params = [{transform_indices = #map}, {transform_indices = #map}, {transform_indices = #map}, {transform_indices = #map}]} {
    %mul3A = arith.constant 2 : i32
    %mul3A_0 = arith.muli %arg1, %mul3A : i32
    %add3A = arith.addi %mul3A_0, %arg0 : i32
    %mul3A_1 = arith.constant 200000 : i32
    %mul3A_2 = arith.muli %add3A, %mul3A_1 : i32
    %dma_start3A = arith.constant 0 : i32
    %dma_start3A_3 = tpu.memref_slice %arg3[%mul3A_2] : memref<12800000xi32, #tpu.memory_space<hbm>> -> memref<800xi32, #tpu.memory_space<hbm>>
    %dma_start3A_4 = tpu.memref_slice %arg18[%dma_start3A] : memref<2x!tpu.dma_semaphore, #tpu.memory_space<semaphore_mem>> -> memref<1x!tpu.dma_semaphore, #tpu.memory_space<semaphore_mem>>
    %dma_start3A_5 = tpu.memref_squeeze %dma_start3A_4 : memref<1x!tpu.dma_semaphore, #tpu.memory_space<semaphore_mem>> -> memref<!tpu.dma_semaphore, #tpu.memory_space<semaphore_mem>>
    %dma_start3A_6 = tpu.memref_slice %arg3[%mul3A_2] : memref<12800000xi32, #tpu.memory_space<hbm>> -> memref<800xi32, #tpu.memory_space<hbm>>
    tpu.enqueue_dma source(%dma_start3A_6 : memref<800xi32, #tpu.memory_space<hbm>>) target(%arg7 : memref<800xi32, #tpu.memory_space<vmem>>) target_semaphore(%dma_start3A_5 : memref<!tpu.dma_semaphore, #tpu.memory_space<semaphore_mem>>)
    %add3A_7 = arith.constant 6400000 : i32
    %add3A_8 = arith.addi %add3A_7, %mul3A_2 : i32
    %dma_start3A_9 = arith.constant 0 : i32
    %dma_start3A_10 = tpu.memref_slice %arg3[%add3A_8] : memref<12800000xi32, #tpu.memory_space<hbm>> -> memref<800xi32, #tpu.memory_space<hbm>>
    %dma_start3A_11 = tpu.memref_slice %arg19[%dma_start3A_9] : memref<4x!tpu.dma_semaphore, #tpu.memory_space<semaphore_mem>> -> memref<1x!tpu.dma_semaphore, #tpu.memory_space<semaphore_mem>>
    %dma_start3A_12 = tpu.memref_squeeze %dma_start3A_11 : memref<1x!tpu.dma_semaphore, #tpu.memory_space<semaphore_mem>> -> memref<!tpu.dma_semaphore, #tpu.memory_space<semaphore_mem>>
    %dma_start3A_13 = tpu.memref_slice %arg3[%add3A_8] : memref<12800000xi32, #tpu.memory_space<hbm>> -> memref<800xi32, #tpu.memory_space<hbm>>
    tpu.enqueue_dma source(%dma_start3A_13 : memref<800xi32, #tpu.memory_space<hbm>>) target(%arg9 : memref<800xi32, #tpu.memory_space<vmem>>) target_semaphore(%dma_start3A_12 : memref<!tpu.dma_semaphore, #tpu.memory_space<semaphore_mem>>)
    "tpu.region"() ({
      %run_scoped3A = tpu.sem_alloc : memref<!tpu.dma_semaphore, #tpu.memory_space<semaphore_mem>>
      %dma_start3A_108 = arith.constant 0 : i32
      %dma_start3A_109 = tpu.memref_slice %arg6[%dma_start3A_108] : memref<100352xf32, #tpu.memory_space<vmem>> -> memref<100000xf32, #tpu.memory_space<vmem>>
      %dma_start3A_110 = arith.constant 0 : i32
      %dma_start3A_111 = tpu.memref_slice %arg6[%dma_start3A_110] : memref<100352xf32, #tpu.memory_space<vmem>> -> memref<100000xf32, #tpu.memory_space<vmem>>
      tpu.enqueue_dma source(%arg2 : memref<100000xf32, #tpu.memory_space<hbm>>) target(%dma_start3A_111 : memref<100000xf32, #tpu.memory_space<vmem>>) target_semaphore(%run_scoped3A : memref<!tpu.dma_semaphore, #tpu.memory_space<semaphore_mem>>)
      %dma_wait3A = arith.constant 0 : i32
      %dma_wait3A_112 = tpu.memref_slice %arg6[%dma_wait3A] : memref<100352xf32, #tpu.memory_space<vmem>> -> memref<100000xf32, #tpu.memory_space<vmem>>
      %dma_wait3A_113 = arith.constant 0 : i32
      %dma_wait3A_114 = tpu.memref_slice %arg6[%dma_wait3A_113] : memref<100352xf32, #tpu.memory_space<vmem>> -> memref<100000xf32, #tpu.memory_space<vmem>>
      tpu.wait_dma2 semaphore(%run_scoped3A : memref<!tpu.dma_semaphore, #tpu.memory_space<semaphore_mem>>) src(%arg2 : memref<100000xf32, #tpu.memory_space<hbm>>) dst(%dma_wait3A_114 : memref<100000xf32, #tpu.memory_space<vmem>>)
      tpu.yield
    }) : () -> ()
    %scan3A = arith.constant 0 : i32
    %scan3A_14 = arith.constant 0 : i32
    %scan3A_15 = arith.constant 50 : i32
    %scan3A_16 = arith.addi %scan3A_14, %scan3A_15 : i32
    %scan3A_17 = arith.constant 1 : i32
    scf.for %scan3A_108 = %scan3A_14 to %scan3A_16 step %scan3A_17  : i32 {
      %broadcast_in_dim3A = arith.constant 0.000000e+00 : f32
      %broadcast_in_dim3A_109 = vector.broadcast %broadcast_in_dim3A : f32 to vector<16xf32>
      %mul3A_110 = arith.constant 16 : i32
      %mul3A_111 = arith.muli %scan3A_108, %mul3A_110 : i32
      %swap3A = arith.index_cast %mul3A_111 : i32 to index
      %swap3A_112 = tpu.vector_load %arg16[%swap3A] {strides = array<i32>} : memref<800xf32, #tpu.memory_space<vmem>>, vector<16xf32>,
      tpu.vector_store %arg16[%swap3A], %broadcast_in_dim3A_109 {strides = array<i32>} : memref<800xf32, #tpu.memory_space<vmem>>, vector<16xf32>,
    }
    %scan3A_18 = arith.constant 50 : i32
    %mul3A_19 = arith.constant 6272 : i32
    %mul3A_20 = arith.muli %arg1, %mul3A_19 : i32
    %add3A_21 = arith.constant 0 : i32
    %add3A_22 = arith.addi %mul3A_20, %add3A_21 : i32
    "tpu.region"() ({
      %run_scoped3A = tpu.sem_alloc : memref<!tpu.dma_semaphore, #tpu.memory_space<semaphore_mem>>
      %dma_start3A_108 = tpu.memref_slice %arg17[%add3A_22] : memref<100352xf32, #tpu.memory_space<vmem_shared>> -> memref<800xf32, #tpu.memory_space<vmem_shared>>
      %dma_start3A_109 = tpu.memref_slice %arg17[%add3A_22] : memref<100352xf32, #tpu.memory_space<vmem_shared>> -> memref<800xf32, #tpu.memory_space<vmem_shared>>
      tpu.enqueue_dma source(%arg16 : memref<800xf32, #tpu.memory_space<vmem>>) target(%dma_start3A_109 : memref<800xf32, #tpu.memory_space<vmem_shared>>) target_semaphore(%run_scoped3A : memref<!tpu.dma_semaphore, #tpu.memory_space<semaphore_mem>>)
      %dma_wait3A = tpu.memref_slice %arg17[%add3A_22] : memref<100352xf32, #tpu.memory_space<vmem_shared>> -> memref<800xf32, #tpu.memory_space<vmem_shared>>
      %dma_wait3A_110 = tpu.memref_slice %arg17[%add3A_22] : memref<100352xf32, #tpu.memory_space<vmem_shared>> -> memref<800xf32, #tpu.memory_space<vmem_shared>>
      tpu.wait_dma2 semaphore(%run_scoped3A : memref<!tpu.dma_semaphore, #tpu.memory_space<semaphore_mem>>) src(%arg16 : memref<800xf32, #tpu.memory_space<vmem>>) dst(%dma_wait3A_110 : memref<800xf32, #tpu.memory_space<vmem_shared>>)
      tpu.yield
    }) : () -> ()
    %mul3A_23 = arith.constant 6272 : i32
    %mul3A_24 = arith.muli %arg1, %mul3A_23 : i32
    %add3A_25 = arith.constant 800 : i32
    %add3A_26 = arith.addi %mul3A_24, %add3A_25 : i32
    "tpu.region"() ({
      %run_scoped3A = tpu.sem_alloc : memref<!tpu.dma_semaphore, #tpu.memory_space<semaphore_mem>>
      %dma_start3A_108 = tpu.memref_slice %arg17[%add3A_26] : memref<100352xf32, #tpu.memory_space<vmem_shared>> -> memref<800xf32, #tpu.memory_space<vmem_shared>>
      %dma_start3A_109 = tpu.memref_slice %arg17[%add3A_26] : memref<100352xf32, #tpu.memory_space<vmem_shared>> -> memref<800xf32, #tpu.memory_space<vmem_shared>>
      tpu.enqueue_dma source(%arg16 : memref<800xf32, #tpu.memory_space<vmem>>) target(%dma_start3A_109 : memref<800xf32, #tpu.memory_space<vmem_shared>>) target_semaphore(%run_scoped3A : memref<!tpu.dma_semaphore, #tpu.memory_space<semaphore_mem>>)
      %dma_wait3A = tpu.memref_slice %arg17[%add3A_26] : memref<100352xf32, #tpu.memory_space<vmem_shared>> -> memref<800xf32, #tpu.memory_space<vmem_shared>>
      %dma_wait3A_110 = tpu.memref_slice %arg17[%add3A_26] : memref<100352xf32, #tpu.memory_space<vmem_shared>> -> memref<800xf32, #tpu.memory_space<vmem_shared>>
      tpu.wait_dma2 semaphore(%run_scoped3A : memref<!tpu.dma_semaphore, #tpu.memory_space<semaphore_mem>>) src(%arg16 : memref<800xf32, #tpu.memory_space<vmem>>) dst(%dma_wait3A_110 : memref<800xf32, #tpu.memory_space<vmem_shared>>)
      tpu.yield
    }) : () -> ()
    %mul3A_27 = arith.constant 6272 : i32
    %mul3A_28 = arith.muli %arg1, %mul3A_27 : i32
    %add3A_29 = arith.constant 1600 : i32
    %add3A_30 = arith.addi %mul3A_28, %add3A_29 : i32
    "tpu.region"() ({
      %run_scoped3A = tpu.sem_alloc : memref<!tpu.dma_semaphore, #tpu.memory_space<semaphore_mem>>
      %dma_start3A_108 = tpu.memref_slice %arg17[%add3A_30] : memref<100352xf32, #tpu.memory_space<vmem_shared>> -> memref<800xf32, #tpu.memory_space<vmem_shared>>
      %dma_start3A_109 = tpu.memref_slice %arg17[%add3A_30] : memref<100352xf32, #tpu.memory_space<vmem_shared>> -> memref<800xf32, #tpu.memory_space<vmem_shared>>
      tpu.enqueue_dma source(%arg16 : memref<800xf32, #tpu.memory_space<vmem>>) target(%dma_start3A_109 : memref<800xf32, #tpu.memory_space<vmem_shared>>) target_semaphore(%run_scoped3A : memref<!tpu.dma_semaphore, #tpu.memory_space<semaphore_mem>>)
      %dma_wait3A = tpu.memref_slice %arg17[%add3A_30] : memref<100352xf32, #tpu.memory_space<vmem_shared>> -> memref<800xf32, #tpu.memory_space<vmem_shared>>
      %dma_wait3A_110 = tpu.memref_slice %arg17[%add3A_30] : memref<100352xf32, #tpu.memory_space<vmem_shared>> -> memref<800xf32, #tpu.memory_space<vmem_shared>>
      tpu.wait_dma2 semaphore(%run_scoped3A : memref<!tpu.dma_semaphore, #tpu.memory_space<semaphore_mem>>) src(%arg16 : memref<800xf32, #tpu.memory_space<vmem>>) dst(%dma_wait3A_110 : memref<800xf32, #tpu.memory_space<vmem_shared>>)
      tpu.yield
    }) : () -> ()
    %mul3A_31 = arith.constant 6272 : i32
    %mul3A_32 = arith.muli %arg1, %mul3A_31 : i32
    %add3A_33 = arith.constant 2400 : i32
    %add3A_34 = arith.addi %mul3A_32, %add3A_33 : i32
    "tpu.region"() ({
      %run_scoped3A = tpu.sem_alloc : memref<!tpu.dma_semaphore, #tpu.memory_space<semaphore_mem>>
      %dma_start3A_108 = tpu.memref_slice %arg17[%add3A_34] : memref<100352xf32, #tpu.memory_space<vmem_shared>> -> memref<800xf32, #tpu.memory_space<vmem_shared>>
      %dma_start3A_109 = tpu.memref_slice %arg17[%add3A_34] : memref<100352xf32, #tpu.memory_space<vmem_shared>> -> memref<800xf32, #tpu.memory_space<vmem_shared>>
      tpu.enqueue_dma source(%arg16 : memref<800xf32, #tpu.memory_space<vmem>>) target(%dma_start3A_109 : memref<800xf32, #tpu.memory_space<vmem_shared>>) target_semaphore(%run_scoped3A : memref<!tpu.dma_semaphore, #tpu.memory_space<semaphore_mem>>)
      %dma_wait3A = tpu.memref_slice %arg17[%add3A_34] : memref<100352xf32, #tpu.memory_space<vmem_shared>> -> memref<800xf32, #tpu.memory_space<vmem_shared>>
      %dma_wait3A_110 = tpu.memref_slice %arg17[%add3A_34] : memref<100352xf32, #tpu.memory_space<vmem_shared>> -> memref<800xf32, #tpu.memory_space<vmem_shared>>
      tpu.wait_dma2 semaphore(%run_scoped3A : memref<!tpu.dma_semaphore, #tpu.memory_space<semaphore_mem>>) src(%arg16 : memref<800xf32, #tpu.memory_space<vmem>>) dst(%dma_wait3A_110 : memref<800xf32, #tpu.memory_space<vmem_shared>>)
      tpu.yield
    }) : () -> ()
    %mul3A_35 = arith.constant 6272 : i32
    %mul3A_36 = arith.muli %arg1, %mul3A_35 : i32
    %add3A_37 = arith.constant 3200 : i32
    %add3A_38 = arith.addi %mul3A_36, %add3A_37 : i32
    "tpu.region"() ({
      %run_scoped3A = tpu.sem_alloc : memref<!tpu.dma_semaphore, #tpu.memory_space<semaphore_mem>>
      %dma_start3A_108 = tpu.memref_slice %arg17[%add3A_38] : memref<100352xf32, #tpu.memory_space<vmem_shared>> -> memref<800xf32, #tpu.memory_space<vmem_shared>>
      %dma_start3A_109 = tpu.memref_slice %arg17[%add3A_38] : memref<100352xf32, #tpu.memory_space<vmem_shared>> -> memref<800xf32, #tpu.memory_space<vmem_shared>>
      tpu.enqueue_dma source(%arg16 : memref<800xf32, #tpu.memory_space<vmem>>) target(%dma_start3A_109 : memref<800xf32, #tpu.memory_space<vmem_shared>>) target_semaphore(%run_scoped3A : memref<!tpu.dma_semaphore, #tpu.memory_space<semaphore_mem>>)
      %dma_wait3A = tpu.memref_slice %arg17[%add3A_38] : memref<100352xf32, #tpu.memory_space<vmem_shared>> -> memref<800xf32, #tpu.memory_space<vmem_shared>>
      %dma_wait3A_110 = tpu.memref_slice %arg17[%add3A_38] : memref<100352xf32, #tpu.memory_space<vmem_shared>> -> memref<800xf32, #tpu.memory_space<vmem_shared>>
      tpu.wait_dma2 semaphore(%run_scoped3A : memref<!tpu.dma_semaphore, #tpu.memory_space<semaphore_mem>>) src(%arg16 : memref<800xf32, #tpu.memory_space<vmem>>) dst(%dma_wait3A_110 : memref<800xf32, #tpu.memory_space<vmem_shared>>)
      tpu.yield
    }) : () -> ()
    %mul3A_39 = arith.constant 6272 : i32
    %mul3A_40 = arith.muli %arg1, %mul3A_39 : i32
    %add3A_41 = arith.constant 4000 : i32
    %add3A_42 = arith.addi %mul3A_40, %add3A_41 : i32
    "tpu.region"() ({
      %run_scoped3A = tpu.sem_alloc : memref<!tpu.dma_semaphore, #tpu.memory_space<semaphore_mem>>
      %dma_start3A_108 = tpu.memref_slice %arg17[%add3A_42] : memref<100352xf32, #tpu.memory_space<vmem_shared>> -> memref<800xf32, #tpu.memory_space<vmem_shared>>
      %dma_start3A_109 = tpu.memref_slice %arg17[%add3A_42] : memref<100352xf32, #tpu.memory_space<vmem_shared>> -> memref<800xf32, #tpu.memory_space<vmem_shared>>
      tpu.enqueue_dma source(%arg16 : memref<800xf32, #tpu.memory_space<vmem>>) target(%dma_start3A_109 : memref<800xf32, #tpu.memory_space<vmem_shared>>) target_semaphore(%run_scoped3A : memref<!tpu.dma_semaphore, #tpu.memory_space<semaphore_mem>>)
      %dma_wait3A = tpu.memref_slice %arg17[%add3A_42] : memref<100352xf32, #tpu.memory_space<vmem_shared>> -> memref<800xf32, #tpu.memory_space<vmem_shared>>
      %dma_wait3A_110 = tpu.memref_slice %arg17[%add3A_42] : memref<100352xf32, #tpu.memory_space<vmem_shared>> -> memref<800xf32, #tpu.memory_space<vmem_shared>>
      tpu.wait_dma2 semaphore(%run_scoped3A : memref<!tpu.dma_semaphore, #tpu.memory_space<semaphore_mem>>) src(%arg16 : memref<800xf32, #tpu.memory_space<vmem>>) dst(%dma_wait3A_110 : memref<800xf32, #tpu.memory_space<vmem_shared>>)
      tpu.yield
    }) : () -> ()
    %mul3A_43 = arith.constant 6272 : i32
    %mul3A_44 = arith.muli %arg1, %mul3A_43 : i32
    %add3A_45 = arith.constant 4800 : i32
    %add3A_46 = arith.addi %mul3A_44, %add3A_45 : i32
    "tpu.region"() ({
      %run_scoped3A = tpu.sem_alloc : memref<!tpu.dma_semaphore, #tpu.memory_space<semaphore_mem>>
      %dma_start3A_108 = tpu.memref_slice %arg17[%add3A_46] : memref<100352xf32, #tpu.memory_space<vmem_shared>> -> memref<800xf32, #tpu.memory_space<vmem_shared>>
      %dma_start3A_109 = tpu.memref_slice %arg17[%add3A_46] : memref<100352xf32, #tpu.memory_space<vmem_shared>> -> memref<800xf32, #tpu.memory_space<vmem_shared>>
      tpu.enqueue_dma source(%arg16 : memref<800xf32, #tpu.memory_space<vmem>>) target(%dma_start3A_109 : memref<800xf32, #tpu.memory_space<vmem_shared>>) target_semaphore(%run_scoped3A : memref<!tpu.dma_semaphore, #tpu.memory_space<semaphore_mem>>)
      %dma_wait3A = tpu.memref_slice %arg17[%add3A_46] : memref<100352xf32, #tpu.memory_space<vmem_shared>> -> memref<800xf32, #tpu.memory_space<vmem_shared>>
      %dma_wait3A_110 = tpu.memref_slice %arg17[%add3A_46] : memref<100352xf32, #tpu.memory_space<vmem_shared>> -> memref<800xf32, #tpu.memory_space<vmem_shared>>
      tpu.wait_dma2 semaphore(%run_scoped3A : memref<!tpu.dma_semaphore, #tpu.memory_space<semaphore_mem>>) src(%arg16 : memref<800xf32, #tpu.memory_space<vmem>>) dst(%dma_wait3A_110 : memref<800xf32, #tpu.memory_space<vmem_shared>>)
      tpu.yield
    }) : () -> ()
    %mul3A_47 = arith.constant 6272 : i32
    %mul3A_48 = arith.muli %arg1, %mul3A_47 : i32
    %add3A_49 = arith.constant 6272 : i32
    %add3A_50 = arith.addi %mul3A_48, %add3A_49 : i32
    %sub3A = arith.constant 672 : i32
    %sub3A_51 = arith.subi %add3A_50, %sub3A : i32
    "tpu.region"() ({
      %run_scoped3A = tpu.sem_alloc : memref<!tpu.dma_semaphore, #tpu.memory_space<semaphore_mem>>
      %dma_start3A_108 = arith.constant 0 : i32
      %dma_start3A_109 = tpu.memref_slice %arg16[%dma_start3A_108] : memref<800xf32, #tpu.memory_space<vmem>> -> memref<672xf32, #tpu.memory_space<vmem>>
      %dma_start3A_110 = tpu.memref_slice %arg17[%sub3A_51] : memref<100352xf32, #tpu.memory_space<vmem_shared>> -> memref<672xf32, #tpu.memory_space<vmem_shared>>
      %dma_start3A_111 = tpu.memref_slice %arg17[%sub3A_51] : memref<100352xf32, #tpu.memory_space<vmem_shared>> -> memref<672xf32, #tpu.memory_space<vmem_shared>>
      %dma_start3A_112 = arith.constant 0 : i32
      %dma_start3A_113 = tpu.memref_slice %arg16[%dma_start3A_112] : memref<800xf32, #tpu.memory_space<vmem>> -> memref<672xf32, #tpu.memory_space<vmem>>
      tpu.enqueue_dma source(%dma_start3A_113 : memref<672xf32, #tpu.memory_space<vmem>>) target(%dma_start3A_111 : memref<672xf32, #tpu.memory_space<vmem_shared>>) target_semaphore(%run_scoped3A : memref<!tpu.dma_semaphore, #tpu.memory_space<semaphore_mem>>)
      %dma_wait3A = arith.constant 0 : i32
      %dma_wait3A_114 = tpu.memref_slice %arg16[%dma_wait3A] : memref<800xf32, #tpu.memory_space<vmem>> -> memref<672xf32, #tpu.memory_space<vmem>>
      %dma_wait3A_115 = tpu.memref_slice %arg17[%sub3A_51] : memref<100352xf32, #tpu.memory_space<vmem_shared>> -> memref<672xf32, #tpu.memory_space<vmem_shared>>
      %dma_wait3A_116 = tpu.memref_slice %arg17[%sub3A_51] : memref<100352xf32, #tpu.memory_space<vmem_shared>> -> memref<672xf32, #tpu.memory_space<vmem_shared>>
      %dma_wait3A_117 = arith.constant 0 : i32
      %dma_wait3A_118 = tpu.memref_slice %arg16[%dma_wait3A_117] : memref<800xf32, #tpu.memory_space<vmem>> -> memref<672xf32, #tpu.memory_space<vmem>>
      tpu.wait_dma2 semaphore(%run_scoped3A : memref<!tpu.dma_semaphore, #tpu.memory_space<semaphore_mem>>) src(%dma_wait3A_118 : memref<672xf32, #tpu.memory_space<vmem>>) dst(%dma_wait3A_116 : memref<672xf32, #tpu.memory_space<vmem_shared>>)
      tpu.yield
    }) : () -> ()
    %mul3A_52 = arith.constant 6272 : i32
    %mul3A_53 = arith.muli %arg1, %mul3A_52 : i32
    %add3A_54 = arith.constant 0 : i32
    %add3A_55 = arith.addi %mul3A_53, %add3A_54 : i32
    "tpu.region"() ({
      %run_scoped3A = tpu.sem_alloc : memref<!tpu.dma_semaphore, #tpu.memory_space<semaphore_mem>>
      %dma_start3A_108 = tpu.memref_slice %arg22[%add3A_55] : memref<100352xf32, #tpu.memory_space<vmem_shared>> -> memref<800xf32, #tpu.memory_space<vmem_shared>>
      %dma_start3A_109 = tpu.memref_slice %arg22[%add3A_55] : memref<100352xf32, #tpu.memory_space<vmem_shared>> -> memref<800xf32, #tpu.memory_space<vmem_shared>>
      tpu.enqueue_dma source(%arg16 : memref<800xf32, #tpu.memory_space<vmem>>) target(%dma_start3A_109 : memref<800xf32, #tpu.memory_space<vmem_shared>>) target_semaphore(%run_scoped3A : memref<!tpu.dma_semaphore, #tpu.memory_space<semaphore_mem>>)
      %dma_wait3A = tpu.memref_slice %arg22[%add3A_55] : memref<100352xf32, #tpu.memory_space<vmem_shared>> -> memref<800xf32, #tpu.memory_space<vmem_shared>>
      %dma_wait3A_110 = tpu.memref_slice %arg22[%add3A_55] : memref<100352xf32, #tpu.memory_space<vmem_shared>> -> memref<800xf32, #tpu.memory_space<vmem_shared>>
      tpu.wait_dma2 semaphore(%run_scoped3A : memref<!tpu.dma_semaphore, #tpu.memory_space<semaphore_mem>>) src(%arg16 : memref<800xf32, #tpu.memory_space<vmem>>) dst(%dma_wait3A_110 : memref<800xf32, #tpu.memory_space<vmem_shared>>)
      tpu.yield
    }) : () -> ()
    %mul3A_56 = arith.constant 6272 : i32
    %mul3A_57 = arith.muli %arg1, %mul3A_56 : i32
    %add3A_58 = arith.constant 800 : i32
    %add3A_59 = arith.addi %mul3A_57, %add3A_58 : i32
    "tpu.region"() ({
      %run_scoped3A = tpu.sem_alloc : memref<!tpu.dma_semaphore, #tpu.memory_space<semaphore_mem>>
      %dma_start3A_108 = tpu.memref_slice %arg22[%add3A_59] : memref<100352xf32, #tpu.memory_space<vmem_shared>> -> memref<800xf32, #tpu.memory_space<vmem_shared>>
      %dma_start3A_109 = tpu.memref_slice %arg22[%add3A_59] : memref<100352xf32, #tpu.memory_space<vmem_shared>> -> memref<800xf32, #tpu.memory_space<vmem_shared>>
      tpu.enqueue_dma source(%arg16 : memref<800xf32, #tpu.memory_space<vmem>>) target(%dma_start3A_109 : memref<800xf32, #tpu.memory_space<vmem_shared>>) target_semaphore(%run_scoped3A : memref<!tpu.dma_semaphore, #tpu.memory_space<semaphore_mem>>)
      %dma_wait3A = tpu.memref_slice %arg22[%add3A_59] : memref<100352xf32, #tpu.memory_space<vmem_shared>> -> memref<800xf32, #tpu.memory_space<vmem_shared>>
      %dma_wait3A_110 = tpu.memref_slice %arg22[%add3A_59] : memref<100352xf32, #tpu.memory_space<vmem_shared>> -> memref<800xf32, #tpu.memory_space<vmem_shared>>
      tpu.wait_dma2 semaphore(%run_scoped3A : memref<!tpu.dma_semaphore, #tpu.memory_space<semaphore_mem>>) src(%arg16 : memref<800xf32, #tpu.memory_space<vmem>>) dst(%dma_wait3A_110 : memref<800xf32, #tpu.memory_space<vmem_shared>>)
      tpu.yield
    }) : () -> ()
    %mul3A_60 = arith.constant 6272 : i32
    %mul3A_61 = arith.muli %arg1, %mul3A_60 : i32
    %add3A_62 = arith.constant 1600 : i32
    %add3A_63 = arith.addi %mul3A_61, %add3A_62 : i32
    "tpu.region"() ({
      %run_scoped3A = tpu.sem_alloc : memref<!tpu.dma_semaphore, #tpu.memory_space<semaphore_mem>>
      %dma_start3A_108 = tpu.memref_slice %arg22[%add3A_63] : memref<100352xf32, #tpu.memory_space<vmem_shared>> -> memref<800xf32, #tpu.memory_space<vmem_shared>>
      %dma_start3A_109 = tpu.memref_slice %arg22[%add3A_63] : memref<100352xf32, #tpu.memory_space<vmem_shared>> -> memref<800xf32, #tpu.memory_space<vmem_shared>>
      tpu.enqueue_dma source(%arg16 : memref<800xf32, #tpu.memory_space<vmem>>) target(%dma_start3A_109 : memref<800xf32, #tpu.memory_space<vmem_shared>>) target_semaphore(%run_scoped3A : memref<!tpu.dma_semaphore, #tpu.memory_space<semaphore_mem>>)
      %dma_wait3A = tpu.memref_slice %arg22[%add3A_63] : memref<100352xf32, #tpu.memory_space<vmem_shared>> -> memref<800xf32, #tpu.memory_space<vmem_shared>>
      %dma_wait3A_110 = tpu.memref_slice %arg22[%add3A_63] : memref<100352xf32, #tpu.memory_space<vmem_shared>> -> memref<800xf32, #tpu.memory_space<vmem_shared>>
      tpu.wait_dma2 semaphore(%run_scoped3A : memref<!tpu.dma_semaphore, #tpu.memory_space<semaphore_mem>>) src(%arg16 : memref<800xf32, #tpu.memory_space<vmem>>) dst(%dma_wait3A_110 : memref<800xf32, #tpu.memory_space<vmem_shared>>)
      tpu.yield
    }) : () -> ()
    %mul3A_64 = arith.constant 6272 : i32
    %mul3A_65 = arith.muli %arg1, %mul3A_64 : i32
    %add3A_66 = arith.constant 2400 : i32
    %add3A_67 = arith.addi %mul3A_65, %add3A_66 : i32
    "tpu.region"() ({
      %run_scoped3A = tpu.sem_alloc : memref<!tpu.dma_semaphore, #tpu.memory_space<semaphore_mem>>
      %dma_start3A_108 = tpu.memref_slice %arg22[%add3A_67] : memref<100352xf32, #tpu.memory_space<vmem_shared>> -> memref<800xf32, #tpu.memory_space<vmem_shared>>
      %dma_start3A_109 = tpu.memref_slice %arg22[%add3A_67] : memref<100352xf32, #tpu.memory_space<vmem_shared>> -> memref<800xf32, #tpu.memory_space<vmem_shared>>
      tpu.enqueue_dma source(%arg16 : memref<800xf32, #tpu.memory_space<vmem>>) target(%dma_start3A_109 : memref<800xf32, #tpu.memory_space<vmem_shared>>) target_semaphore(%run_scoped3A : memref<!tpu.dma_semaphore, #tpu.memory_space<semaphore_mem>>)
      %dma_wait3A = tpu.memref_slice %arg22[%add3A_67] : memref<100352xf32, #tpu.memory_space<vmem_shared>> -> memref<800xf32, #tpu.memory_space<vmem_shared>>
      %dma_wait3A_110 = tpu.memref_slice %arg22[%add3A_67] : memref<100352xf32, #tpu.memory_space<vmem_shared>> -> memref<800xf32, #tpu.memory_space<vmem_shared>>
      tpu.wait_dma2 semaphore(%run_scoped3A : memref<!tpu.dma_semaphore, #tpu.memory_space<semaphore_mem>>) src(%arg16 : memref<800xf32, #tpu.memory_space<vmem>>) dst(%dma_wait3A_110 : memref<800xf32, #tpu.memory_space<vmem_shared>>)
      tpu.yield
    }) : () -> ()
    %mul3A_68 = arith.constant 6272 : i32
    %mul3A_69 = arith.muli %arg1, %mul3A_68 : i32
    %add3A_70 = arith.constant 3200 : i32
    %add3A_71 = arith.addi %mul3A_69, %add3A_70 : i32
    "tpu.region"() ({
      %run_scoped3A = tpu.sem_alloc : memref<!tpu.dma_semaphore, #tpu.memory_space<semaphore_mem>>
      %dma_start3A_108 = tpu.memref_slice %arg22[%add3A_71] : memref<100352xf32, #tpu.memory_space<vmem_shared>> -> memref<800xf32, #tpu.memory_space<vmem_shared>>
      %dma_start3A_109 = tpu.memref_slice %arg22[%add3A_71] : memref<100352xf32, #tpu.memory_space<vmem_shared>> -> memref<800xf32, #tpu.memory_space<vmem_shared>>
      tpu.enqueue_dma source(%arg16 : memref<800xf32, #tpu.memory_space<vmem>>) target(%dma_start3A_109 : memref<800xf32, #tpu.memory_space<vmem_shared>>) target_semaphore(%run_scoped3A : memref<!tpu.dma_semaphore, #tpu.memory_space<semaphore_mem>>)
      %dma_wait3A = tpu.memref_slice %arg22[%add3A_71] : memref<100352xf32, #tpu.memory_space<vmem_shared>> -> memref<800xf32, #tpu.memory_space<vmem_shared>>
      %dma_wait3A_110 = tpu.memref_slice %arg22[%add3A_71] : memref<100352xf32, #tpu.memory_space<vmem_shared>> -> memref<800xf32, #tpu.memory_space<vmem_shared>>
      tpu.wait_dma2 semaphore(%run_scoped3A : memref<!tpu.dma_semaphore, #tpu.memory_space<semaphore_mem>>) src(%arg16 : memref<800xf32, #tpu.memory_space<vmem>>) dst(%dma_wait3A_110 : memref<800xf32, #tpu.memory_space<vmem_shared>>)
      tpu.yield
    }) : () -> ()
    %mul3A_72 = arith.constant 6272 : i32
    %mul3A_73 = arith.muli %arg1, %mul3A_72 : i32
    %add3A_74 = arith.constant 4000 : i32
    %add3A_75 = arith.addi %mul3A_73, %add3A_74 : i32
    "tpu.region"() ({
      %run_scoped3A = tpu.sem_alloc : memref<!tpu.dma_semaphore, #tpu.memory_space<semaphore_mem>>
      %dma_start3A_108 = tpu.memref_slice %arg22[%add3A_75] : memref<100352xf32, #tpu.memory_space<vmem_shared>> -> memref<800xf32, #tpu.memory_space<vmem_shared>>
      %dma_start3A_109 = tpu.memref_slice %arg22[%add3A_75] : memref<100352xf32, #tpu.memory_space<vmem_shared>> -> memref<800xf32, #tpu.memory_space<vmem_shared>>
      tpu.enqueue_dma source(%arg16 : memref<800xf32, #tpu.memory_space<vmem>>) target(%dma_start3A_109 : memref<800xf32, #tpu.memory_space<vmem_shared>>) target_semaphore(%run_scoped3A : memref<!tpu.dma_semaphore, #tpu.memory_space<semaphore_mem>>)
      %dma_wait3A = tpu.memref_slice %arg22[%add3A_75] : memref<100352xf32, #tpu.memory_space<vmem_shared>> -> memref<800xf32, #tpu.memory_space<vmem_shared>>
      %dma_wait3A_110 = tpu.memref_slice %arg22[%add3A_75] : memref<100352xf32, #tpu.memory_space<vmem_shared>> -> memref<800xf32, #tpu.memory_space<vmem_shared>>
      tpu.wait_dma2 semaphore(%run_scoped3A : memref<!tpu.dma_semaphore, #tpu.memory_space<semaphore_mem>>) src(%arg16 : memref<800xf32, #tpu.memory_space<vmem>>) dst(%dma_wait3A_110 : memref<800xf32, #tpu.memory_space<vmem_shared>>)
      tpu.yield
    }) : () -> ()
    %mul3A_76 = arith.constant 6272 : i32
    %mul3A_77 = arith.muli %arg1, %mul3A_76 : i32
    %add3A_78 = arith.constant 4800 : i32
    %add3A_79 = arith.addi %mul3A_77, %add3A_78 : i32
    "tpu.region"() ({
      %run_scoped3A = tpu.sem_alloc : memref<!tpu.dma_semaphore, #tpu.memory_space<semaphore_mem>>
      %dma_start3A_108 = tpu.memref_slice %arg22[%add3A_79] : memref<100352xf32, #tpu.memory_space<vmem_shared>> -> memref<800xf32, #tpu.memory_space<vmem_shared>>
      %dma_start3A_109 = tpu.memref_slice %arg22[%add3A_79] : memref<100352xf32, #tpu.memory_space<vmem_shared>> -> memref<800xf32, #tpu.memory_space<vmem_shared>>
      tpu.enqueue_dma source(%arg16 : memref<800xf32, #tpu.memory_space<vmem>>) target(%dma_start3A_109 : memref<800xf32, #tpu.memory_space<vmem_shared>>) target_semaphore(%run_scoped3A : memref<!tpu.dma_semaphore, #tpu.memory_space<semaphore_mem>>)
      %dma_wait3A = tpu.memref_slice %arg22[%add3A_79] : memref<100352xf32, #tpu.memory_space<vmem_shared>> -> memref<800xf32, #tpu.memory_space<vmem_shared>>
      %dma_wait3A_110 = tpu.memref_slice %arg22[%add3A_79] : memref<100352xf32, #tpu.memory_space<vmem_shared>> -> memref<800xf32, #tpu.memory_space<vmem_shared>>
      tpu.wait_dma2 semaphore(%run_scoped3A : memref<!tpu.dma_semaphore, #tpu.memory_space<semaphore_mem>>) src(%arg16 : memref<800xf32, #tpu.memory_space<vmem>>) dst(%dma_wait3A_110 : memref<800xf32, #tpu.memory_space<vmem_shared>>)
      tpu.yield
    }) : () -> ()
    %mul3A_80 = arith.constant 6272 : i32
    %mul3A_81 = arith.muli %arg1, %mul3A_80 : i32
    %add3A_82 = arith.constant 6272 : i32
    %add3A_83 = arith.addi %mul3A_81, %add3A_82 : i32
    %sub3A_84 = arith.constant 672 : i32
    %sub3A_85 = arith.subi %add3A_83, %sub3A_84 : i32
    "tpu.region"() ({
      %run_scoped3A = tpu.sem_alloc : memref<!tpu.dma_semaphore, #tpu.memory_space<semaphore_mem>>
      %dma_start3A_108 = arith.constant 0 : i32
      %dma_start3A_109 = tpu.memref_slice %arg16[%dma_start3A_108] : memref<800xf32, #tpu.memory_space<vmem>> -> memref<672xf32, #tpu.memory_space<vmem>>
      %dma_start3A_110 = tpu.memref_slice %arg22[%sub3A_85] : memref<100352xf32, #tpu.memory_space<vmem_shared>> -> memref<672xf32, #tpu.memory_space<vmem_shared>>
      %dma_start3A_111 = tpu.memref_slice %arg22[%sub3A_85] : memref<100352xf32, #tpu.memory_space<vmem_shared>> -> memref<672xf32, #tpu.memory_space<vmem_shared>>
      %dma_start3A_112 = arith.constant 0 : i32
      %dma_start3A_113 = tpu.memref_slice %arg16[%dma_start3A_112] : memref<800xf32, #tpu.memory_space<vmem>> -> memref<672xf32, #tpu.memory_space<vmem>>
      tpu.enqueue_dma source(%dma_start3A_113 : memref<672xf32, #tpu.memory_space<vmem>>) target(%dma_start3A_111 : memref<672xf32, #tpu.memory_space<vmem_shared>>) target_semaphore(%run_scoped3A : memref<!tpu.dma_semaphore, #tpu.memory_space<semaphore_mem>>)
      %dma_wait3A = arith.constant 0 : i32
      %dma_wait3A_114 = tpu.memref_slice %arg16[%dma_wait3A] : memref<800xf32, #tpu.memory_space<vmem>> -> memref<672xf32, #tpu.memory_space<vmem>>
      %dma_wait3A_115 = tpu.memref_slice %arg22[%sub3A_85] : memref<100352xf32, #tpu.memory_space<vmem_shared>> -> memref<672xf32, #tpu.memory_space<vmem_shared>>
      %dma_wait3A_116 = tpu.memref_slice %arg22[%sub3A_85] : memref<100352xf32, #tpu.memory_space<vmem_shared>> -> memref<672xf32, #tpu.memory_space<vmem_shared>>
      %dma_wait3A_117 = arith.constant 0 : i32
      %dma_wait3A_118 = tpu.memref_slice %arg16[%dma_wait3A_117] : memref<800xf32, #tpu.memory_space<vmem>> -> memref<672xf32, #tpu.memory_space<vmem>>
      tpu.wait_dma2 semaphore(%run_scoped3A : memref<!tpu.dma_semaphore, #tpu.memory_space<semaphore_mem>>) src(%dma_wait3A_118 : memref<672xf32, #tpu.memory_space<vmem>>) dst(%dma_wait3A_116 : memref<672xf32, #tpu.memory_space<vmem_shared>>)
      tpu.yield
    }) : () -> ()
    %scan3A_86 = arith.constant 0 : i32
    %scan3A_87 = arith.constant 0 : i32
    %scan3A_88 = arith.constant 50 : i32
    %scan3A_89 = arith.addi %scan3A_87, %scan3A_88 : i32
    %scan3A_90 = arith.constant 1 : i32
    scf.for %scan3A_108 = %scan3A_87 to %scan3A_89 step %scan3A_90  : i32 {
      %broadcast_in_dim3A = arith.constant 1.000000e+00 : f32
      %broadcast_in_dim3A_109 = vector.broadcast %broadcast_in_dim3A : f32 to vector<16xf32>
      %mul3A_110 = arith.constant 16 : i32
      %mul3A_111 = arith.muli %scan3A_108, %mul3A_110 : i32
      %swap3A = arith.index_cast %mul3A_111 : i32 to index
      %swap3A_112 = tpu.vector_load %arg21[%swap3A] {strides = array<i32>} : memref<800xf32, #tpu.memory_space<vmem>>, vector<16xf32>,
      tpu.vector_store %arg21[%swap3A], %broadcast_in_dim3A_109 {strides = array<i32>} : memref<800xf32, #tpu.memory_space<vmem>>, vector<16xf32>,
    }
    %scan3A_91 = arith.constant 50 : i32
    %barrier3A = arith.constant 0 : index
    tpu.barrier barrier_id(%barrier3A)
    %scan3A_92 = arith.constant 0 : i32
    %scan3A_93 = arith.constant 0 : i32
    %scan3A_94 = arith.constant 64 : i32
    %scan3A_95 = arith.addi %scan3A_93, %scan3A_94 : i32
    %scan3A_96 = arith.constant 1 : i32
    scf.for %scan3A_108 = %scan3A_93 to %scan3A_95 step %scan3A_96  : i32 {
      %mul3A_109 = arith.constant 4 : i32
      %mul3A_110 = arith.muli %scan3A_108, %mul3A_109 : i32
      %add3A_111 = arith.constant 0 : i32
      %add3A_112 = arith.addi %mul3A_110, %add3A_111 : i32
      %ge3A = arith.constant 3 : i32
      %ge3A_113 = arith.cmpi sge, %add3A_112, %ge3A : i32
      %lt3A = arith.constant 253 : i32
      %lt3A_114 = arith.cmpi slt, %add3A_112, %lt3A : i32
      %and3A = arith.andi %ge3A_113, %lt3A_114 : i1
      %convert_element_type3A = arith.extui %and3A : i1 to i32
      %cond3A = arith.constant 0 : i32
      %cond3A_115 = arith.cmpi ne, %convert_element_type3A, %cond3A : i32
      scf.if %cond3A_115 {
        %dma_wait3A = arith.constant 1 : i32
        %dma_wait3A_200 = arith.constant 0 : i32
        %dma_wait3A_201 = tpu.memref_slice %arg17[%dma_wait3A_200] : memref<100352xf32, #tpu.memory_space<vmem_shared>> -> memref<100352xf32, #tpu.memory_space<vmem_shared>>
        %dma_wait3A_202 = tpu.memref_slice %arg20[%dma_wait3A] : memref<4x!tpu.dma_semaphore, #tpu.memory_space<semaphore_mem>> -> memref<1x!tpu.dma_semaphore, #tpu.memory_space<semaphore_mem>>
        %dma_wait3A_203 = tpu.memref_squeeze %dma_wait3A_202 : memref<1x!tpu.dma_semaphore, #tpu.memory_space<semaphore_mem>> -> memref<!tpu.dma_semaphore, #tpu.memory_space<semaphore_mem>>
        tpu.wait_indirect_dma semaphore(%dma_wait3A_203 : memref<!tpu.dma_semaphore, #tpu.memory_space<semaphore_mem>>) src(%arg14 : memref<800xf32, #tpu.memory_space<vmem>>) dst(%dma_wait3A_201 : memref<100352xf32, #tpu.memory_space<vmem_shared>>)
        %dma_wait3A_204 = arith.constant 1 : i32
        %dma_wait3A_205 = arith.constant 0 : i32
        %dma_wait3A_206 = tpu.memref_slice %arg22[%dma_wait3A_205] : memref<100352xf32, #tpu.memory_space<vmem_shared>> -> memref<100352xf32, #tpu.memory_space<vmem_shared>>
        %dma_wait3A_207 = tpu.memref_slice %arg23[%dma_wait3A_204] : memref<4x!tpu.dma_semaphore, #tpu.memory_space<semaphore_mem>> -> memref<1x!tpu.dma_semaphore, #tpu.memory_space<semaphore_mem>>
        %dma_wait3A_208 = tpu.memref_squeeze %dma_wait3A_207 : memref<1x!tpu.dma_semaphore, #tpu.memory_space<semaphore_mem>> -> memref<!tpu.dma_semaphore, #tpu.memory_space<semaphore_mem>>
        tpu.wait_indirect_dma semaphore(%dma_wait3A_208 : memref<!tpu.dma_semaphore, #tpu.memory_space<semaphore_mem>>) src(%arg21 : memref<800xf32, #tpu.memory_space<vmem>>) dst(%dma_wait3A_206 : memref<100352xf32, #tpu.memory_space<vmem_shared>>)
      } else {
      }
      %add3A_116 = arith.constant 1 : i32
      %add3A_117 = arith.addi %add3A_112, %add3A_116 : i32
      %lt3A_118 = arith.constant 250 : i32
      %lt3A_119 = arith.cmpi slt, %add3A_117, %lt3A_118 : i32
      %convert_element_type3A_120 = arith.extui %lt3A_119 : i1 to i32
      %cond3A_121 = arith.constant 0 : i32
      %cond3A_122 = arith.cmpi ne, %convert_element_type3A_120, %cond3A_121 : i32
      scf.if %cond3A_122 {
        %add3A_200 = arith.constant 1 : i32
        %add3A_201 = arith.addi %add3A_112, %add3A_200 : i32
        %mul3A_202 = arith.constant 800 : i32
        %mul3A_203 = arith.muli %add3A_201, %mul3A_202 : i32
        %add3A_204 = arith.addi %mul3A_2, %mul3A_203 : i32
        %dma_start3A_205 = arith.constant 1 : i32
        %dma_start3A_206 = tpu.memref_slice %arg3[%add3A_204] : memref<12800000xi32, #tpu.memory_space<hbm>> -> memref<800xi32, #tpu.memory_space<hbm>>
        %dma_start3A_207 = tpu.memref_slice %arg18[%dma_start3A_205] : memref<2x!tpu.dma_semaphore, #tpu.memory_space<semaphore_mem>> -> memref<1x!tpu.dma_semaphore, #tpu.memory_space<semaphore_mem>>
        %dma_start3A_208 = tpu.memref_squeeze %dma_start3A_207 : memref<1x!tpu.dma_semaphore, #tpu.memory_space<semaphore_mem>> -> memref<!tpu.dma_semaphore, #tpu.memory_space<semaphore_mem>>
        %dma_start3A_209 = tpu.memref_slice %arg3[%add3A_204] : memref<12800000xi32, #tpu.memory_space<hbm>> -> memref<800xi32, #tpu.memory_space<hbm>>
        tpu.enqueue_dma source(%dma_start3A_209 : memref<800xi32, #tpu.memory_space<hbm>>) target(%arg8 : memref<800xi32, #tpu.memory_space<vmem>>) target_semaphore(%dma_start3A_208 : memref<!tpu.dma_semaphore, #tpu.memory_space<semaphore_mem>>)
        %add3A_210 = arith.constant 6400000 : i32
        %add3A_211 = arith.addi %add3A_210, %add3A_204 : i32
        %dma_start3A_212 = arith.constant 1 : i32
        %dma_start3A_213 = tpu.memref_slice %arg3[%add3A_211] : memref<12800000xi32, #tpu.memory_space<hbm>> -> memref<800xi32, #tpu.memory_space<hbm>>
        %dma_start3A_214 = tpu.memref_slice %arg19[%dma_start3A_212] : memref<4x!tpu.dma_semaphore, #tpu.memory_space<semaphore_mem>> -> memref<1x!tpu.dma_semaphore, #tpu.memory_space<semaphore_mem>>
        %dma_start3A_215 = tpu.memref_squeeze %dma_start3A_214 : memref<1x!tpu.dma_semaphore, #tpu.memory_space<semaphore_mem>> -> memref<!tpu.dma_semaphore, #tpu.memory_space<semaphore_mem>>
        %dma_start3A_216 = tpu.memref_slice %arg3[%add3A_211] : memref<12800000xi32, #tpu.memory_space<hbm>> -> memref<800xi32, #tpu.memory_space<hbm>>
        tpu.enqueue_dma source(%dma_start3A_216 : memref<800xi32, #tpu.memory_space<hbm>>) target(%arg10 : memref<800xi32, #tpu.memory_space<vmem>>) target_semaphore(%dma_start3A_215 : memref<!tpu.dma_semaphore, #tpu.memory_space<semaphore_mem>>)
      } else {
      }
      %lt3A_123 = arith.constant 250 : i32
      %lt3A_124 = arith.cmpi slt, %add3A_112, %lt3A_123 : i32
      %convert_element_type3A_125 = arith.extui %lt3A_124 : i1 to i32
      %cond3A_126 = arith.constant 0 : i32
      %cond3A_127 = arith.cmpi ne, %convert_element_type3A_125, %cond3A_126 : i32
      scf.if %cond3A_127 {
        %mul3A_200 = arith.constant 800 : i32
        %mul3A_201 = arith.muli %add3A_112, %mul3A_200 : i32
        %add3A_202 = arith.addi %mul3A_2, %mul3A_201 : i32
        %dma_wait3A = arith.constant 0 : i32
        %dma_wait3A_203 = tpu.memref_slice %arg3[%add3A_202] : memref<12800000xi32, #tpu.memory_space<hbm>> -> memref<800xi32, #tpu.memory_space<hbm>>
        %dma_wait3A_204 = tpu.memref_slice %arg18[%dma_wait3A] : memref<2x!tpu.dma_semaphore, #tpu.memory_space<semaphore_mem>> -> memref<1x!tpu.dma_semaphore, #tpu.memory_space<semaphore_mem>>
        %dma_wait3A_205 = tpu.memref_squeeze %dma_wait3A_204 : memref<1x!tpu.dma_semaphore, #tpu.memory_space<semaphore_mem>> -> memref<!tpu.dma_semaphore, #tpu.memory_space<semaphore_mem>>
        %dma_wait3A_206 = tpu.memref_slice %arg3[%add3A_202] : memref<12800000xi32, #tpu.memory_space<hbm>> -> memref<800xi32, #tpu.memory_space<hbm>>
        tpu.wait_dma2 semaphore(%dma_wait3A_205 : memref<!tpu.dma_semaphore, #tpu.memory_space<semaphore_mem>>) src(%dma_wait3A_206 : memref<800xi32, #tpu.memory_space<hbm>>) dst(%arg7 : memref<800xi32, #tpu.memory_space<vmem>>)
        %add3A_207 = arith.constant 6400000 : i32
        %add3A_208 = arith.addi %add3A_207, %mul3A_2 : i32
        %mul3A_209 = arith.constant 800 : i32
        %mul3A_210 = arith.muli %add3A_112, %mul3A_209 : i32
        %add3A_211 = arith.addi %add3A_208, %mul3A_210 : i32
        %dma_wait3A_212 = arith.constant 0 : i32
        %dma_wait3A_213 = tpu.memref_slice %arg3[%add3A_211] : memref<12800000xi32, #tpu.memory_space<hbm>> -> memref<800xi32, #tpu.memory_space<hbm>>
        %dma_wait3A_214 = tpu.memref_slice %arg19[%dma_wait3A_212] : memref<4x!tpu.dma_semaphore, #tpu.memory_space<semaphore_mem>> -> memref<1x!tpu.dma_semaphore, #tpu.memory_space<semaphore_mem>>
        %dma_wait3A_215 = tpu.memref_squeeze %dma_wait3A_214 : memref<1x!tpu.dma_semaphore, #tpu.memory_space<semaphore_mem>> -> memref<!tpu.dma_semaphore, #tpu.memory_space<semaphore_mem>>
        %dma_wait3A_216 = tpu.memref_slice %arg3[%add3A_211] : memref<12800000xi32, #tpu.memory_space<hbm>> -> memref<800xi32, #tpu.memory_space<hbm>>
        tpu.wait_dma2 semaphore(%dma_wait3A_215 : memref<!tpu.dma_semaphore, #tpu.memory_space<semaphore_mem>>) src(%dma_wait3A_216 : memref<800xi32, #tpu.memory_space<hbm>>) dst(%arg9 : memref<800xi32, #tpu.memory_space<vmem>>)
        %parallel_loop3A = arith.constant 0 : i32
        %parallel_loop3A_217 = arith.constant 50 : i32
        %parallel_loop3A_218 = arith.constant 1 : i32
        scf.for %parallel_loop3A_229 = %parallel_loop3A to %parallel_loop3A_217 step %parallel_loop3A_218  : i32 {
          %parallel_loop3A_230 = arith.constant 16 : i32
          %parallel_loop3A_231 = arith.muli %parallel_loop3A_229, %parallel_loop3A_230 : i32
          %parallel_loop3A_232 = arith.index_cast %parallel_loop3A_231 : i32 to index
          %parallel_loop3A_233 = tpu.vector_load %arg7[%parallel_loop3A_232] {strides = array<i32>} : memref<800xi32, #tpu.memory_space<vmem>>, vector<16xi32>,
          %parallel_loop3A_234 = tpu.vector_load_idx %arg6[%parallel_loop3A_233] : memref<100352xf32, #tpu.memory_space<vmem>>[vector<16xi32>], vector<16xf32>,
          %parallel_loop3A_235 = arith.constant 16 : i32
          %parallel_loop3A_236 = arith.muli %parallel_loop3A_229, %parallel_loop3A_235 : i32
          %parallel_loop3A_237 = arith.index_cast %parallel_loop3A_236 : i32 to index
          %parallel_loop3A_238 = tpu.vector_load %arg13[%parallel_loop3A_237] {strides = array<i32>} : memref<800xf32, #tpu.memory_space<vmem>>, vector<16xf32>,
          tpu.vector_store %arg13[%parallel_loop3A_237], %parallel_loop3A_234 {strides = array<i32>} : memref<800xf32, #tpu.memory_space<vmem>>, vector<16xf32>,
        } {sc.loop_unroll_factor = 5 : i64, sc.parallel_access}
        %dma_start3A_219 = arith.constant 0 : i32
        %dma_start3A_220 = arith.constant 0 : i32
        %dma_start3A_221 = tpu.memref_slice %arg17[%dma_start3A_220] : memref<100352xf32, #tpu.memory_space<vmem_shared>> -> memref<100352xf32, #tpu.memory_space<vmem_shared>>
        %dma_start3A_222 = tpu.memref_slice %arg20[%dma_start3A_219] : memref<4x!tpu.dma_semaphore, #tpu.memory_space<semaphore_mem>> -> memref<1x!tpu.dma_semaphore, #tpu.memory_space<semaphore_mem>>
        %dma_start3A_223 = tpu.memref_squeeze %dma_start3A_222 : memref<1x!tpu.dma_semaphore, #tpu.memory_space<semaphore_mem>> -> memref<!tpu.dma_semaphore, #tpu.memory_space<semaphore_mem>>
        tpu.enqueue_indirect_dma source(%arg13 : memref<800xf32, #tpu.memory_space<vmem>>) target(%dma_start3A_221 : memref<100352xf32, #tpu.memory_space<vmem_shared>>) offsets(%arg9 : memref<800xi32, #tpu.memory_space<vmem>>) semaphore(%dma_start3A_223 : memref<!tpu.dma_semaphore, #tpu.memory_space<semaphore_mem>>) {add = true}
        %dma_start3A_224 = arith.constant 0 : i32
        %dma_start3A_225 = arith.constant 0 : i32
        %dma_start3A_226 = tpu.memref_slice %arg22[%dma_start3A_225] : memref<100352xf32, #tpu.memory_space<vmem_shared>> -> memref<100352xf32, #tpu.memory_space<vmem_shared>>
        %dma_start3A_227 = tpu.memref_slice %arg23[%dma_start3A_224] : memref<4x!tpu.dma_semaphore, #tpu.memory_space<semaphore_mem>> -> memref<1x!tpu.dma_semaphore, #tpu.memory_space<semaphore_mem>>
        %dma_start3A_228 = tpu.memref_squeeze %dma_start3A_227 : memref<1x!tpu.dma_semaphore, #tpu.memory_space<semaphore_mem>> -> memref<!tpu.dma_semaphore, #tpu.memory_space<semaphore_mem>>
        tpu.enqueue_indirect_dma source(%arg21 : memref<800xf32, #tpu.memory_space<vmem>>) target(%dma_start3A_226 : memref<100352xf32, #tpu.memory_space<vmem_shared>>) offsets(%arg9 : memref<800xi32, #tpu.memory_space<vmem>>) semaphore(%dma_start3A_228 : memref<!tpu.dma_semaphore, #tpu.memory_space<semaphore_mem>>) {add = true}
      } else {
      }
      %mul3A_128 = arith.constant 4 : i32
      %mul3A_129 = arith.muli %scan3A_108, %mul3A_128 : i32
      %add3A_130 = arith.constant 1 : i32
      %add3A_131 = arith.addi %mul3A_129, %add3A_130 : i32
      %ge3A_132 = arith.constant 3 : i32
      %ge3A_133 = arith.cmpi sge, %add3A_131, %ge3A_132 : i32
      %lt3A_134 = arith.constant 253 : i32
      %lt3A_135 = arith.cmpi slt, %add3A_131, %lt3A_134 : i32
      %and3A_136 = arith.andi %ge3A_133, %lt3A_135 : i1
      %convert_element_type3A_137 = arith.extui %and3A_136 : i1 to i32
      %cond3A_138 = arith.constant 0 : i32
      %cond3A_139 = arith.cmpi ne, %convert_element_type3A_137, %cond3A_138 : i32
      scf.if %cond3A_139 {
        %dma_wait3A = arith.constant 2 : i32
        %dma_wait3A_200 = arith.constant 0 : i32
        %dma_wait3A_201 = tpu.memref_slice %arg17[%dma_wait3A_200] : memref<100352xf32, #tpu.memory_space<vmem_shared>> -> memref<100352xf32, #tpu.memory_space<vmem_shared>>
        %dma_wait3A_202 = tpu.memref_slice %arg20[%dma_wait3A] : memref<4x!tpu.dma_semaphore, #tpu.memory_space<semaphore_mem>> -> memref<1x!tpu.dma_semaphore, #tpu.memory_space<semaphore_mem>>
        %dma_wait3A_203 = tpu.memref_squeeze %dma_wait3A_202 : memref<1x!tpu.dma_semaphore, #tpu.memory_space<semaphore_mem>> -> memref<!tpu.dma_semaphore, #tpu.memory_space<semaphore_mem>>
        tpu.wait_indirect_dma semaphore(%dma_wait3A_203 : memref<!tpu.dma_semaphore, #tpu.memory_space<semaphore_mem>>) src(%arg15 : memref<800xf32, #tpu.memory_space<vmem>>) dst(%dma_wait3A_201 : memref<100352xf32, #tpu.memory_space<vmem_shared>>)
        %dma_wait3A_204 = arith.constant 2 : i32
        %dma_wait3A_205 = arith.constant 0 : i32
        %dma_wait3A_206 = tpu.memref_slice %arg22[%dma_wait3A_205] : memref<100352xf32, #tpu.memory_space<vmem_shared>> -> memref<100352xf32, #tpu.memory_space<vmem_shared>>
        %dma_wait3A_207 = tpu.memref_slice %arg23[%dma_wait3A_204] : memref<4x!tpu.dma_semaphore, #tpu.memory_space<semaphore_mem>> -> memref<1x!tpu.dma_semaphore, #tpu.memory_space<semaphore_mem>>
        %dma_wait3A_208 = tpu.memref_squeeze %dma_wait3A_207 : memref<1x!tpu.dma_semaphore, #tpu.memory_space<semaphore_mem>> -> memref<!tpu.dma_semaphore, #tpu.memory_space<semaphore_mem>>
        tpu.wait_indirect_dma semaphore(%dma_wait3A_208 : memref<!tpu.dma_semaphore, #tpu.memory_space<semaphore_mem>>) src(%arg21 : memref<800xf32, #tpu.memory_space<vmem>>) dst(%dma_wait3A_206 : memref<100352xf32, #tpu.memory_space<vmem_shared>>)
      } else {
      }
      %add3A_140 = arith.constant 1 : i32
      %add3A_141 = arith.addi %add3A_131, %add3A_140 : i32
      %lt3A_142 = arith.constant 250 : i32
      %lt3A_143 = arith.cmpi slt, %add3A_141, %lt3A_142 : i32
      %convert_element_type3A_144 = arith.extui %lt3A_143 : i1 to i32
      %cond3A_145 = arith.constant 0 : i32
      %cond3A_146 = arith.cmpi ne, %convert_element_type3A_144, %cond3A_145 : i32
      scf.if %cond3A_146 {
        %add3A_200 = arith.constant 1 : i32
        %add3A_201 = arith.addi %add3A_131, %add3A_200 : i32
        %mul3A_202 = arith.constant 800 : i32
        %mul3A_203 = arith.muli %add3A_201, %mul3A_202 : i32
        %add3A_204 = arith.addi %mul3A_2, %mul3A_203 : i32
        %dma_start3A_205 = arith.constant 0 : i32
        %dma_start3A_206 = tpu.memref_slice %arg3[%add3A_204] : memref<12800000xi32, #tpu.memory_space<hbm>> -> memref<800xi32, #tpu.memory_space<hbm>>
        %dma_start3A_207 = tpu.memref_slice %arg18[%dma_start3A_205] : memref<2x!tpu.dma_semaphore, #tpu.memory_space<semaphore_mem>> -> memref<1x!tpu.dma_semaphore, #tpu.memory_space<semaphore_mem>>
        %dma_start3A_208 = tpu.memref_squeeze %dma_start3A_207 : memref<1x!tpu.dma_semaphore, #tpu.memory_space<semaphore_mem>> -> memref<!tpu.dma_semaphore, #tpu.memory_space<semaphore_mem>>
        %dma_start3A_209 = tpu.memref_slice %arg3[%add3A_204] : memref<12800000xi32, #tpu.memory_space<hbm>> -> memref<800xi32, #tpu.memory_space<hbm>>
        tpu.enqueue_dma source(%dma_start3A_209 : memref<800xi32, #tpu.memory_space<hbm>>) target(%arg7 : memref<800xi32, #tpu.memory_space<vmem>>) target_semaphore(%dma_start3A_208 : memref<!tpu.dma_semaphore, #tpu.memory_space<semaphore_mem>>)
        %add3A_210 = arith.constant 6400000 : i32
        %add3A_211 = arith.addi %add3A_210, %add3A_204 : i32
        %dma_start3A_212 = arith.constant 2 : i32
        %dma_start3A_213 = tpu.memref_slice %arg3[%add3A_211] : memref<12800000xi32, #tpu.memory_space<hbm>> -> memref<800xi32, #tpu.memory_space<hbm>>
        %dma_start3A_214 = tpu.memref_slice %arg19[%dma_start3A_212] : memref<4x!tpu.dma_semaphore, #tpu.memory_space<semaphore_mem>> -> memref<1x!tpu.dma_semaphore, #tpu.memory_space<semaphore_mem>>
        %dma_start3A_215 = tpu.memref_squeeze %dma_start3A_214 : memref<1x!tpu.dma_semaphore, #tpu.memory_space<semaphore_mem>> -> memref<!tpu.dma_semaphore, #tpu.memory_space<semaphore_mem>>
        %dma_start3A_216 = tpu.memref_slice %arg3[%add3A_211] : memref<12800000xi32, #tpu.memory_space<hbm>> -> memref<800xi32, #tpu.memory_space<hbm>>
        tpu.enqueue_dma source(%dma_start3A_216 : memref<800xi32, #tpu.memory_space<hbm>>) target(%arg11 : memref<800xi32, #tpu.memory_space<vmem>>) target_semaphore(%dma_start3A_215 : memref<!tpu.dma_semaphore, #tpu.memory_space<semaphore_mem>>)
      } else {
      }
      %lt3A_147 = arith.constant 250 : i32
      %lt3A_148 = arith.cmpi slt, %add3A_131, %lt3A_147 : i32
      %convert_element_type3A_149 = arith.extui %lt3A_148 : i1 to i32
      %cond3A_150 = arith.constant 0 : i32
      %cond3A_151 = arith.cmpi ne, %convert_element_type3A_149, %cond3A_150 : i32
      scf.if %cond3A_151 {
        %mul3A_200 = arith.constant 800 : i32
        %mul3A_201 = arith.muli %add3A_131, %mul3A_200 : i32
        %add3A_202 = arith.addi %mul3A_2, %mul3A_201 : i32
        %dma_wait3A = arith.constant 1 : i32
        %dma_wait3A_203 = tpu.memref_slice %arg3[%add3A_202] : memref<12800000xi32, #tpu.memory_space<hbm>> -> memref<800xi32, #tpu.memory_space<hbm>>
        %dma_wait3A_204 = tpu.memref_slice %arg18[%dma_wait3A] : memref<2x!tpu.dma_semaphore, #tpu.memory_space<semaphore_mem>> -> memref<1x!tpu.dma_semaphore, #tpu.memory_space<semaphore_mem>>
        %dma_wait3A_205 = tpu.memref_squeeze %dma_wait3A_204 : memref<1x!tpu.dma_semaphore, #tpu.memory_space<semaphore_mem>> -> memref<!tpu.dma_semaphore, #tpu.memory_space<semaphore_mem>>
        %dma_wait3A_206 = tpu.memref_slice %arg3[%add3A_202] : memref<12800000xi32, #tpu.memory_space<hbm>> -> memref<800xi32, #tpu.memory_space<hbm>>
        tpu.wait_dma2 semaphore(%dma_wait3A_205 : memref<!tpu.dma_semaphore, #tpu.memory_space<semaphore_mem>>) src(%dma_wait3A_206 : memref<800xi32, #tpu.memory_space<hbm>>) dst(%arg8 : memref<800xi32, #tpu.memory_space<vmem>>)
        %add3A_207 = arith.constant 6400000 : i32
        %add3A_208 = arith.addi %add3A_207, %mul3A_2 : i32
        %mul3A_209 = arith.constant 800 : i32
        %mul3A_210 = arith.muli %add3A_131, %mul3A_209 : i32
        %add3A_211 = arith.addi %add3A_208, %mul3A_210 : i32
        %dma_wait3A_212 = arith.constant 1 : i32
        %dma_wait3A_213 = tpu.memref_slice %arg3[%add3A_211] : memref<12800000xi32, #tpu.memory_space<hbm>> -> memref<800xi32, #tpu.memory_space<hbm>>
        %dma_wait3A_214 = tpu.memref_slice %arg19[%dma_wait3A_212] : memref<4x!tpu.dma_semaphore, #tpu.memory_space<semaphore_mem>> -> memref<1x!tpu.dma_semaphore, #tpu.memory_space<semaphore_mem>>
        %dma_wait3A_215 = tpu.memref_squeeze %dma_wait3A_214 : memref<1x!tpu.dma_semaphore, #tpu.memory_space<semaphore_mem>> -> memref<!tpu.dma_semaphore, #tpu.memory_space<semaphore_mem>>
        %dma_wait3A_216 = tpu.memref_slice %arg3[%add3A_211] : memref<12800000xi32, #tpu.memory_space<hbm>> -> memref<800xi32, #tpu.memory_space<hbm>>
        tpu.wait_dma2 semaphore(%dma_wait3A_215 : memref<!tpu.dma_semaphore, #tpu.memory_space<semaphore_mem>>) src(%dma_wait3A_216 : memref<800xi32, #tpu.memory_space<hbm>>) dst(%arg10 : memref<800xi32, #tpu.memory_space<vmem>>)
        %parallel_loop3A = arith.constant 0 : i32
        %parallel_loop3A_217 = arith.constant 50 : i32
        %parallel_loop3A_218 = arith.constant 1 : i32
        scf.for %parallel_loop3A_229 = %parallel_loop3A to %parallel_loop3A_217 step %parallel_loop3A_218  : i32 {
          %parallel_loop3A_230 = arith.constant 16 : i32
          %parallel_loop3A_231 = arith.muli %parallel_loop3A_229, %parallel_loop3A_230 : i32
          %parallel_loop3A_232 = arith.index_cast %parallel_loop3A_231 : i32 to index
          %parallel_loop3A_233 = tpu.vector_load %arg8[%parallel_loop3A_232] {strides = array<i32>} : memref<800xi32, #tpu.memory_space<vmem>>, vector<16xi32>,
          %parallel_loop3A_234 = tpu.vector_load_idx %arg6[%parallel_loop3A_233] : memref<100352xf32, #tpu.memory_space<vmem>>[vector<16xi32>], vector<16xf32>,
          %parallel_loop3A_235 = arith.constant 16 : i32
          %parallel_loop3A_236 = arith.muli %parallel_loop3A_229, %parallel_loop3A_235 : i32
          %parallel_loop3A_237 = arith.index_cast %parallel_loop3A_236 : i32 to index
          %parallel_loop3A_238 = tpu.vector_load %arg14[%parallel_loop3A_237] {strides = array<i32>} : memref<800xf32, #tpu.memory_space<vmem>>, vector<16xf32>,
          tpu.vector_store %arg14[%parallel_loop3A_237], %parallel_loop3A_234 {strides = array<i32>} : memref<800xf32, #tpu.memory_space<vmem>>, vector<16xf32>,
        } {sc.loop_unroll_factor = 5 : i64, sc.parallel_access}
        %dma_start3A_219 = arith.constant 1 : i32
        %dma_start3A_220 = arith.constant 0 : i32
        %dma_start3A_221 = tpu.memref_slice %arg17[%dma_start3A_220] : memref<100352xf32, #tpu.memory_space<vmem_shared>> -> memref<100352xf32, #tpu.memory_space<vmem_shared>>
        %dma_start3A_222 = tpu.memref_slice %arg20[%dma_start3A_219] : memref<4x!tpu.dma_semaphore, #tpu.memory_space<semaphore_mem>> -> memref<1x!tpu.dma_semaphore, #tpu.memory_space<semaphore_mem>>
        %dma_start3A_223 = tpu.memref_squeeze %dma_start3A_222 : memref<1x!tpu.dma_semaphore, #tpu.memory_space<semaphore_mem>> -> memref<!tpu.dma_semaphore, #tpu.memory_space<semaphore_mem>>
        tpu.enqueue_indirect_dma source(%arg14 : memref<800xf32, #tpu.memory_space<vmem>>) target(%dma_start3A_221 : memref<100352xf32, #tpu.memory_space<vmem_shared>>) offsets(%arg10 : memref<800xi32, #tpu.memory_space<vmem>>) semaphore(%dma_start3A_223 : memref<!tpu.dma_semaphore, #tpu.memory_space<semaphore_mem>>) {add = true}
        %dma_start3A_224 = arith.constant 1 : i32
        %dma_start3A_225 = arith.constant 0 : i32
        %dma_start3A_226 = tpu.memref_slice %arg22[%dma_start3A_225] : memref<100352xf32, #tpu.memory_space<vmem_shared>> -> memref<100352xf32, #tpu.memory_space<vmem_shared>>
        %dma_start3A_227 = tpu.memref_slice %arg23[%dma_start3A_224] : memref<4x!tpu.dma_semaphore, #tpu.memory_space<semaphore_mem>> -> memref<1x!tpu.dma_semaphore, #tpu.memory_space<semaphore_mem>>
        %dma_start3A_228 = tpu.memref_squeeze %dma_start3A_227 : memref<1x!tpu.dma_semaphore, #tpu.memory_space<semaphore_mem>> -> memref<!tpu.dma_semaphore, #tpu.memory_space<semaphore_mem>>
        tpu.enqueue_indirect_dma source(%arg21 : memref<800xf32, #tpu.memory_space<vmem>>) target(%dma_start3A_226 : memref<100352xf32, #tpu.memory_space<vmem_shared>>) offsets(%arg10 : memref<800xi32, #tpu.memory_space<vmem>>) semaphore(%dma_start3A_228 : memref<!tpu.dma_semaphore, #tpu.memory_space<semaphore_mem>>) {add = true}
      } else {
      }
      %mul3A_152 = arith.constant 4 : i32
      %mul3A_153 = arith.muli %scan3A_108, %mul3A_152 : i32
      %add3A_154 = arith.constant 2 : i32
      %add3A_155 = arith.addi %mul3A_153, %add3A_154 : i32
      %ge3A_156 = arith.constant 3 : i32
      %ge3A_157 = arith.cmpi sge, %add3A_155, %ge3A_156 : i32
      %lt3A_158 = arith.constant 253 : i32
      %lt3A_159 = arith.cmpi slt, %add3A_155, %lt3A_158 : i32
      %and3A_160 = arith.andi %ge3A_157, %lt3A_159 : i1
      %convert_element_type3A_161 = arith.extui %and3A_160 : i1 to i32
      %cond3A_162 = arith.constant 0 : i32
      %cond3A_163 = arith.cmpi ne, %convert_element_type3A_161, %cond3A_162 : i32
      scf.if %cond3A_163 {
        %dma_wait3A = arith.constant 3 : i32
        %dma_wait3A_200 = arith.constant 0 : i32
        %dma_wait3A_201 = tpu.memref_slice %arg17[%dma_wait3A_200] : memref<100352xf32, #tpu.memory_space<vmem_shared>> -> memref<100352xf32, #tpu.memory_space<vmem_shared>>
        %dma_wait3A_202 = tpu.memref_slice %arg20[%dma_wait3A] : memref<4x!tpu.dma_semaphore, #tpu.memory_space<semaphore_mem>> -> memref<1x!tpu.dma_semaphore, #tpu.memory_space<semaphore_mem>>
        %dma_wait3A_203 = tpu.memref_squeeze %dma_wait3A_202 : memref<1x!tpu.dma_semaphore, #tpu.memory_space<semaphore_mem>> -> memref<!tpu.dma_semaphore, #tpu.memory_space<semaphore_mem>>
        tpu.wait_indirect_dma semaphore(%dma_wait3A_203 : memref<!tpu.dma_semaphore, #tpu.memory_space<semaphore_mem>>) src(%arg16 : memref<800xf32, #tpu.memory_space<vmem>>) dst(%dma_wait3A_201 : memref<100352xf32, #tpu.memory_space<vmem_shared>>)
        %dma_wait3A_204 = arith.constant 3 : i32
        %dma_wait3A_205 = arith.constant 0 : i32
        %dma_wait3A_206 = tpu.memref_slice %arg22[%dma_wait3A_205] : memref<100352xf32, #tpu.memory_space<vmem_shared>> -> memref<100352xf32, #tpu.memory_space<vmem_shared>>
        %dma_wait3A_207 = tpu.memref_slice %arg23[%dma_wait3A_204] : memref<4x!tpu.dma_semaphore, #tpu.memory_space<semaphore_mem>> -> memref<1x!tpu.dma_semaphore, #tpu.memory_space<semaphore_mem>>
        %dma_wait3A_208 = tpu.memref_squeeze %dma_wait3A_207 : memref<1x!tpu.dma_semaphore, #tpu.memory_space<semaphore_mem>> -> memref<!tpu.dma_semaphore, #tpu.memory_space<semaphore_mem>>
        tpu.wait_indirect_dma semaphore(%dma_wait3A_208 : memref<!tpu.dma_semaphore, #tpu.memory_space<semaphore_mem>>) src(%arg21 : memref<800xf32, #tpu.memory_space<vmem>>) dst(%dma_wait3A_206 : memref<100352xf32, #tpu.memory_space<vmem_shared>>)
      } else {
      }
      %add3A_164 = arith.constant 1 : i32
      %add3A_165 = arith.addi %add3A_155, %add3A_164 : i32
      %lt3A_166 = arith.constant 250 : i32
      %lt3A_167 = arith.cmpi slt, %add3A_165, %lt3A_166 : i32
      %convert_element_type3A_168 = arith.extui %lt3A_167 : i1 to i32
      %cond3A_169 = arith.constant 0 : i32
      %cond3A_170 = arith.cmpi ne, %convert_element_type3A_168, %cond3A_169 : i32
      scf.if %cond3A_170 {
        %add3A_200 = arith.constant 1 : i32
        %add3A_201 = arith.addi %add3A_155, %add3A_200 : i32
        %mul3A_202 = arith.constant 800 : i32
        %mul3A_203 = arith.muli %add3A_201, %mul3A_202 : i32
        %add3A_204 = arith.addi %mul3A_2, %mul3A_203 : i32
        %dma_start3A_205 = arith.constant 1 : i32
        %dma_start3A_206 = tpu.memref_slice %arg3[%add3A_204] : memref<12800000xi32, #tpu.memory_space<hbm>> -> memref<800xi32, #tpu.memory_space<hbm>>
        %dma_start3A_207 = tpu.memref_slice %arg18[%dma_start3A_205] : memref<2x!tpu.dma_semaphore, #tpu.memory_space<semaphore_mem>> -> memref<1x!tpu.dma_semaphore, #tpu.memory_space<semaphore_mem>>
        %dma_start3A_208 = tpu.memref_squeeze %dma_start3A_207 : memref<1x!tpu.dma_semaphore, #tpu.memory_space<semaphore_mem>> -> memref<!tpu.dma_semaphore, #tpu.memory_space<semaphore_mem>>
        %dma_start3A_209 = tpu.memref_slice %arg3[%add3A_204] : memref<12800000xi32, #tpu.memory_space<hbm>> -> memref<800xi32, #tpu.memory_space<hbm>>
        tpu.enqueue_dma source(%dma_start3A_209 : memref<800xi32, #tpu.memory_space<hbm>>) target(%arg8 : memref<800xi32, #tpu.memory_space<vmem>>) target_semaphore(%dma_start3A_208 : memref<!tpu.dma_semaphore, #tpu.memory_space<semaphore_mem>>)
        %add3A_210 = arith.constant 6400000 : i32
        %add3A_211 = arith.addi %add3A_210, %add3A_204 : i32
        %dma_start3A_212 = arith.constant 3 : i32
        %dma_start3A_213 = tpu.memref_slice %arg3[%add3A_211] : memref<12800000xi32, #tpu.memory_space<hbm>> -> memref<800xi32, #tpu.memory_space<hbm>>
        %dma_start3A_214 = tpu.memref_slice %arg19[%dma_start3A_212] : memref<4x!tpu.dma_semaphore, #tpu.memory_space<semaphore_mem>> -> memref<1x!tpu.dma_semaphore, #tpu.memory_space<semaphore_mem>>
        %dma_start3A_215 = tpu.memref_squeeze %dma_start3A_214 : memref<1x!tpu.dma_semaphore, #tpu.memory_space<semaphore_mem>> -> memref<!tpu.dma_semaphore, #tpu.memory_space<semaphore_mem>>
        %dma_start3A_216 = tpu.memref_slice %arg3[%add3A_211] : memref<12800000xi32, #tpu.memory_space<hbm>> -> memref<800xi32, #tpu.memory_space<hbm>>
        tpu.enqueue_dma source(%dma_start3A_216 : memref<800xi32, #tpu.memory_space<hbm>>) target(%arg12 : memref<800xi32, #tpu.memory_space<vmem>>) target_semaphore(%dma_start3A_215 : memref<!tpu.dma_semaphore, #tpu.memory_space<semaphore_mem>>)
      } else {
      }
      %lt3A_171 = arith.constant 250 : i32
      %lt3A_172 = arith.cmpi slt, %add3A_155, %lt3A_171 : i32
      %convert_element_type3A_173 = arith.extui %lt3A_172 : i1 to i32
      %cond3A_174 = arith.constant 0 : i32
      %cond3A_175 = arith.cmpi ne, %convert_element_type3A_173, %cond3A_174 : i32
      scf.if %cond3A_175 {
        %mul3A_200 = arith.constant 800 : i32
        %mul3A_201 = arith.muli %add3A_155, %mul3A_200 : i32
        %add3A_202 = arith.addi %mul3A_2, %mul3A_201 : i32
        %dma_wait3A = arith.constant 0 : i32
        %dma_wait3A_203 = tpu.memref_slice %arg3[%add3A_202] : memref<12800000xi32, #tpu.memory_space<hbm>> -> memref<800xi32, #tpu.memory_space<hbm>>
        %dma_wait3A_204 = tpu.memref_slice %arg18[%dma_wait3A] : memref<2x!tpu.dma_semaphore, #tpu.memory_space<semaphore_mem>> -> memref<1x!tpu.dma_semaphore, #tpu.memory_space<semaphore_mem>>
        %dma_wait3A_205 = tpu.memref_squeeze %dma_wait3A_204 : memref<1x!tpu.dma_semaphore, #tpu.memory_space<semaphore_mem>> -> memref<!tpu.dma_semaphore, #tpu.memory_space<semaphore_mem>>
        %dma_wait3A_206 = tpu.memref_slice %arg3[%add3A_202] : memref<12800000xi32, #tpu.memory_space<hbm>> -> memref<800xi32, #tpu.memory_space<hbm>>
        tpu.wait_dma2 semaphore(%dma_wait3A_205 : memref<!tpu.dma_semaphore, #tpu.memory_space<semaphore_mem>>) src(%dma_wait3A_206 : memref<800xi32, #tpu.memory_space<hbm>>) dst(%arg7 : memref<800xi32, #tpu.memory_space<vmem>>)
        %add3A_207 = arith.constant 6400000 : i32
        %add3A_208 = arith.addi %add3A_207, %mul3A_2 : i32
        %mul3A_209 = arith.constant 800 : i32
        %mul3A_210 = arith.muli %add3A_155, %mul3A_209 : i32
        %add3A_211 = arith.addi %add3A_208, %mul3A_210 : i32
        %dma_wait3A_212 = arith.constant 2 : i32
        %dma_wait3A_213 = tpu.memref_slice %arg3[%add3A_211] : memref<12800000xi32, #tpu.memory_space<hbm>> -> memref<800xi32, #tpu.memory_space<hbm>>
        %dma_wait3A_214 = tpu.memref_slice %arg19[%dma_wait3A_212] : memref<4x!tpu.dma_semaphore, #tpu.memory_space<semaphore_mem>> -> memref<1x!tpu.dma_semaphore, #tpu.memory_space<semaphore_mem>>
        %dma_wait3A_215 = tpu.memref_squeeze %dma_wait3A_214 : memref<1x!tpu.dma_semaphore, #tpu.memory_space<semaphore_mem>> -> memref<!tpu.dma_semaphore, #tpu.memory_space<semaphore_mem>>
        %dma_wait3A_216 = tpu.memref_slice %arg3[%add3A_211] : memref<12800000xi32, #tpu.memory_space<hbm>> -> memref<800xi32, #tpu.memory_space<hbm>>
        tpu.wait_dma2 semaphore(%dma_wait3A_215 : memref<!tpu.dma_semaphore, #tpu.memory_space<semaphore_mem>>) src(%dma_wait3A_216 : memref<800xi32, #tpu.memory_space<hbm>>) dst(%arg11 : memref<800xi32, #tpu.memory_space<vmem>>)
        %parallel_loop3A = arith.constant 0 : i32
        %parallel_loop3A_217 = arith.constant 50 : i32
        %parallel_loop3A_218 = arith.constant 1 : i32
        scf.for %parallel_loop3A_229 = %parallel_loop3A to %parallel_loop3A_217 step %parallel_loop3A_218  : i32 {
          %parallel_loop3A_230 = arith.constant 16 : i32
          %parallel_loop3A_231 = arith.muli %parallel_loop3A_229, %parallel_loop3A_230 : i32
          %parallel_loop3A_232 = arith.index_cast %parallel_loop3A_231 : i32 to index
          %parallel_loop3A_233 = tpu.vector_load %arg7[%parallel_loop3A_232] {strides = array<i32>} : memref<800xi32, #tpu.memory_space<vmem>>, vector<16xi32>,
          %parallel_loop3A_234 = tpu.vector_load_idx %arg6[%parallel_loop3A_233] : memref<100352xf32, #tpu.memory_space<vmem>>[vector<16xi32>], vector<16xf32>,
          %parallel_loop3A_235 = arith.constant 16 : i32
          %parallel_loop3A_236 = arith.muli %parallel_loop3A_229, %parallel_loop3A_235 : i32
          %parallel_loop3A_237 = arith.index_cast %parallel_loop3A_236 : i32 to index
          %parallel_loop3A_238 = tpu.vector_load %arg15[%parallel_loop3A_237] {strides = array<i32>} : memref<800xf32, #tpu.memory_space<vmem>>, vector<16xf32>,
          tpu.vector_store %arg15[%parallel_loop3A_237], %parallel_loop3A_234 {strides = array<i32>} : memref<800xf32, #tpu.memory_space<vmem>>, vector<16xf32>,
        } {sc.loop_unroll_factor = 5 : i64, sc.parallel_access}
        %dma_start3A_219 = arith.constant 2 : i32
        %dma_start3A_220 = arith.constant 0 : i32
        %dma_start3A_221 = tpu.memref_slice %arg17[%dma_start3A_220] : memref<100352xf32, #tpu.memory_space<vmem_shared>> -> memref<100352xf32, #tpu.memory_space<vmem_shared>>
        %dma_start3A_222 = tpu.memref_slice %arg20[%dma_start3A_219] : memref<4x!tpu.dma_semaphore, #tpu.memory_space<semaphore_mem>> -> memref<1x!tpu.dma_semaphore, #tpu.memory_space<semaphore_mem>>
        %dma_start3A_223 = tpu.memref_squeeze %dma_start3A_222 : memref<1x!tpu.dma_semaphore, #tpu.memory_space<semaphore_mem>> -> memref<!tpu.dma_semaphore, #tpu.memory_space<semaphore_mem>>
        tpu.enqueue_indirect_dma source(%arg15 : memref<800xf32, #tpu.memory_space<vmem>>) target(%dma_start3A_221 : memref<100352xf32, #tpu.memory_space<vmem_shared>>) offsets(%arg11 : memref<800xi32, #tpu.memory_space<vmem>>) semaphore(%dma_start3A_223 : memref<!tpu.dma_semaphore, #tpu.memory_space<semaphore_mem>>) {add = true}
        %dma_start3A_224 = arith.constant 2 : i32
        %dma_start3A_225 = arith.constant 0 : i32
        %dma_start3A_226 = tpu.memref_slice %arg22[%dma_start3A_225] : memref<100352xf32, #tpu.memory_space<vmem_shared>> -> memref<100352xf32, #tpu.memory_space<vmem_shared>>
        %dma_start3A_227 = tpu.memref_slice %arg23[%dma_start3A_224] : memref<4x!tpu.dma_semaphore, #tpu.memory_space<semaphore_mem>> -> memref<1x!tpu.dma_semaphore, #tpu.memory_space<semaphore_mem>>
        %dma_start3A_228 = tpu.memref_squeeze %dma_start3A_227 : memref<1x!tpu.dma_semaphore, #tpu.memory_space<semaphore_mem>> -> memref<!tpu.dma_semaphore, #tpu.memory_space<semaphore_mem>>
        tpu.enqueue_indirect_dma source(%arg21 : memref<800xf32, #tpu.memory_space<vmem>>) target(%dma_start3A_226 : memref<100352xf32, #tpu.memory_space<vmem_shared>>) offsets(%arg11 : memref<800xi32, #tpu.memory_space<vmem>>) semaphore(%dma_start3A_228 : memref<!tpu.dma_semaphore, #tpu.memory_space<semaphore_mem>>) {add = true}
      } else {
      }
      %mul3A_176 = arith.constant 4 : i32
      %mul3A_177 = arith.muli %scan3A_108, %mul3A_176 : i32
      %add3A_178 = arith.constant 3 : i32
      %add3A_179 = arith.addi %mul3A_177, %add3A_178 : i32
      %ge3A_180 = arith.constant 3 : i32
      %ge3A_181 = arith.cmpi sge, %add3A_179, %ge3A_180 : i32
      %lt3A_182 = arith.constant 253 : i32
      %lt3A_183 = arith.cmpi slt, %add3A_179, %lt3A_182 : i32
      %and3A_184 = arith.andi %ge3A_181, %lt3A_183 : i1
      %convert_element_type3A_185 = arith.extui %and3A_184 : i1 to i32
      %cond3A_186 = arith.constant 0 : i32
      %cond3A_187 = arith.cmpi ne, %convert_element_type3A_185, %cond3A_186 : i32
      scf.if %cond3A_187 {
        %dma_wait3A = arith.constant 0 : i32
        %dma_wait3A_200 = arith.constant 0 : i32
        %dma_wait3A_201 = tpu.memref_slice %arg17[%dma_wait3A_200] : memref<100352xf32, #tpu.memory_space<vmem_shared>> -> memref<100352xf32, #tpu.memory_space<vmem_shared>>
        %dma_wait3A_202 = tpu.memref_slice %arg20[%dma_wait3A] : memref<4x!tpu.dma_semaphore, #tpu.memory_space<semaphore_mem>> -> memref<1x!tpu.dma_semaphore, #tpu.memory_space<semaphore_mem>>
        %dma_wait3A_203 = tpu.memref_squeeze %dma_wait3A_202 : memref<1x!tpu.dma_semaphore, #tpu.memory_space<semaphore_mem>> -> memref<!tpu.dma_semaphore, #tpu.memory_space<semaphore_mem>>
        tpu.wait_indirect_dma semaphore(%dma_wait3A_203 : memref<!tpu.dma_semaphore, #tpu.memory_space<semaphore_mem>>) src(%arg13 : memref<800xf32, #tpu.memory_space<vmem>>) dst(%dma_wait3A_201 : memref<100352xf32, #tpu.memory_space<vmem_shared>>)
        %dma_wait3A_204 = arith.constant 0 : i32
        %dma_wait3A_205 = arith.constant 0 : i32
        %dma_wait3A_206 = tpu.memref_slice %arg22[%dma_wait3A_205] : memref<100352xf32, #tpu.memory_space<vmem_shared>> -> memref<100352xf32, #tpu.memory_space<vmem_shared>>
        %dma_wait3A_207 = tpu.memref_slice %arg23[%dma_wait3A_204] : memref<4x!tpu.dma_semaphore, #tpu.memory_space<semaphore_mem>> -> memref<1x!tpu.dma_semaphore, #tpu.memory_space<semaphore_mem>>
        %dma_wait3A_208 = tpu.memref_squeeze %dma_wait3A_207 : memref<1x!tpu.dma_semaphore, #tpu.memory_space<semaphore_mem>> -> memref<!tpu.dma_semaphore, #tpu.memory_space<semaphore_mem>>
        tpu.wait_indirect_dma semaphore(%dma_wait3A_208 : memref<!tpu.dma_semaphore, #tpu.memory_space<semaphore_mem>>) src(%arg21 : memref<800xf32, #tpu.memory_space<vmem>>) dst(%dma_wait3A_206 : memref<100352xf32, #tpu.memory_space<vmem_shared>>)
      } else {
      }
      %add3A_188 = arith.constant 1 : i32
      %add3A_189 = arith.addi %add3A_179, %add3A_188 : i32
      %lt3A_190 = arith.constant 250 : i32
      %lt3A_191 = arith.cmpi slt, %add3A_189, %lt3A_190 : i32
      %convert_element_type3A_192 = arith.extui %lt3A_191 : i1 to i32
      %cond3A_193 = arith.constant 0 : i32
      %cond3A_194 = arith.cmpi ne, %convert_element_type3A_192, %cond3A_193 : i32
      scf.if %cond3A_194 {
        %add3A_200 = arith.constant 1 : i32
        %add3A_201 = arith.addi %add3A_179, %add3A_200 : i32
        %mul3A_202 = arith.constant 800 : i32
        %mul3A_203 = arith.muli %add3A_201, %mul3A_202 : i32
        %add3A_204 = arith.addi %mul3A_2, %mul3A_203 : i32
        %dma_start3A_205 = arith.constant 0 : i32
        %dma_start3A_206 = tpu.memref_slice %arg3[%add3A_204] : memref<12800000xi32, #tpu.memory_space<hbm>> -> memref<800xi32, #tpu.memory_space<hbm>>
        %dma_start3A_207 = tpu.memref_slice %arg18[%dma_start3A_205] : memref<2x!tpu.dma_semaphore, #tpu.memory_space<semaphore_mem>> -> memref<1x!tpu.dma_semaphore, #tpu.memory_space<semaphore_mem>>
        %dma_start3A_208 = tpu.memref_squeeze %dma_start3A_207 : memref<1x!tpu.dma_semaphore, #tpu.memory_space<semaphore_mem>> -> memref<!tpu.dma_semaphore, #tpu.memory_space<semaphore_mem>>
        %dma_start3A_209 = tpu.memref_slice %arg3[%add3A_204] : memref<12800000xi32, #tpu.memory_space<hbm>> -> memref<800xi32, #tpu.memory_space<hbm>>
        tpu.enqueue_dma source(%dma_start3A_209 : memref<800xi32, #tpu.memory_space<hbm>>) target(%arg7 : memref<800xi32, #tpu.memory_space<vmem>>) target_semaphore(%dma_start3A_208 : memref<!tpu.dma_semaphore, #tpu.memory_space<semaphore_mem>>)
        %add3A_210 = arith.constant 6400000 : i32
        %add3A_211 = arith.addi %add3A_210, %add3A_204 : i32
        %dma_start3A_212 = arith.constant 0 : i32
        %dma_start3A_213 = tpu.memref_slice %arg3[%add3A_211] : memref<12800000xi32, #tpu.memory_space<hbm>> -> memref<800xi32, #tpu.memory_space<hbm>>
        %dma_start3A_214 = tpu.memref_slice %arg19[%dma_start3A_212] : memref<4x!tpu.dma_semaphore, #tpu.memory_space<semaphore_mem>> -> memref<1x!tpu.dma_semaphore, #tpu.memory_space<semaphore_mem>>
        %dma_start3A_215 = tpu.memref_squeeze %dma_start3A_214 : memref<1x!tpu.dma_semaphore, #tpu.memory_space<semaphore_mem>> -> memref<!tpu.dma_semaphore, #tpu.memory_space<semaphore_mem>>
        %dma_start3A_216 = tpu.memref_slice %arg3[%add3A_211] : memref<12800000xi32, #tpu.memory_space<hbm>> -> memref<800xi32, #tpu.memory_space<hbm>>
        tpu.enqueue_dma source(%dma_start3A_216 : memref<800xi32, #tpu.memory_space<hbm>>) target(%arg9 : memref<800xi32, #tpu.memory_space<vmem>>) target_semaphore(%dma_start3A_215 : memref<!tpu.dma_semaphore, #tpu.memory_space<semaphore_mem>>)
      } else {
      }
      %lt3A_195 = arith.constant 250 : i32
      %lt3A_196 = arith.cmpi slt, %add3A_179, %lt3A_195 : i32
      %convert_element_type3A_197 = arith.extui %lt3A_196 : i1 to i32
      %cond3A_198 = arith.constant 0 : i32
      %cond3A_199 = arith.cmpi ne, %convert_element_type3A_197, %cond3A_198 : i32
      scf.if %cond3A_199 {
        %mul3A_200 = arith.constant 800 : i32
        %mul3A_201 = arith.muli %add3A_179, %mul3A_200 : i32
        %add3A_202 = arith.addi %mul3A_2, %mul3A_201 : i32
        %dma_wait3A = arith.constant 1 : i32
        %dma_wait3A_203 = tpu.memref_slice %arg3[%add3A_202] : memref<12800000xi32, #tpu.memory_space<hbm>> -> memref<800xi32, #tpu.memory_space<hbm>>
        %dma_wait3A_204 = tpu.memref_slice %arg18[%dma_wait3A] : memref<2x!tpu.dma_semaphore, #tpu.memory_space<semaphore_mem>> -> memref<1x!tpu.dma_semaphore, #tpu.memory_space<semaphore_mem>>
        %dma_wait3A_205 = tpu.memref_squeeze %dma_wait3A_204 : memref<1x!tpu.dma_semaphore, #tpu.memory_space<semaphore_mem>> -> memref<!tpu.dma_semaphore, #tpu.memory_space<semaphore_mem>>
        %dma_wait3A_206 = tpu.memref_slice %arg3[%add3A_202] : memref<12800000xi32, #tpu.memory_space<hbm>> -> memref<800xi32, #tpu.memory_space<hbm>>
        tpu.wait_dma2 semaphore(%dma_wait3A_205 : memref<!tpu.dma_semaphore, #tpu.memory_space<semaphore_mem>>) src(%dma_wait3A_206 : memref<800xi32, #tpu.memory_space<hbm>>) dst(%arg8 : memref<800xi32, #tpu.memory_space<vmem>>)
        %add3A_207 = arith.constant 6400000 : i32
        %add3A_208 = arith.addi %add3A_207, %mul3A_2 : i32
        %mul3A_209 = arith.constant 800 : i32
        %mul3A_210 = arith.muli %add3A_179, %mul3A_209 : i32
        %add3A_211 = arith.addi %add3A_208, %mul3A_210 : i32
        %dma_wait3A_212 = arith.constant 3 : i32
        %dma_wait3A_213 = tpu.memref_slice %arg3[%add3A_211] : memref<12800000xi32, #tpu.memory_space<hbm>> -> memref<800xi32, #tpu.memory_space<hbm>>
        %dma_wait3A_214 = tpu.memref_slice %arg19[%dma_wait3A_212] : memref<4x!tpu.dma_semaphore, #tpu.memory_space<semaphore_mem>> -> memref<1x!tpu.dma_semaphore, #tpu.memory_space<semaphore_mem>>
        %dma_wait3A_215 = tpu.memref_squeeze %dma_wait3A_214 : memref<1x!tpu.dma_semaphore, #tpu.memory_space<semaphore_mem>> -> memref<!tpu.dma_semaphore, #tpu.memory_space<semaphore_mem>>
        %dma_wait3A_216 = tpu.memref_slice %arg3[%add3A_211] : memref<12800000xi32, #tpu.memory_space<hbm>> -> memref<800xi32, #tpu.memory_space<hbm>>
        tpu.wait_dma2 semaphore(%dma_wait3A_215 : memref<!tpu.dma_semaphore, #tpu.memory_space<semaphore_mem>>) src(%dma_wait3A_216 : memref<800xi32, #tpu.memory_space<hbm>>) dst(%arg12 : memref<800xi32, #tpu.memory_space<vmem>>)
        %parallel_loop3A = arith.constant 0 : i32
        %parallel_loop3A_217 = arith.constant 50 : i32
        %parallel_loop3A_218 = arith.constant 1 : i32
        scf.for %parallel_loop3A_229 = %parallel_loop3A to %parallel_loop3A_217 step %parallel_loop3A_218  : i32 {
          %parallel_loop3A_230 = arith.constant 16 : i32
          %parallel_loop3A_231 = arith.muli %parallel_loop3A_229, %parallel_loop3A_230 : i32
          %parallel_loop3A_232 = arith.index_cast %parallel_loop3A_231 : i32 to index
          %parallel_loop3A_233 = tpu.vector_load %arg8[%parallel_loop3A_232] {strides = array<i32>} : memref<800xi32, #tpu.memory_space<vmem>>, vector<16xi32>,
          %parallel_loop3A_234 = tpu.vector_load_idx %arg6[%parallel_loop3A_233] : memref<100352xf32, #tpu.memory_space<vmem>>[vector<16xi32>], vector<16xf32>,
          %parallel_loop3A_235 = arith.constant 16 : i32
          %parallel_loop3A_236 = arith.muli %parallel_loop3A_229, %parallel_loop3A_235 : i32
          %parallel_loop3A_237 = arith.index_cast %parallel_loop3A_236 : i32 to index
          %parallel_loop3A_238 = tpu.vector_load %arg16[%parallel_loop3A_237] {strides = array<i32>} : memref<800xf32, #tpu.memory_space<vmem>>, vector<16xf32>,
          tpu.vector_store %arg16[%parallel_loop3A_237], %parallel_loop3A_234 {strides = array<i32>} : memref<800xf32, #tpu.memory_space<vmem>>, vector<16xf32>,
        } {sc.loop_unroll_factor = 5 : i64, sc.parallel_access}
        %dma_start3A_219 = arith.constant 3 : i32
        %dma_start3A_220 = arith.constant 0 : i32
        %dma_start3A_221 = tpu.memref_slice %arg17[%dma_start3A_220] : memref<100352xf32, #tpu.memory_space<vmem_shared>> -> memref<100352xf32, #tpu.memory_space<vmem_shared>>
        %dma_start3A_222 = tpu.memref_slice %arg20[%dma_start3A_219] : memref<4x!tpu.dma_semaphore, #tpu.memory_space<semaphore_mem>> -> memref<1x!tpu.dma_semaphore, #tpu.memory_space<semaphore_mem>>
        %dma_start3A_223 = tpu.memref_squeeze %dma_start3A_222 : memref<1x!tpu.dma_semaphore, #tpu.memory_space<semaphore_mem>> -> memref<!tpu.dma_semaphore, #tpu.memory_space<semaphore_mem>>
        tpu.enqueue_indirect_dma source(%arg16 : memref<800xf32, #tpu.memory_space<vmem>>) target(%dma_start3A_221 : memref<100352xf32, #tpu.memory_space<vmem_shared>>) offsets(%arg12 : memref<800xi32, #tpu.memory_space<vmem>>) semaphore(%dma_start3A_223 : memref<!tpu.dma_semaphore, #tpu.memory_space<semaphore_mem>>) {add = true}
        %dma_start3A_224 = arith.constant 3 : i32
        %dma_start3A_225 = arith.constant 0 : i32
        %dma_start3A_226 = tpu.memref_slice %arg22[%dma_start3A_225] : memref<100352xf32, #tpu.memory_space<vmem_shared>> -> memref<100352xf32, #tpu.memory_space<vmem_shared>>
        %dma_start3A_227 = tpu.memref_slice %arg23[%dma_start3A_224] : memref<4x!tpu.dma_semaphore, #tpu.memory_space<semaphore_mem>> -> memref<1x!tpu.dma_semaphore, #tpu.memory_space<semaphore_mem>>
        %dma_start3A_228 = tpu.memref_squeeze %dma_start3A_227 : memref<1x!tpu.dma_semaphore, #tpu.memory_space<semaphore_mem>> -> memref<!tpu.dma_semaphore, #tpu.memory_space<semaphore_mem>>
        tpu.enqueue_indirect_dma source(%arg21 : memref<800xf32, #tpu.memory_space<vmem>>) target(%dma_start3A_226 : memref<100352xf32, #tpu.memory_space<vmem_shared>>) offsets(%arg12 : memref<800xi32, #tpu.memory_space<vmem>>) semaphore(%dma_start3A_228 : memref<!tpu.dma_semaphore, #tpu.memory_space<semaphore_mem>>) {add = true}
      } else {
      }
    }
    %scan3A_97 = arith.constant 64 : i32
    %barrier3A_98 = arith.constant 0 : index
    tpu.barrier barrier_id(%barrier3A_98)
    %mul3A_99 = arith.constant 100352 : i32
    %mul3A_100 = arith.muli %arg0, %mul3A_99 : i32
    %mul3A_101 = arith.constant 6272 : i32
    %mul3A_102 = arith.muli %arg1, %mul3A_101 : i32
    %add3A_103 = arith.addi %mul3A_100, %mul3A_102 : i32
    %mul3A_104 = arith.constant 6272 : i32
    %mul3A_105 = arith.muli %arg1, %mul3A_104 : i32
    "tpu.region"() ({
      %run_scoped3A = tpu.sem_alloc : memref<!tpu.dma_semaphore, #tpu.memory_space<semaphore_mem>>
      %dma_start3A_108 = tpu.memref_slice %arg4[%add3A_103] : memref<200704xf32, #tpu.memory_space<hbm>> -> memref<6272xf32, #tpu.memory_space<hbm>>
      %dma_start3A_109 = tpu.memref_slice %arg17[%mul3A_105] : memref<100352xf32, #tpu.memory_space<vmem_shared>> -> memref<6272xf32, #tpu.memory_space<vmem_shared>>
      tpu.enqueue_dma source(%dma_start3A_109 : memref<6272xf32, #tpu.memory_space<vmem_shared>>) target(%dma_start3A_108 : memref<6272xf32, #tpu.memory_space<hbm>>) target_semaphore(%run_scoped3A : memref<!tpu.dma_semaphore, #tpu.memory_space<semaphore_mem>>)
      %dma_wait3A = tpu.memref_slice %arg4[%add3A_103] : memref<200704xf32, #tpu.memory_space<hbm>> -> memref<6272xf32, #tpu.memory_space<hbm>>
      %dma_wait3A_110 = tpu.memref_slice %arg17[%mul3A_105] : memref<100352xf32, #tpu.memory_space<vmem_shared>> -> memref<6272xf32, #tpu.memory_space<vmem_shared>>
      tpu.wait_dma2 semaphore(%run_scoped3A : memref<!tpu.dma_semaphore, #tpu.memory_space<semaphore_mem>>) src(%dma_wait3A_110 : memref<6272xf32, #tpu.memory_space<vmem_shared>>) dst(%dma_wait3A : memref<6272xf32, #tpu.memory_space<hbm>>)
      tpu.yield
    }) : () -> ()
    %mul3A_106 = arith.constant 6272 : i32
    %mul3A_107 = arith.muli %arg1, %mul3A_106 : i32
    "tpu.region"() ({
      %run_scoped3A = tpu.sem_alloc : memref<!tpu.dma_semaphore, #tpu.memory_space<semaphore_mem>>
      %dma_start3A_108 = tpu.memref_slice %arg5[%add3A_103] : memref<200704xf32, #tpu.memory_space<hbm>> -> memref<6272xf32, #tpu.memory_space<hbm>>
      %dma_start3A_109 = tpu.memref_slice %arg22[%mul3A_107] : memref<100352xf32, #tpu.memory_space<vmem_shared>> -> memref<6272xf32, #tpu.memory_space<vmem_shared>>
      tpu.enqueue_dma source(%dma_start3A_109 : memref<6272xf32, #tpu.memory_space<vmem_shared>>) target(%dma_start3A_108 : memref<6272xf32, #tpu.memory_space<hbm>>) target_semaphore(%run_scoped3A : memref<!tpu.dma_semaphore, #tpu.memory_space<semaphore_mem>>)
      %dma_wait3A = tpu.memref_slice %arg5[%add3A_103] : memref<200704xf32, #tpu.memory_space<hbm>> -> memref<6272xf32, #tpu.memory_space<hbm>>
      %dma_wait3A_110 = tpu.memref_slice %arg22[%mul3A_107] : memref<100352xf32, #tpu.memory_space<vmem_shared>> -> memref<6272xf32, #tpu.memory_space<vmem_shared>>
      tpu.wait_dma2 semaphore(%run_scoped3A : memref<!tpu.dma_semaphore, #tpu.memory_space<semaphore_mem>>) src(%dma_wait3A_110 : memref<6272xf32, #tpu.memory_space<vmem_shared>>) dst(%dma_wait3A : memref<6272xf32, #tpu.memory_space<hbm>>)
      tpu.yield
    }) : () -> ()
    return
  }
}

#map = affine_map<(d0, d1) -> (0)>
module attributes {stable_mosaic.version = 14 : i64} {
  func.func @body(%arg0: i32, %arg1: i32, %arg2: memref<100352xf32, #tpu.memory_space<hbm>>, %arg3: memref<12800000xi32, #tpu.memory_space<hbm>>, %arg4: memref<200704xf32, #tpu.memory_space<hbm>>, %arg5: memref<100352xf32, #tpu.memory_space<vmem>>, %arg6: memref<1600xi32, #tpu.memory_space<vmem>>, %arg7: memref<1600xi32, #tpu.memory_space<vmem>>, %arg8: memref<1600xi32, #tpu.memory_space<vmem>>, %arg9: memref<1600xi32, #tpu.memory_space<vmem>>, %arg10: memref<1600xi32, #tpu.memory_space<vmem>>, %arg11: memref<1600xi32, #tpu.memory_space<vmem>>, %arg12: memref<1600xi32, #tpu.memory_space<vmem>>, %arg13: memref<1600xf32, #tpu.memory_space<vmem>>, %arg14: memref<1600xf32, #tpu.memory_space<vmem>>, %arg15: memref<1600xf32, #tpu.memory_space<vmem>>, %arg16: memref<1600xf32, #tpu.memory_space<vmem>>, %arg17: memref<1600xf32, #tpu.memory_space<vmem>>, %arg18: memref<100352xf32, #tpu.memory_space<vmem_shared>>, %arg19: memref<2x!tpu.dma_semaphore, #tpu.memory_space<semaphore_mem>>, %arg20: memref<5x!tpu.dma_semaphore, #tpu.memory_space<semaphore_mem>>, %arg21: memref<5x!tpu.dma_semaphore, #tpu.memory_space<semaphore_mem>>) attributes {dimension_semantics = [#tpu.dimension_semantics<core_parallel>, #tpu.dimension_semantics<subcore_parallel>], iteration_bounds = array<i64: 2, 16>, scalar_prefetch = 0 : i64, scratch_operands = 17 : i64, tpu.core_type = #tpu.core_type<sc_vector_subcore>, window_params = [{transform_indices = #map}, {transform_indices = #map}, {transform_indices = #map}]} {
    %mul3A = arith.constant 2 : i32
    %mul3A_0 = arith.muli %arg1, %mul3A : i32
    %add3A = arith.addi %mul3A_0, %arg0 : i32
    %mul3A_1 = arith.constant 200000 : i32
    %mul3A_2 = arith.muli %add3A, %mul3A_1 : i32
    %dma_start3A = arith.constant 0 : i32
    %dma_start3A_3 = tpu.memref_slice %arg3[%mul3A_2] : memref<12800000xi32, #tpu.memory_space<hbm>> -> memref<1600xi32, #tpu.memory_space<hbm>>
    %dma_start3A_4 = tpu.memref_slice %arg19[%dma_start3A] : memref<2x!tpu.dma_semaphore, #tpu.memory_space<semaphore_mem>> -> memref<1x!tpu.dma_semaphore, #tpu.memory_space<semaphore_mem>>
    %dma_start3A_5 = tpu.memref_squeeze %dma_start3A_4 : memref<1x!tpu.dma_semaphore, #tpu.memory_space<semaphore_mem>> -> memref<!tpu.dma_semaphore, #tpu.memory_space<semaphore_mem>>
    %dma_start3A_6 = tpu.memref_slice %arg3[%mul3A_2] : memref<12800000xi32, #tpu.memory_space<hbm>> -> memref<1600xi32, #tpu.memory_space<hbm>>
    tpu.enqueue_dma source(%dma_start3A_6 : memref<1600xi32, #tpu.memory_space<hbm>>) target(%arg6 : memref<1600xi32, #tpu.memory_space<vmem>>) target_semaphore(%dma_start3A_5 : memref<!tpu.dma_semaphore, #tpu.memory_space<semaphore_mem>>)
    %add3A_7 = arith.constant 6400000 : i32
    %add3A_8 = arith.addi %add3A_7, %mul3A_2 : i32
    %dma_start3A_9 = arith.constant 0 : i32
    %dma_start3A_10 = tpu.memref_slice %arg3[%add3A_8] : memref<12800000xi32, #tpu.memory_space<hbm>> -> memref<1600xi32, #tpu.memory_space<hbm>>
    %dma_start3A_11 = tpu.memref_slice %arg20[%dma_start3A_9] : memref<5x!tpu.dma_semaphore, #tpu.memory_space<semaphore_mem>> -> memref<1x!tpu.dma_semaphore, #tpu.memory_space<semaphore_mem>>
    %dma_start3A_12 = tpu.memref_squeeze %dma_start3A_11 : memref<1x!tpu.dma_semaphore, #tpu.memory_space<semaphore_mem>> -> memref<!tpu.dma_semaphore, #tpu.memory_space<semaphore_mem>>
    %dma_start3A_13 = tpu.memref_slice %arg3[%add3A_8] : memref<12800000xi32, #tpu.memory_space<hbm>> -> memref<1600xi32, #tpu.memory_space<hbm>>
    tpu.enqueue_dma source(%dma_start3A_13 : memref<1600xi32, #tpu.memory_space<hbm>>) target(%arg8 : memref<1600xi32, #tpu.memory_space<vmem>>) target_semaphore(%dma_start3A_12 : memref<!tpu.dma_semaphore, #tpu.memory_space<semaphore_mem>>)
    "tpu.region"() ({
      %run_scoped3A = tpu.sem_alloc : memref<!tpu.dma_semaphore, #tpu.memory_space<semaphore_mem>>
      %dma_start3A_50 = arith.constant 0 : i32
      %dma_start3A_51 = tpu.memref_slice %arg5[%dma_start3A_50] : memref<100352xf32, #tpu.memory_space<vmem>> -> memref<100352xf32, #tpu.memory_space<vmem>>
      %dma_start3A_52 = arith.constant 0 : i32
      %dma_start3A_53 = tpu.memref_slice %arg5[%dma_start3A_52] : memref<100352xf32, #tpu.memory_space<vmem>> -> memref<100352xf32, #tpu.memory_space<vmem>>
      tpu.enqueue_dma source(%arg2 : memref<100352xf32, #tpu.memory_space<hbm>>) target(%dma_start3A_53 : memref<100352xf32, #tpu.memory_space<vmem>>) target_semaphore(%run_scoped3A : memref<!tpu.dma_semaphore, #tpu.memory_space<semaphore_mem>>)
      %dma_wait3A = arith.constant 0 : i32
      %dma_wait3A_54 = tpu.memref_slice %arg5[%dma_wait3A] : memref<100352xf32, #tpu.memory_space<vmem>> -> memref<100352xf32, #tpu.memory_space<vmem>>
      %dma_wait3A_55 = arith.constant 0 : i32
      %dma_wait3A_56 = tpu.memref_slice %arg5[%dma_wait3A_55] : memref<100352xf32, #tpu.memory_space<vmem>> -> memref<100352xf32, #tpu.memory_space<vmem>>
      tpu.wait_dma2 semaphore(%run_scoped3A : memref<!tpu.dma_semaphore, #tpu.memory_space<semaphore_mem>>) src(%arg2 : memref<100352xf32, #tpu.memory_space<hbm>>) dst(%dma_wait3A_56 : memref<100352xf32, #tpu.memory_space<vmem>>)
      tpu.yield
    }) : () -> ()
    %scan3A = arith.constant 0 : i32
    %scan3A_14 = arith.constant 0 : i32
    %scan3A_15 = arith.constant 100 : i32
    %scan3A_16 = arith.addi %scan3A_14, %scan3A_15 : i32
    %scan3A_17 = arith.constant 1 : i32
    scf.for %scan3A_50 = %scan3A_14 to %scan3A_16 step %scan3A_17  : i32 {
      %broadcast_in_dim3A = arith.constant 0.000000e+00 : f32
      %broadcast_in_dim3A_51 = vector.broadcast %broadcast_in_dim3A : f32 to vector<16xf32>
      %mul3A_52 = arith.constant 16 : i32
      %mul3A_53 = arith.muli %scan3A_50, %mul3A_52 : i32
      %swap3A = arith.index_cast %mul3A_53 : i32 to index
      %swap3A_54 = tpu.vector_load %arg17[%swap3A] {strides = array<i32>} : memref<1600xf32, #tpu.memory_space<vmem>>, vector<16xf32>,
      tpu.vector_store %arg17[%swap3A], %broadcast_in_dim3A_51 {strides = array<i32>} : memref<1600xf32, #tpu.memory_space<vmem>>, vector<16xf32>,
    }
    %scan3A_18 = arith.constant 100 : i32
    %mul3A_19 = arith.constant 6272 : i32
    %mul3A_20 = arith.muli %arg1, %mul3A_19 : i32
    %add3A_21 = arith.constant 0 : i32
    %add3A_22 = arith.addi %mul3A_20, %add3A_21 : i32
    "tpu.region"() ({
      %run_scoped3A = tpu.sem_alloc : memref<!tpu.dma_semaphore, #tpu.memory_space<semaphore_mem>>
      %dma_start3A_50 = tpu.memref_slice %arg18[%add3A_22] : memref<100352xf32, #tpu.memory_space<vmem_shared>> -> memref<1600xf32, #tpu.memory_space<vmem_shared>>
      %dma_start3A_51 = tpu.memref_slice %arg18[%add3A_22] : memref<100352xf32, #tpu.memory_space<vmem_shared>> -> memref<1600xf32, #tpu.memory_space<vmem_shared>>
      tpu.enqueue_dma source(%arg17 : memref<1600xf32, #tpu.memory_space<vmem>>) target(%dma_start3A_51 : memref<1600xf32, #tpu.memory_space<vmem_shared>>) target_semaphore(%run_scoped3A : memref<!tpu.dma_semaphore, #tpu.memory_space<semaphore_mem>>)
      %dma_wait3A = tpu.memref_slice %arg18[%add3A_22] : memref<100352xf32, #tpu.memory_space<vmem_shared>> -> memref<1600xf32, #tpu.memory_space<vmem_shared>>
      %dma_wait3A_52 = tpu.memref_slice %arg18[%add3A_22] : memref<100352xf32, #tpu.memory_space<vmem_shared>> -> memref<1600xf32, #tpu.memory_space<vmem_shared>>
      tpu.wait_dma2 semaphore(%run_scoped3A : memref<!tpu.dma_semaphore, #tpu.memory_space<semaphore_mem>>) src(%arg17 : memref<1600xf32, #tpu.memory_space<vmem>>) dst(%dma_wait3A_52 : memref<1600xf32, #tpu.memory_space<vmem_shared>>)
      tpu.yield
    }) : () -> ()
    %mul3A_23 = arith.constant 6272 : i32
    %mul3A_24 = arith.muli %arg1, %mul3A_23 : i32
    %add3A_25 = arith.constant 1600 : i32
    %add3A_26 = arith.addi %mul3A_24, %add3A_25 : i32
    "tpu.region"() ({
      %run_scoped3A = tpu.sem_alloc : memref<!tpu.dma_semaphore, #tpu.memory_space<semaphore_mem>>
      %dma_start3A_50 = tpu.memref_slice %arg18[%add3A_26] : memref<100352xf32, #tpu.memory_space<vmem_shared>> -> memref<1600xf32, #tpu.memory_space<vmem_shared>>
      %dma_start3A_51 = tpu.memref_slice %arg18[%add3A_26] : memref<100352xf32, #tpu.memory_space<vmem_shared>> -> memref<1600xf32, #tpu.memory_space<vmem_shared>>
      tpu.enqueue_dma source(%arg17 : memref<1600xf32, #tpu.memory_space<vmem>>) target(%dma_start3A_51 : memref<1600xf32, #tpu.memory_space<vmem_shared>>) target_semaphore(%run_scoped3A : memref<!tpu.dma_semaphore, #tpu.memory_space<semaphore_mem>>)
      %dma_wait3A = tpu.memref_slice %arg18[%add3A_26] : memref<100352xf32, #tpu.memory_space<vmem_shared>> -> memref<1600xf32, #tpu.memory_space<vmem_shared>>
      %dma_wait3A_52 = tpu.memref_slice %arg18[%add3A_26] : memref<100352xf32, #tpu.memory_space<vmem_shared>> -> memref<1600xf32, #tpu.memory_space<vmem_shared>>
      tpu.wait_dma2 semaphore(%run_scoped3A : memref<!tpu.dma_semaphore, #tpu.memory_space<semaphore_mem>>) src(%arg17 : memref<1600xf32, #tpu.memory_space<vmem>>) dst(%dma_wait3A_52 : memref<1600xf32, #tpu.memory_space<vmem_shared>>)
      tpu.yield
    }) : () -> ()
    %mul3A_27 = arith.constant 6272 : i32
    %mul3A_28 = arith.muli %arg1, %mul3A_27 : i32
    %add3A_29 = arith.constant 3200 : i32
    %add3A_30 = arith.addi %mul3A_28, %add3A_29 : i32
    "tpu.region"() ({
      %run_scoped3A = tpu.sem_alloc : memref<!tpu.dma_semaphore, #tpu.memory_space<semaphore_mem>>
      %dma_start3A_50 = tpu.memref_slice %arg18[%add3A_30] : memref<100352xf32, #tpu.memory_space<vmem_shared>> -> memref<1600xf32, #tpu.memory_space<vmem_shared>>
      %dma_start3A_51 = tpu.memref_slice %arg18[%add3A_30] : memref<100352xf32, #tpu.memory_space<vmem_shared>> -> memref<1600xf32, #tpu.memory_space<vmem_shared>>
      tpu.enqueue_dma source(%arg17 : memref<1600xf32, #tpu.memory_space<vmem>>) target(%dma_start3A_51 : memref<1600xf32, #tpu.memory_space<vmem_shared>>) target_semaphore(%run_scoped3A : memref<!tpu.dma_semaphore, #tpu.memory_space<semaphore_mem>>)
      %dma_wait3A = tpu.memref_slice %arg18[%add3A_30] : memref<100352xf32, #tpu.memory_space<vmem_shared>> -> memref<1600xf32, #tpu.memory_space<vmem_shared>>
      %dma_wait3A_52 = tpu.memref_slice %arg18[%add3A_30] : memref<100352xf32, #tpu.memory_space<vmem_shared>> -> memref<1600xf32, #tpu.memory_space<vmem_shared>>
      tpu.wait_dma2 semaphore(%run_scoped3A : memref<!tpu.dma_semaphore, #tpu.memory_space<semaphore_mem>>) src(%arg17 : memref<1600xf32, #tpu.memory_space<vmem>>) dst(%dma_wait3A_52 : memref<1600xf32, #tpu.memory_space<vmem_shared>>)
      tpu.yield
    }) : () -> ()
    %mul3A_31 = arith.constant 6272 : i32
    %mul3A_32 = arith.muli %arg1, %mul3A_31 : i32
    %add3A_33 = arith.constant 6272 : i32
    %add3A_34 = arith.addi %mul3A_32, %add3A_33 : i32
    %sub3A = arith.constant 1472 : i32
    %sub3A_35 = arith.subi %add3A_34, %sub3A : i32
    "tpu.region"() ({
      %run_scoped3A = tpu.sem_alloc : memref<!tpu.dma_semaphore, #tpu.memory_space<semaphore_mem>>
      %dma_start3A_50 = arith.constant 0 : i32
      %dma_start3A_51 = tpu.memref_slice %arg17[%dma_start3A_50] : memref<1600xf32, #tpu.memory_space<vmem>> -> memref<1472xf32, #tpu.memory_space<vmem>>
      %dma_start3A_52 = tpu.memref_slice %arg18[%sub3A_35] : memref<100352xf32, #tpu.memory_space<vmem_shared>> -> memref<1472xf32, #tpu.memory_space<vmem_shared>>
      %dma_start3A_53 = tpu.memref_slice %arg18[%sub3A_35] : memref<100352xf32, #tpu.memory_space<vmem_shared>> -> memref<1472xf32, #tpu.memory_space<vmem_shared>>
      %dma_start3A_54 = arith.constant 0 : i32
      %dma_start3A_55 = tpu.memref_slice %arg17[%dma_start3A_54] : memref<1600xf32, #tpu.memory_space<vmem>> -> memref<1472xf32, #tpu.memory_space<vmem>>
      tpu.enqueue_dma source(%dma_start3A_55 : memref<1472xf32, #tpu.memory_space<vmem>>) target(%dma_start3A_53 : memref<1472xf32, #tpu.memory_space<vmem_shared>>) target_semaphore(%run_scoped3A : memref<!tpu.dma_semaphore, #tpu.memory_space<semaphore_mem>>)
      %dma_wait3A = arith.constant 0 : i32
      %dma_wait3A_56 = tpu.memref_slice %arg17[%dma_wait3A] : memref<1600xf32, #tpu.memory_space<vmem>> -> memref<1472xf32, #tpu.memory_space<vmem>>
      %dma_wait3A_57 = tpu.memref_slice %arg18[%sub3A_35] : memref<100352xf32, #tpu.memory_space<vmem_shared>> -> memref<1472xf32, #tpu.memory_space<vmem_shared>>
      %dma_wait3A_58 = tpu.memref_slice %arg18[%sub3A_35] : memref<100352xf32, #tpu.memory_space<vmem_shared>> -> memref<1472xf32, #tpu.memory_space<vmem_shared>>
      %dma_wait3A_59 = arith.constant 0 : i32
      %dma_wait3A_60 = tpu.memref_slice %arg17[%dma_wait3A_59] : memref<1600xf32, #tpu.memory_space<vmem>> -> memref<1472xf32, #tpu.memory_space<vmem>>
      tpu.wait_dma2 semaphore(%run_scoped3A : memref<!tpu.dma_semaphore, #tpu.memory_space<semaphore_mem>>) src(%dma_wait3A_60 : memref<1472xf32, #tpu.memory_space<vmem>>) dst(%dma_wait3A_58 : memref<1472xf32, #tpu.memory_space<vmem_shared>>)
      tpu.yield
    }) : () -> ()
    %barrier3A = arith.constant 0 : index
    tpu.barrier barrier_id(%barrier3A)
    %scan3A_36 = arith.constant 0 : i32
    %scan3A_37 = arith.constant 0 : i32
    %scan3A_38 = arith.constant 13 : i32
    %scan3A_39 = arith.addi %scan3A_37, %scan3A_38 : i32
    %scan3A_40 = arith.constant 1 : i32
    scf.for %scan3A_50 = %scan3A_37 to %scan3A_39 step %scan3A_40  : i32 {
      %mul3A_51 = arith.constant 10 : i32
      %mul3A_52 = arith.muli %scan3A_50, %mul3A_51 : i32
      %add3A_53 = arith.constant 0 : i32
      %add3A_54 = arith.addi %mul3A_52, %add3A_53 : i32
      %ge3A = arith.constant 4 : i32
      %ge3A_55 = arith.cmpi sge, %add3A_54, %ge3A : i32
      %lt3A = arith.constant 129 : i32
      %lt3A_56 = arith.cmpi slt, %add3A_54, %lt3A : i32
      %and3A = arith.andi %ge3A_55, %lt3A_56 : i1
      %convert_element_type3A = arith.extui %and3A : i1 to i32
      %cond3A = arith.constant 0 : i32
      %cond3A_57 = arith.cmpi ne, %convert_element_type3A, %cond3A : i32
      scf.if %cond3A_57 {
        %dma_wait3A = arith.constant 1 : i32
        %dma_wait3A_286 = arith.constant 0 : i32
        %dma_wait3A_287 = tpu.memref_slice %arg18[%dma_wait3A_286] : memref<100352xf32, #tpu.memory_space<vmem_shared>> -> memref<100352xf32, #tpu.memory_space<vmem_shared>>
        %dma_wait3A_288 = tpu.memref_slice %arg21[%dma_wait3A] : memref<5x!tpu.dma_semaphore, #tpu.memory_space<semaphore_mem>> -> memref<1x!tpu.dma_semaphore, #tpu.memory_space<semaphore_mem>>
        %dma_wait3A_289 = tpu.memref_squeeze %dma_wait3A_288 : memref<1x!tpu.dma_semaphore, #tpu.memory_space<semaphore_mem>> -> memref<!tpu.dma_semaphore, #tpu.memory_space<semaphore_mem>>
        tpu.wait_indirect_dma semaphore(%dma_wait3A_289 : memref<!tpu.dma_semaphore, #tpu.memory_space<semaphore_mem>>) src(%arg14 : memref<1600xf32, #tpu.memory_space<vmem>>) dst(%dma_wait3A_287 : memref<100352xf32, #tpu.memory_space<vmem_shared>>)
      } else {
      }
      %add3A_58 = arith.constant 1 : i32
      %add3A_59 = arith.addi %add3A_54, %add3A_58 : i32
      %lt3A_60 = arith.constant 125 : i32
      %lt3A_61 = arith.cmpi slt, %add3A_59, %lt3A_60 : i32
      %convert_element_type3A_62 = arith.extui %lt3A_61 : i1 to i32
      %cond3A_63 = arith.constant 0 : i32
      %cond3A_64 = arith.cmpi ne, %convert_element_type3A_62, %cond3A_63 : i32
      scf.if %cond3A_64 {
        %add3A_286 = arith.constant 1 : i32
        %add3A_287 = arith.addi %add3A_54, %add3A_286 : i32
        %mul3A_288 = arith.constant 1600 : i32
        %mul3A_289 = arith.muli %add3A_287, %mul3A_288 : i32
        %add3A_290 = arith.addi %mul3A_2, %mul3A_289 : i32
        %dma_start3A_291 = arith.constant 1 : i32
        %dma_start3A_292 = tpu.memref_slice %arg3[%add3A_290] : memref<12800000xi32, #tpu.memory_space<hbm>> -> memref<1600xi32, #tpu.memory_space<hbm>>
        %dma_start3A_293 = tpu.memref_slice %arg19[%dma_start3A_291] : memref<2x!tpu.dma_semaphore, #tpu.memory_space<semaphore_mem>> -> memref<1x!tpu.dma_semaphore, #tpu.memory_space<semaphore_mem>>
        %dma_start3A_294 = tpu.memref_squeeze %dma_start3A_293 : memref<1x!tpu.dma_semaphore, #tpu.memory_space<semaphore_mem>> -> memref<!tpu.dma_semaphore, #tpu.memory_space<semaphore_mem>>
        %dma_start3A_295 = tpu.memref_slice %arg3[%add3A_290] : memref<12800000xi32, #tpu.memory_space<hbm>> -> memref<1600xi32, #tpu.memory_space<hbm>>
        tpu.enqueue_dma source(%dma_start3A_295 : memref<1600xi32, #tpu.memory_space<hbm>>) target(%arg7 : memref<1600xi32, #tpu.memory_space<vmem>>) target_semaphore(%dma_start3A_294 : memref<!tpu.dma_semaphore, #tpu.memory_space<semaphore_mem>>)
        %add3A_296 = arith.constant 6400000 : i32
        %add3A_297 = arith.addi %add3A_296, %add3A_290 : i32
        %dma_start3A_298 = arith.constant 1 : i32
        %dma_start3A_299 = tpu.memref_slice %arg3[%add3A_297] : memref<12800000xi32, #tpu.memory_space<hbm>> -> memref<1600xi32, #tpu.memory_space<hbm>>
        %dma_start3A_300 = tpu.memref_slice %arg20[%dma_start3A_298] : memref<5x!tpu.dma_semaphore, #tpu.memory_space<semaphore_mem>> -> memref<1x!tpu.dma_semaphore, #tpu.memory_space<semaphore_mem>>
        %dma_start3A_301 = tpu.memref_squeeze %dma_start3A_300 : memref<1x!tpu.dma_semaphore, #tpu.memory_space<semaphore_mem>> -> memref<!tpu.dma_semaphore, #tpu.memory_space<semaphore_mem>>
        %dma_start3A_302 = tpu.memref_slice %arg3[%add3A_297] : memref<12800000xi32, #tpu.memory_space<hbm>> -> memref<1600xi32, #tpu.memory_space<hbm>>
        tpu.enqueue_dma source(%dma_start3A_302 : memref<1600xi32, #tpu.memory_space<hbm>>) target(%arg9 : memref<1600xi32, #tpu.memory_space<vmem>>) target_semaphore(%dma_start3A_301 : memref<!tpu.dma_semaphore, #tpu.memory_space<semaphore_mem>>)
      } else {
      }
      %lt3A_65 = arith.constant 125 : i32
      %lt3A_66 = arith.cmpi slt, %add3A_54, %lt3A_65 : i32
      %convert_element_type3A_67 = arith.extui %lt3A_66 : i1 to i32
      %cond3A_68 = arith.constant 0 : i32
      %cond3A_69 = arith.cmpi ne, %convert_element_type3A_67, %cond3A_68 : i32
      scf.if %cond3A_69 {
        %mul3A_286 = arith.constant 1600 : i32
        %mul3A_287 = arith.muli %add3A_54, %mul3A_286 : i32
        %add3A_288 = arith.addi %mul3A_2, %mul3A_287 : i32
        %dma_wait3A = arith.constant 0 : i32
        %dma_wait3A_289 = tpu.memref_slice %arg3[%add3A_288] : memref<12800000xi32, #tpu.memory_space<hbm>> -> memref<1600xi32, #tpu.memory_space<hbm>>
        %dma_wait3A_290 = tpu.memref_slice %arg19[%dma_wait3A] : memref<2x!tpu.dma_semaphore, #tpu.memory_space<semaphore_mem>> -> memref<1x!tpu.dma_semaphore, #tpu.memory_space<semaphore_mem>>
        %dma_wait3A_291 = tpu.memref_squeeze %dma_wait3A_290 : memref<1x!tpu.dma_semaphore, #tpu.memory_space<semaphore_mem>> -> memref<!tpu.dma_semaphore, #tpu.memory_space<semaphore_mem>>
        %dma_wait3A_292 = tpu.memref_slice %arg3[%add3A_288] : memref<12800000xi32, #tpu.memory_space<hbm>> -> memref<1600xi32, #tpu.memory_space<hbm>>
        tpu.wait_dma2 semaphore(%dma_wait3A_291 : memref<!tpu.dma_semaphore, #tpu.memory_space<semaphore_mem>>) src(%dma_wait3A_292 : memref<1600xi32, #tpu.memory_space<hbm>>) dst(%arg6 : memref<1600xi32, #tpu.memory_space<vmem>>)
        %add3A_293 = arith.constant 6400000 : i32
        %add3A_294 = arith.addi %add3A_293, %mul3A_2 : i32
        %mul3A_295 = arith.constant 1600 : i32
        %mul3A_296 = arith.muli %add3A_54, %mul3A_295 : i32
        %add3A_297 = arith.addi %add3A_294, %mul3A_296 : i32
        %dma_wait3A_298 = arith.constant 0 : i32
        %dma_wait3A_299 = tpu.memref_slice %arg3[%add3A_297] : memref<12800000xi32, #tpu.memory_space<hbm>> -> memref<1600xi32, #tpu.memory_space<hbm>>
        %dma_wait3A_300 = tpu.memref_slice %arg20[%dma_wait3A_298] : memref<5x!tpu.dma_semaphore, #tpu.memory_space<semaphore_mem>> -> memref<1x!tpu.dma_semaphore, #tpu.memory_space<semaphore_mem>>
        %dma_wait3A_301 = tpu.memref_squeeze %dma_wait3A_300 : memref<1x!tpu.dma_semaphore, #tpu.memory_space<semaphore_mem>> -> memref<!tpu.dma_semaphore, #tpu.memory_space<semaphore_mem>>
        %dma_wait3A_302 = tpu.memref_slice %arg3[%add3A_297] : memref<12800000xi32, #tpu.memory_space<hbm>> -> memref<1600xi32, #tpu.memory_space<hbm>>
        tpu.wait_dma2 semaphore(%dma_wait3A_301 : memref<!tpu.dma_semaphore, #tpu.memory_space<semaphore_mem>>) src(%dma_wait3A_302 : memref<1600xi32, #tpu.memory_space<hbm>>) dst(%arg8 : memref<1600xi32, #tpu.memory_space<vmem>>)
        %parallel_loop3A = arith.constant 0 : i32
        %parallel_loop3A_303 = arith.constant 100 : i32
        %parallel_loop3A_304 = arith.constant 1 : i32
        scf.for %parallel_loop3A_310 = %parallel_loop3A to %parallel_loop3A_303 step %parallel_loop3A_304  : i32 {
          %parallel_loop3A_311 = arith.constant 16 : i32
          %parallel_loop3A_312 = arith.muli %parallel_loop3A_310, %parallel_loop3A_311 : i32
          %parallel_loop3A_313 = arith.index_cast %parallel_loop3A_312 : i32 to index
          %parallel_loop3A_314 = tpu.vector_load %arg6[%parallel_loop3A_313] {strides = array<i32>} : memref<1600xi32, #tpu.memory_space<vmem>>, vector<16xi32>,
          %parallel_loop3A_315 = tpu.vector_load_idx %arg5[%parallel_loop3A_314] : memref<100352xf32, #tpu.memory_space<vmem>>[vector<16xi32>], vector<16xf32>,
          %parallel_loop3A_316 = arith.constant 16 : i32
          %parallel_loop3A_317 = arith.muli %parallel_loop3A_310, %parallel_loop3A_316 : i32
          %parallel_loop3A_318 = arith.index_cast %parallel_loop3A_317 : i32 to index
          %parallel_loop3A_319 = tpu.vector_load %arg13[%parallel_loop3A_318] {strides = array<i32>} : memref<1600xf32, #tpu.memory_space<vmem>>, vector<16xf32>,
          tpu.vector_store %arg13[%parallel_loop3A_318], %parallel_loop3A_315 {strides = array<i32>} : memref<1600xf32, #tpu.memory_space<vmem>>, vector<16xf32>,
        } {sc.loop_unroll_factor = 5 : i64, sc.parallel_access}
        %dma_start3A_305 = arith.constant 0 : i32
        %dma_start3A_306 = arith.constant 0 : i32
        %dma_start3A_307 = tpu.memref_slice %arg18[%dma_start3A_306] : memref<100352xf32, #tpu.memory_space<vmem_shared>> -> memref<100352xf32, #tpu.memory_space<vmem_shared>>
        %dma_start3A_308 = tpu.memref_slice %arg21[%dma_start3A_305] : memref<5x!tpu.dma_semaphore, #tpu.memory_space<semaphore_mem>> -> memref<1x!tpu.dma_semaphore, #tpu.memory_space<semaphore_mem>>
        %dma_start3A_309 = tpu.memref_squeeze %dma_start3A_308 : memref<1x!tpu.dma_semaphore, #tpu.memory_space<semaphore_mem>> -> memref<!tpu.dma_semaphore, #tpu.memory_space<semaphore_mem>>
        tpu.enqueue_indirect_dma source(%arg13 : memref<1600xf32, #tpu.memory_space<vmem>>) target(%dma_start3A_307 : memref<100352xf32, #tpu.memory_space<vmem_shared>>) offsets(%arg8 : memref<1600xi32, #tpu.memory_space<vmem>>) semaphore(%dma_start3A_309 : memref<!tpu.dma_semaphore, #tpu.memory_space<semaphore_mem>>) {add = true}
      } else {
      }
      %mul3A_70 = arith.constant 10 : i32
      %mul3A_71 = arith.muli %scan3A_50, %mul3A_70 : i32
      %add3A_72 = arith.constant 1 : i32
      %add3A_73 = arith.addi %mul3A_71, %add3A_72 : i32
      %ge3A_74 = arith.constant 4 : i32
      %ge3A_75 = arith.cmpi sge, %add3A_73, %ge3A_74 : i32
      %lt3A_76 = arith.constant 129 : i32
      %lt3A_77 = arith.cmpi slt, %add3A_73, %lt3A_76 : i32
      %and3A_78 = arith.andi %ge3A_75, %lt3A_77 : i1
      %convert_element_type3A_79 = arith.extui %and3A_78 : i1 to i32
      %cond3A_80 = arith.constant 0 : i32
      %cond3A_81 = arith.cmpi ne, %convert_element_type3A_79, %cond3A_80 : i32
      scf.if %cond3A_81 {
        %dma_wait3A = arith.constant 2 : i32
        %dma_wait3A_286 = arith.constant 0 : i32
        %dma_wait3A_287 = tpu.memref_slice %arg18[%dma_wait3A_286] : memref<100352xf32, #tpu.memory_space<vmem_shared>> -> memref<100352xf32, #tpu.memory_space<vmem_shared>>
        %dma_wait3A_288 = tpu.memref_slice %arg21[%dma_wait3A] : memref<5x!tpu.dma_semaphore, #tpu.memory_space<semaphore_mem>> -> memref<1x!tpu.dma_semaphore, #tpu.memory_space<semaphore_mem>>
        %dma_wait3A_289 = tpu.memref_squeeze %dma_wait3A_288 : memref<1x!tpu.dma_semaphore, #tpu.memory_space<semaphore_mem>> -> memref<!tpu.dma_semaphore, #tpu.memory_space<semaphore_mem>>
        tpu.wait_indirect_dma semaphore(%dma_wait3A_289 : memref<!tpu.dma_semaphore, #tpu.memory_space<semaphore_mem>>) src(%arg15 : memref<1600xf32, #tpu.memory_space<vmem>>) dst(%dma_wait3A_287 : memref<100352xf32, #tpu.memory_space<vmem_shared>>)
      } else {
      }
      %add3A_82 = arith.constant 1 : i32
      %add3A_83 = arith.addi %add3A_73, %add3A_82 : i32
      %lt3A_84 = arith.constant 125 : i32
      %lt3A_85 = arith.cmpi slt, %add3A_83, %lt3A_84 : i32
      %convert_element_type3A_86 = arith.extui %lt3A_85 : i1 to i32
      %cond3A_87 = arith.constant 0 : i32
      %cond3A_88 = arith.cmpi ne, %convert_element_type3A_86, %cond3A_87 : i32
      scf.if %cond3A_88 {
        %add3A_286 = arith.constant 1 : i32
        %add3A_287 = arith.addi %add3A_73, %add3A_286 : i32
        %mul3A_288 = arith.constant 1600 : i32
        %mul3A_289 = arith.muli %add3A_287, %mul3A_288 : i32
        %add3A_290 = arith.addi %mul3A_2, %mul3A_289 : i32
        %dma_start3A_291 = arith.constant 0 : i32
        %dma_start3A_292 = tpu.memref_slice %arg3[%add3A_290] : memref<12800000xi32, #tpu.memory_space<hbm>> -> memref<1600xi32, #tpu.memory_space<hbm>>
        %dma_start3A_293 = tpu.memref_slice %arg19[%dma_start3A_291] : memref<2x!tpu.dma_semaphore, #tpu.memory_space<semaphore_mem>> -> memref<1x!tpu.dma_semaphore, #tpu.memory_space<semaphore_mem>>
        %dma_start3A_294 = tpu.memref_squeeze %dma_start3A_293 : memref<1x!tpu.dma_semaphore, #tpu.memory_space<semaphore_mem>> -> memref<!tpu.dma_semaphore, #tpu.memory_space<semaphore_mem>>
        %dma_start3A_295 = tpu.memref_slice %arg3[%add3A_290] : memref<12800000xi32, #tpu.memory_space<hbm>> -> memref<1600xi32, #tpu.memory_space<hbm>>
        tpu.enqueue_dma source(%dma_start3A_295 : memref<1600xi32, #tpu.memory_space<hbm>>) target(%arg6 : memref<1600xi32, #tpu.memory_space<vmem>>) target_semaphore(%dma_start3A_294 : memref<!tpu.dma_semaphore, #tpu.memory_space<semaphore_mem>>)
        %add3A_296 = arith.constant 6400000 : i32
        %add3A_297 = arith.addi %add3A_296, %add3A_290 : i32
        %dma_start3A_298 = arith.constant 2 : i32
        %dma_start3A_299 = tpu.memref_slice %arg3[%add3A_297] : memref<12800000xi32, #tpu.memory_space<hbm>> -> memref<1600xi32, #tpu.memory_space<hbm>>
        %dma_start3A_300 = tpu.memref_slice %arg20[%dma_start3A_298] : memref<5x!tpu.dma_semaphore, #tpu.memory_space<semaphore_mem>> -> memref<1x!tpu.dma_semaphore, #tpu.memory_space<semaphore_mem>>
        %dma_start3A_301 = tpu.memref_squeeze %dma_start3A_300 : memref<1x!tpu.dma_semaphore, #tpu.memory_space<semaphore_mem>> -> memref<!tpu.dma_semaphore, #tpu.memory_space<semaphore_mem>>
        %dma_start3A_302 = tpu.memref_slice %arg3[%add3A_297] : memref<12800000xi32, #tpu.memory_space<hbm>> -> memref<1600xi32, #tpu.memory_space<hbm>>
        tpu.enqueue_dma source(%dma_start3A_302 : memref<1600xi32, #tpu.memory_space<hbm>>) target(%arg10 : memref<1600xi32, #tpu.memory_space<vmem>>) target_semaphore(%dma_start3A_301 : memref<!tpu.dma_semaphore, #tpu.memory_space<semaphore_mem>>)
      } else {
      }
      %lt3A_89 = arith.constant 125 : i32
      %lt3A_90 = arith.cmpi slt, %add3A_73, %lt3A_89 : i32
      %convert_element_type3A_91 = arith.extui %lt3A_90 : i1 to i32
      %cond3A_92 = arith.constant 0 : i32
      %cond3A_93 = arith.cmpi ne, %convert_element_type3A_91, %cond3A_92 : i32
      scf.if %cond3A_93 {
        %mul3A_286 = arith.constant 1600 : i32
        %mul3A_287 = arith.muli %add3A_73, %mul3A_286 : i32
        %add3A_288 = arith.addi %mul3A_2, %mul3A_287 : i32
        %dma_wait3A = arith.constant 1 : i32
        %dma_wait3A_289 = tpu.memref_slice %arg3[%add3A_288] : memref<12800000xi32, #tpu.memory_space<hbm>> -> memref<1600xi32, #tpu.memory_space<hbm>>
        %dma_wait3A_290 = tpu.memref_slice %arg19[%dma_wait3A] : memref<2x!tpu.dma_semaphore, #tpu.memory_space<semaphore_mem>> -> memref<1x!tpu.dma_semaphore, #tpu.memory_space<semaphore_mem>>
        %dma_wait3A_291 = tpu.memref_squeeze %dma_wait3A_290 : memref<1x!tpu.dma_semaphore, #tpu.memory_space<semaphore_mem>> -> memref<!tpu.dma_semaphore, #tpu.memory_space<semaphore_mem>>
        %dma_wait3A_292 = tpu.memref_slice %arg3[%add3A_288] : memref<12800000xi32, #tpu.memory_space<hbm>> -> memref<1600xi32, #tpu.memory_space<hbm>>
        tpu.wait_dma2 semaphore(%dma_wait3A_291 : memref<!tpu.dma_semaphore, #tpu.memory_space<semaphore_mem>>) src(%dma_wait3A_292 : memref<1600xi32, #tpu.memory_space<hbm>>) dst(%arg7 : memref<1600xi32, #tpu.memory_space<vmem>>)
        %add3A_293 = arith.constant 6400000 : i32
        %add3A_294 = arith.addi %add3A_293, %mul3A_2 : i32
        %mul3A_295 = arith.constant 1600 : i32
        %mul3A_296 = arith.muli %add3A_73, %mul3A_295 : i32
        %add3A_297 = arith.addi %add3A_294, %mul3A_296 : i32
        %dma_wait3A_298 = arith.constant 1 : i32
        %dma_wait3A_299 = tpu.memref_slice %arg3[%add3A_297] : memref<12800000xi32, #tpu.memory_space<hbm>> -> memref<1600xi32, #tpu.memory_space<hbm>>
        %dma_wait3A_300 = tpu.memref_slice %arg20[%dma_wait3A_298] : memref<5x!tpu.dma_semaphore, #tpu.memory_space<semaphore_mem>> -> memref<1x!tpu.dma_semaphore, #tpu.memory_space<semaphore_mem>>
        %dma_wait3A_301 = tpu.memref_squeeze %dma_wait3A_300 : memref<1x!tpu.dma_semaphore, #tpu.memory_space<semaphore_mem>> -> memref<!tpu.dma_semaphore, #tpu.memory_space<semaphore_mem>>
        %dma_wait3A_302 = tpu.memref_slice %arg3[%add3A_297] : memref<12800000xi32, #tpu.memory_space<hbm>> -> memref<1600xi32, #tpu.memory_space<hbm>>
        tpu.wait_dma2 semaphore(%dma_wait3A_301 : memref<!tpu.dma_semaphore, #tpu.memory_space<semaphore_mem>>) src(%dma_wait3A_302 : memref<1600xi32, #tpu.memory_space<hbm>>) dst(%arg9 : memref<1600xi32, #tpu.memory_space<vmem>>)
        %parallel_loop3A = arith.constant 0 : i32
        %parallel_loop3A_303 = arith.constant 100 : i32
        %parallel_loop3A_304 = arith.constant 1 : i32
        scf.for %parallel_loop3A_310 = %parallel_loop3A to %parallel_loop3A_303 step %parallel_loop3A_304  : i32 {
          %parallel_loop3A_311 = arith.constant 16 : i32
          %parallel_loop3A_312 = arith.muli %parallel_loop3A_310, %parallel_loop3A_311 : i32
          %parallel_loop3A_313 = arith.index_cast %parallel_loop3A_312 : i32 to index
          %parallel_loop3A_314 = tpu.vector_load %arg7[%parallel_loop3A_313] {strides = array<i32>} : memref<1600xi32, #tpu.memory_space<vmem>>, vector<16xi32>,
          %parallel_loop3A_315 = tpu.vector_load_idx %arg5[%parallel_loop3A_314] : memref<100352xf32, #tpu.memory_space<vmem>>[vector<16xi32>], vector<16xf32>,
          %parallel_loop3A_316 = arith.constant 16 : i32
          %parallel_loop3A_317 = arith.muli %parallel_loop3A_310, %parallel_loop3A_316 : i32
          %parallel_loop3A_318 = arith.index_cast %parallel_loop3A_317 : i32 to index
          %parallel_loop3A_319 = tpu.vector_load %arg14[%parallel_loop3A_318] {strides = array<i32>} : memref<1600xf32, #tpu.memory_space<vmem>>, vector<16xf32>,
          tpu.vector_store %arg14[%parallel_loop3A_318], %parallel_loop3A_315 {strides = array<i32>} : memref<1600xf32, #tpu.memory_space<vmem>>, vector<16xf32>,
        } {sc.loop_unroll_factor = 5 : i64, sc.parallel_access}
        %dma_start3A_305 = arith.constant 1 : i32
        %dma_start3A_306 = arith.constant 0 : i32
        %dma_start3A_307 = tpu.memref_slice %arg18[%dma_start3A_306] : memref<100352xf32, #tpu.memory_space<vmem_shared>> -> memref<100352xf32, #tpu.memory_space<vmem_shared>>
        %dma_start3A_308 = tpu.memref_slice %arg21[%dma_start3A_305] : memref<5x!tpu.dma_semaphore, #tpu.memory_space<semaphore_mem>> -> memref<1x!tpu.dma_semaphore, #tpu.memory_space<semaphore_mem>>
        %dma_start3A_309 = tpu.memref_squeeze %dma_start3A_308 : memref<1x!tpu.dma_semaphore, #tpu.memory_space<semaphore_mem>> -> memref<!tpu.dma_semaphore, #tpu.memory_space<semaphore_mem>>
        tpu.enqueue_indirect_dma source(%arg14 : memref<1600xf32, #tpu.memory_space<vmem>>) target(%dma_start3A_307 : memref<100352xf32, #tpu.memory_space<vmem_shared>>) offsets(%arg9 : memref<1600xi32, #tpu.memory_space<vmem>>) semaphore(%dma_start3A_309 : memref<!tpu.dma_semaphore, #tpu.memory_space<semaphore_mem>>) {add = true}
      } else {
      }
      %mul3A_94 = arith.constant 10 : i32
      %mul3A_95 = arith.muli %scan3A_50, %mul3A_94 : i32
      %add3A_96 = arith.constant 2 : i32
      %add3A_97 = arith.addi %mul3A_95, %add3A_96 : i32
      %ge3A_98 = arith.constant 4 : i32
      %ge3A_99 = arith.cmpi sge, %add3A_97, %ge3A_98 : i32
      %lt3A_100 = arith.constant 129 : i32
      %lt3A_101 = arith.cmpi slt, %add3A_97, %lt3A_100 : i32
      %and3A_102 = arith.andi %ge3A_99, %lt3A_101 : i1
      %convert_element_type3A_103 = arith.extui %and3A_102 : i1 to i32
      %cond3A_104 = arith.constant 0 : i32
      %cond3A_105 = arith.cmpi ne, %convert_element_type3A_103, %cond3A_104 : i32
      scf.if %cond3A_105 {
        %dma_wait3A = arith.constant 3 : i32
        %dma_wait3A_286 = arith.constant 0 : i32
        %dma_wait3A_287 = tpu.memref_slice %arg18[%dma_wait3A_286] : memref<100352xf32, #tpu.memory_space<vmem_shared>> -> memref<100352xf32, #tpu.memory_space<vmem_shared>>
        %dma_wait3A_288 = tpu.memref_slice %arg21[%dma_wait3A] : memref<5x!tpu.dma_semaphore, #tpu.memory_space<semaphore_mem>> -> memref<1x!tpu.dma_semaphore, #tpu.memory_space<semaphore_mem>>
        %dma_wait3A_289 = tpu.memref_squeeze %dma_wait3A_288 : memref<1x!tpu.dma_semaphore, #tpu.memory_space<semaphore_mem>> -> memref<!tpu.dma_semaphore, #tpu.memory_space<semaphore_mem>>
        tpu.wait_indirect_dma semaphore(%dma_wait3A_289 : memref<!tpu.dma_semaphore, #tpu.memory_space<semaphore_mem>>) src(%arg16 : memref<1600xf32, #tpu.memory_space<vmem>>) dst(%dma_wait3A_287 : memref<100352xf32, #tpu.memory_space<vmem_shared>>)
      } else {
      }
      %add3A_106 = arith.constant 1 : i32
      %add3A_107 = arith.addi %add3A_97, %add3A_106 : i32
      %lt3A_108 = arith.constant 125 : i32
      %lt3A_109 = arith.cmpi slt, %add3A_107, %lt3A_108 : i32
      %convert_element_type3A_110 = arith.extui %lt3A_109 : i1 to i32
      %cond3A_111 = arith.constant 0 : i32
      %cond3A_112 = arith.cmpi ne, %convert_element_type3A_110, %cond3A_111 : i32
      scf.if %cond3A_112 {
        %add3A_286 = arith.constant 1 : i32
        %add3A_287 = arith.addi %add3A_97, %add3A_286 : i32
        %mul3A_288 = arith.constant 1600 : i32
        %mul3A_289 = arith.muli %add3A_287, %mul3A_288 : i32
        %add3A_290 = arith.addi %mul3A_2, %mul3A_289 : i32
        %dma_start3A_291 = arith.constant 1 : i32
        %dma_start3A_292 = tpu.memref_slice %arg3[%add3A_290] : memref<12800000xi32, #tpu.memory_space<hbm>> -> memref<1600xi32, #tpu.memory_space<hbm>>
        %dma_start3A_293 = tpu.memref_slice %arg19[%dma_start3A_291] : memref<2x!tpu.dma_semaphore, #tpu.memory_space<semaphore_mem>> -> memref<1x!tpu.dma_semaphore, #tpu.memory_space<semaphore_mem>>
        %dma_start3A_294 = tpu.memref_squeeze %dma_start3A_293 : memref<1x!tpu.dma_semaphore, #tpu.memory_space<semaphore_mem>> -> memref<!tpu.dma_semaphore, #tpu.memory_space<semaphore_mem>>
        %dma_start3A_295 = tpu.memref_slice %arg3[%add3A_290] : memref<12800000xi32, #tpu.memory_space<hbm>> -> memref<1600xi32, #tpu.memory_space<hbm>>
        tpu.enqueue_dma source(%dma_start3A_295 : memref<1600xi32, #tpu.memory_space<hbm>>) target(%arg7 : memref<1600xi32, #tpu.memory_space<vmem>>) target_semaphore(%dma_start3A_294 : memref<!tpu.dma_semaphore, #tpu.memory_space<semaphore_mem>>)
        %add3A_296 = arith.constant 6400000 : i32
        %add3A_297 = arith.addi %add3A_296, %add3A_290 : i32
        %dma_start3A_298 = arith.constant 3 : i32
        %dma_start3A_299 = tpu.memref_slice %arg3[%add3A_297] : memref<12800000xi32, #tpu.memory_space<hbm>> -> memref<1600xi32, #tpu.memory_space<hbm>>
        %dma_start3A_300 = tpu.memref_slice %arg20[%dma_start3A_298] : memref<5x!tpu.dma_semaphore, #tpu.memory_space<semaphore_mem>> -> memref<1x!tpu.dma_semaphore, #tpu.memory_space<semaphore_mem>>
        %dma_start3A_301 = tpu.memref_squeeze %dma_start3A_300 : memref<1x!tpu.dma_semaphore, #tpu.memory_space<semaphore_mem>> -> memref<!tpu.dma_semaphore, #tpu.memory_space<semaphore_mem>>
        %dma_start3A_302 = tpu.memref_slice %arg3[%add3A_297] : memref<12800000xi32, #tpu.memory_space<hbm>> -> memref<1600xi32, #tpu.memory_space<hbm>>
        tpu.enqueue_dma source(%dma_start3A_302 : memref<1600xi32, #tpu.memory_space<hbm>>) target(%arg11 : memref<1600xi32, #tpu.memory_space<vmem>>) target_semaphore(%dma_start3A_301 : memref<!tpu.dma_semaphore, #tpu.memory_space<semaphore_mem>>)
      } else {
      }
      %lt3A_113 = arith.constant 125 : i32
      %lt3A_114 = arith.cmpi slt, %add3A_97, %lt3A_113 : i32
      %convert_element_type3A_115 = arith.extui %lt3A_114 : i1 to i32
      %cond3A_116 = arith.constant 0 : i32
      %cond3A_117 = arith.cmpi ne, %convert_element_type3A_115, %cond3A_116 : i32
      scf.if %cond3A_117 {
        %mul3A_286 = arith.constant 1600 : i32
        %mul3A_287 = arith.muli %add3A_97, %mul3A_286 : i32
        %add3A_288 = arith.addi %mul3A_2, %mul3A_287 : i32
        %dma_wait3A = arith.constant 0 : i32
        %dma_wait3A_289 = tpu.memref_slice %arg3[%add3A_288] : memref<12800000xi32, #tpu.memory_space<hbm>> -> memref<1600xi32, #tpu.memory_space<hbm>>
        %dma_wait3A_290 = tpu.memref_slice %arg19[%dma_wait3A] : memref<2x!tpu.dma_semaphore, #tpu.memory_space<semaphore_mem>> -> memref<1x!tpu.dma_semaphore, #tpu.memory_space<semaphore_mem>>
        %dma_wait3A_291 = tpu.memref_squeeze %dma_wait3A_290 : memref<1x!tpu.dma_semaphore, #tpu.memory_space<semaphore_mem>> -> memref<!tpu.dma_semaphore, #tpu.memory_space<semaphore_mem>>
        %dma_wait3A_292 = tpu.memref_slice %arg3[%add3A_288] : memref<12800000xi32, #tpu.memory_space<hbm>> -> memref<1600xi32, #tpu.memory_space<hbm>>
        tpu.wait_dma2 semaphore(%dma_wait3A_291 : memref<!tpu.dma_semaphore, #tpu.memory_space<semaphore_mem>>) src(%dma_wait3A_292 : memref<1600xi32, #tpu.memory_space<hbm>>) dst(%arg6 : memref<1600xi32, #tpu.memory_space<vmem>>)
        %add3A_293 = arith.constant 6400000 : i32
        %add3A_294 = arith.addi %add3A_293, %mul3A_2 : i32
        %mul3A_295 = arith.constant 1600 : i32
        %mul3A_296 = arith.muli %add3A_97, %mul3A_295 : i32
        %add3A_297 = arith.addi %add3A_294, %mul3A_296 : i32
        %dma_wait3A_298 = arith.constant 2 : i32
        %dma_wait3A_299 = tpu.memref_slice %arg3[%add3A_297] : memref<12800000xi32, #tpu.memory_space<hbm>> -> memref<1600xi32, #tpu.memory_space<hbm>>
        %dma_wait3A_300 = tpu.memref_slice %arg20[%dma_wait3A_298] : memref<5x!tpu.dma_semaphore, #tpu.memory_space<semaphore_mem>> -> memref<1x!tpu.dma_semaphore, #tpu.memory_space<semaphore_mem>>
        %dma_wait3A_301 = tpu.memref_squeeze %dma_wait3A_300 : memref<1x!tpu.dma_semaphore, #tpu.memory_space<semaphore_mem>> -> memref<!tpu.dma_semaphore, #tpu.memory_space<semaphore_mem>>
        %dma_wait3A_302 = tpu.memref_slice %arg3[%add3A_297] : memref<12800000xi32, #tpu.memory_space<hbm>> -> memref<1600xi32, #tpu.memory_space<hbm>>
        tpu.wait_dma2 semaphore(%dma_wait3A_301 : memref<!tpu.dma_semaphore, #tpu.memory_space<semaphore_mem>>) src(%dma_wait3A_302 : memref<1600xi32, #tpu.memory_space<hbm>>) dst(%arg10 : memref<1600xi32, #tpu.memory_space<vmem>>)
        %parallel_loop3A = arith.constant 0 : i32
        %parallel_loop3A_303 = arith.constant 100 : i32
        %parallel_loop3A_304 = arith.constant 1 : i32
        scf.for %parallel_loop3A_310 = %parallel_loop3A to %parallel_loop3A_303 step %parallel_loop3A_304  : i32 {
          %parallel_loop3A_311 = arith.constant 16 : i32
          %parallel_loop3A_312 = arith.muli %parallel_loop3A_310, %parallel_loop3A_311 : i32
          %parallel_loop3A_313 = arith.index_cast %parallel_loop3A_312 : i32 to index
          %parallel_loop3A_314 = tpu.vector_load %arg6[%parallel_loop3A_313] {strides = array<i32>} : memref<1600xi32, #tpu.memory_space<vmem>>, vector<16xi32>,
          %parallel_loop3A_315 = tpu.vector_load_idx %arg5[%parallel_loop3A_314] : memref<100352xf32, #tpu.memory_space<vmem>>[vector<16xi32>], vector<16xf32>,
          %parallel_loop3A_316 = arith.constant 16 : i32
          %parallel_loop3A_317 = arith.muli %parallel_loop3A_310, %parallel_loop3A_316 : i32
          %parallel_loop3A_318 = arith.index_cast %parallel_loop3A_317 : i32 to index
          %parallel_loop3A_319 = tpu.vector_load %arg15[%parallel_loop3A_318] {strides = array<i32>} : memref<1600xf32, #tpu.memory_space<vmem>>, vector<16xf32>,
          tpu.vector_store %arg15[%parallel_loop3A_318], %parallel_loop3A_315 {strides = array<i32>} : memref<1600xf32, #tpu.memory_space<vmem>>, vector<16xf32>,
        } {sc.loop_unroll_factor = 5 : i64, sc.parallel_access}
        %dma_start3A_305 = arith.constant 2 : i32
        %dma_start3A_306 = arith.constant 0 : i32
        %dma_start3A_307 = tpu.memref_slice %arg18[%dma_start3A_306] : memref<100352xf32, #tpu.memory_space<vmem_shared>> -> memref<100352xf32, #tpu.memory_space<vmem_shared>>
        %dma_start3A_308 = tpu.memref_slice %arg21[%dma_start3A_305] : memref<5x!tpu.dma_semaphore, #tpu.memory_space<semaphore_mem>> -> memref<1x!tpu.dma_semaphore, #tpu.memory_space<semaphore_mem>>
        %dma_start3A_309 = tpu.memref_squeeze %dma_start3A_308 : memref<1x!tpu.dma_semaphore, #tpu.memory_space<semaphore_mem>> -> memref<!tpu.dma_semaphore, #tpu.memory_space<semaphore_mem>>
        tpu.enqueue_indirect_dma source(%arg15 : memref<1600xf32, #tpu.memory_space<vmem>>) target(%dma_start3A_307 : memref<100352xf32, #tpu.memory_space<vmem_shared>>) offsets(%arg10 : memref<1600xi32, #tpu.memory_space<vmem>>) semaphore(%dma_start3A_309 : memref<!tpu.dma_semaphore, #tpu.memory_space<semaphore_mem>>) {add = true}
      } else {
      }
      %mul3A_118 = arith.constant 10 : i32
      %mul3A_119 = arith.muli %scan3A_50, %mul3A_118 : i32
      %add3A_120 = arith.constant 3 : i32
      %add3A_121 = arith.addi %mul3A_119, %add3A_120 : i32
      %ge3A_122 = arith.constant 4 : i32
      %ge3A_123 = arith.cmpi sge, %add3A_121, %ge3A_122 : i32
      %lt3A_124 = arith.constant 129 : i32
      %lt3A_125 = arith.cmpi slt, %add3A_121, %lt3A_124 : i32
      %and3A_126 = arith.andi %ge3A_123, %lt3A_125 : i1
      %convert_element_type3A_127 = arith.extui %and3A_126 : i1 to i32
      %cond3A_128 = arith.constant 0 : i32
      %cond3A_129 = arith.cmpi ne, %convert_element_type3A_127, %cond3A_128 : i32
      scf.if %cond3A_129 {
        %dma_wait3A = arith.constant 4 : i32
        %dma_wait3A_286 = arith.constant 0 : i32
        %dma_wait3A_287 = tpu.memref_slice %arg18[%dma_wait3A_286] : memref<100352xf32, #tpu.memory_space<vmem_shared>> -> memref<100352xf32, #tpu.memory_space<vmem_shared>>
        %dma_wait3A_288 = tpu.memref_slice %arg21[%dma_wait3A] : memref<5x!tpu.dma_semaphore, #tpu.memory_space<semaphore_mem>> -> memref<1x!tpu.dma_semaphore, #tpu.memory_space<semaphore_mem>>
        %dma_wait3A_289 = tpu.memref_squeeze %dma_wait3A_288 : memref<1x!tpu.dma_semaphore, #tpu.memory_space<semaphore_mem>> -> memref<!tpu.dma_semaphore, #tpu.memory_space<semaphore_mem>>
        tpu.wait_indirect_dma semaphore(%dma_wait3A_289 : memref<!tpu.dma_semaphore, #tpu.memory_space<semaphore_mem>>) src(%arg17 : memref<1600xf32, #tpu.memory_space<vmem>>) dst(%dma_wait3A_287 : memref<100352xf32, #tpu.memory_space<vmem_shared>>)
      } else {
      }
      %add3A_130 = arith.constant 1 : i32
      %add3A_131 = arith.addi %add3A_121, %add3A_130 : i32
      %lt3A_132 = arith.constant 125 : i32
      %lt3A_133 = arith.cmpi slt, %add3A_131, %lt3A_132 : i32
      %convert_element_type3A_134 = arith.extui %lt3A_133 : i1 to i32
      %cond3A_135 = arith.constant 0 : i32
      %cond3A_136 = arith.cmpi ne, %convert_element_type3A_134, %cond3A_135 : i32
      scf.if %cond3A_136 {
        %add3A_286 = arith.constant 1 : i32
        %add3A_287 = arith.addi %add3A_121, %add3A_286 : i32
        %mul3A_288 = arith.constant 1600 : i32
        %mul3A_289 = arith.muli %add3A_287, %mul3A_288 : i32
        %add3A_290 = arith.addi %mul3A_2, %mul3A_289 : i32
        %dma_start3A_291 = arith.constant 0 : i32
        %dma_start3A_292 = tpu.memref_slice %arg3[%add3A_290] : memref<12800000xi32, #tpu.memory_space<hbm>> -> memref<1600xi32, #tpu.memory_space<hbm>>
        %dma_start3A_293 = tpu.memref_slice %arg19[%dma_start3A_291] : memref<2x!tpu.dma_semaphore, #tpu.memory_space<semaphore_mem>> -> memref<1x!tpu.dma_semaphore, #tpu.memory_space<semaphore_mem>>
        %dma_start3A_294 = tpu.memref_squeeze %dma_start3A_293 : memref<1x!tpu.dma_semaphore, #tpu.memory_space<semaphore_mem>> -> memref<!tpu.dma_semaphore, #tpu.memory_space<semaphore_mem>>
        %dma_start3A_295 = tpu.memref_slice %arg3[%add3A_290] : memref<12800000xi32, #tpu.memory_space<hbm>> -> memref<1600xi32, #tpu.memory_space<hbm>>
        tpu.enqueue_dma source(%dma_start3A_295 : memref<1600xi32, #tpu.memory_space<hbm>>) target(%arg6 : memref<1600xi32, #tpu.memory_space<vmem>>) target_semaphore(%dma_start3A_294 : memref<!tpu.dma_semaphore, #tpu.memory_space<semaphore_mem>>)
        %add3A_296 = arith.constant 6400000 : i32
        %add3A_297 = arith.addi %add3A_296, %add3A_290 : i32
        %dma_start3A_298 = arith.constant 4 : i32
        %dma_start3A_299 = tpu.memref_slice %arg3[%add3A_297] : memref<12800000xi32, #tpu.memory_space<hbm>> -> memref<1600xi32, #tpu.memory_space<hbm>>
        %dma_start3A_300 = tpu.memref_slice %arg20[%dma_start3A_298] : memref<5x!tpu.dma_semaphore, #tpu.memory_space<semaphore_mem>> -> memref<1x!tpu.dma_semaphore, #tpu.memory_space<semaphore_mem>>
        %dma_start3A_301 = tpu.memref_squeeze %dma_start3A_300 : memref<1x!tpu.dma_semaphore, #tpu.memory_space<semaphore_mem>> -> memref<!tpu.dma_semaphore, #tpu.memory_space<semaphore_mem>>
        %dma_start3A_302 = tpu.memref_slice %arg3[%add3A_297] : memref<12800000xi32, #tpu.memory_space<hbm>> -> memref<1600xi32, #tpu.memory_space<hbm>>
        tpu.enqueue_dma source(%dma_start3A_302 : memref<1600xi32, #tpu.memory_space<hbm>>) target(%arg12 : memref<1600xi32, #tpu.memory_space<vmem>>) target_semaphore(%dma_start3A_301 : memref<!tpu.dma_semaphore, #tpu.memory_space<semaphore_mem>>)
      } else {
      }
      %lt3A_137 = arith.constant 125 : i32
      %lt3A_138 = arith.cmpi slt, %add3A_121, %lt3A_137 : i32
      %convert_element_type3A_139 = arith.extui %lt3A_138 : i1 to i32
      %cond3A_140 = arith.constant 0 : i32
      %cond3A_141 = arith.cmpi ne, %convert_element_type3A_139, %cond3A_140 : i32
      scf.if %cond3A_141 {
        %mul3A_286 = arith.constant 1600 : i32
        %mul3A_287 = arith.muli %add3A_121, %mul3A_286 : i32
        %add3A_288 = arith.addi %mul3A_2, %mul3A_287 : i32
        %dma_wait3A = arith.constant 1 : i32
        %dma_wait3A_289 = tpu.memref_slice %arg3[%add3A_288] : memref<12800000xi32, #tpu.memory_space<hbm>> -> memref<1600xi32, #tpu.memory_space<hbm>>
        %dma_wait3A_290 = tpu.memref_slice %arg19[%dma_wait3A] : memref<2x!tpu.dma_semaphore, #tpu.memory_space<semaphore_mem>> -> memref<1x!tpu.dma_semaphore, #tpu.memory_space<semaphore_mem>>
        %dma_wait3A_291 = tpu.memref_squeeze %dma_wait3A_290 : memref<1x!tpu.dma_semaphore, #tpu.memory_space<semaphore_mem>> -> memref<!tpu.dma_semaphore, #tpu.memory_space<semaphore_mem>>
        %dma_wait3A_292 = tpu.memref_slice %arg3[%add3A_288] : memref<12800000xi32, #tpu.memory_space<hbm>> -> memref<1600xi32, #tpu.memory_space<hbm>>
        tpu.wait_dma2 semaphore(%dma_wait3A_291 : memref<!tpu.dma_semaphore, #tpu.memory_space<semaphore_mem>>) src(%dma_wait3A_292 : memref<1600xi32, #tpu.memory_space<hbm>>) dst(%arg7 : memref<1600xi32, #tpu.memory_space<vmem>>)
        %add3A_293 = arith.constant 6400000 : i32
        %add3A_294 = arith.addi %add3A_293, %mul3A_2 : i32
        %mul3A_295 = arith.constant 1600 : i32
        %mul3A_296 = arith.muli %add3A_121, %mul3A_295 : i32
        %add3A_297 = arith.addi %add3A_294, %mul3A_296 : i32
        %dma_wait3A_298 = arith.constant 3 : i32
        %dma_wait3A_299 = tpu.memref_slice %arg3[%add3A_297] : memref<12800000xi32, #tpu.memory_space<hbm>> -> memref<1600xi32, #tpu.memory_space<hbm>>
        %dma_wait3A_300 = tpu.memref_slice %arg20[%dma_wait3A_298] : memref<5x!tpu.dma_semaphore, #tpu.memory_space<semaphore_mem>> -> memref<1x!tpu.dma_semaphore, #tpu.memory_space<semaphore_mem>>
        %dma_wait3A_301 = tpu.memref_squeeze %dma_wait3A_300 : memref<1x!tpu.dma_semaphore, #tpu.memory_space<semaphore_mem>> -> memref<!tpu.dma_semaphore, #tpu.memory_space<semaphore_mem>>
        %dma_wait3A_302 = tpu.memref_slice %arg3[%add3A_297] : memref<12800000xi32, #tpu.memory_space<hbm>> -> memref<1600xi32, #tpu.memory_space<hbm>>
        tpu.wait_dma2 semaphore(%dma_wait3A_301 : memref<!tpu.dma_semaphore, #tpu.memory_space<semaphore_mem>>) src(%dma_wait3A_302 : memref<1600xi32, #tpu.memory_space<hbm>>) dst(%arg11 : memref<1600xi32, #tpu.memory_space<vmem>>)
        %parallel_loop3A = arith.constant 0 : i32
        %parallel_loop3A_303 = arith.constant 100 : i32
        %parallel_loop3A_304 = arith.constant 1 : i32
        scf.for %parallel_loop3A_310 = %parallel_loop3A to %parallel_loop3A_303 step %parallel_loop3A_304  : i32 {
          %parallel_loop3A_311 = arith.constant 16 : i32
          %parallel_loop3A_312 = arith.muli %parallel_loop3A_310, %parallel_loop3A_311 : i32
          %parallel_loop3A_313 = arith.index_cast %parallel_loop3A_312 : i32 to index
          %parallel_loop3A_314 = tpu.vector_load %arg7[%parallel_loop3A_313] {strides = array<i32>} : memref<1600xi32, #tpu.memory_space<vmem>>, vector<16xi32>,
          %parallel_loop3A_315 = tpu.vector_load_idx %arg5[%parallel_loop3A_314] : memref<100352xf32, #tpu.memory_space<vmem>>[vector<16xi32>], vector<16xf32>,
          %parallel_loop3A_316 = arith.constant 16 : i32
          %parallel_loop3A_317 = arith.muli %parallel_loop3A_310, %parallel_loop3A_316 : i32
          %parallel_loop3A_318 = arith.index_cast %parallel_loop3A_317 : i32 to index
          %parallel_loop3A_319 = tpu.vector_load %arg16[%parallel_loop3A_318] {strides = array<i32>} : memref<1600xf32, #tpu.memory_space<vmem>>, vector<16xf32>,
          tpu.vector_store %arg16[%parallel_loop3A_318], %parallel_loop3A_315 {strides = array<i32>} : memref<1600xf32, #tpu.memory_space<vmem>>, vector<16xf32>,
        } {sc.loop_unroll_factor = 5 : i64, sc.parallel_access}
        %dma_start3A_305 = arith.constant 3 : i32
        %dma_start3A_306 = arith.constant 0 : i32
        %dma_start3A_307 = tpu.memref_slice %arg18[%dma_start3A_306] : memref<100352xf32, #tpu.memory_space<vmem_shared>> -> memref<100352xf32, #tpu.memory_space<vmem_shared>>
        %dma_start3A_308 = tpu.memref_slice %arg21[%dma_start3A_305] : memref<5x!tpu.dma_semaphore, #tpu.memory_space<semaphore_mem>> -> memref<1x!tpu.dma_semaphore, #tpu.memory_space<semaphore_mem>>
        %dma_start3A_309 = tpu.memref_squeeze %dma_start3A_308 : memref<1x!tpu.dma_semaphore, #tpu.memory_space<semaphore_mem>> -> memref<!tpu.dma_semaphore, #tpu.memory_space<semaphore_mem>>
        tpu.enqueue_indirect_dma source(%arg16 : memref<1600xf32, #tpu.memory_space<vmem>>) target(%dma_start3A_307 : memref<100352xf32, #tpu.memory_space<vmem_shared>>) offsets(%arg11 : memref<1600xi32, #tpu.memory_space<vmem>>) semaphore(%dma_start3A_309 : memref<!tpu.dma_semaphore, #tpu.memory_space<semaphore_mem>>) {add = true}
      } else {
      }
      %mul3A_142 = arith.constant 10 : i32
      %mul3A_143 = arith.muli %scan3A_50, %mul3A_142 : i32
      %add3A_144 = arith.constant 4 : i32
      %add3A_145 = arith.addi %mul3A_143, %add3A_144 : i32
      %ge3A_146 = arith.constant 4 : i32
      %ge3A_147 = arith.cmpi sge, %add3A_145, %ge3A_146 : i32
      %lt3A_148 = arith.constant 129 : i32
      %lt3A_149 = arith.cmpi slt, %add3A_145, %lt3A_148 : i32
      %and3A_150 = arith.andi %ge3A_147, %lt3A_149 : i1
      %convert_element_type3A_151 = arith.extui %and3A_150 : i1 to i32
      %cond3A_152 = arith.constant 0 : i32
      %cond3A_153 = arith.cmpi ne, %convert_element_type3A_151, %cond3A_152 : i32
      scf.if %cond3A_153 {
        %dma_wait3A = arith.constant 0 : i32
        %dma_wait3A_286 = arith.constant 0 : i32
        %dma_wait3A_287 = tpu.memref_slice %arg18[%dma_wait3A_286] : memref<100352xf32, #tpu.memory_space<vmem_shared>> -> memref<100352xf32, #tpu.memory_space<vmem_shared>>
        %dma_wait3A_288 = tpu.memref_slice %arg21[%dma_wait3A] : memref<5x!tpu.dma_semaphore, #tpu.memory_space<semaphore_mem>> -> memref<1x!tpu.dma_semaphore, #tpu.memory_space<semaphore_mem>>
        %dma_wait3A_289 = tpu.memref_squeeze %dma_wait3A_288 : memref<1x!tpu.dma_semaphore, #tpu.memory_space<semaphore_mem>> -> memref<!tpu.dma_semaphore, #tpu.memory_space<semaphore_mem>>
        tpu.wait_indirect_dma semaphore(%dma_wait3A_289 : memref<!tpu.dma_semaphore, #tpu.memory_space<semaphore_mem>>) src(%arg13 : memref<1600xf32, #tpu.memory_space<vmem>>) dst(%dma_wait3A_287 : memref<100352xf32, #tpu.memory_space<vmem_shared>>)
      } else {
      }
      %add3A_154 = arith.constant 1 : i32
      %add3A_155 = arith.addi %add3A_145, %add3A_154 : i32
      %lt3A_156 = arith.constant 125 : i32
      %lt3A_157 = arith.cmpi slt, %add3A_155, %lt3A_156 : i32
      %convert_element_type3A_158 = arith.extui %lt3A_157 : i1 to i32
      %cond3A_159 = arith.constant 0 : i32
      %cond3A_160 = arith.cmpi ne, %convert_element_type3A_158, %cond3A_159 : i32
      scf.if %cond3A_160 {
        %add3A_286 = arith.constant 1 : i32
        %add3A_287 = arith.addi %add3A_145, %add3A_286 : i32
        %mul3A_288 = arith.constant 1600 : i32
        %mul3A_289 = arith.muli %add3A_287, %mul3A_288 : i32
        %add3A_290 = arith.addi %mul3A_2, %mul3A_289 : i32
        %dma_start3A_291 = arith.constant 1 : i32
        %dma_start3A_292 = tpu.memref_slice %arg3[%add3A_290] : memref<12800000xi32, #tpu.memory_space<hbm>> -> memref<1600xi32, #tpu.memory_space<hbm>>
        %dma_start3A_293 = tpu.memref_slice %arg19[%dma_start3A_291] : memref<2x!tpu.dma_semaphore, #tpu.memory_space<semaphore_mem>> -> memref<1x!tpu.dma_semaphore, #tpu.memory_space<semaphore_mem>>
        %dma_start3A_294 = tpu.memref_squeeze %dma_start3A_293 : memref<1x!tpu.dma_semaphore, #tpu.memory_space<semaphore_mem>> -> memref<!tpu.dma_semaphore, #tpu.memory_space<semaphore_mem>>
        %dma_start3A_295 = tpu.memref_slice %arg3[%add3A_290] : memref<12800000xi32, #tpu.memory_space<hbm>> -> memref<1600xi32, #tpu.memory_space<hbm>>
        tpu.enqueue_dma source(%dma_start3A_295 : memref<1600xi32, #tpu.memory_space<hbm>>) target(%arg7 : memref<1600xi32, #tpu.memory_space<vmem>>) target_semaphore(%dma_start3A_294 : memref<!tpu.dma_semaphore, #tpu.memory_space<semaphore_mem>>)
        %add3A_296 = arith.constant 6400000 : i32
        %add3A_297 = arith.addi %add3A_296, %add3A_290 : i32
        %dma_start3A_298 = arith.constant 0 : i32
        %dma_start3A_299 = tpu.memref_slice %arg3[%add3A_297] : memref<12800000xi32, #tpu.memory_space<hbm>> -> memref<1600xi32, #tpu.memory_space<hbm>>
        %dma_start3A_300 = tpu.memref_slice %arg20[%dma_start3A_298] : memref<5x!tpu.dma_semaphore, #tpu.memory_space<semaphore_mem>> -> memref<1x!tpu.dma_semaphore, #tpu.memory_space<semaphore_mem>>
        %dma_start3A_301 = tpu.memref_squeeze %dma_start3A_300 : memref<1x!tpu.dma_semaphore, #tpu.memory_space<semaphore_mem>> -> memref<!tpu.dma_semaphore, #tpu.memory_space<semaphore_mem>>
        %dma_start3A_302 = tpu.memref_slice %arg3[%add3A_297] : memref<12800000xi32, #tpu.memory_space<hbm>> -> memref<1600xi32, #tpu.memory_space<hbm>>
        tpu.enqueue_dma source(%dma_start3A_302 : memref<1600xi32, #tpu.memory_space<hbm>>) target(%arg8 : memref<1600xi32, #tpu.memory_space<vmem>>) target_semaphore(%dma_start3A_301 : memref<!tpu.dma_semaphore, #tpu.memory_space<semaphore_mem>>)
      } else {
      }
      %lt3A_161 = arith.constant 125 : i32
      %lt3A_162 = arith.cmpi slt, %add3A_145, %lt3A_161 : i32
      %convert_element_type3A_163 = arith.extui %lt3A_162 : i1 to i32
      %cond3A_164 = arith.constant 0 : i32
      %cond3A_165 = arith.cmpi ne, %convert_element_type3A_163, %cond3A_164 : i32
      scf.if %cond3A_165 {
        %mul3A_286 = arith.constant 1600 : i32
        %mul3A_287 = arith.muli %add3A_145, %mul3A_286 : i32
        %add3A_288 = arith.addi %mul3A_2, %mul3A_287 : i32
        %dma_wait3A = arith.constant 0 : i32
        %dma_wait3A_289 = tpu.memref_slice %arg3[%add3A_288] : memref<12800000xi32, #tpu.memory_space<hbm>> -> memref<1600xi32, #tpu.memory_space<hbm>>
        %dma_wait3A_290 = tpu.memref_slice %arg19[%dma_wait3A] : memref<2x!tpu.dma_semaphore, #tpu.memory_space<semaphore_mem>> -> memref<1x!tpu.dma_semaphore, #tpu.memory_space<semaphore_mem>>
        %dma_wait3A_291 = tpu.memref_squeeze %dma_wait3A_290 : memref<1x!tpu.dma_semaphore, #tpu.memory_space<semaphore_mem>> -> memref<!tpu.dma_semaphore, #tpu.memory_space<semaphore_mem>>
        %dma_wait3A_292 = tpu.memref_slice %arg3[%add3A_288] : memref<12800000xi32, #tpu.memory_space<hbm>> -> memref<1600xi32, #tpu.memory_space<hbm>>
        tpu.wait_dma2 semaphore(%dma_wait3A_291 : memref<!tpu.dma_semaphore, #tpu.memory_space<semaphore_mem>>) src(%dma_wait3A_292 : memref<1600xi32, #tpu.memory_space<hbm>>) dst(%arg6 : memref<1600xi32, #tpu.memory_space<vmem>>)
        %add3A_293 = arith.constant 6400000 : i32
        %add3A_294 = arith.addi %add3A_293, %mul3A_2 : i32
        %mul3A_295 = arith.constant 1600 : i32
        %mul3A_296 = arith.muli %add3A_145, %mul3A_295 : i32
        %add3A_297 = arith.addi %add3A_294, %mul3A_296 : i32
        %dma_wait3A_298 = arith.constant 4 : i32
        %dma_wait3A_299 = tpu.memref_slice %arg3[%add3A_297] : memref<12800000xi32, #tpu.memory_space<hbm>> -> memref<1600xi32, #tpu.memory_space<hbm>>
        %dma_wait3A_300 = tpu.memref_slice %arg20[%dma_wait3A_298] : memref<5x!tpu.dma_semaphore, #tpu.memory_space<semaphore_mem>> -> memref<1x!tpu.dma_semaphore, #tpu.memory_space<semaphore_mem>>
        %dma_wait3A_301 = tpu.memref_squeeze %dma_wait3A_300 : memref<1x!tpu.dma_semaphore, #tpu.memory_space<semaphore_mem>> -> memref<!tpu.dma_semaphore, #tpu.memory_space<semaphore_mem>>
        %dma_wait3A_302 = tpu.memref_slice %arg3[%add3A_297] : memref<12800000xi32, #tpu.memory_space<hbm>> -> memref<1600xi32, #tpu.memory_space<hbm>>
        tpu.wait_dma2 semaphore(%dma_wait3A_301 : memref<!tpu.dma_semaphore, #tpu.memory_space<semaphore_mem>>) src(%dma_wait3A_302 : memref<1600xi32, #tpu.memory_space<hbm>>) dst(%arg12 : memref<1600xi32, #tpu.memory_space<vmem>>)
        %parallel_loop3A = arith.constant 0 : i32
        %parallel_loop3A_303 = arith.constant 100 : i32
        %parallel_loop3A_304 = arith.constant 1 : i32
        scf.for %parallel_loop3A_310 = %parallel_loop3A to %parallel_loop3A_303 step %parallel_loop3A_304  : i32 {
          %parallel_loop3A_311 = arith.constant 16 : i32
          %parallel_loop3A_312 = arith.muli %parallel_loop3A_310, %parallel_loop3A_311 : i32
          %parallel_loop3A_313 = arith.index_cast %parallel_loop3A_312 : i32 to index
          %parallel_loop3A_314 = tpu.vector_load %arg6[%parallel_loop3A_313] {strides = array<i32>} : memref<1600xi32, #tpu.memory_space<vmem>>, vector<16xi32>,
          %parallel_loop3A_315 = tpu.vector_load_idx %arg5[%parallel_loop3A_314] : memref<100352xf32, #tpu.memory_space<vmem>>[vector<16xi32>], vector<16xf32>,
          %parallel_loop3A_316 = arith.constant 16 : i32
          %parallel_loop3A_317 = arith.muli %parallel_loop3A_310, %parallel_loop3A_316 : i32
          %parallel_loop3A_318 = arith.index_cast %parallel_loop3A_317 : i32 to index
          %parallel_loop3A_319 = tpu.vector_load %arg17[%parallel_loop3A_318] {strides = array<i32>} : memref<1600xf32, #tpu.memory_space<vmem>>, vector<16xf32>,
          tpu.vector_store %arg17[%parallel_loop3A_318], %parallel_loop3A_315 {strides = array<i32>} : memref<1600xf32, #tpu.memory_space<vmem>>, vector<16xf32>,
        } {sc.loop_unroll_factor = 5 : i64, sc.parallel_access}
        %dma_start3A_305 = arith.constant 4 : i32
        %dma_start3A_306 = arith.constant 0 : i32
        %dma_start3A_307 = tpu.memref_slice %arg18[%dma_start3A_306] : memref<100352xf32, #tpu.memory_space<vmem_shared>> -> memref<100352xf32, #tpu.memory_space<vmem_shared>>
        %dma_start3A_308 = tpu.memref_slice %arg21[%dma_start3A_305] : memref<5x!tpu.dma_semaphore, #tpu.memory_space<semaphore_mem>> -> memref<1x!tpu.dma_semaphore, #tpu.memory_space<semaphore_mem>>
        %dma_start3A_309 = tpu.memref_squeeze %dma_start3A_308 : memref<1x!tpu.dma_semaphore, #tpu.memory_space<semaphore_mem>> -> memref<!tpu.dma_semaphore, #tpu.memory_space<semaphore_mem>>
        tpu.enqueue_indirect_dma source(%arg17 : memref<1600xf32, #tpu.memory_space<vmem>>) target(%dma_start3A_307 : memref<100352xf32, #tpu.memory_space<vmem_shared>>) offsets(%arg12 : memref<1600xi32, #tpu.memory_space<vmem>>) semaphore(%dma_start3A_309 : memref<!tpu.dma_semaphore, #tpu.memory_space<semaphore_mem>>) {add = true}
      } else {
      }
      %mul3A_166 = arith.constant 10 : i32
      %mul3A_167 = arith.muli %scan3A_50, %mul3A_166 : i32
      %add3A_168 = arith.constant 5 : i32
      %add3A_169 = arith.addi %mul3A_167, %add3A_168 : i32
      %ge3A_170 = arith.constant 4 : i32
      %ge3A_171 = arith.cmpi sge, %add3A_169, %ge3A_170 : i32
      %lt3A_172 = arith.constant 129 : i32
      %lt3A_173 = arith.cmpi slt, %add3A_169, %lt3A_172 : i32
      %and3A_174 = arith.andi %ge3A_171, %lt3A_173 : i1
      %convert_element_type3A_175 = arith.extui %and3A_174 : i1 to i32
      %cond3A_176 = arith.constant 0 : i32
      %cond3A_177 = arith.cmpi ne, %convert_element_type3A_175, %cond3A_176 : i32
      scf.if %cond3A_177 {
        %dma_wait3A = arith.constant 1 : i32
        %dma_wait3A_286 = arith.constant 0 : i32
        %dma_wait3A_287 = tpu.memref_slice %arg18[%dma_wait3A_286] : memref<100352xf32, #tpu.memory_space<vmem_shared>> -> memref<100352xf32, #tpu.memory_space<vmem_shared>>
        %dma_wait3A_288 = tpu.memref_slice %arg21[%dma_wait3A] : memref<5x!tpu.dma_semaphore, #tpu.memory_space<semaphore_mem>> -> memref<1x!tpu.dma_semaphore, #tpu.memory_space<semaphore_mem>>
        %dma_wait3A_289 = tpu.memref_squeeze %dma_wait3A_288 : memref<1x!tpu.dma_semaphore, #tpu.memory_space<semaphore_mem>> -> memref<!tpu.dma_semaphore, #tpu.memory_space<semaphore_mem>>
        tpu.wait_indirect_dma semaphore(%dma_wait3A_289 : memref<!tpu.dma_semaphore, #tpu.memory_space<semaphore_mem>>) src(%arg14 : memref<1600xf32, #tpu.memory_space<vmem>>) dst(%dma_wait3A_287 : memref<100352xf32, #tpu.memory_space<vmem_shared>>)
      } else {
      }
      %add3A_178 = arith.constant 1 : i32
      %add3A_179 = arith.addi %add3A_169, %add3A_178 : i32
      %lt3A_180 = arith.constant 125 : i32
      %lt3A_181 = arith.cmpi slt, %add3A_179, %lt3A_180 : i32
      %convert_element_type3A_182 = arith.extui %lt3A_181 : i1 to i32
      %cond3A_183 = arith.constant 0 : i32
      %cond3A_184 = arith.cmpi ne, %convert_element_type3A_182, %cond3A_183 : i32
      scf.if %cond3A_184 {
        %add3A_286 = arith.constant 1 : i32
        %add3A_287 = arith.addi %add3A_169, %add3A_286 : i32
        %mul3A_288 = arith.constant 1600 : i32
        %mul3A_289 = arith.muli %add3A_287, %mul3A_288 : i32
        %add3A_290 = arith.addi %mul3A_2, %mul3A_289 : i32
        %dma_start3A_291 = arith.constant 0 : i32
        %dma_start3A_292 = tpu.memref_slice %arg3[%add3A_290] : memref<12800000xi32, #tpu.memory_space<hbm>> -> memref<1600xi32, #tpu.memory_space<hbm>>
        %dma_start3A_293 = tpu.memref_slice %arg19[%dma_start3A_291] : memref<2x!tpu.dma_semaphore, #tpu.memory_space<semaphore_mem>> -> memref<1x!tpu.dma_semaphore, #tpu.memory_space<semaphore_mem>>
        %dma_start3A_294 = tpu.memref_squeeze %dma_start3A_293 : memref<1x!tpu.dma_semaphore, #tpu.memory_space<semaphore_mem>> -> memref<!tpu.dma_semaphore, #tpu.memory_space<semaphore_mem>>
        %dma_start3A_295 = tpu.memref_slice %arg3[%add3A_290] : memref<12800000xi32, #tpu.memory_space<hbm>> -> memref<1600xi32, #tpu.memory_space<hbm>>
        tpu.enqueue_dma source(%dma_start3A_295 : memref<1600xi32, #tpu.memory_space<hbm>>) target(%arg6 : memref<1600xi32, #tpu.memory_space<vmem>>) target_semaphore(%dma_start3A_294 : memref<!tpu.dma_semaphore, #tpu.memory_space<semaphore_mem>>)
        %add3A_296 = arith.constant 6400000 : i32
        %add3A_297 = arith.addi %add3A_296, %add3A_290 : i32
        %dma_start3A_298 = arith.constant 1 : i32
        %dma_start3A_299 = tpu.memref_slice %arg3[%add3A_297] : memref<12800000xi32, #tpu.memory_space<hbm>> -> memref<1600xi32, #tpu.memory_space<hbm>>
        %dma_start3A_300 = tpu.memref_slice %arg20[%dma_start3A_298] : memref<5x!tpu.dma_semaphore, #tpu.memory_space<semaphore_mem>> -> memref<1x!tpu.dma_semaphore, #tpu.memory_space<semaphore_mem>>
        %dma_start3A_301 = tpu.memref_squeeze %dma_start3A_300 : memref<1x!tpu.dma_semaphore, #tpu.memory_space<semaphore_mem>> -> memref<!tpu.dma_semaphore, #tpu.memory_space<semaphore_mem>>
        %dma_start3A_302 = tpu.memref_slice %arg3[%add3A_297] : memref<12800000xi32, #tpu.memory_space<hbm>> -> memref<1600xi32, #tpu.memory_space<hbm>>
        tpu.enqueue_dma source(%dma_start3A_302 : memref<1600xi32, #tpu.memory_space<hbm>>) target(%arg9 : memref<1600xi32, #tpu.memory_space<vmem>>) target_semaphore(%dma_start3A_301 : memref<!tpu.dma_semaphore, #tpu.memory_space<semaphore_mem>>)
      } else {
      }
      %lt3A_185 = arith.constant 125 : i32
      %lt3A_186 = arith.cmpi slt, %add3A_169, %lt3A_185 : i32
      %convert_element_type3A_187 = arith.extui %lt3A_186 : i1 to i32
      %cond3A_188 = arith.constant 0 : i32
      %cond3A_189 = arith.cmpi ne, %convert_element_type3A_187, %cond3A_188 : i32
      scf.if %cond3A_189 {
        %mul3A_286 = arith.constant 1600 : i32
        %mul3A_287 = arith.muli %add3A_169, %mul3A_286 : i32
        %add3A_288 = arith.addi %mul3A_2, %mul3A_287 : i32
        %dma_wait3A = arith.constant 1 : i32
        %dma_wait3A_289 = tpu.memref_slice %arg3[%add3A_288] : memref<12800000xi32, #tpu.memory_space<hbm>> -> memref<1600xi32, #tpu.memory_space<hbm>>
        %dma_wait3A_290 = tpu.memref_slice %arg19[%dma_wait3A] : memref<2x!tpu.dma_semaphore, #tpu.memory_space<semaphore_mem>> -> memref<1x!tpu.dma_semaphore, #tpu.memory_space<semaphore_mem>>
        %dma_wait3A_291 = tpu.memref_squeeze %dma_wait3A_290 : memref<1x!tpu.dma_semaphore, #tpu.memory_space<semaphore_mem>> -> memref<!tpu.dma_semaphore, #tpu.memory_space<semaphore_mem>>
        %dma_wait3A_292 = tpu.memref_slice %arg3[%add3A_288] : memref<12800000xi32, #tpu.memory_space<hbm>> -> memref<1600xi32, #tpu.memory_space<hbm>>
        tpu.wait_dma2 semaphore(%dma_wait3A_291 : memref<!tpu.dma_semaphore, #tpu.memory_space<semaphore_mem>>) src(%dma_wait3A_292 : memref<1600xi32, #tpu.memory_space<hbm>>) dst(%arg7 : memref<1600xi32, #tpu.memory_space<vmem>>)
        %add3A_293 = arith.constant 6400000 : i32
        %add3A_294 = arith.addi %add3A_293, %mul3A_2 : i32
        %mul3A_295 = arith.constant 1600 : i32
        %mul3A_296 = arith.muli %add3A_169, %mul3A_295 : i32
        %add3A_297 = arith.addi %add3A_294, %mul3A_296 : i32
        %dma_wait3A_298 = arith.constant 0 : i32
        %dma_wait3A_299 = tpu.memref_slice %arg3[%add3A_297] : memref<12800000xi32, #tpu.memory_space<hbm>> -> memref<1600xi32, #tpu.memory_space<hbm>>
        %dma_wait3A_300 = tpu.memref_slice %arg20[%dma_wait3A_298] : memref<5x!tpu.dma_semaphore, #tpu.memory_space<semaphore_mem>> -> memref<1x!tpu.dma_semaphore, #tpu.memory_space<semaphore_mem>>
        %dma_wait3A_301 = tpu.memref_squeeze %dma_wait3A_300 : memref<1x!tpu.dma_semaphore, #tpu.memory_space<semaphore_mem>> -> memref<!tpu.dma_semaphore, #tpu.memory_space<semaphore_mem>>
        %dma_wait3A_302 = tpu.memref_slice %arg3[%add3A_297] : memref<12800000xi32, #tpu.memory_space<hbm>> -> memref<1600xi32, #tpu.memory_space<hbm>>
        tpu.wait_dma2 semaphore(%dma_wait3A_301 : memref<!tpu.dma_semaphore, #tpu.memory_space<semaphore_mem>>) src(%dma_wait3A_302 : memref<1600xi32, #tpu.memory_space<hbm>>) dst(%arg8 : memref<1600xi32, #tpu.memory_space<vmem>>)
        %parallel_loop3A = arith.constant 0 : i32
        %parallel_loop3A_303 = arith.constant 100 : i32
        %parallel_loop3A_304 = arith.constant 1 : i32
        scf.for %parallel_loop3A_310 = %parallel_loop3A to %parallel_loop3A_303 step %parallel_loop3A_304  : i32 {
          %parallel_loop3A_311 = arith.constant 16 : i32
          %parallel_loop3A_312 = arith.muli %parallel_loop3A_310, %parallel_loop3A_311 : i32
          %parallel_loop3A_313 = arith.index_cast %parallel_loop3A_312 : i32 to index
          %parallel_loop3A_314 = tpu.vector_load %arg7[%parallel_loop3A_313] {strides = array<i32>} : memref<1600xi32, #tpu.memory_space<vmem>>, vector<16xi32>,
          %parallel_loop3A_315 = tpu.vector_load_idx %arg5[%parallel_loop3A_314] : memref<100352xf32, #tpu.memory_space<vmem>>[vector<16xi32>], vector<16xf32>,
          %parallel_loop3A_316 = arith.constant 16 : i32
          %parallel_loop3A_317 = arith.muli %parallel_loop3A_310, %parallel_loop3A_316 : i32
          %parallel_loop3A_318 = arith.index_cast %parallel_loop3A_317 : i32 to index
          %parallel_loop3A_319 = tpu.vector_load %arg13[%parallel_loop3A_318] {strides = array<i32>} : memref<1600xf32, #tpu.memory_space<vmem>>, vector<16xf32>,
          tpu.vector_store %arg13[%parallel_loop3A_318], %parallel_loop3A_315 {strides = array<i32>} : memref<1600xf32, #tpu.memory_space<vmem>>, vector<16xf32>,
        } {sc.loop_unroll_factor = 5 : i64, sc.parallel_access}
        %dma_start3A_305 = arith.constant 0 : i32
        %dma_start3A_306 = arith.constant 0 : i32
        %dma_start3A_307 = tpu.memref_slice %arg18[%dma_start3A_306] : memref<100352xf32, #tpu.memory_space<vmem_shared>> -> memref<100352xf32, #tpu.memory_space<vmem_shared>>
        %dma_start3A_308 = tpu.memref_slice %arg21[%dma_start3A_305] : memref<5x!tpu.dma_semaphore, #tpu.memory_space<semaphore_mem>> -> memref<1x!tpu.dma_semaphore, #tpu.memory_space<semaphore_mem>>
        %dma_start3A_309 = tpu.memref_squeeze %dma_start3A_308 : memref<1x!tpu.dma_semaphore, #tpu.memory_space<semaphore_mem>> -> memref<!tpu.dma_semaphore, #tpu.memory_space<semaphore_mem>>
        tpu.enqueue_indirect_dma source(%arg13 : memref<1600xf32, #tpu.memory_space<vmem>>) target(%dma_start3A_307 : memref<100352xf32, #tpu.memory_space<vmem_shared>>) offsets(%arg8 : memref<1600xi32, #tpu.memory_space<vmem>>) semaphore(%dma_start3A_309 : memref<!tpu.dma_semaphore, #tpu.memory_space<semaphore_mem>>) {add = true}
      } else {
      }
      %mul3A_190 = arith.constant 10 : i32
      %mul3A_191 = arith.muli %scan3A_50, %mul3A_190 : i32
      %add3A_192 = arith.constant 6 : i32
      %add3A_193 = arith.addi %mul3A_191, %add3A_192 : i32
      %ge3A_194 = arith.constant 4 : i32
      %ge3A_195 = arith.cmpi sge, %add3A_193, %ge3A_194 : i32
      %lt3A_196 = arith.constant 129 : i32
      %lt3A_197 = arith.cmpi slt, %add3A_193, %lt3A_196 : i32
      %and3A_198 = arith.andi %ge3A_195, %lt3A_197 : i1
      %convert_element_type3A_199 = arith.extui %and3A_198 : i1 to i32
      %cond3A_200 = arith.constant 0 : i32
      %cond3A_201 = arith.cmpi ne, %convert_element_type3A_199, %cond3A_200 : i32
      scf.if %cond3A_201 {
        %dma_wait3A = arith.constant 2 : i32
        %dma_wait3A_286 = arith.constant 0 : i32
        %dma_wait3A_287 = tpu.memref_slice %arg18[%dma_wait3A_286] : memref<100352xf32, #tpu.memory_space<vmem_shared>> -> memref<100352xf32, #tpu.memory_space<vmem_shared>>
        %dma_wait3A_288 = tpu.memref_slice %arg21[%dma_wait3A] : memref<5x!tpu.dma_semaphore, #tpu.memory_space<semaphore_mem>> -> memref<1x!tpu.dma_semaphore, #tpu.memory_space<semaphore_mem>>
        %dma_wait3A_289 = tpu.memref_squeeze %dma_wait3A_288 : memref<1x!tpu.dma_semaphore, #tpu.memory_space<semaphore_mem>> -> memref<!tpu.dma_semaphore, #tpu.memory_space<semaphore_mem>>
        tpu.wait_indirect_dma semaphore(%dma_wait3A_289 : memref<!tpu.dma_semaphore, #tpu.memory_space<semaphore_mem>>) src(%arg15 : memref<1600xf32, #tpu.memory_space<vmem>>) dst(%dma_wait3A_287 : memref<100352xf32, #tpu.memory_space<vmem_shared>>)
      } else {
      }
      %add3A_202 = arith.constant 1 : i32
      %add3A_203 = arith.addi %add3A_193, %add3A_202 : i32
      %lt3A_204 = arith.constant 125 : i32
      %lt3A_205 = arith.cmpi slt, %add3A_203, %lt3A_204 : i32
      %convert_element_type3A_206 = arith.extui %lt3A_205 : i1 to i32
      %cond3A_207 = arith.constant 0 : i32
      %cond3A_208 = arith.cmpi ne, %convert_element_type3A_206, %cond3A_207 : i32
      scf.if %cond3A_208 {
        %add3A_286 = arith.constant 1 : i32
        %add3A_287 = arith.addi %add3A_193, %add3A_286 : i32
        %mul3A_288 = arith.constant 1600 : i32
        %mul3A_289 = arith.muli %add3A_287, %mul3A_288 : i32
        %add3A_290 = arith.addi %mul3A_2, %mul3A_289 : i32
        %dma_start3A_291 = arith.constant 1 : i32
        %dma_start3A_292 = tpu.memref_slice %arg3[%add3A_290] : memref<12800000xi32, #tpu.memory_space<hbm>> -> memref<1600xi32, #tpu.memory_space<hbm>>
        %dma_start3A_293 = tpu.memref_slice %arg19[%dma_start3A_291] : memref<2x!tpu.dma_semaphore, #tpu.memory_space<semaphore_mem>> -> memref<1x!tpu.dma_semaphore, #tpu.memory_space<semaphore_mem>>
        %dma_start3A_294 = tpu.memref_squeeze %dma_start3A_293 : memref<1x!tpu.dma_semaphore, #tpu.memory_space<semaphore_mem>> -> memref<!tpu.dma_semaphore, #tpu.memory_space<semaphore_mem>>
        %dma_start3A_295 = tpu.memref_slice %arg3[%add3A_290] : memref<12800000xi32, #tpu.memory_space<hbm>> -> memref<1600xi32, #tpu.memory_space<hbm>>
        tpu.enqueue_dma source(%dma_start3A_295 : memref<1600xi32, #tpu.memory_space<hbm>>) target(%arg7 : memref<1600xi32, #tpu.memory_space<vmem>>) target_semaphore(%dma_start3A_294 : memref<!tpu.dma_semaphore, #tpu.memory_space<semaphore_mem>>)
        %add3A_296 = arith.constant 6400000 : i32
        %add3A_297 = arith.addi %add3A_296, %add3A_290 : i32
        %dma_start3A_298 = arith.constant 2 : i32
        %dma_start3A_299 = tpu.memref_slice %arg3[%add3A_297] : memref<12800000xi32, #tpu.memory_space<hbm>> -> memref<1600xi32, #tpu.memory_space<hbm>>
        %dma_start3A_300 = tpu.memref_slice %arg20[%dma_start3A_298] : memref<5x!tpu.dma_semaphore, #tpu.memory_space<semaphore_mem>> -> memref<1x!tpu.dma_semaphore, #tpu.memory_space<semaphore_mem>>
        %dma_start3A_301 = tpu.memref_squeeze %dma_start3A_300 : memref<1x!tpu.dma_semaphore, #tpu.memory_space<semaphore_mem>> -> memref<!tpu.dma_semaphore, #tpu.memory_space<semaphore_mem>>
        %dma_start3A_302 = tpu.memref_slice %arg3[%add3A_297] : memref<12800000xi32, #tpu.memory_space<hbm>> -> memref<1600xi32, #tpu.memory_space<hbm>>
        tpu.enqueue_dma source(%dma_start3A_302 : memref<1600xi32, #tpu.memory_space<hbm>>) target(%arg10 : memref<1600xi32, #tpu.memory_space<vmem>>) target_semaphore(%dma_start3A_301 : memref<!tpu.dma_semaphore, #tpu.memory_space<semaphore_mem>>)
      } else {
      }
      %lt3A_209 = arith.constant 125 : i32
      %lt3A_210 = arith.cmpi slt, %add3A_193, %lt3A_209 : i32
      %convert_element_type3A_211 = arith.extui %lt3A_210 : i1 to i32
      %cond3A_212 = arith.constant 0 : i32
      %cond3A_213 = arith.cmpi ne, %convert_element_type3A_211, %cond3A_212 : i32
      scf.if %cond3A_213 {
        %mul3A_286 = arith.constant 1600 : i32
        %mul3A_287 = arith.muli %add3A_193, %mul3A_286 : i32
        %add3A_288 = arith.addi %mul3A_2, %mul3A_287 : i32
        %dma_wait3A = arith.constant 0 : i32
        %dma_wait3A_289 = tpu.memref_slice %arg3[%add3A_288] : memref<12800000xi32, #tpu.memory_space<hbm>> -> memref<1600xi32, #tpu.memory_space<hbm>>
        %dma_wait3A_290 = tpu.memref_slice %arg19[%dma_wait3A] : memref<2x!tpu.dma_semaphore, #tpu.memory_space<semaphore_mem>> -> memref<1x!tpu.dma_semaphore, #tpu.memory_space<semaphore_mem>>
        %dma_wait3A_291 = tpu.memref_squeeze %dma_wait3A_290 : memref<1x!tpu.dma_semaphore, #tpu.memory_space<semaphore_mem>> -> memref<!tpu.dma_semaphore, #tpu.memory_space<semaphore_mem>>
        %dma_wait3A_292 = tpu.memref_slice %arg3[%add3A_288] : memref<12800000xi32, #tpu.memory_space<hbm>> -> memref<1600xi32, #tpu.memory_space<hbm>>
        tpu.wait_dma2 semaphore(%dma_wait3A_291 : memref<!tpu.dma_semaphore, #tpu.memory_space<semaphore_mem>>) src(%dma_wait3A_292 : memref<1600xi32, #tpu.memory_space<hbm>>) dst(%arg6 : memref<1600xi32, #tpu.memory_space<vmem>>)
        %add3A_293 = arith.constant 6400000 : i32
        %add3A_294 = arith.addi %add3A_293, %mul3A_2 : i32
        %mul3A_295 = arith.constant 1600 : i32
        %mul3A_296 = arith.muli %add3A_193, %mul3A_295 : i32
        %add3A_297 = arith.addi %add3A_294, %mul3A_296 : i32
        %dma_wait3A_298 = arith.constant 1 : i32
        %dma_wait3A_299 = tpu.memref_slice %arg3[%add3A_297] : memref<12800000xi32, #tpu.memory_space<hbm>> -> memref<1600xi32, #tpu.memory_space<hbm>>
        %dma_wait3A_300 = tpu.memref_slice %arg20[%dma_wait3A_298] : memref<5x!tpu.dma_semaphore, #tpu.memory_space<semaphore_mem>> -> memref<1x!tpu.dma_semaphore, #tpu.memory_space<semaphore_mem>>
        %dma_wait3A_301 = tpu.memref_squeeze %dma_wait3A_300 : memref<1x!tpu.dma_semaphore, #tpu.memory_space<semaphore_mem>> -> memref<!tpu.dma_semaphore, #tpu.memory_space<semaphore_mem>>
        %dma_wait3A_302 = tpu.memref_slice %arg3[%add3A_297] : memref<12800000xi32, #tpu.memory_space<hbm>> -> memref<1600xi32, #tpu.memory_space<hbm>>
        tpu.wait_dma2 semaphore(%dma_wait3A_301 : memref<!tpu.dma_semaphore, #tpu.memory_space<semaphore_mem>>) src(%dma_wait3A_302 : memref<1600xi32, #tpu.memory_space<hbm>>) dst(%arg9 : memref<1600xi32, #tpu.memory_space<vmem>>)
        %parallel_loop3A = arith.constant 0 : i32
        %parallel_loop3A_303 = arith.constant 100 : i32
        %parallel_loop3A_304 = arith.constant 1 : i32
        scf.for %parallel_loop3A_310 = %parallel_loop3A to %parallel_loop3A_303 step %parallel_loop3A_304  : i32 {
          %parallel_loop3A_311 = arith.constant 16 : i32
          %parallel_loop3A_312 = arith.muli %parallel_loop3A_310, %parallel_loop3A_311 : i32
          %parallel_loop3A_313 = arith.index_cast %parallel_loop3A_312 : i32 to index
          %parallel_loop3A_314 = tpu.vector_load %arg6[%parallel_loop3A_313] {strides = array<i32>} : memref<1600xi32, #tpu.memory_space<vmem>>, vector<16xi32>,
          %parallel_loop3A_315 = tpu.vector_load_idx %arg5[%parallel_loop3A_314] : memref<100352xf32, #tpu.memory_space<vmem>>[vector<16xi32>], vector<16xf32>,
          %parallel_loop3A_316 = arith.constant 16 : i32
          %parallel_loop3A_317 = arith.muli %parallel_loop3A_310, %parallel_loop3A_316 : i32
          %parallel_loop3A_318 = arith.index_cast %parallel_loop3A_317 : i32 to index
          %parallel_loop3A_319 = tpu.vector_load %arg14[%parallel_loop3A_318] {strides = array<i32>} : memref<1600xf32, #tpu.memory_space<vmem>>, vector<16xf32>,
          tpu.vector_store %arg14[%parallel_loop3A_318], %parallel_loop3A_315 {strides = array<i32>} : memref<1600xf32, #tpu.memory_space<vmem>>, vector<16xf32>,
        } {sc.loop_unroll_factor = 5 : i64, sc.parallel_access}
        %dma_start3A_305 = arith.constant 1 : i32
        %dma_start3A_306 = arith.constant 0 : i32
        %dma_start3A_307 = tpu.memref_slice %arg18[%dma_start3A_306] : memref<100352xf32, #tpu.memory_space<vmem_shared>> -> memref<100352xf32, #tpu.memory_space<vmem_shared>>
        %dma_start3A_308 = tpu.memref_slice %arg21[%dma_start3A_305] : memref<5x!tpu.dma_semaphore, #tpu.memory_space<semaphore_mem>> -> memref<1x!tpu.dma_semaphore, #tpu.memory_space<semaphore_mem>>
        %dma_start3A_309 = tpu.memref_squeeze %dma_start3A_308 : memref<1x!tpu.dma_semaphore, #tpu.memory_space<semaphore_mem>> -> memref<!tpu.dma_semaphore, #tpu.memory_space<semaphore_mem>>
        tpu.enqueue_indirect_dma source(%arg14 : memref<1600xf32, #tpu.memory_space<vmem>>) target(%dma_start3A_307 : memref<100352xf32, #tpu.memory_space<vmem_shared>>) offsets(%arg9 : memref<1600xi32, #tpu.memory_space<vmem>>) semaphore(%dma_start3A_309 : memref<!tpu.dma_semaphore, #tpu.memory_space<semaphore_mem>>) {add = true}
      } else {
      }
      %mul3A_214 = arith.constant 10 : i32
      %mul3A_215 = arith.muli %scan3A_50, %mul3A_214 : i32
      %add3A_216 = arith.constant 7 : i32
      %add3A_217 = arith.addi %mul3A_215, %add3A_216 : i32
      %ge3A_218 = arith.constant 4 : i32
      %ge3A_219 = arith.cmpi sge, %add3A_217, %ge3A_218 : i32
      %lt3A_220 = arith.constant 129 : i32
      %lt3A_221 = arith.cmpi slt, %add3A_217, %lt3A_220 : i32
      %and3A_222 = arith.andi %ge3A_219, %lt3A_221 : i1
      %convert_element_type3A_223 = arith.extui %and3A_222 : i1 to i32
      %cond3A_224 = arith.constant 0 : i32
      %cond3A_225 = arith.cmpi ne, %convert_element_type3A_223, %cond3A_224 : i32
      scf.if %cond3A_225 {
        %dma_wait3A = arith.constant 3 : i32
        %dma_wait3A_286 = arith.constant 0 : i32
        %dma_wait3A_287 = tpu.memref_slice %arg18[%dma_wait3A_286] : memref<100352xf32, #tpu.memory_space<vmem_shared>> -> memref<100352xf32, #tpu.memory_space<vmem_shared>>
        %dma_wait3A_288 = tpu.memref_slice %arg21[%dma_wait3A] : memref<5x!tpu.dma_semaphore, #tpu.memory_space<semaphore_mem>> -> memref<1x!tpu.dma_semaphore, #tpu.memory_space<semaphore_mem>>
        %dma_wait3A_289 = tpu.memref_squeeze %dma_wait3A_288 : memref<1x!tpu.dma_semaphore, #tpu.memory_space<semaphore_mem>> -> memref<!tpu.dma_semaphore, #tpu.memory_space<semaphore_mem>>
        tpu.wait_indirect_dma semaphore(%dma_wait3A_289 : memref<!tpu.dma_semaphore, #tpu.memory_space<semaphore_mem>>) src(%arg16 : memref<1600xf32, #tpu.memory_space<vmem>>) dst(%dma_wait3A_287 : memref<100352xf32, #tpu.memory_space<vmem_shared>>)
      } else {
      }
      %add3A_226 = arith.constant 1 : i32
      %add3A_227 = arith.addi %add3A_217, %add3A_226 : i32
      %lt3A_228 = arith.constant 125 : i32
      %lt3A_229 = arith.cmpi slt, %add3A_227, %lt3A_228 : i32
      %convert_element_type3A_230 = arith.extui %lt3A_229 : i1 to i32
      %cond3A_231 = arith.constant 0 : i32
      %cond3A_232 = arith.cmpi ne, %convert_element_type3A_230, %cond3A_231 : i32
      scf.if %cond3A_232 {
        %add3A_286 = arith.constant 1 : i32
        %add3A_287 = arith.addi %add3A_217, %add3A_286 : i32
        %mul3A_288 = arith.constant 1600 : i32
        %mul3A_289 = arith.muli %add3A_287, %mul3A_288 : i32
        %add3A_290 = arith.addi %mul3A_2, %mul3A_289 : i32
        %dma_start3A_291 = arith.constant 0 : i32
        %dma_start3A_292 = tpu.memref_slice %arg3[%add3A_290] : memref<12800000xi32, #tpu.memory_space<hbm>> -> memref<1600xi32, #tpu.memory_space<hbm>>
        %dma_start3A_293 = tpu.memref_slice %arg19[%dma_start3A_291] : memref<2x!tpu.dma_semaphore, #tpu.memory_space<semaphore_mem>> -> memref<1x!tpu.dma_semaphore, #tpu.memory_space<semaphore_mem>>
        %dma_start3A_294 = tpu.memref_squeeze %dma_start3A_293 : memref<1x!tpu.dma_semaphore, #tpu.memory_space<semaphore_mem>> -> memref<!tpu.dma_semaphore, #tpu.memory_space<semaphore_mem>>
        %dma_start3A_295 = tpu.memref_slice %arg3[%add3A_290] : memref<12800000xi32, #tpu.memory_space<hbm>> -> memref<1600xi32, #tpu.memory_space<hbm>>
        tpu.enqueue_dma source(%dma_start3A_295 : memref<1600xi32, #tpu.memory_space<hbm>>) target(%arg6 : memref<1600xi32, #tpu.memory_space<vmem>>) target_semaphore(%dma_start3A_294 : memref<!tpu.dma_semaphore, #tpu.memory_space<semaphore_mem>>)
        %add3A_296 = arith.constant 6400000 : i32
        %add3A_297 = arith.addi %add3A_296, %add3A_290 : i32
        %dma_start3A_298 = arith.constant 3 : i32
        %dma_start3A_299 = tpu.memref_slice %arg3[%add3A_297] : memref<12800000xi32, #tpu.memory_space<hbm>> -> memref<1600xi32, #tpu.memory_space<hbm>>
        %dma_start3A_300 = tpu.memref_slice %arg20[%dma_start3A_298] : memref<5x!tpu.dma_semaphore, #tpu.memory_space<semaphore_mem>> -> memref<1x!tpu.dma_semaphore, #tpu.memory_space<semaphore_mem>>
        %dma_start3A_301 = tpu.memref_squeeze %dma_start3A_300 : memref<1x!tpu.dma_semaphore, #tpu.memory_space<semaphore_mem>> -> memref<!tpu.dma_semaphore, #tpu.memory_space<semaphore_mem>>
        %dma_start3A_302 = tpu.memref_slice %arg3[%add3A_297] : memref<12800000xi32, #tpu.memory_space<hbm>> -> memref<1600xi32, #tpu.memory_space<hbm>>
        tpu.enqueue_dma source(%dma_start3A_302 : memref<1600xi32, #tpu.memory_space<hbm>>) target(%arg11 : memref<1600xi32, #tpu.memory_space<vmem>>) target_semaphore(%dma_start3A_301 : memref<!tpu.dma_semaphore, #tpu.memory_space<semaphore_mem>>)
      } else {
      }
      %lt3A_233 = arith.constant 125 : i32
      %lt3A_234 = arith.cmpi slt, %add3A_217, %lt3A_233 : i32
      %convert_element_type3A_235 = arith.extui %lt3A_234 : i1 to i32
      %cond3A_236 = arith.constant 0 : i32
      %cond3A_237 = arith.cmpi ne, %convert_element_type3A_235, %cond3A_236 : i32
      scf.if %cond3A_237 {
        %mul3A_286 = arith.constant 1600 : i32
        %mul3A_287 = arith.muli %add3A_217, %mul3A_286 : i32
        %add3A_288 = arith.addi %mul3A_2, %mul3A_287 : i32
        %dma_wait3A = arith.constant 1 : i32
        %dma_wait3A_289 = tpu.memref_slice %arg3[%add3A_288] : memref<12800000xi32, #tpu.memory_space<hbm>> -> memref<1600xi32, #tpu.memory_space<hbm>>
        %dma_wait3A_290 = tpu.memref_slice %arg19[%dma_wait3A] : memref<2x!tpu.dma_semaphore, #tpu.memory_space<semaphore_mem>> -> memref<1x!tpu.dma_semaphore, #tpu.memory_space<semaphore_mem>>
        %dma_wait3A_291 = tpu.memref_squeeze %dma_wait3A_290 : memref<1x!tpu.dma_semaphore, #tpu.memory_space<semaphore_mem>> -> memref<!tpu.dma_semaphore, #tpu.memory_space<semaphore_mem>>
        %dma_wait3A_292 = tpu.memref_slice %arg3[%add3A_288] : memref<12800000xi32, #tpu.memory_space<hbm>> -> memref<1600xi32, #tpu.memory_space<hbm>>
        tpu.wait_dma2 semaphore(%dma_wait3A_291 : memref<!tpu.dma_semaphore, #tpu.memory_space<semaphore_mem>>) src(%dma_wait3A_292 : memref<1600xi32, #tpu.memory_space<hbm>>) dst(%arg7 : memref<1600xi32, #tpu.memory_space<vmem>>)
        %add3A_293 = arith.constant 6400000 : i32
        %add3A_294 = arith.addi %add3A_293, %mul3A_2 : i32
        %mul3A_295 = arith.constant 1600 : i32
        %mul3A_296 = arith.muli %add3A_217, %mul3A_295 : i32
        %add3A_297 = arith.addi %add3A_294, %mul3A_296 : i32
        %dma_wait3A_298 = arith.constant 2 : i32
        %dma_wait3A_299 = tpu.memref_slice %arg3[%add3A_297] : memref<12800000xi32, #tpu.memory_space<hbm>> -> memref<1600xi32, #tpu.memory_space<hbm>>
        %dma_wait3A_300 = tpu.memref_slice %arg20[%dma_wait3A_298] : memref<5x!tpu.dma_semaphore, #tpu.memory_space<semaphore_mem>> -> memref<1x!tpu.dma_semaphore, #tpu.memory_space<semaphore_mem>>
        %dma_wait3A_301 = tpu.memref_squeeze %dma_wait3A_300 : memref<1x!tpu.dma_semaphore, #tpu.memory_space<semaphore_mem>> -> memref<!tpu.dma_semaphore, #tpu.memory_space<semaphore_mem>>
        %dma_wait3A_302 = tpu.memref_slice %arg3[%add3A_297] : memref<12800000xi32, #tpu.memory_space<hbm>> -> memref<1600xi32, #tpu.memory_space<hbm>>
        tpu.wait_dma2 semaphore(%dma_wait3A_301 : memref<!tpu.dma_semaphore, #tpu.memory_space<semaphore_mem>>) src(%dma_wait3A_302 : memref<1600xi32, #tpu.memory_space<hbm>>) dst(%arg10 : memref<1600xi32, #tpu.memory_space<vmem>>)
        %parallel_loop3A = arith.constant 0 : i32
        %parallel_loop3A_303 = arith.constant 100 : i32
        %parallel_loop3A_304 = arith.constant 1 : i32
        scf.for %parallel_loop3A_310 = %parallel_loop3A to %parallel_loop3A_303 step %parallel_loop3A_304  : i32 {
          %parallel_loop3A_311 = arith.constant 16 : i32
          %parallel_loop3A_312 = arith.muli %parallel_loop3A_310, %parallel_loop3A_311 : i32
          %parallel_loop3A_313 = arith.index_cast %parallel_loop3A_312 : i32 to index
          %parallel_loop3A_314 = tpu.vector_load %arg7[%parallel_loop3A_313] {strides = array<i32>} : memref<1600xi32, #tpu.memory_space<vmem>>, vector<16xi32>,
          %parallel_loop3A_315 = tpu.vector_load_idx %arg5[%parallel_loop3A_314] : memref<100352xf32, #tpu.memory_space<vmem>>[vector<16xi32>], vector<16xf32>,
          %parallel_loop3A_316 = arith.constant 16 : i32
          %parallel_loop3A_317 = arith.muli %parallel_loop3A_310, %parallel_loop3A_316 : i32
          %parallel_loop3A_318 = arith.index_cast %parallel_loop3A_317 : i32 to index
          %parallel_loop3A_319 = tpu.vector_load %arg15[%parallel_loop3A_318] {strides = array<i32>} : memref<1600xf32, #tpu.memory_space<vmem>>, vector<16xf32>,
          tpu.vector_store %arg15[%parallel_loop3A_318], %parallel_loop3A_315 {strides = array<i32>} : memref<1600xf32, #tpu.memory_space<vmem>>, vector<16xf32>,
        } {sc.loop_unroll_factor = 5 : i64, sc.parallel_access}
        %dma_start3A_305 = arith.constant 2 : i32
        %dma_start3A_306 = arith.constant 0 : i32
        %dma_start3A_307 = tpu.memref_slice %arg18[%dma_start3A_306] : memref<100352xf32, #tpu.memory_space<vmem_shared>> -> memref<100352xf32, #tpu.memory_space<vmem_shared>>
        %dma_start3A_308 = tpu.memref_slice %arg21[%dma_start3A_305] : memref<5x!tpu.dma_semaphore, #tpu.memory_space<semaphore_mem>> -> memref<1x!tpu.dma_semaphore, #tpu.memory_space<semaphore_mem>>
        %dma_start3A_309 = tpu.memref_squeeze %dma_start3A_308 : memref<1x!tpu.dma_semaphore, #tpu.memory_space<semaphore_mem>> -> memref<!tpu.dma_semaphore, #tpu.memory_space<semaphore_mem>>
        tpu.enqueue_indirect_dma source(%arg15 : memref<1600xf32, #tpu.memory_space<vmem>>) target(%dma_start3A_307 : memref<100352xf32, #tpu.memory_space<vmem_shared>>) offsets(%arg10 : memref<1600xi32, #tpu.memory_space<vmem>>) semaphore(%dma_start3A_309 : memref<!tpu.dma_semaphore, #tpu.memory_space<semaphore_mem>>) {add = true}
      } else {
      }
      %mul3A_238 = arith.constant 10 : i32
      %mul3A_239 = arith.muli %scan3A_50, %mul3A_238 : i32
      %add3A_240 = arith.constant 8 : i32
      %add3A_241 = arith.addi %mul3A_239, %add3A_240 : i32
      %ge3A_242 = arith.constant 4 : i32
      %ge3A_243 = arith.cmpi sge, %add3A_241, %ge3A_242 : i32
      %lt3A_244 = arith.constant 129 : i32
      %lt3A_245 = arith.cmpi slt, %add3A_241, %lt3A_244 : i32
      %and3A_246 = arith.andi %ge3A_243, %lt3A_245 : i1
      %convert_element_type3A_247 = arith.extui %and3A_246 : i1 to i32
      %cond3A_248 = arith.constant 0 : i32
      %cond3A_249 = arith.cmpi ne, %convert_element_type3A_247, %cond3A_248 : i32
      scf.if %cond3A_249 {
        %dma_wait3A = arith.constant 4 : i32
        %dma_wait3A_286 = arith.constant 0 : i32
        %dma_wait3A_287 = tpu.memref_slice %arg18[%dma_wait3A_286] : memref<100352xf32, #tpu.memory_space<vmem_shared>> -> memref<100352xf32, #tpu.memory_space<vmem_shared>>
        %dma_wait3A_288 = tpu.memref_slice %arg21[%dma_wait3A] : memref<5x!tpu.dma_semaphore, #tpu.memory_space<semaphore_mem>> -> memref<1x!tpu.dma_semaphore, #tpu.memory_space<semaphore_mem>>
        %dma_wait3A_289 = tpu.memref_squeeze %dma_wait3A_288 : memref<1x!tpu.dma_semaphore, #tpu.memory_space<semaphore_mem>> -> memref<!tpu.dma_semaphore, #tpu.memory_space<semaphore_mem>>
        tpu.wait_indirect_dma semaphore(%dma_wait3A_289 : memref<!tpu.dma_semaphore, #tpu.memory_space<semaphore_mem>>) src(%arg17 : memref<1600xf32, #tpu.memory_space<vmem>>) dst(%dma_wait3A_287 : memref<100352xf32, #tpu.memory_space<vmem_shared>>)
      } else {
      }
      %add3A_250 = arith.constant 1 : i32
      %add3A_251 = arith.addi %add3A_241, %add3A_250 : i32
      %lt3A_252 = arith.constant 125 : i32
      %lt3A_253 = arith.cmpi slt, %add3A_251, %lt3A_252 : i32
      %convert_element_type3A_254 = arith.extui %lt3A_253 : i1 to i32
      %cond3A_255 = arith.constant 0 : i32
      %cond3A_256 = arith.cmpi ne, %convert_element_type3A_254, %cond3A_255 : i32
      scf.if %cond3A_256 {
        %add3A_286 = arith.constant 1 : i32
        %add3A_287 = arith.addi %add3A_241, %add3A_286 : i32
        %mul3A_288 = arith.constant 1600 : i32
        %mul3A_289 = arith.muli %add3A_287, %mul3A_288 : i32
        %add3A_290 = arith.addi %mul3A_2, %mul3A_289 : i32
        %dma_start3A_291 = arith.constant 1 : i32
        %dma_start3A_292 = tpu.memref_slice %arg3[%add3A_290] : memref<12800000xi32, #tpu.memory_space<hbm>> -> memref<1600xi32, #tpu.memory_space<hbm>>
        %dma_start3A_293 = tpu.memref_slice %arg19[%dma_start3A_291] : memref<2x!tpu.dma_semaphore, #tpu.memory_space<semaphore_mem>> -> memref<1x!tpu.dma_semaphore, #tpu.memory_space<semaphore_mem>>
        %dma_start3A_294 = tpu.memref_squeeze %dma_start3A_293 : memref<1x!tpu.dma_semaphore, #tpu.memory_space<semaphore_mem>> -> memref<!tpu.dma_semaphore, #tpu.memory_space<semaphore_mem>>
        %dma_start3A_295 = tpu.memref_slice %arg3[%add3A_290] : memref<12800000xi32, #tpu.memory_space<hbm>> -> memref<1600xi32, #tpu.memory_space<hbm>>
        tpu.enqueue_dma source(%dma_start3A_295 : memref<1600xi32, #tpu.memory_space<hbm>>) target(%arg7 : memref<1600xi32, #tpu.memory_space<vmem>>) target_semaphore(%dma_start3A_294 : memref<!tpu.dma_semaphore, #tpu.memory_space<semaphore_mem>>)
        %add3A_296 = arith.constant 6400000 : i32
        %add3A_297 = arith.addi %add3A_296, %add3A_290 : i32
        %dma_start3A_298 = arith.constant 4 : i32
        %dma_start3A_299 = tpu.memref_slice %arg3[%add3A_297] : memref<12800000xi32, #tpu.memory_space<hbm>> -> memref<1600xi32, #tpu.memory_space<hbm>>
        %dma_start3A_300 = tpu.memref_slice %arg20[%dma_start3A_298] : memref<5x!tpu.dma_semaphore, #tpu.memory_space<semaphore_mem>> -> memref<1x!tpu.dma_semaphore, #tpu.memory_space<semaphore_mem>>
        %dma_start3A_301 = tpu.memref_squeeze %dma_start3A_300 : memref<1x!tpu.dma_semaphore, #tpu.memory_space<semaphore_mem>> -> memref<!tpu.dma_semaphore, #tpu.memory_space<semaphore_mem>>
        %dma_start3A_302 = tpu.memref_slice %arg3[%add3A_297] : memref<12800000xi32, #tpu.memory_space<hbm>> -> memref<1600xi32, #tpu.memory_space<hbm>>
        tpu.enqueue_dma source(%dma_start3A_302 : memref<1600xi32, #tpu.memory_space<hbm>>) target(%arg12 : memref<1600xi32, #tpu.memory_space<vmem>>) target_semaphore(%dma_start3A_301 : memref<!tpu.dma_semaphore, #tpu.memory_space<semaphore_mem>>)
      } else {
      }
      %lt3A_257 = arith.constant 125 : i32
      %lt3A_258 = arith.cmpi slt, %add3A_241, %lt3A_257 : i32
      %convert_element_type3A_259 = arith.extui %lt3A_258 : i1 to i32
      %cond3A_260 = arith.constant 0 : i32
      %cond3A_261 = arith.cmpi ne, %convert_element_type3A_259, %cond3A_260 : i32
      scf.if %cond3A_261 {
        %mul3A_286 = arith.constant 1600 : i32
        %mul3A_287 = arith.muli %add3A_241, %mul3A_286 : i32
        %add3A_288 = arith.addi %mul3A_2, %mul3A_287 : i32
        %dma_wait3A = arith.constant 0 : i32
        %dma_wait3A_289 = tpu.memref_slice %arg3[%add3A_288] : memref<12800000xi32, #tpu.memory_space<hbm>> -> memref<1600xi32, #tpu.memory_space<hbm>>
        %dma_wait3A_290 = tpu.memref_slice %arg19[%dma_wait3A] : memref<2x!tpu.dma_semaphore, #tpu.memory_space<semaphore_mem>> -> memref<1x!tpu.dma_semaphore, #tpu.memory_space<semaphore_mem>>
        %dma_wait3A_291 = tpu.memref_squeeze %dma_wait3A_290 : memref<1x!tpu.dma_semaphore, #tpu.memory_space<semaphore_mem>> -> memref<!tpu.dma_semaphore, #tpu.memory_space<semaphore_mem>>
        %dma_wait3A_292 = tpu.memref_slice %arg3[%add3A_288] : memref<12800000xi32, #tpu.memory_space<hbm>> -> memref<1600xi32, #tpu.memory_space<hbm>>
        tpu.wait_dma2 semaphore(%dma_wait3A_291 : memref<!tpu.dma_semaphore, #tpu.memory_space<semaphore_mem>>) src(%dma_wait3A_292 : memref<1600xi32, #tpu.memory_space<hbm>>) dst(%arg6 : memref<1600xi32, #tpu.memory_space<vmem>>)
        %add3A_293 = arith.constant 6400000 : i32
        %add3A_294 = arith.addi %add3A_293, %mul3A_2 : i32
        %mul3A_295 = arith.constant 1600 : i32
        %mul3A_296 = arith.muli %add3A_241, %mul3A_295 : i32
        %add3A_297 = arith.addi %add3A_294, %mul3A_296 : i32
        %dma_wait3A_298 = arith.constant 3 : i32
        %dma_wait3A_299 = tpu.memref_slice %arg3[%add3A_297] : memref<12800000xi32, #tpu.memory_space<hbm>> -> memref<1600xi32, #tpu.memory_space<hbm>>
        %dma_wait3A_300 = tpu.memref_slice %arg20[%dma_wait3A_298] : memref<5x!tpu.dma_semaphore, #tpu.memory_space<semaphore_mem>> -> memref<1x!tpu.dma_semaphore, #tpu.memory_space<semaphore_mem>>
        %dma_wait3A_301 = tpu.memref_squeeze %dma_wait3A_300 : memref<1x!tpu.dma_semaphore, #tpu.memory_space<semaphore_mem>> -> memref<!tpu.dma_semaphore, #tpu.memory_space<semaphore_mem>>
        %dma_wait3A_302 = tpu.memref_slice %arg3[%add3A_297] : memref<12800000xi32, #tpu.memory_space<hbm>> -> memref<1600xi32, #tpu.memory_space<hbm>>
        tpu.wait_dma2 semaphore(%dma_wait3A_301 : memref<!tpu.dma_semaphore, #tpu.memory_space<semaphore_mem>>) src(%dma_wait3A_302 : memref<1600xi32, #tpu.memory_space<hbm>>) dst(%arg11 : memref<1600xi32, #tpu.memory_space<vmem>>)
        %parallel_loop3A = arith.constant 0 : i32
        %parallel_loop3A_303 = arith.constant 100 : i32
        %parallel_loop3A_304 = arith.constant 1 : i32
        scf.for %parallel_loop3A_310 = %parallel_loop3A to %parallel_loop3A_303 step %parallel_loop3A_304  : i32 {
          %parallel_loop3A_311 = arith.constant 16 : i32
          %parallel_loop3A_312 = arith.muli %parallel_loop3A_310, %parallel_loop3A_311 : i32
          %parallel_loop3A_313 = arith.index_cast %parallel_loop3A_312 : i32 to index
          %parallel_loop3A_314 = tpu.vector_load %arg6[%parallel_loop3A_313] {strides = array<i32>} : memref<1600xi32, #tpu.memory_space<vmem>>, vector<16xi32>,
          %parallel_loop3A_315 = tpu.vector_load_idx %arg5[%parallel_loop3A_314] : memref<100352xf32, #tpu.memory_space<vmem>>[vector<16xi32>], vector<16xf32>,
          %parallel_loop3A_316 = arith.constant 16 : i32
          %parallel_loop3A_317 = arith.muli %parallel_loop3A_310, %parallel_loop3A_316 : i32
          %parallel_loop3A_318 = arith.index_cast %parallel_loop3A_317 : i32 to index
          %parallel_loop3A_319 = tpu.vector_load %arg16[%parallel_loop3A_318] {strides = array<i32>} : memref<1600xf32, #tpu.memory_space<vmem>>, vector<16xf32>,
          tpu.vector_store %arg16[%parallel_loop3A_318], %parallel_loop3A_315 {strides = array<i32>} : memref<1600xf32, #tpu.memory_space<vmem>>, vector<16xf32>,
        } {sc.loop_unroll_factor = 5 : i64, sc.parallel_access}
        %dma_start3A_305 = arith.constant 3 : i32
        %dma_start3A_306 = arith.constant 0 : i32
        %dma_start3A_307 = tpu.memref_slice %arg18[%dma_start3A_306] : memref<100352xf32, #tpu.memory_space<vmem_shared>> -> memref<100352xf32, #tpu.memory_space<vmem_shared>>
        %dma_start3A_308 = tpu.memref_slice %arg21[%dma_start3A_305] : memref<5x!tpu.dma_semaphore, #tpu.memory_space<semaphore_mem>> -> memref<1x!tpu.dma_semaphore, #tpu.memory_space<semaphore_mem>>
        %dma_start3A_309 = tpu.memref_squeeze %dma_start3A_308 : memref<1x!tpu.dma_semaphore, #tpu.memory_space<semaphore_mem>> -> memref<!tpu.dma_semaphore, #tpu.memory_space<semaphore_mem>>
        tpu.enqueue_indirect_dma source(%arg16 : memref<1600xf32, #tpu.memory_space<vmem>>) target(%dma_start3A_307 : memref<100352xf32, #tpu.memory_space<vmem_shared>>) offsets(%arg11 : memref<1600xi32, #tpu.memory_space<vmem>>) semaphore(%dma_start3A_309 : memref<!tpu.dma_semaphore, #tpu.memory_space<semaphore_mem>>) {add = true}
      } else {
      }
      %mul3A_262 = arith.constant 10 : i32
      %mul3A_263 = arith.muli %scan3A_50, %mul3A_262 : i32
      %add3A_264 = arith.constant 9 : i32
      %add3A_265 = arith.addi %mul3A_263, %add3A_264 : i32
      %ge3A_266 = arith.constant 4 : i32
      %ge3A_267 = arith.cmpi sge, %add3A_265, %ge3A_266 : i32
      %lt3A_268 = arith.constant 129 : i32
      %lt3A_269 = arith.cmpi slt, %add3A_265, %lt3A_268 : i32
      %and3A_270 = arith.andi %ge3A_267, %lt3A_269 : i1
      %convert_element_type3A_271 = arith.extui %and3A_270 : i1 to i32
      %cond3A_272 = arith.constant 0 : i32
      %cond3A_273 = arith.cmpi ne, %convert_element_type3A_271, %cond3A_272 : i32
      scf.if %cond3A_273 {
        %dma_wait3A = arith.constant 0 : i32
        %dma_wait3A_286 = arith.constant 0 : i32
        %dma_wait3A_287 = tpu.memref_slice %arg18[%dma_wait3A_286] : memref<100352xf32, #tpu.memory_space<vmem_shared>> -> memref<100352xf32, #tpu.memory_space<vmem_shared>>
        %dma_wait3A_288 = tpu.memref_slice %arg21[%dma_wait3A] : memref<5x!tpu.dma_semaphore, #tpu.memory_space<semaphore_mem>> -> memref<1x!tpu.dma_semaphore, #tpu.memory_space<semaphore_mem>>
        %dma_wait3A_289 = tpu.memref_squeeze %dma_wait3A_288 : memref<1x!tpu.dma_semaphore, #tpu.memory_space<semaphore_mem>> -> memref<!tpu.dma_semaphore, #tpu.memory_space<semaphore_mem>>
        tpu.wait_indirect_dma semaphore(%dma_wait3A_289 : memref<!tpu.dma_semaphore, #tpu.memory_space<semaphore_mem>>) src(%arg13 : memref<1600xf32, #tpu.memory_space<vmem>>) dst(%dma_wait3A_287 : memref<100352xf32, #tpu.memory_space<vmem_shared>>)
      } else {
      }
      %add3A_274 = arith.constant 1 : i32
      %add3A_275 = arith.addi %add3A_265, %add3A_274 : i32
      %lt3A_276 = arith.constant 125 : i32
      %lt3A_277 = arith.cmpi slt, %add3A_275, %lt3A_276 : i32
      %convert_element_type3A_278 = arith.extui %lt3A_277 : i1 to i32
      %cond3A_279 = arith.constant 0 : i32
      %cond3A_280 = arith.cmpi ne, %convert_element_type3A_278, %cond3A_279 : i32
      scf.if %cond3A_280 {
        %add3A_286 = arith.constant 1 : i32
        %add3A_287 = arith.addi %add3A_265, %add3A_286 : i32
        %mul3A_288 = arith.constant 1600 : i32
        %mul3A_289 = arith.muli %add3A_287, %mul3A_288 : i32
        %add3A_290 = arith.addi %mul3A_2, %mul3A_289 : i32
        %dma_start3A_291 = arith.constant 0 : i32
        %dma_start3A_292 = tpu.memref_slice %arg3[%add3A_290] : memref<12800000xi32, #tpu.memory_space<hbm>> -> memref<1600xi32, #tpu.memory_space<hbm>>
        %dma_start3A_293 = tpu.memref_slice %arg19[%dma_start3A_291] : memref<2x!tpu.dma_semaphore, #tpu.memory_space<semaphore_mem>> -> memref<1x!tpu.dma_semaphore, #tpu.memory_space<semaphore_mem>>
        %dma_start3A_294 = tpu.memref_squeeze %dma_start3A_293 : memref<1x!tpu.dma_semaphore, #tpu.memory_space<semaphore_mem>> -> memref<!tpu.dma_semaphore, #tpu.memory_space<semaphore_mem>>
        %dma_start3A_295 = tpu.memref_slice %arg3[%add3A_290] : memref<12800000xi32, #tpu.memory_space<hbm>> -> memref<1600xi32, #tpu.memory_space<hbm>>
        tpu.enqueue_dma source(%dma_start3A_295 : memref<1600xi32, #tpu.memory_space<hbm>>) target(%arg6 : memref<1600xi32, #tpu.memory_space<vmem>>) target_semaphore(%dma_start3A_294 : memref<!tpu.dma_semaphore, #tpu.memory_space<semaphore_mem>>)
        %add3A_296 = arith.constant 6400000 : i32
        %add3A_297 = arith.addi %add3A_296, %add3A_290 : i32
        %dma_start3A_298 = arith.constant 0 : i32
        %dma_start3A_299 = tpu.memref_slice %arg3[%add3A_297] : memref<12800000xi32, #tpu.memory_space<hbm>> -> memref<1600xi32, #tpu.memory_space<hbm>>
        %dma_start3A_300 = tpu.memref_slice %arg20[%dma_start3A_298] : memref<5x!tpu.dma_semaphore, #tpu.memory_space<semaphore_mem>> -> memref<1x!tpu.dma_semaphore, #tpu.memory_space<semaphore_mem>>
        %dma_start3A_301 = tpu.memref_squeeze %dma_start3A_300 : memref<1x!tpu.dma_semaphore, #tpu.memory_space<semaphore_mem>> -> memref<!tpu.dma_semaphore, #tpu.memory_space<semaphore_mem>>
        %dma_start3A_302 = tpu.memref_slice %arg3[%add3A_297] : memref<12800000xi32, #tpu.memory_space<hbm>> -> memref<1600xi32, #tpu.memory_space<hbm>>
        tpu.enqueue_dma source(%dma_start3A_302 : memref<1600xi32, #tpu.memory_space<hbm>>) target(%arg8 : memref<1600xi32, #tpu.memory_space<vmem>>) target_semaphore(%dma_start3A_301 : memref<!tpu.dma_semaphore, #tpu.memory_space<semaphore_mem>>)
      } else {
      }
      %lt3A_281 = arith.constant 125 : i32
      %lt3A_282 = arith.cmpi slt, %add3A_265, %lt3A_281 : i32
      %convert_element_type3A_283 = arith.extui %lt3A_282 : i1 to i32
      %cond3A_284 = arith.constant 0 : i32
      %cond3A_285 = arith.cmpi ne, %convert_element_type3A_283, %cond3A_284 : i32
      scf.if %cond3A_285 {
        %mul3A_286 = arith.constant 1600 : i32
        %mul3A_287 = arith.muli %add3A_265, %mul3A_286 : i32
        %add3A_288 = arith.addi %mul3A_2, %mul3A_287 : i32
        %dma_wait3A = arith.constant 1 : i32
        %dma_wait3A_289 = tpu.memref_slice %arg3[%add3A_288] : memref<12800000xi32, #tpu.memory_space<hbm>> -> memref<1600xi32, #tpu.memory_space<hbm>>
        %dma_wait3A_290 = tpu.memref_slice %arg19[%dma_wait3A] : memref<2x!tpu.dma_semaphore, #tpu.memory_space<semaphore_mem>> -> memref<1x!tpu.dma_semaphore, #tpu.memory_space<semaphore_mem>>
        %dma_wait3A_291 = tpu.memref_squeeze %dma_wait3A_290 : memref<1x!tpu.dma_semaphore, #tpu.memory_space<semaphore_mem>> -> memref<!tpu.dma_semaphore, #tpu.memory_space<semaphore_mem>>
        %dma_wait3A_292 = tpu.memref_slice %arg3[%add3A_288] : memref<12800000xi32, #tpu.memory_space<hbm>> -> memref<1600xi32, #tpu.memory_space<hbm>>
        tpu.wait_dma2 semaphore(%dma_wait3A_291 : memref<!tpu.dma_semaphore, #tpu.memory_space<semaphore_mem>>) src(%dma_wait3A_292 : memref<1600xi32, #tpu.memory_space<hbm>>) dst(%arg7 : memref<1600xi32, #tpu.memory_space<vmem>>)
        %add3A_293 = arith.constant 6400000 : i32
        %add3A_294 = arith.addi %add3A_293, %mul3A_2 : i32
        %mul3A_295 = arith.constant 1600 : i32
        %mul3A_296 = arith.muli %add3A_265, %mul3A_295 : i32
        %add3A_297 = arith.addi %add3A_294, %mul3A_296 : i32
        %dma_wait3A_298 = arith.constant 4 : i32
        %dma_wait3A_299 = tpu.memref_slice %arg3[%add3A_297] : memref<12800000xi32, #tpu.memory_space<hbm>> -> memref<1600xi32, #tpu.memory_space<hbm>>
        %dma_wait3A_300 = tpu.memref_slice %arg20[%dma_wait3A_298] : memref<5x!tpu.dma_semaphore, #tpu.memory_space<semaphore_mem>> -> memref<1x!tpu.dma_semaphore, #tpu.memory_space<semaphore_mem>>
        %dma_wait3A_301 = tpu.memref_squeeze %dma_wait3A_300 : memref<1x!tpu.dma_semaphore, #tpu.memory_space<semaphore_mem>> -> memref<!tpu.dma_semaphore, #tpu.memory_space<semaphore_mem>>
        %dma_wait3A_302 = tpu.memref_slice %arg3[%add3A_297] : memref<12800000xi32, #tpu.memory_space<hbm>> -> memref<1600xi32, #tpu.memory_space<hbm>>
        tpu.wait_dma2 semaphore(%dma_wait3A_301 : memref<!tpu.dma_semaphore, #tpu.memory_space<semaphore_mem>>) src(%dma_wait3A_302 : memref<1600xi32, #tpu.memory_space<hbm>>) dst(%arg12 : memref<1600xi32, #tpu.memory_space<vmem>>)
        %parallel_loop3A = arith.constant 0 : i32
        %parallel_loop3A_303 = arith.constant 100 : i32
        %parallel_loop3A_304 = arith.constant 1 : i32
        scf.for %parallel_loop3A_310 = %parallel_loop3A to %parallel_loop3A_303 step %parallel_loop3A_304  : i32 {
          %parallel_loop3A_311 = arith.constant 16 : i32
          %parallel_loop3A_312 = arith.muli %parallel_loop3A_310, %parallel_loop3A_311 : i32
          %parallel_loop3A_313 = arith.index_cast %parallel_loop3A_312 : i32 to index
          %parallel_loop3A_314 = tpu.vector_load %arg7[%parallel_loop3A_313] {strides = array<i32>} : memref<1600xi32, #tpu.memory_space<vmem>>, vector<16xi32>,
          %parallel_loop3A_315 = tpu.vector_load_idx %arg5[%parallel_loop3A_314] : memref<100352xf32, #tpu.memory_space<vmem>>[vector<16xi32>], vector<16xf32>,
          %parallel_loop3A_316 = arith.constant 16 : i32
          %parallel_loop3A_317 = arith.muli %parallel_loop3A_310, %parallel_loop3A_316 : i32
          %parallel_loop3A_318 = arith.index_cast %parallel_loop3A_317 : i32 to index
          %parallel_loop3A_319 = tpu.vector_load %arg17[%parallel_loop3A_318] {strides = array<i32>} : memref<1600xf32, #tpu.memory_space<vmem>>, vector<16xf32>,
          tpu.vector_store %arg17[%parallel_loop3A_318], %parallel_loop3A_315 {strides = array<i32>} : memref<1600xf32, #tpu.memory_space<vmem>>, vector<16xf32>,
        } {sc.loop_unroll_factor = 5 : i64, sc.parallel_access}
        %dma_start3A_305 = arith.constant 4 : i32
        %dma_start3A_306 = arith.constant 0 : i32
        %dma_start3A_307 = tpu.memref_slice %arg18[%dma_start3A_306] : memref<100352xf32, #tpu.memory_space<vmem_shared>> -> memref<100352xf32, #tpu.memory_space<vmem_shared>>
        %dma_start3A_308 = tpu.memref_slice %arg21[%dma_start3A_305] : memref<5x!tpu.dma_semaphore, #tpu.memory_space<semaphore_mem>> -> memref<1x!tpu.dma_semaphore, #tpu.memory_space<semaphore_mem>>
        %dma_start3A_309 = tpu.memref_squeeze %dma_start3A_308 : memref<1x!tpu.dma_semaphore, #tpu.memory_space<semaphore_mem>> -> memref<!tpu.dma_semaphore, #tpu.memory_space<semaphore_mem>>
        tpu.enqueue_indirect_dma source(%arg17 : memref<1600xf32, #tpu.memory_space<vmem>>) target(%dma_start3A_307 : memref<100352xf32, #tpu.memory_space<vmem_shared>>) offsets(%arg12 : memref<1600xi32, #tpu.memory_space<vmem>>) semaphore(%dma_start3A_309 : memref<!tpu.dma_semaphore, #tpu.memory_space<semaphore_mem>>) {add = true}
      } else {
      }
    }
    %scan3A_41 = arith.constant 13 : i32
    %barrier3A_42 = arith.constant 0 : index
    tpu.barrier barrier_id(%barrier3A_42)
    %mul3A_43 = arith.constant 100352 : i32
    %mul3A_44 = arith.muli %arg0, %mul3A_43 : i32
    %mul3A_45 = arith.constant 6272 : i32
    %mul3A_46 = arith.muli %arg1, %mul3A_45 : i32
    %add3A_47 = arith.addi %mul3A_44, %mul3A_46 : i32
    %mul3A_48 = arith.constant 6272 : i32
    %mul3A_49 = arith.muli %arg1, %mul3A_48 : i32
    "tpu.region"() ({
      %run_scoped3A = tpu.sem_alloc : memref<!tpu.dma_semaphore, #tpu.memory_space<semaphore_mem>>
      %dma_start3A_50 = tpu.memref_slice %arg4[%add3A_47] : memref<200704xf32, #tpu.memory_space<hbm>> -> memref<6272xf32, #tpu.memory_space<hbm>>
      %dma_start3A_51 = tpu.memref_slice %arg18[%mul3A_49] : memref<100352xf32, #tpu.memory_space<vmem_shared>> -> memref<6272xf32, #tpu.memory_space<vmem_shared>>
      tpu.enqueue_dma source(%dma_start3A_51 : memref<6272xf32, #tpu.memory_space<vmem_shared>>) target(%dma_start3A_50 : memref<6272xf32, #tpu.memory_space<hbm>>) target_semaphore(%run_scoped3A : memref<!tpu.dma_semaphore, #tpu.memory_space<semaphore_mem>>)
      %dma_wait3A = tpu.memref_slice %arg4[%add3A_47] : memref<200704xf32, #tpu.memory_space<hbm>> -> memref<6272xf32, #tpu.memory_space<hbm>>
      %dma_wait3A_52 = tpu.memref_slice %arg18[%mul3A_49] : memref<100352xf32, #tpu.memory_space<vmem_shared>> -> memref<6272xf32, #tpu.memory_space<vmem_shared>>
      tpu.wait_dma2 semaphore(%run_scoped3A : memref<!tpu.dma_semaphore, #tpu.memory_space<semaphore_mem>>) src(%dma_wait3A_52 : memref<6272xf32, #tpu.memory_space<vmem_shared>>) dst(%dma_wait3A : memref<6272xf32, #tpu.memory_space<hbm>>)
      tpu.yield
    }) : () -> ()
    return
  }
}

module attributes {stable_mosaic.version = 14 : i64} {
  func.func @_node_pass2_body(%arg0: memref<8xf32, #tpu.memory_space<smem>>, %arg1: memref<2x784x128xf32, #tpu.memory_space<vmem>>, %arg2: memref<784x128xf32, #tpu.memory_space<vmem>>, %arg3: memref<784x128xf32, #tpu.memory_space<vmem>>) attributes {dimension_semantics = [], scalar_prefetch = 0 : i64, scratch_operands = 0 : i64, tpu.core_type = #tpu.core_type<tc>} {
    %get3A = arith.constant 0 : index
    %get3A_0 = arith.constant 0 : index
    %get3A_1 = arith.constant 0 : index
    %get3A_2 = vector.load %arg1[%get3A, %get3A_0, %get3A_1] : memref<2x784x128xf32, #tpu.memory_space<vmem>>, vector<1x784x128xf32>
    %get3A_3 = vector.shape_cast %get3A_2 : vector<1x784x128xf32> to vector<784x128xf32>
    %get3A_4 = arith.constant 1 : index
    %get3A_5 = arith.constant 0 : index
    %get3A_6 = arith.constant 0 : index
    %get3A_7 = vector.load %arg1[%get3A_4, %get3A_5, %get3A_6] : memref<2x784x128xf32, #tpu.memory_space<vmem>>, vector<1x784x128xf32>
    %get3A_8 = vector.shape_cast %get3A_7 : vector<1x784x128xf32> to vector<784x128xf32>
    %add3A = arith.addf %get3A_3, %get3A_8 : vector<784x128xf32>
    %get3A_9 = arith.constant 0 : index
    %get3A_10 = arith.constant 0 : index
    %get3A_11 = vector.load %arg2[%get3A_9, %get3A_10] : memref<784x128xf32, #tpu.memory_space<vmem>>, vector<784x128xf32>
    %mul3A = arith.mulf %add3A, %get3A_11 : vector<784x128xf32>
    %get3A_12 = arith.constant 0 : index
    %get3A_13 = memref.load %arg0[%get3A_12] : memref<8xf32, #tpu.memory_space<smem>>
    %add3A_14 = vector.broadcast %get3A_13 : f32 to vector<784x128xf32>
    %add3A_15 = arith.addf %mul3A, %add3A_14 : vector<784x128xf32>
    %max3A = arith.constant 0.000000e+00 : f32
    %max3A_16 = vector.broadcast %max3A : f32 to vector<784x128xf32>
    %max3A_17 = arith.maximumf %add3A_15, %max3A_16 : vector<784x128xf32>
    %swap3A = arith.constant 0 : index
    %swap3A_18 = arith.constant 0 : index
    %swap3A_19 = vector.load %arg3[%swap3A, %swap3A_18] : memref<784x128xf32, #tpu.memory_space<vmem>>, vector<784x128xf32>
    tpu.vector_store %arg3[%swap3A, %swap3A_18], %max3A_17 {strides = array<i32>} : memref<784x128xf32, #tpu.memory_space<vmem>>, vector<784x128xf32>,
    return
  }
}

module attributes {stable_mosaic.version = 14 : i64} {
  func.func @_node_pass1_body(%arg0: memref<16xf32, #tpu.memory_space<smem>>, %arg1: memref<2x784x128xf32, #tpu.memory_space<vmem>>, %arg2: memref<2x784x128xf32, #tpu.memory_space<vmem>>, %arg3: memref<784x128xf32, #tpu.memory_space<vmem>>, %arg4: memref<784x128xf32, #tpu.memory_space<vmem>>) attributes {dimension_semantics = [], scalar_prefetch = 0 : i64, scratch_operands = 0 : i64, tpu.core_type = #tpu.core_type<tc>} {
    %get3A = arith.constant 0 : index
    %get3A_0 = arith.constant 0 : index
    %get3A_1 = arith.constant 0 : index
    %get3A_2 = vector.load %arg1[%get3A, %get3A_0, %get3A_1] : memref<2x784x128xf32, #tpu.memory_space<vmem>>, vector<1x784x128xf32>
    %get3A_3 = vector.shape_cast %get3A_2 : vector<1x784x128xf32> to vector<784x128xf32>
    %get3A_4 = arith.constant 1 : index
    %get3A_5 = arith.constant 0 : index
    %get3A_6 = arith.constant 0 : index
    %get3A_7 = vector.load %arg1[%get3A_4, %get3A_5, %get3A_6] : memref<2x784x128xf32, #tpu.memory_space<vmem>>, vector<1x784x128xf32>
    %get3A_8 = vector.shape_cast %get3A_7 : vector<1x784x128xf32> to vector<784x128xf32>
    %add3A = arith.addf %get3A_3, %get3A_8 : vector<784x128xf32>
    %get3A_9 = arith.constant 0 : index
    %get3A_10 = arith.constant 0 : index
    %get3A_11 = arith.constant 0 : index
    %get3A_12 = vector.load %arg2[%get3A_9, %get3A_10, %get3A_11] : memref<2x784x128xf32, #tpu.memory_space<vmem>>, vector<1x784x128xf32>
    %get3A_13 = vector.shape_cast %get3A_12 : vector<1x784x128xf32> to vector<784x128xf32>
    %get3A_14 = arith.constant 1 : index
    %get3A_15 = arith.constant 0 : index
    %get3A_16 = arith.constant 0 : index
    %get3A_17 = vector.load %arg2[%get3A_14, %get3A_15, %get3A_16] : memref<2x784x128xf32, #tpu.memory_space<vmem>>, vector<1x784x128xf32>
    %get3A_18 = vector.shape_cast %get3A_17 : vector<1x784x128xf32> to vector<784x128xf32>
    %add3A_19 = arith.addf %get3A_13, %get3A_18 : vector<784x128xf32>
    %max3A = arith.constant 1.000000e+00 : f32
    %max3A_20 = vector.broadcast %max3A : f32 to vector<784x128xf32>
    %max3A_21 = arith.maximumf %add3A_19, %max3A_20 : vector<784x128xf32>
    %div3A = arith.constant 1.000000e+00 : f32
    %div3A_22 = vector.broadcast %div3A : f32 to vector<784x128xf32>
    %div3A_23 = arith.divf %div3A_22, %max3A_21 : vector<784x128xf32>
    %mul3A = arith.mulf %add3A, %div3A_23 : vector<784x128xf32>
    %broadcast_in_dim3A = arith.constant 0.000000e+00 : f32
    %broadcast_in_dim3A_24 = vector.broadcast %broadcast_in_dim3A : f32 to vector<784x128xf32>
    %get3A_25 = arith.constant 0 : index
    %get3A_26 = memref.load %arg0[%get3A_25] : memref<16xf32, #tpu.memory_space<smem>>
    %mul3A_27 = vector.broadcast %get3A_26 : f32 to vector<784x128xf32>
    %mul3A_28 = arith.mulf %mul3A, %mul3A_27 : vector<784x128xf32>
    %get3A_29 = arith.constant 3 : index
    %get3A_30 = memref.load %arg0[%get3A_29] : memref<16xf32, #tpu.memory_space<smem>>
    %add3A_31 = vector.broadcast %get3A_30 : f32 to vector<784x128xf32>
    %add3A_32 = arith.addf %mul3A_28, %add3A_31 : vector<784x128xf32>
    %max3A_33 = arith.constant 0.000000e+00 : f32
    %max3A_34 = vector.broadcast %max3A_33 : f32 to vector<784x128xf32>
    %max3A_35 = arith.maximumf %add3A_32, %max3A_34 : vector<784x128xf32>
    %get3A_36 = arith.constant 6 : index
    %get3A_37 = memref.load %arg0[%get3A_36] : memref<16xf32, #tpu.memory_space<smem>>
    %mul3A_38 = vector.broadcast %get3A_37 : f32 to vector<784x128xf32>
    %mul3A_39 = arith.mulf %max3A_35, %mul3A_38 : vector<784x128xf32>
    %add3A_40 = arith.addf %broadcast_in_dim3A_24, %mul3A_39 : vector<784x128xf32>
    %get3A_41 = arith.constant 1 : index
    %get3A_42 = memref.load %arg0[%get3A_41] : memref<16xf32, #tpu.memory_space<smem>>
    %mul3A_43 = vector.broadcast %get3A_42 : f32 to vector<784x128xf32>
    %mul3A_44 = arith.mulf %mul3A, %mul3A_43 : vector<784x128xf32>
    %get3A_45 = arith.constant 4 : index
    %get3A_46 = memref.load %arg0[%get3A_45] : memref<16xf32, #tpu.memory_space<smem>>
    %add3A_47 = vector.broadcast %get3A_46 : f32 to vector<784x128xf32>
    %add3A_48 = arith.addf %mul3A_44, %add3A_47 : vector<784x128xf32>
    %max3A_49 = arith.constant 0.000000e+00 : f32
    %max3A_50 = vector.broadcast %max3A_49 : f32 to vector<784x128xf32>
    %max3A_51 = arith.maximumf %add3A_48, %max3A_50 : vector<784x128xf32>
    %get3A_52 = arith.constant 7 : index
    %get3A_53 = memref.load %arg0[%get3A_52] : memref<16xf32, #tpu.memory_space<smem>>
    %mul3A_54 = vector.broadcast %get3A_53 : f32 to vector<784x128xf32>
    %mul3A_55 = arith.mulf %max3A_51, %mul3A_54 : vector<784x128xf32>
    %add3A_56 = arith.addf %add3A_40, %mul3A_55 : vector<784x128xf32>
    %get3A_57 = arith.constant 2 : index
    %get3A_58 = memref.load %arg0[%get3A_57] : memref<16xf32, #tpu.memory_space<smem>>
    %mul3A_59 = vector.broadcast %get3A_58 : f32 to vector<784x128xf32>
    %mul3A_60 = arith.mulf %mul3A, %mul3A_59 : vector<784x128xf32>
    %get3A_61 = arith.constant 5 : index
    %get3A_62 = memref.load %arg0[%get3A_61] : memref<16xf32, #tpu.memory_space<smem>>
    %add3A_63 = vector.broadcast %get3A_62 : f32 to vector<784x128xf32>
    %add3A_64 = arith.addf %mul3A_60, %add3A_63 : vector<784x128xf32>
    %max3A_65 = arith.constant 0.000000e+00 : f32
    %max3A_66 = vector.broadcast %max3A_65 : f32 to vector<784x128xf32>
    %max3A_67 = arith.maximumf %add3A_64, %max3A_66 : vector<784x128xf32>
    %get3A_68 = arith.constant 8 : index
    %get3A_69 = memref.load %arg0[%get3A_68] : memref<16xf32, #tpu.memory_space<smem>>
    %mul3A_70 = vector.broadcast %get3A_69 : f32 to vector<784x128xf32>
    %mul3A_71 = arith.mulf %max3A_67, %mul3A_70 : vector<784x128xf32>
    %add3A_72 = arith.addf %add3A_56, %mul3A_71 : vector<784x128xf32>
    %swap3A = arith.constant 0 : index
    %swap3A_73 = arith.constant 0 : index
    %swap3A_74 = vector.load %arg3[%swap3A, %swap3A_73] : memref<784x128xf32, #tpu.memory_space<vmem>>, vector<784x128xf32>
    tpu.vector_store %arg3[%swap3A, %swap3A_73], %add3A_72 {strides = array<i32>} : memref<784x128xf32, #tpu.memory_space<vmem>>, vector<784x128xf32>,
    %swap3A_75 = arith.constant 0 : index
    %swap3A_76 = arith.constant 0 : index
    %swap3A_77 = vector.load %arg4[%swap3A_75, %swap3A_76] : memref<784x128xf32, #tpu.memory_space<vmem>>, vector<784x128xf32>
    tpu.vector_store %arg4[%swap3A_75, %swap3A_76], %div3A_23 {strides = array<i32>} : memref<784x128xf32, #tpu.memory_space<vmem>>, vector<784x128xf32>,
    return
  }
}

</mosaic_0001>

<sc_bundles>
// kernel: kernel.6.cloned.1.call-start
scs
__scs_entry_jumppad:
0x0: {  	(pc) =	sbr.rel $0x88, $3  }
0x1: {  	(tag) =	ssettag $0x0;
	lr =	simm.s32 $0x1  }
0x2: {  	[smem:$0x3F9B] =	sst lr;
	_ =	strace $0xD0000000  }
0x3: {  	_ = 	snop  }
0x4: {  	_ = 	snop  }
0x5: {  	_ = 	snop  }
0x6: {  	_ = 	snop  }
0x7: {  	_ = 	snop  }
__scs_overlays_trampoline_lowered:
0x8: {  	[smem:$0x3FAA] =	sst s0  }
0x9: {  	[smem:$0x3FAB] =	sst s1  }
0xa: {  	[smem:$0x3FAC] =	sst s2  }
0xb: {  	[smem:$0x3FAD] =	sst s3  }
0xc: {  	[smem:$0x3FAE] =	sst s4  }
0xd: {  	[smem:$0x3FAF] =	sst s5  }
0xe: {  	[smem:$0x3FB0] =	sst s6  }
0xf: {  	[smem:$0x3FB1] =	sst s7  }
0x10: {  	[smem:$0x3FB2] =	sst s8  }
0x11: {  	[smem:$0x3FB3] =	sst s9;
	s0 =	simm.s32 @!p0 $0x0  }
0x12: {  	s1 =	sld [smem:$0x3F99];
	s0 =	simm.s32 @p0 $0x1  }
0x13: {  	[smem:$0x3FB4] =	sst s0;
	s0 =	simm.s32 @!p1 $0x0  }
0x14: {  	s2 =	sld [smem:$0x3F98];
	s0 =	simm.s32 @p1 $0x1  }
0x15: {  	[smem:$0x3FB5] =	sst s0;
	s0 =	simm.s32 @!p2 $0x0  }
0x16: {  	s3 =	sld [smem:$0x3FDB];
	s0 =	simm.s32 @p2 $0x1  }
0x17: {  	s4 =	simm.s32 $0x1BF5;
	[smem:$0x3FB7] =	sst s0  }
0x18: {  	s0 =	sld [smem:$0x3F9A];
	_ =	swait.ge [sflag:s4], $0x0  }
0x19: {  	s7 =	sld [smem:$0x3F9B]  }
0x1a: {  	s8 =	sadd.s32 $0xFFFFE003, lr  }
0x1b: {  	s9 =	sadd.s32 $0xFFFFFEF7, lr;
	s5 =	simm.s32 $0xFFFFFFFF;
	p2 =	slt.u32 s8, $0xFFFFF086  }
0x1c: {  	p1 =	slt.u32 s9, $0xF7A;
	s5 =	simm.s32 @!p2 $0x0  }
0x1d: {  	s5 =	simm.s32 @p1 $0x1;
	p0 =	seq.s32 s7, s2  }
0x1e: {  	s7 =	smul.u32 @!p0 $0xF7A, s2;
	p2 =	seq.s32 @!p0 s5, $0x0  }
0x1f: {  	s9 =	smul.u32 $0xF7A, s1;
	s8 =	simm.s32 @!p0 $0x1BF5;
	p2 =	por !p2, p0  }
0x20: {  	[sflag:s8] =	ssyncset.s32 @!p0 $0xFFFFF086;
	s6 =	sadd.s32 @!p0 s3, s7;
	s7 =	simm.s32 @!p0 $0x108  }
0x21: {  	s3 =	sadd.s32 s3, s9;
	s6 =	sadd.s32 @!p0 $0x88, s6;
	s7 =	simm.s32 @p2 $0x1082  }
0x22: {  	[simem:s7], [sflag:s8] =	dma.local @!p0 [hbm:s6], $0xF7A  }
0x23: {  	s9 =	sor.u32 $0xD0000000, s2;
	s6 =	simm.s32 $0x108;
	_ =	swait.ge @!p0 [sflag:s8], $0x0  }
0x24: {  	s3 =	sadd.s32 $0x88, s3;
	s6 =	simm.s32 @!p1 $0x1082;
	[sflag:s4] =	ssyncset.s32 $0xFFFFF086  }
0x25: {  	[simem:s6], [sflag:s4] =	dma.local [hbm:s3], $0xF7A  }
0x26: {  	[smem:$0x3F9B] =	sst s1;
	(tag) =	ssettag s2;
	_ =	strace s9  }
0x27: {  	s1 =	sld [smem:$0x3FAB]  }
0x28: {  	s2 =	sld [smem:$0x3FAC]  }
0x29: {  	s4 =	sld [smem:$0x3FAE]  }
0x2a: {  	p0 =	seq.s32 s5, $0x0;
	s5 =	sld [smem:$0x3FAF]  }
0x2b: {  	s6 =	sld [smem:$0x3FB0]  }
0x2c: {  	s7 =	sld [smem:$0x3FB1]  }
0x2d: {  	s3 =	simm.s32 $0x108;
	s8 =	sld [smem:$0x3FB2]  }
0x2e: {  	s3 =	simm.s32 @!p0 $0x1082;
	s9 =	sld [smem:$0x3FB3]  }
0x2f: {  	lr =	sadd.s32 s0, s3;
	s0 =	sld [smem:$0x3FAA]  }
0x30: {  	s3 =	sld [smem:$0x3FAD]  }
0x31: {  	[smem:$0x3FB6] =	sst s10  }
0x32: {  	s10 =	sld [smem:$0x3FB4];
	_ =	sdelay $0x3  }
0x33: {  	p0 =	seq.s32 s10, $0x1;
	s10 =	sld [smem:$0x3FB6];
	_ =	sdelay $0x3  }
0x34: {  	[smem:$0x3FB6] =	sst s10  }
0x35: {  	s10 =	sld [smem:$0x3FB5];
	_ =	sdelay $0x3  }
0x36: {  	p1 =	seq.s32 s10, $0x1;
	s10 =	sld [smem:$0x3FB6];
	_ =	sdelay $0x3  }
0x37: {  	[smem:$0x3FB6] =	sst s10  }
0x38: {  	s10 =	sld [smem:$0x3FB7]  }
0x39: {  	_ = 	snop;
	(pc) =	sbr.ind lr, $3  }
0x3a: {  	_ = 	snop  }
0x3b: {  	_ = 	snop  }
0x3c: {  	p2 =	seq.s32 s10, $0x1;
	s10 =	sld [smem:$0x3FB6]  }
0x3d: {  	_ =	shalt  }
0x3e: {  	_ =	shalt  }
0x3f: {  	_ =	shalt  }
0x40: {  	_ =	shalt  }
0x41: {  	_ =	shalt  }
0x42: {  	_ =	shalt  }
0x43: {  	_ =	shalt  }
0x44: {  	_ =	shalt  }
0x45: {  	_ =	shalt  }
0x46: {  	_ =	shalt  }
0x47: {  	_ =	shalt  }
0x48: {  	_ =	shalt  }
0x49: {  	_ =	shalt  }
0x4a: {  	_ =	shalt  }
0x4b: {  	_ =	shalt  }
0x4c: {  	_ =	shalt  }
0x4d: {  	_ =	shalt  }
0x4e: {  	_ =	shalt  }
0x4f: {  	_ =	shalt  }
0x50: {  	_ =	shalt  }
0x51: {  	_ =	shalt  }
0x52: {  	_ =	shalt  }
0x53: {  	_ =	shalt  }
0x54: {  	_ =	shalt  }
0x55: {  	_ =	shalt  }
0x56: {  	_ =	shalt  }
0x57: {  	_ =	shalt  }
0x58: {  	_ =	shalt  }
0x59: {  	_ =	shalt  }
0x5a: {  	_ =	shalt  }
0x5b: {  	_ =	shalt  }
0x5c: {  	_ =	shalt  }
0x5d: {  	_ =	shalt  }
0x5e: {  	_ =	shalt  }
0x5f: {  	_ =	shalt  }
0x60: {  	_ =	shalt  }
0x61: {  	_ =	shalt  }
0x62: {  	_ =	shalt  }
0x63: {  	_ =	shalt  }
0x64: {  	_ =	shalt  }
0x65: {  	_ =	shalt  }
0x66: {  	_ =	shalt  }
0x67: {  	_ =	shalt  }
0x68: {  	_ =	shalt  }
0x69: {  	_ =	shalt  }
0x6a: {  	_ =	shalt  }
0x6b: {  	_ =	shalt  }
0x6c: {  	_ =	shalt  }
0x6d: {  	_ =	shalt  }
0x6e: {  	_ =	shalt  }
0x6f: {  	_ =	shalt  }
0x70: {  	_ =	shalt  }
0x71: {  	_ =	shalt  }
0x72: {  	_ =	shalt  }
0x73: {  	_ =	shalt  }
0x74: {  	_ =	shalt  }
0x75: {  	_ =	shalt  }
0x76: {  	_ =	shalt  }
0x77: {  	_ =	shalt  }
0x78: {  	_ =	shalt  }
0x79: {  	_ =	shalt  }
0x7a: {  	_ =	shalt  }
0x7b: {  	_ =	shalt  }
0x7c: {  	_ =	shalt  }
0x7d: {  	_ =	shalt  }
0x7e: {  	_ =	shalt  }
0x7f: {  	_ =	shalt  }
0x80: {  	_ =	shalt  }
0x81: {  	_ =	shalt  }
0x82: {  	_ =	shalt  }
0x83: {  	_ =	shalt  }
0x84: {  	_ =	shalt  }
0x85: {  	_ =	shalt  }
0x86: {  	_ =	shalt  }
0x87: {  	_ =	shalt  }
.Lfunc_end0:
.L_simem_size_0:
called_computation.1_lowered:
.L_overlay_start_0:
0x88: {  	s2 =	sld [smem:$0x3FD9]  }
0x89: {  	s3 =	sld [smem:$0x3FFE];
	_ =	sdelay $0x1  }
0x8a: {  	s1 =	srdreg.scid  }
0x8b: {  	s0 =	sand.u32 $0x1, s1  }
0x8c: {  	s16 =	sshll.u32 s0, $0xA;
	s2 =	sadd.s32 s3, s2  }
0x8d: {  	s2 =	sadd.s32 s2, s16  }
0x8e: {  	[smem:$0x3FC2] =	sst s2  }
0x8f: {  	_ = 	snop  }
0x90: {  	(tm) =	ssettm $0x1  }
0x91: {  	s17 =	sld [smem:$0x3FFB];
	_ =	sdelay $0x3  }
0x92: {  	_ =	strace s17  }
0x93: {  	s2 =	sld [smem:$0x3FFC];
	_ =	sdelay $0x3  }
0x94: {  	_ =	strace s2  }
0x95: {  	s2 =	sld [smem:$0x3FFD];
	_ =	sdelay $0x3  }
0x96: {  	_ =	strace s2  }
0x97: {  	_ =	strace $0x8FFFFFFF  }
0x98: {  	s18 =	sld [smem:$0x3FDB];
	_ =	sdelay $0x1  }
0x99: {  	s19 =	simm.s32 $_scs_section_size  }
0x9a: {  	s4 =	simm.s32 $_size__tile_overlayer_lowered;
	s5 =	simm.s32 $_tile_overlayer_lowered  }
0x9b: {  	s22 =	simm.s32 $0x1BFF;
	s21 =	sshll.u32 s5, $0x1;
	s2 =	sadd.s32 s19, s18  }
0x9c: {  	s6 =	simm.s32 $0x0;
	s20 =	sshll.u32 s4, $0x1;
	s4 =	sadd.s32 s21, s2  }
0x9d: {  	[timem:s6], [sflag:s22] =	dma.local [hbm:s4], s20  }
0x9e: {  	_ =	swait.ge [sflag:s22], s20  }
0x9f: {  	s3 =	ssub.s32 $0x0, s20;
	[sflag:s22] =	ssyncset.done $0x0  }
0xa0: {  	[sflag:s22] =	ssyncadd.s32 s3;
	_ =	sdelay $0x1  }
0xa1: {  	s23 =	simm.s32 $0x1B8B  }
0xa2: {  	_ =	swait.ge [sflag:s23], $0x1  }
0xa3: {  	[sflag:s23] =	ssyncset.done $0x0  }
0xa4: {  	s25 =	simm.s32 $0x1B8E;
	s24 =	sld [smem:$0x3FFE];
	[sflag:s23] =	ssyncadd.s32 $0xFFFFFFFF  }
0xa5: {  	s26 =	simm.s32 $execute0_lowered;
	[smem:$0x3FD2] =	sst s25  }
0xa6: {  	s4 =	sshll.u32 s26, $0x1;
	_ =	strace $0x80000049;
	[dreg:$0x1] =	wrdreg $0xFFFFFFFF  }
0xa7: {  	s28 =	simm.s32 $_size_execute0_lowered;
	s2 =	sadd.s32 s2, s4;
	[dreg:$0x0] =	wrdreg $0x0  }
0xa8: {  	s4 =	sshll.u32 s28, $0x1;
	[dreg:$0x2] =	wrdreg s2  }
0xa9: {  	[dreg:$0x3] =	wrdreg s4  }
0xaa: {  	[dreg:$0x4] =	wrdreg $0xC0  }
0xab: {  	_ =	task [dreg:s6], $0x5FFFF  }
0xac: {  	[dreg:$0x1] =	wrdreg $0xFFFFFFFF  }
0xad: {  	[dreg:$0x0] =	wrdreg $0x60  }
0xae: {  	[dreg:$0x2] =	wrdreg s24  }
0xaf: {  	[dreg:$0x3] =	wrdreg $0x1AB000  }
0xb0: {  	[dreg:$0x4] =	wrdreg $0x1C7000  }
0xb1: {  	[dreg:$0x5] =	wrdreg $0x9  }
0xb2: {  	_ =	task.clear_ibuf [dreg:s6], $0x6FFFF;
	_ =	strace $0x90000049  }
0xb3: {  	s29 =	simm.s32 $0x9;
	_ =	strace $0x8000004B  }
0xb4: {  	_ =	swait.ge [sflag:s29], $0x1  }
0xb5: {  	[sflag:s29] =	ssyncadd.s32 $0xFFFFFFFF  }
0xb6: {  	_ =	strace $0x9000004B  }
0xb7: {  	_ =	sfence  }
0xb8: {  	s30 =	sld [smem:$0x0];
	_ =	sdelay $0x2  }
0xb9: {  	s31 =	sshll.u32 s1, $0xD;
	s1 =	sshrl.u32 s1, $0x2  }
0xba: {  	s3 =	sand.u32 $0x4000, s31;
	s1 =	sadd.s32 s1, s30  }
0xbb: {  	s0 =	sor.u32 s3, s0;
	s1 =	sshll.u32 s1, $0x11  }
0xbc: {  	s0 =	sor.u32 s1, s0  }
0xbd: {  	s0 =	sadd.s32 $0x8F2B, s0  }
0xbe: {  	[sflag:s0] =	ssyncadd.remote.s32 $0x1  }
0xbf: {  	_ =	sfence.sel $0xFFFF  }
0xc0: {  	[dreg:$0x0] =	wrdreg $0xFFFFFFFF;
	(pc) =	sbr.abs _section_cstart, $3  }
0xc1: {  	[dreg:$0x1] =	wrdreg $0xFFFFFFFF  }
0xc2: {  	_ =	task.clear_ibuf [dreg:s6], $0x2FFFF;
	_ =	strace $0x9FFFFFFF  }
0xc3: {  	(tm) =	ssettm $0x7FFFFFFF  }
tec
execute0_lowered:
.L_overlay_start_1:
0x0: {  	(tag) =	ssettag $0x1  }
0x1: {  	s0 =	rddreg [dreg:$0x0]  }
0x2: {  	s1 =	rddreg [dreg:$0x1]  }
0x3: {  	s2 =	rddreg [dreg:$0x2];
	s4 =	simm.s32 $0x0  }
0x4: {  	s3 =	srdreg.scid;
	s6 =	stileid.u32;
	s31 =	simm.s32 $0xF  }
0x5: {  	[smem:$0x7FF] =	sst s4;
	s3 =	sand.u32 $0x1, s3;
	s5 =	smul.u32 $0x1880, s6  }
0x6: {  	s6 =	sshll.u32 s6, $0x1;
	s7 =	sadd.s32 $0x188800, s0;
	_ =	strace $0x8000004A  }
0x7: {  	s8 =	smul.u32 $0x18800, s3;
	s6 =	sor.u32 s3, s6;
	[dreg:$0x4] =	wrdreg s7  }
0x8: {  	s7 =	sadd.s32 $0x1E00, s0;
	s3 =	ssub.s32 $0x2, s3;
	s6 =	smul.u32 $0x30D40, s6  }
0x9: {  	s9 =	sshrl.u32 s3, $0x1;
	s25 =	sadd.s32 s5, s1;
	s19 =	sadd.s32 $0x320, s5  }
0xa: {  	s20 =	sadd.s32 $0x640, s5;
	s21 =	sadd.s32 s19, s1;
	[dreg:$0x6] =	wrdreg s25  }
0xb: {  	s23 =	sadd.s32 $0x960, s5;
	s22 =	sadd.s32 s20, s1;
	[dreg:$0x7] =	wrdreg s21  }
0xc: {  	s24 =	sadd.s32 $0xC80, s5;
	s11 =	sadd.s32 s23, s1;
	[dreg:$0x8] =	wrdreg s22  }
0xd: {  	s12 =	sadd.s32 $0xFA0, s5;
	s13 =	sadd.s32 s24, s1;
	[dreg:$0x9] =	wrdreg s11  }
0xe: {  	s28 =	sadd.s32 $0x12C0, s5;
	s26 =	sadd.s32 s12, s1;
	[dreg:$0xa] =	wrdreg s13  }
0xf: {  	s29 =	sadd.s32 $0x15E0, s5;
	s14 =	sadd.s32 s28, s1;
	[dreg:$0xb] =	wrdreg s26  }
0x10: {  	s8 =	sadd.s32 s5, s8;
	s16 =	sadd.s32 s19, s2;
	[dreg:$0xc] =	wrdreg s14  }
0x11: {  	s3 =	ssub.s32 s3, s9;
	s17 =	sadd.s32 s20, s2;
	[dreg:$0xe] =	wrdreg s16  }
0x12: {  	s18 =	sadd.s32 s23, s2;
	s19 =	sadd.s32 s24, s2;
	[dreg:$0xf] =	wrdreg s17  }
0x13: {  	s20 =	sadd.s32 s12, s2;
	s23 =	sadd.s32 s29, s2;
	[dreg:$0x10] =	wrdreg s18  }
0x14: {  	s12 =	simm.s32 $0x19600;
	s8 =	sshrl.u32 s8, $0x3;
	[dreg:$0x11] =	wrdreg s19  }
0x15: {  	s10 =	sshrl.u32 s6, $0x3;
	s26 =	sadd.s32 s5, s2;
	[dreg:$0x12] =	wrdreg s20  }
0x16: {  	s21 =	sadd.s32 s28, s2;
	s22 =	sadd.s32 s29, s1;
	[dreg:$0x15] =	wrdreg s23  }
0x17: {  	s28 =	smax.u32 s3, $0x1;
	s30 =	sadd.s32 $0xC80, s6;
	s3 =	simm.s32 $0x1A780  }
0x18: {  	s5 =	simm.s32 $0x1;
	s11 =	simm.s32 $0x320;
	s13 =	simm.s32 $0x1A400  }
0x19: {  	s14 =	simm.s32 $0x1C380;
	s17 =	simm.s32 $0x6;
	s18 =	simm.s32 $0x19980  }
0x1a: {  	s19 =	simm.s32 $0x4;
	s20 =	simm.s32 $0x1A080;
	[dreg:$0x13] =	wrdreg s21  }
0x1b: {  	s23 =	simm.s32 $0x19D00;
	s0 =	sadd.s32 s8, s0;
	[dreg:$0x14] =	wrdreg s22  }
0x1c: {  	s15 =	sadd.s32 s7, s10;
	[dreg:$0x18] =	wrdreg s28;
	s10 =	simm.s32 $0x5  }
.Ltmp0:
0x1d: {  	s8 =	simm.s32 $0x19280;
	[dreg:$0xd] =	wrdreg s26;
	(pc) =	sbr.rel .LBB2_1-.Ltmp0, $4  }
0x1e: {  	s21 =	simm.s32 $0x18B80;
	s24 =	sadd.s32 $0x18BA00, s0;
	[dreg:$0x5] =	wrdreg s15  }
0x1f: {  	s22 =	simm.s32 $0x3;
	s0 =	sadd.s32 $0x191C00, s0;
	[dreg:$0x16] =	wrdreg s24  }
0x20: {  	s29 =	sadd.s32 $0xC3500, s15;
	s15 =	simm.s32 $0x2;
	[dreg:$0x17] =	wrdreg s0  }
0x21: {  	v0 =	vimm.f32 $0.0e+00;
	v1 =	vimm.f32 $1.000000000e+00;
	[dreg:$0x19] =	wrdreg s29;
	s0 =	simm.s32 $0x18F00;
	s24 =	simm.s32 $0x0  }
.LBB2_23:
0x22: {  	s9 =	stileid.u32;
	[bflag:$0x0] =	sbarrier.arrive $0xFFFF  }
0x23: {  	s9 =	sshll.u32 s9, $0x6;
	s25 =	rddreg [dreg:$0x6]  }
0x24: {  	s26 =	rddreg [dreg:$0x16];
	s9 =	sor.u32 $0x1C0F, s9;
	s16 =	sshrl.u32 s25, $0x3  }
0x25: {  	[hbm:s26], [sflag:s9] =	dma.local [spmem:s16], $0x310  }
0x26: {  	_ =	swait.ge [sflag:s31], $0x310  }
0x27: {  	[sflag:s31] =	ssyncset.done $0x0;
	s26 =	rddreg [dreg:$0xd]  }
0x28: {  	s28 =	rddreg [dreg:$0x17];
	[sflag:s31] =	ssyncadd.s32 $0xFFFFFCF0;
	s29 =	sshrl.u32 s26, $0x3  }
0x29: {  	[hbm:s28], [sflag:s9] =	dma.local [spmem:s29], $0x310  }
0x2a: {  	_ =	swait.ge [sflag:s31], $0x310  }
0x2b: {  	s24 =	sadd.s32 $0x1, s24;
	s29 =	rddreg [dreg:$0x18]  }
0x2c: {  	p0 =	sne.s32 s24, s29  }
.Ltmp1:
0x2d: {  	_ = 	snop;
	(pc) =	sbr.rel @!p0 .LBB2_24-.Ltmp1, $3  }
0x2e: {  	_ =	sdelay $0x1  }
0x2f: {  	[sflag:s31] =	ssyncset.done $0x0  }
0x30: {  	[sflag:s31] =	ssyncadd.s32 $0xFFFFFCF0  }
.LBB2_1:
0x31: {  	s9 =	rddreg [dreg:$0x5];
	s16 =	simm.s32 $0x18800  }
0x32: {  	[tilespmem:s16], [sflag:$0x1] =	stream.linear.gather [hbm4b:s9+s4], $0x320, $0x38;
	[tilespmem:$0x1DF80] =	vst v63  }
0x33: {  	s28 =	rddreg [dreg:$0x19]  }
0x34: {  	[tilespmem:s0], [sflag:$0x3] =	stream.linear.gather [hbm4b:s28+s4], $0x320, $0x38;
	[tilespmem:$0x1DF80] =	vst v63  }
0x35: {  	s29 =	rddreg [dreg:$0x4]  }
0x36: {  	[tilespmem:s4], [sflag:$0xF] =	stream.linear.gather [hbm4b:s29+s4], $0x186A0, $0x38;
	[tilespmem:$0x1DF80] =	vst v63  }
0x37: {  	_ =	swait.ge [sflag:s31], $0x186A0  }
0x38: {  	[sflag:s31] =	ssyncset.done $0x0  }
0x39: {  	s9 =	simm.s32 $0x40;
	s16 =	simm.s32 $0x0;
	[sflag:s31] =	ssyncadd.s32 $0xFFFE7960  }
.LBB2_2:
0x3a: {  	p0 =	sne.s32 s9, $0xC40;
	[tilespmem:s16+$0x1A780] =	vst v0;
	s16 =	smov.u32 s9;
	s9 =	sadd.s32 $0x40, s9  }
.Ltmp2:
0x3b: {  	(pc) =	sbr.rel @p0 .LBB2_2-.Ltmp2, $2  }
0x3c: {  	_ =	sdelay $0x2  }
0x3d: {  	s16 =	sshra.s32 s16, $0x2  }
0x3e: {  	[tilespmem:s16+$0x1A780] =	vst v0  }
0x3f: {  	[spmem:s25] =	stream.linear.scatter [tilespmem:s3], [sflag:$0xF], $0x320, $0x38;
	[tilespmem:$0x1DF80] =	vst v63  }
0x40: {  	_ =	swait.ge [sflag:s31], $0x320  }
0x41: {  	[sflag:s31] =	ssyncset.done $0x0  }
0x42: {  	s9 =	rddreg [dreg:$0x7];
	[sflag:s31] =	ssyncadd.s32 $0xFFFFFCE0  }
0x43: {  	[spmem:s9] =	stream.linear.scatter [tilespmem:s3], [sflag:$0xF], $0x320, $0x38;
	[tilespmem:$0x1DF80] =	vst v63  }
0x44: {  	_ =	swait.ge [sflag:s31], $0x320  }
0x45: {  	[sflag:s31] =	ssyncset.done $0x0  }
0x46: {  	s16 =	rddreg [dreg:$0x8];
	[sflag:s31] =	ssyncadd.s32 $0xFFFFFCE0  }
0x47: {  	[spmem:s16] =	stream.linear.scatter [tilespmem:s3], [sflag:$0xF], $0x320, $0x38;
	[tilespmem:$0x1DF80] =	vst v63  }
0x48: {  	_ =	swait.ge [sflag:s31], $0x320  }
0x49: {  	[sflag:s31] =	ssyncset.done $0x0  }
0x4a: {  	s25 =	rddreg [dreg:$0x9];
	[sflag:s31] =	ssyncadd.s32 $0xFFFFFCE0  }
0x4b: {  	[spmem:s25] =	stream.linear.scatter [tilespmem:s3], [sflag:$0xF], $0x320, $0x38;
	[tilespmem:$0x1DF80] =	vst v63  }
0x4c: {  	_ =	swait.ge [sflag:s31], $0x320  }
0x4d: {  	[sflag:s31] =	ssyncset.done $0x0  }
0x4e: {  	s28 =	rddreg [dreg:$0xa];
	[sflag:s31] =	ssyncadd.s32 $0xFFFFFCE0  }
0x4f: {  	[spmem:s28] =	stream.linear.scatter [tilespmem:s3], [sflag:$0xF], $0x320, $0x38;
	[tilespmem:$0x1DF80] =	vst v63  }
0x50: {  	_ =	swait.ge [sflag:s31], $0x320  }
0x51: {  	[sflag:s31] =	ssyncset.done $0x0  }
0x52: {  	s29 =	rddreg [dreg:$0xb];
	[sflag:s31] =	ssyncadd.s32 $0xFFFFFCE0  }
0x53: {  	[spmem:s29] =	stream.linear.scatter [tilespmem:s3], [sflag:$0xF], $0x320, $0x38;
	[tilespmem:$0x1DF80] =	vst v63  }
0x54: {  	_ =	swait.ge [sflag:s31], $0x320  }
0x55: {  	[sflag:s31] =	ssyncset.done $0x0  }
0x56: {  	s16 =	rddreg [dreg:$0xc];
	[sflag:s31] =	ssyncadd.s32 $0xFFFFFCE0  }
0x57: {  	[spmem:s16] =	stream.linear.scatter [tilespmem:s3], [sflag:$0xF], $0x320, $0x38;
	[tilespmem:$0x1DF80] =	vst v63  }
0x58: {  	_ =	swait.ge [sflag:s31], $0x320  }
0x59: {  	[sflag:s31] =	ssyncset.done $0x0  }
0x5a: {  	s25 =	rddreg [dreg:$0x14];
	[sflag:s31] =	ssyncadd.s32 $0xFFFFFCE0  }
0x5b: {  	[spmem:s25] =	stream.linear.scatter [tilespmem:s3], [sflag:$0xF], $0x2A0, $0x38;
	[tilespmem:$0x1DF80] =	vst v63  }
0x5c: {  	_ =	swait.ge [sflag:s31], $0x2A0  }
0x5d: {  	[sflag:s31] =	ssyncset.done $0x0  }
0x5e: {  	[sflag:s31] =	ssyncadd.s32 $0xFFFFFD60  }
0x5f: {  	[spmem:s26] =	stream.linear.scatter [tilespmem:s3], [sflag:$0xF], $0x320, $0x38;
	[tilespmem:$0x1DF80] =	vst v63  }
0x60: {  	_ =	swait.ge [sflag:s31], $0x320  }
0x61: {  	[sflag:s31] =	ssyncset.done $0x0  }
0x62: {  	s28 =	rddreg [dreg:$0xe];
	[sflag:s31] =	ssyncadd.s32 $0xFFFFFCE0  }
0x63: {  	[spmem:s28] =	stream.linear.scatter [tilespmem:s3], [sflag:$0xF], $0x320, $0x38;
	[tilespmem:$0x1DF80] =	vst v63  }
0x64: {  	_ =	swait.ge [sflag:s31], $0x320  }
0x65: {  	[sflag:s31] =	ssyncset.done $0x0  }
0x66: {  	s29 =	rddreg [dreg:$0xf];
	[sflag:s31] =	ssyncadd.s32 $0xFFFFFCE0  }
0x67: {  	[spmem:s29] =	stream.linear.scatter [tilespmem:s3], [sflag:$0xF], $0x320, $0x38;
	[tilespmem:$0x1DF80] =	vst v63  }
0x68: {  	_ =	swait.ge [sflag:s31], $0x320  }
0x69: {  	[sflag:s31] =	ssyncset.done $0x0  }
0x6a: {  	s16 =	rddreg [dreg:$0x10];
	[sflag:s31] =	ssyncadd.s32 $0xFFFFFCE0  }
0x6b: {  	[spmem:s16] =	stream.linear.scatter [tilespmem:s3], [sflag:$0xF], $0x320, $0x38;
	[tilespmem:$0x1DF80] =	vst v63  }
0x6c: {  	_ =	swait.ge [sflag:s31], $0x320  }
0x6d: {  	[sflag:s31] =	ssyncset.done $0x0  }
0x6e: {  	s25 =	rddreg [dreg:$0x11];
	[sflag:s31] =	ssyncadd.s32 $0xFFFFFCE0  }
0x6f: {  	[spmem:s25] =	stream.linear.scatter [tilespmem:s3], [sflag:$0xF], $0x320, $0x38;
	[tilespmem:$0x1DF80] =	vst v63  }
0x70: {  	_ =	swait.ge [sflag:s31], $0x320  }
0x71: {  	[sflag:s31] =	ssyncset.done $0x0  }
0x72: {  	s26 =	rddreg [dreg:$0x12];
	[sflag:s31] =	ssyncadd.s32 $0xFFFFFCE0  }
0x73: {  	[spmem:s26] =	stream.linear.scatter [tilespmem:s3], [sflag:$0xF], $0x320, $0x38;
	[tilespmem:$0x1DF80] =	vst v63  }
0x74: {  	_ =	swait.ge [sflag:s31], $0x320  }
0x75: {  	[sflag:s31] =	ssyncset.done $0x0  }
0x76: {  	s28 =	rddreg [dreg:$0x13];
	[sflag:s31] =	ssyncadd.s32 $0xFFFFFCE0  }
0x77: {  	[spmem:s28] =	stream.linear.scatter [tilespmem:s3], [sflag:$0xF], $0x320, $0x38;
	[tilespmem:$0x1DF80] =	vst v63  }
0x78: {  	_ =	swait.ge [sflag:s31], $0x320  }
0x79: {  	[sflag:s31] =	ssyncset.done $0x0  }
0x7a: {  	s29 =	rddreg [dreg:$0x15];
	[sflag:s31] =	ssyncadd.s32 $0xFFFFFCE0  }
0x7b: {  	[spmem:s29] =	stream.linear.scatter [tilespmem:s3], [sflag:$0xF], $0x2A0, $0x38;
	[tilespmem:$0x1DF80] =	vst v63  }
0x7c: {  	_ =	swait.ge [sflag:s31], $0x2A0  }
0x7d: {  	[sflag:s31] =	ssyncset.done $0x0  }
0x7e: {  	s9 =	simm.s32 $0x40;
	s16 =	simm.s32 $0x0;
	[sflag:s31] =	ssyncadd.s32 $0xFFFFFD60  }
.LBB2_4:
0x7f: {  	p0 =	sne.s32 s9, $0xC40;
	[tilespmem:s16+$0x1C380] =	vst v1;
	s16 =	smov.u32 s9;
	s9 =	sadd.s32 $0x40, s9  }
.Ltmp3:
0x80: {  	(pc) =	sbr.rel @p0 .LBB2_4-.Ltmp3, $2  }
0x81: {  	_ =	sdelay $0x2  }
0x82: {  	s16 =	sshra.s32 s16, $0x2  }
.Ltmp4:
0x83: {  	(pc) =	sbr.rel .LBB2_6-.Ltmp4, $4  }
0x84: {  	_ = 	snop  }
0x85: {  	[tilespmem:s16+$0x1C380] =	vst v1  }
0x86: {  	[bflag:$0x0] =	sbarrier.arrive $0xFFFF  }
0x87: {  	s25 =	simm.s32 $0x0  }
.LBB2_22:
0x88: {  	s25 =	sadd.s32 $0x1, s25  }
0x89: {  	p0 =	sne.s32 s25, $0x40  }
.Ltmp5:
0x8a: {  	_ = 	snop;
	(pc) =	sbr.rel @!p0 .LBB2_23-.Ltmp5, $1  }
0x8b: {  	_ =	sdelay $0x3  }
.LBB2_6:
0x8c: {  	s26 =	sshll.u32 s25, $0x2  }
0x8d: {  	s9 =	sadd.s32 $0xFFFFFFFC, s26  }
0x8e: {  	p0 =	sgt.u32 s9, $0xF9  }
0x8f: {  	s9 =	simm.s32 @!p0 $0x8  }
0x90: {  	p1 =	seq.s32 s25, $0x3F;
	_ =	swait.ge @!p0 [sflag:s9], $0x320  }
.Ltmp6:
0x91: {  	[sflag:s9] =	ssyncset.done @!p0 $0x0;
	(pc) =	sbr.rel @p1 .LBB2_10-.Ltmp6, $4  }
0x92: {  	[sflag:s9] =	ssyncadd.s32 @!p0 $0xFFFFFCE0;
	s9 =	simm.s32 @!p0 $0xC  }
0x93: {  	_ =	swait.ge @!p0 [sflag:s9], $0x320  }
0x94: {  	[sflag:s9] =	ssyncset.done @!p0 $0x0  }
0x95: {  	s28 =	sor.u32 $0x1, s26;
	[sflag:s9] =	ssyncadd.s32 @!p0 $0xFFFFFCE0  }
0x96: {  	s9 =	smul.u32 $0x320, s28;
	_ =	sdelay $0x1  }
0x97: {  	s9 =	sadd.s32 s6, s9  }
0x98: {  	s9 =	sshrl.u32 s9, $0x3  }
0x99: {  	s9 =	sadd.s32 s7, s9  }
0x9a: {  	[tilespmem:s21], [sflag:$0x2] =	stream.linear.gather [hbm4b:s9+s4], $0x320, $0x38;
	[tilespmem:$0x1DF80] =	vst v63  }
0x9b: {  	s9 =	sadd.s32 $0xC3500, s9  }
0x9c: {  	[tilespmem:s8], [sflag:$0x4] =	stream.linear.gather [hbm4b:s9+s4], $0x320, $0x38;
	[tilespmem:$0x1DF80] =	vst v63  }
0x9d: {  	_ =	swait.ge [sflag:s5], $0x320  }
0x9e: {  	[sflag:s5] =	ssyncset.done $0x0  }
0x9f: {  	[sflag:s5] =	ssyncadd.s32 $0xFFFFFCE0  }
0xa0: {  	_ =	swait.ge [sflag:s22], $0x320  }
0xa1: {  	[sflag:s22] =	ssyncset.done $0x0  }
0xa2: {  	s16 =	simm.s32 $0x18820;
	[sflag:s22] =	ssyncadd.s32 $0xFFFFFCE0  }
0xa3: {  	v2 =	vld [tilespmem:s16+$0x20]  }
0xa4: {  	v3 =	vld [tilespmem:s16+$0xFFFFFFF0]  }
0xa5: {  	v4 =	vld [tilespmem:s16+$0x0]  }
0xa6: {  	v5 =	vld [tilespmem:s16+$0x10]  }
0xa7: {  	v6 =	vld [tilespmem:s16+$0xFFFFFFE0];
	s16 =	simm.s32 $0x18870  }
0xa8: {  	v12 =	vld [tilespmem:s16+$0x20]  }
0xa9: {  	v13 =	vld [tilespmem:s16+$0xFFFFFFF0]  }
0xaa: {  	v7 =	vld [tilespmem:s16+$0xFFFFFFE0]  }
0xab: {  	v10 =	vld.idx.msk [tilespmem:v2+s4+$0x0], $0xffff  }
0xac: {  	v11 =	vld.idx.msk [tilespmem:v3+s4+$0x0], $0xffff  }
0xad: {  	v3 =	vld [tilespmem:s16+$0x0]  }
0xae: {  	v2 =	vld [tilespmem:s16+$0x10]  }
0xaf: {  	v9 =	vld.idx.msk [tilespmem:v6+s4+$0x0], $0xffff  }
0xb0: {  	v8 =	vld.idx.msk [tilespmem:v4+s4+$0x0], $0xffff  }
0xb1: {  	s29 =	simm.s32 $0x19D20;
	v5 =	vld.idx.msk [tilespmem:v5+s4+$0x0], $0xffff  }
0xb2: {  	v4 =	vld.idx.msk [tilespmem:v12+s4+$0x0], $0xffff;
	[tilespmem:s29+$0x20] =	vst v10  }
0xb3: {  	s9 =	simm.s32 $0x5;
	s16 =	simm.s32 $0x188C0;
	v6 =	vld.idx.msk [tilespmem:v13+s4+$0x0], $0xffff;
	[tilespmem:s29+$0xFFFFFFF0] =	vst v11  }
.LBB2_8:
0xb4: {  	v10 =	vld [tilespmem:s16+$0x20];
	s9 =	sadd.s32 $0x5, s9  }
0xb5: {  	v11 =	vld [tilespmem:s16+$0xFFFFFFF0];
	p0 =	slt.u32 s9, $0x2D;
	[tilespmem:s29+$0xFFFFFFE0] =	vst v9  }
0xb6: {  	v12 =	vld [tilespmem:s16+$0x0];
	[tilespmem:s29+$0x0] =	vst v8  }
0xb7: {  	v13 =	vld [tilespmem:s16+$0x10];
	[tilespmem:s29+$0x10] =	vst v5;
	s29 =	sadd.s32 $0x50, s29  }
0xb8: {  	v14 =	vld [tilespmem:s16+$0xFFFFFFE0];
	[tilespmem:s29+$0x20] =	vst v4  }
.Ltmp7:
0xb9: {  	v9 =	vld.idx.msk [tilespmem:v7+s4+$0x0], $0xffff;
	[tilespmem:s29+$0xFFFFFFF0] =	vst v6;
	(pc) =	sbr.rel @p0 .LBB2_8-.Ltmp7, $4  }
0xba: {  	v8 =	vld.idx.msk [tilespmem:v3+s4+$0x0], $0xffff  }
0xbb: {  	v5 =	vld.idx.msk [tilespmem:v2+s4+$0x0], $0xffff;
	v3 =	vmov v12  }
0xbc: {  	v4 =	vld.idx.msk [tilespmem:v10+s4+$0x0], $0xffff;
	v2 =	vmov v13  }
0xbd: {  	s16 =	sadd.s32 $0x50, s16;
	v6 =	vld.idx.msk [tilespmem:v11+s4+$0x0], $0xffff;
	v7 =	vmov v14  }
0xbe: {  	_ =	sdelay $0x3  }
0xbf: {  	[tilespmem:s29+$0xFFFFFFE0] =	vst v9;
	v7 =	vld.idx.msk [tilespmem:v7+s4+$0x0], $0xffff  }
0xc0: {  	v3 =	vld.idx.msk [tilespmem:v3+s4+$0x0], $0xffff;
	[tilespmem:s29+$0x0] =	vst v8  }
0xc1: {  	s9 =	sadd.s32 $0x50, s29;
	v2 =	vld.idx.msk [tilespmem:v2+s4+$0x0], $0xffff;
	[tilespmem:s29+$0x10] =	vst v5  }
0xc2: {  	[tilespmem:s9+$0x20] =	vst v4  }
0xc3: {  	[tilespmem:s9+$0xFFFFFFF0] =	vst v6  }
0xc4: {  	[tilespmem:s9+$0xFFFFFFE0] =	vst v7  }
0xc5: {  	[tilespmem:s9+$0x0] =	vst v3  }
0xc6: {  	[tilespmem:s9+$0x10] =	vst v2  }
0xc7: {  	[spmem:s1] =	stream.indirect.scatter.add.f32 [tilespmem:s23], [sflag:$0x7], $0x1, s0, s11, $0xb8;
	[tilespmem:$0x1DF80] =	vst v63  }
0xc8: {  	_ = 	snop  }
0xc9: {  	[spmem:s2] =	stream.indirect.scatter.add.f32 [tilespmem:s14], [sflag:$0xB], $0x1, s0, s11, $0xb8;
	[tilespmem:$0x1DF80] =	vst v63  }
.LBB2_10:
0xca: {  	p2 =	seq.s32 s25, $0x0  }
0xcb: {  	p0 =	sgt.u32 @!p2 s28, $0xFC  }
0xcc: {  	p3 =	por p0, p2  }
0xcd: {  	s9 =	simm.s32 @!p3 $0x9  }
0xce: {  	s28 =	sor.u32 $0x2, s26;
	_ =	swait.ge @!p3 [sflag:s9], $0x320  }
0xcf: {  	p0 =	sgt.u32 s28, $0xF9;
	[sflag:s9] =	ssyncset.done @!p3 $0x0  }
0xd0: {  	s16 =	smul.u32 @!p0 $0x320, s28;
	[sflag:s9] =	ssyncadd.s32 @!p3 $0xFFFFFCE0;
	s9 =	simm.s32 @!p3 $0xD  }
0xd1: {  	_ =	swait.ge @!p3 [sflag:s9], $0x320  }
0xd2: {  	s16 =	sadd.s32 @!p0 s6, s16;
	[sflag:s9] =	ssyncset.done @!p3 $0x0  }
.Ltmp8:
0xd3: {  	[sflag:s9] =	ssyncadd.s32 @!p3 $0xFFFFFCE0;
	s9 =	sshrl.u32 @!p0 s16, $0x3;
	(pc) =	sbr.rel @p1 .LBB2_14-.Ltmp8, $4  }
0xd4: {  	s29 =	simm.s32 @!p0 $0x18800;
	s16 =	simm.s32 @!p0 $0x0;
	s9 =	sadd.s32 @!p0 s7, s9  }
0xd5: {  	[tilespmem:s29], [sflag:$0x1] =	stream.linear.gather @!p0 [hbm4b:s9+s16], $0x320, $0x38;
	[tilespmem:$0x1DF80] =	vst v63  }
0xd6: {  	s9 =	sadd.s32 @!p0 $0xC3500, s9;
	s29 =	simm.s32 @!p0 $0x19600  }
0xd7: {  	[tilespmem:s29], [sflag:$0x5] =	stream.linear.gather @!p0 [hbm4b:s9+s16], $0x320, $0x38;
	[tilespmem:$0x1DF80] =	vst v63  }
0xd8: {  	_ =	swait.ge [sflag:s15], $0x320  }
0xd9: {  	[sflag:s15] =	ssyncset.done $0x0  }
0xda: {  	[sflag:s15] =	ssyncadd.s32 $0xFFFFFCE0  }
0xdb: {  	_ =	swait.ge [sflag:s19], $0x320  }
0xdc: {  	[sflag:s19] =	ssyncset.done $0x0  }
0xdd: {  	s9 =	simm.s32 $0x18BA0;
	[sflag:s19] =	ssyncadd.s32 $0xFFFFFCE0  }
0xde: {  	v2 =	vld [tilespmem:s9+$0x20]  }
0xdf: {  	v3 =	vld [tilespmem:s9+$0xFFFFFFF0]  }
0xe0: {  	v4 =	vld [tilespmem:s9+$0x0]  }
0xe1: {  	v5 =	vld [tilespmem:s9+$0x10]  }
0xe2: {  	s16 =	simm.s32 $0x18BF0;
	v6 =	vld [tilespmem:s9+$0xFFFFFFE0]  }
0xe3: {  	v12 =	vld [tilespmem:s16+$0x20]  }
0xe4: {  	v13 =	vld [tilespmem:s16+$0xFFFFFFF0]  }
0xe5: {  	v7 =	vld [tilespmem:s16+$0xFFFFFFE0]  }
0xe6: {  	v10 =	vld.idx.msk [tilespmem:v2+s4+$0x0], $0xffff  }
0xe7: {  	v11 =	vld.idx.msk [tilespmem:v3+s4+$0x0], $0xffff  }
0xe8: {  	v3 =	vld [tilespmem:s16+$0x0]  }
0xe9: {  	v2 =	vld [tilespmem:s16+$0x10]  }
0xea: {  	v9 =	vld.idx.msk [tilespmem:v6+s4+$0x0], $0xffff  }
0xeb: {  	v8 =	vld.idx.msk [tilespmem:v4+s4+$0x0], $0xffff  }
0xec: {  	s29 =	simm.s32 $0x1A0A0;
	v5 =	vld.idx.msk [tilespmem:v5+s4+$0x0], $0xffff  }
0xed: {  	v4 =	vld.idx.msk [tilespmem:v12+s4+$0x0], $0xffff;
	[tilespmem:s29+$0x20] =	vst v10  }
0xee: {  	s9 =	simm.s32 $0x5;
	v6 =	vld.idx.msk [tilespmem:v13+s4+$0x0], $0xffff;
	s16 =	simm.s32 $0x18C40;
	[tilespmem:s29+$0xFFFFFFF0] =	vst v11  }
.LBB2_12:
0xef: {  	v10 =	vld [tilespmem:s16+$0x20];
	s9 =	sadd.s32 $0x5, s9  }
0xf0: {  	v11 =	vld [tilespmem:s16+$0xFFFFFFF0];
	p1 =	slt.u32 s9, $0x2D;
	[tilespmem:s29+$0xFFFFFFE0] =	vst v9  }
0xf1: {  	v12 =	vld [tilespmem:s16+$0x0];
	[tilespmem:s29+$0x0] =	vst v8  }
0xf2: {  	v13 =	vld [tilespmem:s16+$0x10];
	[tilespmem:s29+$0x10] =	vst v5;
	s29 =	sadd.s32 $0x50, s29  }
0xf3: {  	v14 =	vld [tilespmem:s16+$0xFFFFFFE0];
	[tilespmem:s29+$0x20] =	vst v4  }
.Ltmp9:
0xf4: {  	v9 =	vld.idx.msk [tilespmem:v7+s4+$0x0], $0xffff;
	[tilespmem:s29+$0xFFFFFFF0] =	vst v6;
	(pc) =	sbr.rel @p1 .LBB2_12-.Ltmp9, $4  }
0xf5: {  	v8 =	vld.idx.msk [tilespmem:v3+s4+$0x0], $0xffff  }
0xf6: {  	v5 =	vld.idx.msk [tilespmem:v2+s4+$0x0], $0xffff;
	v3 =	vmov v12  }
0xf7: {  	v4 =	vld.idx.msk [tilespmem:v10+s4+$0x0], $0xffff;
	v2 =	vmov v13  }
0xf8: {  	s16 =	sadd.s32 $0x50, s16;
	v6 =	vld.idx.msk [tilespmem:v11+s4+$0x0], $0xffff;
	v7 =	vmov v14  }
0xf9: {  	_ =	sdelay $0x3  }
0xfa: {  	[tilespmem:s29+$0xFFFFFFE0] =	vst v9;
	v7 =	vld.idx.msk [tilespmem:v7+s4+$0x0], $0xffff  }
0xfb: {  	v3 =	vld.idx.msk [tilespmem:v3+s4+$0x0], $0xffff;
	[tilespmem:s29+$0x0] =	vst v8  }
0xfc: {  	s9 =	sadd.s32 $0x50, s29;
	v2 =	vld.idx.msk [tilespmem:v2+s4+$0x0], $0xffff;
	[tilespmem:s29+$0x10] =	vst v5  }
0xfd: {  	[tilespmem:s9+$0x20] =	vst v4  }
0xfe: {  	[tilespmem:s9+$0xFFFFFFF0] =	vst v6  }
0xff: {  	[tilespmem:s9+$0xFFFFFFE0] =	vst v7  }
0x100: {  	[tilespmem:s9+$0x0] =	vst v3  }
0x101: {  	[tilespmem:s9+$0x10] =	vst v2  }
0x102: {  	[spmem:s1] =	stream.indirect.scatter.add.f32 [tilespmem:s20], [sflag:$0x8], $0x1, s8, s11, $0xb8;
	[tilespmem:$0x1DF80] =	vst v63  }
0x103: {  	_ = 	snop  }
0x104: {  	[spmem:s2] =	stream.indirect.scatter.add.f32 [tilespmem:s14], [sflag:$0xC], $0x1, s8, s11, $0xb8;
	[tilespmem:$0x1DF80] =	vst v63  }
.LBB2_14:
0x105: {  	p1 =	sgt.u32 @!p2 s28, $0xFC  }
0x106: {  	p2 =	por p1, p2  }
0x107: {  	s9 =	simm.s32 @!p2 $0xA  }
0x108: {  	s26 =	sor.u32 $0x3, s26;
	_ =	swait.ge @!p2 [sflag:s9], $0x320  }
0x109: {  	p1 =	sgt.u32 s26, $0xF9;
	[sflag:s9] =	ssyncset.done @!p2 $0x0  }
0x10a: {  	s16 =	smul.u32 @!p1 $0x320, s26;
	[sflag:s9] =	ssyncadd.s32 @!p2 $0xFFFFFCE0;
	s9 =	simm.s32 @!p2 $0xE  }
0x10b: {  	_ =	swait.ge @!p2 [sflag:s9], $0x320  }
0x10c: {  	s16 =	sadd.s32 @!p1 s6, s16;
	[sflag:s9] =	ssyncset.done @!p2 $0x0  }
.Ltmp10:
0x10d: {  	[sflag:s9] =	ssyncadd.s32 @!p2 $0xFFFFFCE0;
	s9 =	sshrl.u32 @!p1 s16, $0x3;
	(pc) =	sbr.rel @p0 .LBB2_18-.Ltmp10, $4  }
0x10e: {  	s28 =	simm.s32 @!p1 $0x18B80;
	s16 =	simm.s32 @!p1 $0x0;
	s9 =	sadd.s32 @!p1 s7, s9  }
0x10f: {  	[tilespmem:s28], [sflag:$0x2] =	stream.linear.gather @!p1 [hbm4b:s9+s16], $0x320, $0x38;
	[tilespmem:$0x1DF80] =	vst v63  }
0x110: {  	s9 =	sadd.s32 @!p1 $0xC3500, s9;
	s28 =	simm.s32 @!p1 $0x19980  }
0x111: {  	[tilespmem:s28], [sflag:$0x6] =	stream.linear.gather @!p1 [hbm4b:s9+s16], $0x320, $0x38;
	[tilespmem:$0x1DF80] =	vst v63  }
0x112: {  	_ =	swait.ge [sflag:s5], $0x320  }
0x113: {  	[sflag:s5] =	ssyncset.done $0x0  }
0x114: {  	[sflag:s5] =	ssyncadd.s32 $0xFFFFFCE0  }
0x115: {  	_ =	swait.ge [sflag:s10], $0x320  }
0x116: {  	[sflag:s10] =	ssyncset.done $0x0  }
0x117: {  	s9 =	simm.s32 $0x18820;
	[sflag:s10] =	ssyncadd.s32 $0xFFFFFCE0  }
0x118: {  	v2 =	vld [tilespmem:s9+$0x20]  }
0x119: {  	v3 =	vld [tilespmem:s9+$0xFFFFFFF0]  }
0x11a: {  	v4 =	vld [tilespmem:s9+$0x0]  }
0x11b: {  	v5 =	vld [tilespmem:s9+$0x10]  }
0x11c: {  	s29 =	simm.s32 $0x18870;
	v6 =	vld [tilespmem:s9+$0xFFFFFFE0]  }
0x11d: {  	v12 =	vld [tilespmem:s29+$0x20]  }
0x11e: {  	v13 =	vld [tilespmem:s29+$0xFFFFFFF0]  }
0x11f: {  	v7 =	vld [tilespmem:s29+$0xFFFFFFE0]  }
0x120: {  	v10 =	vld.idx.msk [tilespmem:v2+s4+$0x0], $0xffff  }
0x121: {  	v11 =	vld.idx.msk [tilespmem:v3+s4+$0x0], $0xffff  }
0x122: {  	v3 =	vld [tilespmem:s29+$0x0]  }
0x123: {  	v2 =	vld [tilespmem:s29+$0x10]  }
0x124: {  	v9 =	vld.idx.msk [tilespmem:v6+s4+$0x0], $0xffff  }
0x125: {  	v8 =	vld.idx.msk [tilespmem:v4+s4+$0x0], $0xffff  }
0x126: {  	s28 =	simm.s32 $0x1A420;
	v5 =	vld.idx.msk [tilespmem:v5+s4+$0x0], $0xffff  }
0x127: {  	v4 =	vld.idx.msk [tilespmem:v12+s4+$0x0], $0xffff;
	[tilespmem:s28+$0x20] =	vst v10  }
0x128: {  	s16 =	simm.s32 $0x188C0;
	s9 =	simm.s32 $0x5;
	v6 =	vld.idx.msk [tilespmem:v13+s4+$0x0], $0xffff;
	[tilespmem:s28+$0xFFFFFFF0] =	vst v11  }
.LBB2_16:
0x129: {  	v10 =	vld [tilespmem:s16+$0x20];
	s9 =	sadd.s32 $0x5, s9  }
0x12a: {  	v11 =	vld [tilespmem:s16+$0xFFFFFFF0];
	p0 =	slt.u32 s9, $0x2D;
	[tilespmem:s28+$0xFFFFFFE0] =	vst v9  }
0x12b: {  	v12 =	vld [tilespmem:s16+$0x0];
	[tilespmem:s28+$0x0] =	vst v8  }
0x12c: {  	v13 =	vld [tilespmem:s16+$0x10];
	[tilespmem:s28+$0x10] =	vst v5;
	s28 =	sadd.s32 $0x50, s28  }
0x12d: {  	v14 =	vld [tilespmem:s16+$0xFFFFFFE0];
	[tilespmem:s28+$0x20] =	vst v4  }
.Ltmp11:
0x12e: {  	v9 =	vld.idx.msk [tilespmem:v7+s4+$0x0], $0xffff;
	[tilespmem:s28+$0xFFFFFFF0] =	vst v6;
	(pc) =	sbr.rel @p0 .LBB2_16-.Ltmp11, $4  }
0x12f: {  	v8 =	vld.idx.msk [tilespmem:v3+s4+$0x0], $0xffff  }
0x130: {  	v5 =	vld.idx.msk [tilespmem:v2+s4+$0x0], $0xffff;
	v3 =	vmov v12  }
0x131: {  	v4 =	vld.idx.msk [tilespmem:v10+s4+$0x0], $0xffff;
	v2 =	vmov v13  }
0x132: {  	s16 =	sadd.s32 $0x50, s16;
	v6 =	vld.idx.msk [tilespmem:v11+s4+$0x0], $0xffff;
	v7 =	vmov v14  }
0x133: {  	_ =	sdelay $0x3  }
0x134: {  	[tilespmem:s28+$0xFFFFFFE0] =	vst v9;
	v7 =	vld.idx.msk [tilespmem:v7+s4+$0x0], $0xffff  }
0x135: {  	v3 =	vld.idx.msk [tilespmem:v3+s4+$0x0], $0xffff;
	[tilespmem:s28+$0x0] =	vst v8  }
0x136: {  	s9 =	sadd.s32 $0x50, s28;
	v2 =	vld.idx.msk [tilespmem:v2+s4+$0x0], $0xffff;
	[tilespmem:s28+$0x10] =	vst v5  }
0x137: {  	[tilespmem:s9+$0x20] =	vst v4  }
0x138: {  	[tilespmem:s9+$0xFFFFFFF0] =	vst v6  }
0x139: {  	[tilespmem:s9+$0xFFFFFFE0] =	vst v7  }
0x13a: {  	[tilespmem:s9+$0x0] =	vst v3  }
0x13b: {  	[tilespmem:s9+$0x10] =	vst v2  }
0x13c: {  	[spmem:s1] =	stream.indirect.scatter.add.f32 [tilespmem:s13], [sflag:$0x9], $0x1, s12, s11, $0xb8;
	[tilespmem:$0x1DF80] =	vst v63  }
0x13d: {  	_ = 	snop  }
0x13e: {  	[spmem:s2] =	stream.indirect.scatter.add.f32 [tilespmem:s14], [sflag:$0xD], $0x1, s12, s11, $0xb8;
	[tilespmem:$0x1DF80] =	vst v63  }
.LBB2_18:
0x13f: {  	p2 =	sgt.u32 s26, $0xFC  }
0x140: {  	s9 =	simm.s32 @!p2 $0x7  }
0x141: {  	_ =	swait.ge @!p2 [sflag:s9], $0x320  }
0x142: {  	p0 =	sgt.u32 s25, $0x3D;
	[sflag:s9] =	ssyncset.done @!p2 $0x0  }
0x143: {  	s16 =	smul.u32 @!p0 $0xC80, s25;
	[sflag:s9] =	ssyncadd.s32 @!p2 $0xFFFFFCE0;
	s9 =	simm.s32 @!p2 $0xB  }
0x144: {  	_ =	swait.ge @!p2 [sflag:s9], $0x320  }
0x145: {  	s16 =	sadd.s32 @!p0 s16, s30;
	[sflag:s9] =	ssyncset.done @!p2 $0x0  }
.Ltmp12:
0x146: {  	[sflag:s9] =	ssyncadd.s32 @!p2 $0xFFFFFCE0;
	s9 =	sshrl.u32 @!p0 s16, $0x3;
	(pc) =	sbr.rel @p1 .LBB2_22-.Ltmp12, $4  }
0x147: {  	s26 =	simm.s32 @!p0 $0x18800;
	s16 =	simm.s32 @!p0 $0x0;
	s9 =	sadd.s32 @!p0 s7, s9  }
0x148: {  	[tilespmem:s26], [sflag:$0x1] =	stream.linear.gather @!p0 [hbm4b:s9+s16], $0x320, $0x38;
	[tilespmem:$0x1DF80] =	vst v63  }
0x149: {  	s9 =	sadd.s32 @!p0 $0xC3500, s9;
	s26 =	simm.s32 @!p0 $0x18F00  }
0x14a: {  	[tilespmem:s26], [sflag:$0x3] =	stream.linear.gather @!p0 [hbm4b:s9+s16], $0x320, $0x38;
	[tilespmem:$0x1DF80] =	vst v63  }
0x14b: {  	_ =	swait.ge [sflag:s15], $0x320  }
0x14c: {  	[sflag:s15] =	ssyncset.done $0x0  }
0x14d: {  	[sflag:s15] =	ssyncadd.s32 $0xFFFFFCE0  }
0x14e: {  	_ =	swait.ge [sflag:s17], $0x320  }
0x14f: {  	[sflag:s17] =	ssyncset.done $0x0  }
0x150: {  	s9 =	simm.s32 $0x18BA0;
	[sflag:s17] =	ssyncadd.s32 $0xFFFFFCE0  }
0x151: {  	v2 =	vld [tilespmem:s9+$0x20]  }
0x152: {  	v3 =	vld [tilespmem:s9+$0xFFFFFFF0]  }
0x153: {  	v4 =	vld [tilespmem:s9+$0x0]  }
0x154: {  	v5 =	vld [tilespmem:s9+$0x10]  }
0x155: {  	s29 =	simm.s32 $0x18BF0;
	v6 =	vld [tilespmem:s9+$0xFFFFFFE0]  }
0x156: {  	v12 =	vld [tilespmem:s29+$0x20]  }
0x157: {  	v13 =	vld [tilespmem:s29+$0xFFFFFFF0]  }
0x158: {  	v7 =	vld [tilespmem:s29+$0xFFFFFFE0]  }
0x159: {  	v10 =	vld.idx.msk [tilespmem:v2+s4+$0x0], $0xffff  }
0x15a: {  	v11 =	vld.idx.msk [tilespmem:v3+s4+$0x0], $0xffff  }
0x15b: {  	v3 =	vld [tilespmem:s29+$0x0]  }
0x15c: {  	v2 =	vld [tilespmem:s29+$0x10]  }
0x15d: {  	v9 =	vld.idx.msk [tilespmem:v6+s4+$0x0], $0xffff  }
0x15e: {  	v8 =	vld.idx.msk [tilespmem:v4+s4+$0x0], $0xffff  }
0x15f: {  	s26 =	simm.s32 $0x1A7A0;
	v5 =	vld.idx.msk [tilespmem:v5+s4+$0x0], $0xffff  }
0x160: {  	v4 =	vld.idx.msk [tilespmem:v12+s4+$0x0], $0xffff;
	[tilespmem:s26+$0x20] =	vst v10  }
0x161: {  	s16 =	simm.s32 $0x18C40;
	s9 =	simm.s32 $0x5;
	v6 =	vld.idx.msk [tilespmem:v13+s4+$0x0], $0xffff;
	[tilespmem:s26+$0xFFFFFFF0] =	vst v11  }
.LBB2_20:
0x162: {  	v10 =	vld [tilespmem:s16+$0x20];
	s9 =	sadd.s32 $0x5, s9  }
0x163: {  	v11 =	vld [tilespmem:s16+$0xFFFFFFF0];
	p0 =	slt.u32 s9, $0x2D;
	[tilespmem:s26+$0xFFFFFFE0] =	vst v9  }
0x164: {  	v12 =	vld [tilespmem:s16+$0x0];
	[tilespmem:s26+$0x0] =	vst v8  }
0x165: {  	v13 =	vld [tilespmem:s16+$0x10];
	[tilespmem:s26+$0x10] =	vst v5;
	s26 =	sadd.s32 $0x50, s26  }
0x166: {  	v14 =	vld [tilespmem:s16+$0xFFFFFFE0];
	[tilespmem:s26+$0x20] =	vst v4  }
.Ltmp13:
0x167: {  	v9 =	vld.idx.msk [tilespmem:v7+s4+$0x0], $0xffff;
	[tilespmem:s26+$0xFFFFFFF0] =	vst v6;
	(pc) =	sbr.rel @p0 .LBB2_20-.Ltmp13, $4  }
0x168: {  	v8 =	vld.idx.msk [tilespmem:v3+s4+$0x0], $0xffff  }
0x169: {  	v5 =	vld.idx.msk [tilespmem:v2+s4+$0x0], $0xffff;
	v3 =	vmov v12  }
0x16a: {  	v4 =	vld.idx.msk [tilespmem:v10+s4+$0x0], $0xffff;
	v2 =	vmov v13  }
0x16b: {  	s16 =	sadd.s32 $0x50, s16;
	v6 =	vld.idx.msk [tilespmem:v11+s4+$0x0], $0xffff;
	v7 =	vmov v14  }
0x16c: {  	_ =	sdelay $0x3  }
0x16d: {  	[tilespmem:s26+$0xFFFFFFE0] =	vst v9;
	v7 =	vld.idx.msk [tilespmem:v7+s4+$0x0], $0xffff  }
0x16e: {  	v3 =	vld.idx.msk [tilespmem:v3+s4+$0x0], $0xffff;
	[tilespmem:s26+$0x0] =	vst v8  }
0x16f: {  	s9 =	sadd.s32 $0x50, s26;
	v2 =	vld.idx.msk [tilespmem:v2+s4+$0x0], $0xffff;
	[tilespmem:s26+$0x10] =	vst v5  }
0x170: {  	[tilespmem:s9+$0x20] =	vst v4  }
0x171: {  	[tilespmem:s9+$0xFFFFFFF0] =	vst v6  }
0x172: {  	[tilespmem:s9+$0xFFFFFFE0] =	vst v7  }
.Ltmp14:
0x173: {  	[tilespmem:s9+$0x0] =	vst v3;
	(pc) =	sbr.rel .LBB2_22-.Ltmp14, $4  }
0x174: {  	[tilespmem:s9+$0x10] =	vst v2  }
0x175: {  	[spmem:s1] =	stream.indirect.scatter.add.f32 [tilespmem:s3], [sflag:$0xA], $0x1, s18, s11, $0xb8;
	[tilespmem:$0x1DF80] =	vst v63  }
0x176: {  	_ = 	snop  }
0x177: {  	[spmem:s2] =	stream.indirect.scatter.add.f32 [tilespmem:s14], [sflag:$0xE], $0x1, s18, s11, $0xb8;
	[tilespmem:$0x1DF80] =	vst v63  }
.LBB2_24:
0x178: {  	_ =	sfence.sel $0x180000  }
0x179: {  	[bflag:$0x0] =	sbarrier.arrive $0xFFFF  }
0x17a: {  	_ =	strace $0x9000004A  }
0x17b: {  	s0 =	stileid.u32;
	[bflag:$0x2] =	sbarrier.arrive $0xFFFF  }
0x17c: {  	p0 =	sne.s32 s0, $0x0;
	s0 =	rddreg [dreg:$0x3]  }
0x17d: {  	s0 =	sadd.s32 @!p0 $0x100000, s0  }
0x17e: {  	[sflag:s0] =	ssyncadd.tile.s32 @!p0 $0x1;
	_ =	shalt  }
.Lfunc_end2:
_tile_overlayer_lowered:
.L_overlay_start_2:
0x17f: {  	(tag) =	ssettag $0x2  }
0x180: {  	s0 =	rddreg [dreg:$0x0];
	s2 =	stileid.u32  }
0x181: {  	s1 =	rddreg [dreg:$0x1];
	p0 =	sne.s32 s2, $0x0  }
0x182: {  	s3 =	rddreg [dreg:$0x2];
	[bflag:$0x3] =	sbarrier.arrive $0xFFFF;
	s2 =	simm.s32 @!p0 $0x1C0F  }
0x183: {  	[timem:s3], [sflag:s2] =	dma.local @!p0 [hbm:s0], s1  }
0x184: {  	s0 =	simm.s32 @!p0 $0xF  }
0x185: {  	_ =	swait.ge @!p0 [sflag:s0], s1  }
0x186: {  	s1 =	ssub.s32 @!p0 $0x0, s1;
	[sflag:s0] =	ssyncset.done @!p0 $0x0  }
0x187: {  	[sflag:s0] =	ssyncadd.s32 @!p0 s1  }
0x188: {  	[bflag:$0x3] =	sbarrier.arrive $0xFFFF  }
0x189: {  	_ =	shalt  }

// kernel: kernel.9.cloned.1.call-start
scs
__scs_entry_jumppad:
0x0: {  	(pc) =	sbr.rel $0x88, $3  }
0x1: {  	(tag) =	ssettag $0x0;
	lr =	simm.s32 $0x1  }
0x2: {  	[smem:$0x3F9B] =	sst lr;
	_ =	strace $0xD0000000  }
0x3: {  	_ = 	snop  }
0x4: {  	_ = 	snop  }
0x5: {  	_ = 	snop  }
0x6: {  	_ = 	snop  }
0x7: {  	_ = 	snop  }
__scs_overlays_trampoline_lowered:
0x8: {  	[smem:$0x3FAA] =	sst s0  }
0x9: {  	[smem:$0x3FAB] =	sst s1  }
0xa: {  	[smem:$0x3FAC] =	sst s2  }
0xb: {  	[smem:$0x3FAD] =	sst s3  }
0xc: {  	[smem:$0x3FAE] =	sst s4  }
0xd: {  	[smem:$0x3FAF] =	sst s5  }
0xe: {  	[smem:$0x3FB0] =	sst s6  }
0xf: {  	[smem:$0x3FB1] =	sst s7  }
0x10: {  	[smem:$0x3FB2] =	sst s8  }
0x11: {  	[smem:$0x3FB3] =	sst s9;
	s0 =	simm.s32 @!p0 $0x0  }
0x12: {  	s1 =	sld [smem:$0x3F99];
	s0 =	simm.s32 @p0 $0x1  }
0x13: {  	[smem:$0x3FB4] =	sst s0;
	s0 =	simm.s32 @!p1 $0x0  }
0x14: {  	s2 =	sld [smem:$0x3F98];
	s0 =	simm.s32 @p1 $0x1  }
0x15: {  	[smem:$0x3FB5] =	sst s0;
	s0 =	simm.s32 @!p2 $0x0  }
0x16: {  	s3 =	sld [smem:$0x3FDB];
	s0 =	simm.s32 @p2 $0x1  }
0x17: {  	s4 =	simm.s32 $0x1BF5;
	[smem:$0x3FB7] =	sst s0  }
0x18: {  	s0 =	sld [smem:$0x3F9A];
	_ =	swait.ge [sflag:s4], $0x0  }
0x19: {  	s7 =	sld [smem:$0x3F9B]  }
0x1a: {  	s8 =	sadd.s32 $0xFFFFE003, lr  }
0x1b: {  	s9 =	sadd.s32 $0xFFFFFEF7, lr;
	s5 =	simm.s32 $0xFFFFFFFF;
	p2 =	slt.u32 s8, $0xFFFFF086  }
0x1c: {  	p1 =	slt.u32 s9, $0xF7A;
	s5 =	simm.s32 @!p2 $0x0  }
0x1d: {  	s5 =	simm.s32 @p1 $0x1;
	p0 =	seq.s32 s7, s2  }
0x1e: {  	s7 =	smul.u32 @!p0 $0xF7A, s2;
	p2 =	seq.s32 @!p0 s5, $0x0  }
0x1f: {  	s9 =	smul.u32 $0xF7A, s1;
	s8 =	simm.s32 @!p0 $0x1BF5;
	p2 =	por !p2, p0  }
0x20: {  	[sflag:s8] =	ssyncset.s32 @!p0 $0xFFFFF086;
	s6 =	sadd.s32 @!p0 s3, s7;
	s7 =	simm.s32 @!p0 $0x108  }
0x21: {  	s3 =	sadd.s32 s3, s9;
	s6 =	sadd.s32 @!p0 $0x88, s6;
	s7 =	simm.s32 @p2 $0x1082  }
0x22: {  	[simem:s7], [sflag:s8] =	dma.local @!p0 [hbm:s6], $0xF7A  }
0x23: {  	s9 =	sor.u32 $0xD0000000, s2;
	s6 =	simm.s32 $0x108;
	_ =	swait.ge @!p0 [sflag:s8], $0x0  }
0x24: {  	s3 =	sadd.s32 $0x88, s3;
	s6 =	simm.s32 @!p1 $0x1082;
	[sflag:s4] =	ssyncset.s32 $0xFFFFF086  }
0x25: {  	[simem:s6], [sflag:s4] =	dma.local [hbm:s3], $0xF7A  }
0x26: {  	[smem:$0x3F9B] =	sst s1;
	(tag) =	ssettag s2;
	_ =	strace s9  }
0x27: {  	s1 =	sld [smem:$0x3FAB]  }
0x28: {  	s2 =	sld [smem:$0x3FAC]  }
0x29: {  	s4 =	sld [smem:$0x3FAE]  }
0x2a: {  	p0 =	seq.s32 s5, $0x0;
	s5 =	sld [smem:$0x3FAF]  }
0x2b: {  	s6 =	sld [smem:$0x3FB0]  }
0x2c: {  	s7 =	sld [smem:$0x3FB1]  }
0x2d: {  	s3 =	simm.s32 $0x108;
	s8 =	sld [smem:$0x3FB2]  }
0x2e: {  	s3 =	simm.s32 @!p0 $0x1082;
	s9 =	sld [smem:$0x3FB3]  }
0x2f: {  	lr =	sadd.s32 s0, s3;
	s0 =	sld [smem:$0x3FAA]  }
0x30: {  	s3 =	sld [smem:$0x3FAD]  }
0x31: {  	[smem:$0x3FB6] =	sst s10  }
0x32: {  	s10 =	sld [smem:$0x3FB4];
	_ =	sdelay $0x3  }
0x33: {  	p0 =	seq.s32 s10, $0x1;
	s10 =	sld [smem:$0x3FB6];
	_ =	sdelay $0x3  }
0x34: {  	[smem:$0x3FB6] =	sst s10  }
0x35: {  	s10 =	sld [smem:$0x3FB5];
	_ =	sdelay $0x3  }
0x36: {  	p1 =	seq.s32 s10, $0x1;
	s10 =	sld [smem:$0x3FB6];
	_ =	sdelay $0x3  }
0x37: {  	[smem:$0x3FB6] =	sst s10  }
0x38: {  	s10 =	sld [smem:$0x3FB7]  }
0x39: {  	_ = 	snop;
	(pc) =	sbr.ind lr, $3  }
0x3a: {  	_ = 	snop  }
0x3b: {  	_ = 	snop  }
0x3c: {  	p2 =	seq.s32 s10, $0x1;
	s10 =	sld [smem:$0x3FB6]  }
0x3d: {  	_ =	shalt  }
0x3e: {  	_ =	shalt  }
0x3f: {  	_ =	shalt  }
0x40: {  	_ =	shalt  }
0x41: {  	_ =	shalt  }
0x42: {  	_ =	shalt  }
0x43: {  	_ =	shalt  }
0x44: {  	_ =	shalt  }
0x45: {  	_ =	shalt  }
0x46: {  	_ =	shalt  }
0x47: {  	_ =	shalt  }
0x48: {  	_ =	shalt  }
0x49: {  	_ =	shalt  }
0x4a: {  	_ =	shalt  }
0x4b: {  	_ =	shalt  }
0x4c: {  	_ =	shalt  }
0x4d: {  	_ =	shalt  }
0x4e: {  	_ =	shalt  }
0x4f: {  	_ =	shalt  }
0x50: {  	_ =	shalt  }
0x51: {  	_ =	shalt  }
0x52: {  	_ =	shalt  }
0x53: {  	_ =	shalt  }
0x54: {  	_ =	shalt  }
0x55: {  	_ =	shalt  }
0x56: {  	_ =	shalt  }
0x57: {  	_ =	shalt  }
0x58: {  	_ =	shalt  }
0x59: {  	_ =	shalt  }
0x5a: {  	_ =	shalt  }
0x5b: {  	_ =	shalt  }
0x5c: {  	_ =	shalt  }
0x5d: {  	_ =	shalt  }
0x5e: {  	_ =	shalt  }
0x5f: {  	_ =	shalt  }
0x60: {  	_ =	shalt  }
0x61: {  	_ =	shalt  }
0x62: {  	_ =	shalt  }
0x63: {  	_ =	shalt  }
0x64: {  	_ =	shalt  }
0x65: {  	_ =	shalt  }
0x66: {  	_ =	shalt  }
0x67: {  	_ =	shalt  }
0x68: {  	_ =	shalt  }
0x69: {  	_ =	shalt  }
0x6a: {  	_ =	shalt  }
0x6b: {  	_ =	shalt  }
0x6c: {  	_ =	shalt  }
0x6d: {  	_ =	shalt  }
0x6e: {  	_ =	shalt  }
0x6f: {  	_ =	shalt  }
0x70: {  	_ =	shalt  }
0x71: {  	_ =	shalt  }
0x72: {  	_ =	shalt  }
0x73: {  	_ =	shalt  }
0x74: {  	_ =	shalt  }
0x75: {  	_ =	shalt  }
0x76: {  	_ =	shalt  }
0x77: {  	_ =	shalt  }
0x78: {  	_ =	shalt  }
0x79: {  	_ =	shalt  }
0x7a: {  	_ =	shalt  }
0x7b: {  	_ =	shalt  }
0x7c: {  	_ =	shalt  }
0x7d: {  	_ =	shalt  }
0x7e: {  	_ =	shalt  }
0x7f: {  	_ =	shalt  }
0x80: {  	_ =	shalt  }
0x81: {  	_ =	shalt  }
0x82: {  	_ =	shalt  }
0x83: {  	_ =	shalt  }
0x84: {  	_ =	shalt  }
0x85: {  	_ =	shalt  }
0x86: {  	_ =	shalt  }
0x87: {  	_ =	shalt  }
.Lfunc_end0:
.L_simem_size_0:
called_computation.2_lowered:
.L_overlay_start_0:
0x88: {  	s2 =	sld [smem:$0x3FD9]  }
0x89: {  	s3 =	sld [smem:$0x3FFE];
	_ =	sdelay $0x1  }
0x8a: {  	s1 =	srdreg.scid  }
0x8b: {  	s0 =	sand.u32 $0x1, s1  }
0x8c: {  	s16 =	sshll.u32 s0, $0xA;
	s2 =	sadd.s32 s3, s2  }
0x8d: {  	s2 =	sadd.s32 s2, s16  }
0x8e: {  	[smem:$0x3FC2] =	sst s2  }
0x8f: {  	_ = 	snop  }
0x90: {  	(tm) =	ssettm $0x1  }
0x91: {  	s17 =	sld [smem:$0x3FFB];
	_ =	sdelay $0x3  }
0x92: {  	_ =	strace s17  }
0x93: {  	s2 =	sld [smem:$0x3FFC];
	_ =	sdelay $0x3  }
0x94: {  	_ =	strace s2  }
0x95: {  	s2 =	sld [smem:$0x3FFD];
	_ =	sdelay $0x3  }
0x96: {  	_ =	strace s2  }
0x97: {  	_ =	strace $0x8FFFFFFF  }
0x98: {  	s18 =	sld [smem:$0x3FDB];
	_ =	sdelay $0x1  }
0x99: {  	s19 =	simm.s32 $_scs_section_size  }
0x9a: {  	s4 =	simm.s32 $_size__tile_overlayer_lowered;
	s5 =	simm.s32 $_tile_overlayer_lowered  }
0x9b: {  	s22 =	simm.s32 $0x1BFF;
	s21 =	sshll.u32 s5, $0x1;
	s2 =	sadd.s32 s19, s18  }
0x9c: {  	s6 =	simm.s32 $0x0;
	s20 =	sshll.u32 s4, $0x1;
	s4 =	sadd.s32 s21, s2  }
0x9d: {  	[timem:s6], [sflag:s22] =	dma.local [hbm:s4], s20  }
0x9e: {  	_ =	swait.ge [sflag:s22], s20  }
0x9f: {  	s3 =	ssub.s32 $0x0, s20;
	[sflag:s22] =	ssyncset.done $0x0  }
0xa0: {  	[sflag:s22] =	ssyncadd.s32 s3;
	_ =	sdelay $0x1  }
0xa1: {  	s23 =	simm.s32 $0x1B8B  }
0xa2: {  	_ =	swait.ge [sflag:s23], $0x1  }
0xa3: {  	[sflag:s23] =	ssyncset.done $0x0  }
0xa4: {  	s25 =	simm.s32 $0x1B8E;
	s24 =	sld [smem:$0x3FFE];
	[sflag:s23] =	ssyncadd.s32 $0xFFFFFFFF  }
0xa5: {  	s26 =	simm.s32 $execute0_lowered;
	[smem:$0x3FD2] =	sst s25  }
0xa6: {  	s4 =	sshll.u32 s26, $0x1;
	_ =	strace $0x8000004C;
	[dreg:$0x1] =	wrdreg $0xFFFFFFFF  }
0xa7: {  	s28 =	simm.s32 $_size_execute0_lowered;
	s2 =	sadd.s32 s2, s4;
	[dreg:$0x0] =	wrdreg $0x0  }
0xa8: {  	s4 =	sshll.u32 s28, $0x1;
	[dreg:$0x2] =	wrdreg s2  }
0xa9: {  	[dreg:$0x3] =	wrdreg s4  }
0xaa: {  	[dreg:$0x4] =	wrdreg $0xC0  }
0xab: {  	_ =	task [dreg:s6], $0x5FFFF  }
0xac: {  	[dreg:$0x1] =	wrdreg $0xFFFFFFFF  }
0xad: {  	[dreg:$0x0] =	wrdreg $0x60  }
0xae: {  	[dreg:$0x2] =	wrdreg s24  }
0xaf: {  	[dreg:$0x3] =	wrdreg $0x1D6000  }
0xb0: {  	[dreg:$0x4] =	wrdreg $0x9  }
0xb1: {  	_ =	task.clear_ibuf [dreg:s6], $0x5FFFF;
	_ =	strace $0x9000004C  }
0xb2: {  	s29 =	simm.s32 $0x9;
	_ =	strace $0x8000004E  }
0xb3: {  	_ =	swait.ge [sflag:s29], $0x1  }
0xb4: {  	[sflag:s29] =	ssyncadd.s32 $0xFFFFFFFF  }
0xb5: {  	_ =	strace $0x9000004E  }
0xb6: {  	_ =	sfence  }
0xb7: {  	s30 =	sld [smem:$0x0];
	_ =	sdelay $0x2  }
0xb8: {  	s31 =	sshll.u32 s1, $0xD;
	s1 =	sshrl.u32 s1, $0x2  }
0xb9: {  	s3 =	sand.u32 $0x4000, s31;
	s1 =	sadd.s32 s1, s30  }
0xba: {  	s0 =	sor.u32 s3, s0;
	s1 =	sshll.u32 s1, $0x11  }
0xbb: {  	s0 =	sor.u32 s1, s0  }
0xbc: {  	s0 =	sadd.s32 $0x8F2B, s0  }
0xbd: {  	[sflag:s0] =	ssyncadd.remote.s32 $0x1  }
0xbe: {  	_ =	sfence.sel $0xFFFF  }
0xbf: {  	[dreg:$0x0] =	wrdreg $0xFFFFFFFF;
	(pc) =	sbr.abs _section_cstart, $3  }
0xc0: {  	[dreg:$0x1] =	wrdreg $0xFFFFFFFF  }
0xc1: {  	_ =	task.clear_ibuf [dreg:s6], $0x2FFFF;
	_ =	strace $0x9FFFFFFF  }
0xc2: {  	(tm) =	ssettm $0x7FFFFFFF  }
0xc3: {  	_ =	shalt  }
tec
execute0_lowered:
.L_overlay_start_1:
0x0: {  	(tag) =	ssettag $0x1  }
0x1: {  	s0 =	rddreg [dreg:$0x0]  }
0x2: {  	s2 =	rddreg [dreg:$0x1];
	s3 =	simm.s32 $0x0  }
0x3: {  	s1 =	srdreg.scid;
	s5 =	stileid.u32;
	s28 =	simm.s32 $0x1CF80  }
0x4: {  	s29 =	simm.s32 $0x18E80;
	s30 =	simm.s32 $0x19B80;
	s31 =	simm.s32 $0x1  }
0x5: {  	s9 =	simm.s32 $0x2;
	s10 =	simm.s32 $0x4;
	s1 =	sand.u32 $0x1, s1  }
0x6: {  	s4 =	smul.u32 $0x1880, s5;
	s5 =	sshll.u32 s5, $0x1;
	[smem:$0x7FF] =	sst s3  }
0x7: {  	s11 =	sadd.s32 $0x188800, s0;
	s6 =	smul.u32 $0x18800, s1;
	s5 =	sor.u32 s1, s5  }
0x8: {  	_ =	strace $0x8000004D;
	[dreg:$0x3] =	wrdreg s11;
	s11 =	sadd.s32 s4, s2  }
0x9: {  	s6 =	sadd.s32 s4, s6;
	s4 =	sadd.s32 $0x640, s11;
	[dreg:$0x6] =	wrdreg s11  }
0xa: {  	s7 =	smul.u32 $0x30D40, s5;
	s14 =	sadd.s32 $0xC80, s11;
	[dreg:$0x7] =	wrdreg s4  }
0xb: {  	s1 =	ssub.s32 $0x2, s1;
	s15 =	sadd.s32 $0x12C0, s11;
	[dreg:$0x8] =	wrdreg s14  }
0xc: {  	s5 =	sadd.s32 $0x1E00, s0;
	[dreg:$0x9] =	wrdreg s15;
	s16 =	sadd.s32 $0xC80, s7  }
0xd: {  	s12 =	sshrl.u32 s1, $0x1;
	s17 =	sadd.s32 $0x12C0, s7;
	[dreg:$0xa] =	wrdreg s16  }
0xe: {  	s1 =	ssub.s32 s1, s12;
	s18 =	sadd.s32 $0x1900, s7;
	[dreg:$0xb] =	wrdreg s17  }
0xf: {  	s12 =	simm.s32 $0xB;
	s19 =	sadd.s32 $0x1F40, s7;
	[dreg:$0xc] =	wrdreg s18  }
0x10: {  	s6 =	sshrl.u32 s6, $0x3;
	s20 =	sadd.s32 $0x2580, s7;
	[dreg:$0xd] =	wrdreg s19  }
0x11: {  	s8 =	sshrl.u32 s7, $0x3;
	s21 =	sadd.s32 $0x2BC0, s7;
	[dreg:$0xe] =	wrdreg s20  }
0x12: {  	s22 =	sadd.s32 $0x3200, s7;
	s23 =	sadd.s32 $0x3840, s7;
	[dreg:$0xf] =	wrdreg s21  }
0x13: {  	s24 =	sadd.s32 $0x3E80, s7;
	s25 =	smax.u32 s1, $0x1;
	[dreg:$0x10] =	wrdreg s22  }
0x14: {  	s26 =	sadd.s32 $0x640, s7;
	s14 =	simm.s32 $0xD;
	[dreg:$0x11] =	wrdreg s23  }
0x15: {  	s1 =	simm.s32 $0x640;
	s7 =	simm.s32 $0x1A200;
	[dreg:$0x12] =	wrdreg s24  }
0x16: {  	s0 =	sadd.s32 s6, s0;
	s8 =	sadd.s32 s5, s8;
	[dreg:$0x14] =	wrdreg s25  }
0x17: {  	[dreg:$0x15] =	wrdreg s26;
	s24 =	simm.s32 $0x18800;
	s25 =	simm.s32 $0x19500  }
0x18: {  	s21 =	simm.s32 $0x1A880;
	s22 =	simm.s32 $0x5;
	s26 =	simm.s32 $0x6  }
.Ltmp0:
0x19: {  	s16 =	simm.s32 $0x1C900;
	s17 =	simm.s32 $0x8;
	(pc) =	sbr.rel .LBB2_1-.Ltmp0, $4  }
0x1a: {  	s18 =	simm.s32 $0x7;
	s19 =	simm.s32 $0x9;
	s20 =	simm.s32 $0xA  }
0x1b: {  	s6 =	simm.s32 $0x0;
	[dreg:$0x4] =	wrdreg s8;
	s13 =	sadd.s32 $0xC3500, s8  }
0x1c: {  	s0 =	sadd.s32 $0x18BA00, s0;
	s8 =	simm.s32 $0x1AF00;
	[dreg:$0x5] =	wrdreg s13  }
0x1d: {  	v0 =	vimm.f32 $0.0e+00;
	[dreg:$0x13] =	wrdreg s0;
	s0 =	simm.s32 $0x3;
	s13 =	simm.s32 $0xC  }
.LBB2_26:
0x1e: {  	_ =	swait.ge [sflag:s20], $0x640  }
0x1f: {  	[sflag:s20] =	ssyncset.done $0x0  }
0x20: {  	[sflag:s20] =	ssyncadd.s32 $0xFFFFF9C0  }
0x21: {  	_ =	swait.ge [sflag:s12], $0x640  }
0x22: {  	[sflag:s12] =	ssyncset.done $0x0  }
0x23: {  	[sflag:s12] =	ssyncadd.s32 $0xFFFFF9C0  }
0x24: {  	_ =	swait.ge [sflag:s13], $0x640  }
0x25: {  	[sflag:s13] =	ssyncset.done $0x0  }
0x26: {  	[sflag:s13] =	ssyncadd.s32 $0xFFFFF9C0  }
0x27: {  	s4 =	stileid.u32;
	[bflag:$0x0] =	sbarrier.arrive $0xFFFF  }
0x28: {  	s4 =	sshll.u32 s4, $0x6;
	s11 =	rddreg [dreg:$0x6]  }
0x29: {  	s4 =	sor.u32 $0x1C0D, s4;
	s14 =	rddreg [dreg:$0x13];
	s6 =	sshrl.u32 s11, $0x3  }
0x2a: {  	[hbm:s14], [sflag:s4] =	dma.local [spmem:s6], $0x310  }
0x2b: {  	s14 =	simm.s32 $0xD  }
0x2c: {  	_ =	swait.ge [sflag:s14], $0x310  }
0x2d: {  	s15 =	rddreg [dreg:$0x16]  }
0x2e: {  	s23 =	rddreg [dreg:$0x14];
	s6 =	sadd.s32 $0x1, s15  }
0x2f: {  	p0 =	sne.s32 s6, s23  }
.Ltmp1:
0x30: {  	_ = 	snop;
	(pc) =	sbr.rel @!p0 .LBB2_27-.Ltmp1, $3  }
0x31: {  	_ =	sdelay $0x1  }
0x32: {  	[sflag:s14] =	ssyncset.done $0x0  }
0x33: {  	[sflag:s14] =	ssyncadd.s32 $0xFFFFFCF0  }
.LBB2_1:
0x34: {  	[dreg:$0x16] =	wrdreg s6  }
0x35: {  	s4 =	rddreg [dreg:$0x4]  }
0x36: {  	[tilespmem:s24], [sflag:$0x1] =	stream.linear.gather [hbm4b:s4+s3], $0x640, $0x38;
	[tilespmem:$0x1EE80] =	vst v63  }
0x37: {  	s15 =	rddreg [dreg:$0x5]  }
0x38: {  	[tilespmem:s25], [sflag:$0x3] =	stream.linear.gather [hbm4b:s15+s3], $0x640, $0x38;
	[tilespmem:$0x1EE80] =	vst v63  }
0x39: {  	s23 =	rddreg [dreg:$0x3]  }
0x3a: {  	[tilespmem:s3], [sflag:$0xD] =	stream.linear.gather [hbm4b:s23+s3], $0x18800, $0x38;
	[tilespmem:$0x1EE80] =	vst v63  }
0x3b: {  	_ =	swait.ge [sflag:s14], $0x18800  }
0x3c: {  	[sflag:s14] =	ssyncset.done $0x0  }
0x3d: {  	s6 =	simm.s32 $0x0;
	s4 =	simm.s32 $0x40;
	[sflag:s14] =	ssyncadd.s32 $0xFFFE7800  }
.LBB2_2:
0x3e: {  	p0 =	sne.s32 s4, $0x18C0;
	[tilespmem:s6+$0x1CF80] =	vst v0;
	s6 =	smov.u32 s4;
	s4 =	sadd.s32 $0x40, s4  }
.Ltmp2:
0x3f: {  	(pc) =	sbr.rel @p0 .LBB2_2-.Ltmp2, $2  }
0x40: {  	_ =	sdelay $0x2  }
0x41: {  	s6 =	sshra.s32 s6, $0x2  }
0x42: {  	[tilespmem:s6+$0x1CF80] =	vst v0  }
0x43: {  	[spmem:s11] =	stream.linear.scatter [tilespmem:s28], [sflag:$0xD], $0x640, $0x38;
	[tilespmem:$0x1EE80] =	vst v63  }
0x44: {  	_ =	swait.ge [sflag:s14], $0x640  }
0x45: {  	[sflag:s14] =	ssyncset.done $0x0  }
0x46: {  	s4 =	rddreg [dreg:$0x7];
	[sflag:s14] =	ssyncadd.s32 $0xFFFFF9C0  }
0x47: {  	[spmem:s4] =	stream.linear.scatter [tilespmem:s28], [sflag:$0xD], $0x640, $0x38;
	[tilespmem:$0x1EE80] =	vst v63  }
0x48: {  	_ =	swait.ge [sflag:s14], $0x640  }
0x49: {  	[sflag:s14] =	ssyncset.done $0x0  }
0x4a: {  	s15 =	rddreg [dreg:$0x8];
	[sflag:s14] =	ssyncadd.s32 $0xFFFFF9C0  }
0x4b: {  	[spmem:s15] =	stream.linear.scatter [tilespmem:s28], [sflag:$0xD], $0x640, $0x38;
	[tilespmem:$0x1EE80] =	vst v63  }
0x4c: {  	_ =	swait.ge [sflag:s14], $0x640  }
0x4d: {  	[sflag:s14] =	ssyncset.done $0x0  }
0x4e: {  	s23 =	rddreg [dreg:$0x9];
	[sflag:s14] =	ssyncadd.s32 $0xFFFFF9C0  }
0x4f: {  	[spmem:s23] =	stream.linear.scatter [tilespmem:s28], [sflag:$0xD], $0x5C0, $0x38;
	[tilespmem:$0x1EE80] =	vst v63  }
0x50: {  	_ =	swait.ge [sflag:s14], $0x5C0  }
0x51: {  	[sflag:s14] =	ssyncset.done $0x0  }
0x52: {  	[sflag:s14] =	ssyncadd.s32 $0xFFFFFA40  }
0x53: {  	s14 =	simm.s32 $0x0;
	[bflag:$0x0] =	sbarrier.arrive $0xFFFF  }
.LBB2_4:
0x54: {  	s4 =	smul.u32 $0xA, s14;
	_ =	sdelay $0x1  }
0x55: {  	s6 =	sadd.s32 $0xFFFFFFFC, s4  }
0x56: {  	p0 =	sgt.u32 s6, $0x7C  }
0x57: {  	s6 =	simm.s32 @!p0 $0x9  }
0x58: {  	s15 =	smul.u32 $0x3E80, s14;
	_ =	swait.ge @!p0 [sflag:s6], $0x640  }
0x59: {  	s11 =	rddreg [dreg:$0x15]  }
0x5a: {  	s11 =	sadd.s32 s11, s15  }
0x5b: {  	[sflag:s6] =	ssyncset.done @!p0 $0x0;
	s11 =	sshrl.u32 s11, $0x3  }
0x5c: {  	[sflag:s6] =	ssyncadd.s32 @!p0 $0xFFFFF9C0;
	s23 =	sadd.s32 s5, s11  }
0x5d: {  	[tilespmem:s29], [sflag:$0x2] =	stream.linear.gather [hbm4b:s23+s3], $0x640, $0x38;
	[tilespmem:$0x1EE80] =	vst v63  }
0x5e: {  	s6 =	sadd.s32 $0xC3500, s23  }
0x5f: {  	[tilespmem:s30], [sflag:$0x4] =	stream.linear.gather [hbm4b:s6+s3], $0x640, $0x38;
	[tilespmem:$0x1EE80] =	vst v63  }
0x60: {  	_ =	swait.ge [sflag:s31], $0x640  }
0x61: {  	[sflag:s31] =	ssyncset.done $0x0  }
0x62: {  	[sflag:s31] =	ssyncadd.s32 $0xFFFFF9C0  }
0x63: {  	_ =	swait.ge [sflag:s0], $0x640  }
0x64: {  	[sflag:s0] =	ssyncset.done $0x0  }
0x65: {  	s11 =	simm.s32 $0x18820;
	[sflag:s0] =	ssyncadd.s32 $0xFFFFF9C0  }
0x66: {  	v1 =	vld [tilespmem:s11+$0x20]  }
0x67: {  	v2 =	vld [tilespmem:s11+$0xFFFFFFF0]  }
0x68: {  	v3 =	vld [tilespmem:s11+$0x0]  }
0x69: {  	v4 =	vld [tilespmem:s11+$0x10]  }
0x6a: {  	s23 =	simm.s32 $0x18870;
	v5 =	vld [tilespmem:s11+$0xFFFFFFE0]  }
0x6b: {  	v11 =	vld [tilespmem:s23+$0x20]  }
0x6c: {  	v12 =	vld [tilespmem:s23+$0xFFFFFFF0]  }
0x6d: {  	v6 =	vld [tilespmem:s23+$0xFFFFFFE0]  }
0x6e: {  	v9 =	vld.idx.msk [tilespmem:v1+s3+$0x0], $0xffff  }
0x6f: {  	v10 =	vld.idx.msk [tilespmem:v2+s3+$0x0], $0xffff  }
0x70: {  	v2 =	vld [tilespmem:s23+$0x0]  }
0x71: {  	v1 =	vld [tilespmem:s23+$0x10]  }
0x72: {  	v8 =	vld.idx.msk [tilespmem:v5+s3+$0x0], $0xffff  }
0x73: {  	v7 =	vld.idx.msk [tilespmem:v3+s3+$0x0], $0xffff  }
0x74: {  	s11 =	simm.s32 $0x1B5A0;
	v4 =	vld.idx.msk [tilespmem:v4+s3+$0x0], $0xffff  }
0x75: {  	v3 =	vld.idx.msk [tilespmem:v11+s3+$0x0], $0xffff;
	[tilespmem:s11+$0x20] =	vst v9  }
0x76: {  	s6 =	simm.s32 $0x188C0;
	s23 =	simm.s32 $0x5;
	v5 =	vld.idx.msk [tilespmem:v12+s3+$0x0], $0xffff;
	[tilespmem:s11+$0xFFFFFFF0] =	vst v10  }
.LBB2_5:
0x77: {  	v9 =	vld [tilespmem:s6+$0x20];
	s23 =	sadd.s32 $0x5, s23  }
0x78: {  	v10 =	vld [tilespmem:s6+$0xFFFFFFF0];
	p0 =	slt.u32 s23, $0x5F;
	[tilespmem:s11+$0xFFFFFFE0] =	vst v8  }
0x79: {  	v11 =	vld [tilespmem:s6+$0x0];
	[tilespmem:s11+$0x0] =	vst v7  }
0x7a: {  	v12 =	vld [tilespmem:s6+$0x10];
	[tilespmem:s11+$0x10] =	vst v4;
	s11 =	sadd.s32 $0x50, s11  }
0x7b: {  	v13 =	vld [tilespmem:s6+$0xFFFFFFE0];
	[tilespmem:s11+$0x20] =	vst v3  }
.Ltmp3:
0x7c: {  	v8 =	vld.idx.msk [tilespmem:v6+s3+$0x0], $0xffff;
	[tilespmem:s11+$0xFFFFFFF0] =	vst v5;
	(pc) =	sbr.rel @p0 .LBB2_5-.Ltmp3, $4  }
0x7d: {  	v7 =	vld.idx.msk [tilespmem:v2+s3+$0x0], $0xffff  }
0x7e: {  	v4 =	vld.idx.msk [tilespmem:v1+s3+$0x0], $0xffff;
	v2 =	vmov v11  }
0x7f: {  	v3 =	vld.idx.msk [tilespmem:v9+s3+$0x0], $0xffff;
	v1 =	vmov v12  }
0x80: {  	s6 =	sadd.s32 $0x50, s6;
	v5 =	vld.idx.msk [tilespmem:v10+s3+$0x0], $0xffff;
	v6 =	vmov v13  }
0x81: {  	_ =	sdelay $0x3  }
0x82: {  	[tilespmem:s11+$0xFFFFFFE0] =	vst v8;
	v6 =	vld.idx.msk [tilespmem:v6+s3+$0x0], $0xffff  }
0x83: {  	v2 =	vld.idx.msk [tilespmem:v2+s3+$0x0], $0xffff;
	[tilespmem:s11+$0x0] =	vst v7  }
0x84: {  	s6 =	sadd.s32 $0x50, s11;
	v1 =	vld.idx.msk [tilespmem:v1+s3+$0x0], $0xffff;
	[tilespmem:s11+$0x10] =	vst v4  }
0x85: {  	[tilespmem:s6+$0x20] =	vst v3  }
0x86: {  	[tilespmem:s6+$0xFFFFFFF0] =	vst v5  }
0x87: {  	[tilespmem:s6+$0xFFFFFFE0] =	vst v6  }
0x88: {  	p0 =	seq.s32 s14, $0x0;
	[tilespmem:s6+$0x0] =	vst v2  }
0x89: {  	s11 =	simm.s32 $0x1B580;
	[tilespmem:s6+$0x10] =	vst v1;
	s6 =	simm.s32 @!p0 $0xA  }
0x8a: {  	[spmem:s2] =	stream.indirect.scatter.add.f32 [tilespmem:s11], [sflag:$0x8], $0x1, s25, s1, $0xb8;
	[tilespmem:$0x1EE80] =	vst v63  }
0x8b: {  	_ =	swait.ge @!p0 [sflag:s6], $0x640  }
0x8c: {  	s23 =	rddreg [dreg:$0xa]  }
0x8d: {  	s11 =	sadd.s32 s15, s23  }
0x8e: {  	[sflag:s6] =	ssyncset.done @!p0 $0x0;
	s11 =	sshrl.u32 s11, $0x3  }
0x8f: {  	[sflag:s6] =	ssyncadd.s32 @!p0 $0xFFFFF9C0;
	s23 =	sadd.s32 s5, s11  }
0x90: {  	[tilespmem:s24], [sflag:$0x1] =	stream.linear.gather [hbm4b:s23+s3], $0x640, $0x38;
	[tilespmem:$0x1EE80] =	vst v63  }
0x91: {  	s6 =	sadd.s32 $0xC3500, s23  }
0x92: {  	[tilespmem:s7], [sflag:$0x5] =	stream.linear.gather [hbm4b:s6+s3], $0x640, $0x38;
	[tilespmem:$0x1EE80] =	vst v63  }
0x93: {  	_ =	swait.ge [sflag:s9], $0x640  }
0x94: {  	[sflag:s9] =	ssyncset.done $0x0  }
0x95: {  	[sflag:s9] =	ssyncadd.s32 $0xFFFFF9C0  }
0x96: {  	_ =	swait.ge [sflag:s10], $0x640  }
0x97: {  	[sflag:s10] =	ssyncset.done $0x0  }
0x98: {  	s11 =	simm.s32 $0x18EA0;
	[sflag:s10] =	ssyncadd.s32 $0xFFFFF9C0  }
0x99: {  	v1 =	vld [tilespmem:s11+$0x20]  }
0x9a: {  	v2 =	vld [tilespmem:s11+$0xFFFFFFF0]  }
0x9b: {  	v3 =	vld [tilespmem:s11+$0x0]  }
0x9c: {  	v4 =	vld [tilespmem:s11+$0x10]  }
0x9d: {  	s23 =	simm.s32 $0x18EF0;
	v5 =	vld [tilespmem:s11+$0xFFFFFFE0]  }
0x9e: {  	v11 =	vld [tilespmem:s23+$0x20]  }
0x9f: {  	v12 =	vld [tilespmem:s23+$0xFFFFFFF0]  }
0xa0: {  	v6 =	vld [tilespmem:s23+$0xFFFFFFE0]  }
0xa1: {  	v9 =	vld.idx.msk [tilespmem:v1+s3+$0x0], $0xffff  }
0xa2: {  	v10 =	vld.idx.msk [tilespmem:v2+s3+$0x0], $0xffff  }
0xa3: {  	v2 =	vld [tilespmem:s23+$0x0]  }
0xa4: {  	v1 =	vld [tilespmem:s23+$0x10]  }
0xa5: {  	v8 =	vld.idx.msk [tilespmem:v5+s3+$0x0], $0xffff  }
0xa6: {  	v7 =	vld.idx.msk [tilespmem:v3+s3+$0x0], $0xffff  }
0xa7: {  	s11 =	simm.s32 $0x1BC20;
	v4 =	vld.idx.msk [tilespmem:v4+s3+$0x0], $0xffff  }
0xa8: {  	v3 =	vld.idx.msk [tilespmem:v11+s3+$0x0], $0xffff;
	[tilespmem:s11+$0x20] =	vst v9  }
0xa9: {  	s6 =	simm.s32 $0x18F40;
	s23 =	simm.s32 $0x5;
	v5 =	vld.idx.msk [tilespmem:v12+s3+$0x0], $0xffff;
	[tilespmem:s11+$0xFFFFFFF0] =	vst v10  }
.LBB2_7:
0xaa: {  	v9 =	vld [tilespmem:s6+$0x20];
	s23 =	sadd.s32 $0x5, s23  }
0xab: {  	v10 =	vld [tilespmem:s6+$0xFFFFFFF0];
	p0 =	slt.u32 s23, $0x5F;
	[tilespmem:s11+$0xFFFFFFE0] =	vst v8  }
0xac: {  	v11 =	vld [tilespmem:s6+$0x0];
	[tilespmem:s11+$0x0] =	vst v7  }
0xad: {  	v12 =	vld [tilespmem:s6+$0x10];
	[tilespmem:s11+$0x10] =	vst v4;
	s11 =	sadd.s32 $0x50, s11  }
0xae: {  	v13 =	vld [tilespmem:s6+$0xFFFFFFE0];
	[tilespmem:s11+$0x20] =	vst v3  }
.Ltmp4:
0xaf: {  	v8 =	vld.idx.msk [tilespmem:v6+s3+$0x0], $0xffff;
	[tilespmem:s11+$0xFFFFFFF0] =	vst v5;
	(pc) =	sbr.rel @p0 .LBB2_7-.Ltmp4, $4  }
0xb0: {  	v7 =	vld.idx.msk [tilespmem:v2+s3+$0x0], $0xffff  }
0xb1: {  	v4 =	vld.idx.msk [tilespmem:v1+s3+$0x0], $0xffff;
	v2 =	vmov v11  }
0xb2: {  	v3 =	vld.idx.msk [tilespmem:v9+s3+$0x0], $0xffff;
	v1 =	vmov v12  }
0xb3: {  	s6 =	sadd.s32 $0x50, s6;
	v5 =	vld.idx.msk [tilespmem:v10+s3+$0x0], $0xffff;
	v6 =	vmov v13  }
0xb4: {  	_ =	sdelay $0x3  }
0xb5: {  	[tilespmem:s11+$0xFFFFFFE0] =	vst v8;
	v6 =	vld.idx.msk [tilespmem:v6+s3+$0x0], $0xffff  }
0xb6: {  	v2 =	vld.idx.msk [tilespmem:v2+s3+$0x0], $0xffff;
	[tilespmem:s11+$0x0] =	vst v7  }
0xb7: {  	s6 =	sadd.s32 $0x50, s11;
	v1 =	vld.idx.msk [tilespmem:v1+s3+$0x0], $0xffff;
	[tilespmem:s11+$0x10] =	vst v4  }
0xb8: {  	[tilespmem:s6+$0x20] =	vst v3  }
0xb9: {  	[tilespmem:s6+$0xFFFFFFF0] =	vst v5  }
0xba: {  	s11 =	sadd.s32 $0xFFFFFFFE, s4;
	[tilespmem:s6+$0xFFFFFFE0] =	vst v6  }
0xbb: {  	p0 =	sgt.u32 s11, $0x7C;
	[tilespmem:s6+$0x0] =	vst v2  }
0xbc: {  	s23 =	simm.s32 $0x1BC00;
	[tilespmem:s6+$0x10] =	vst v1;
	s6 =	simm.s32 @!p0 $0xB  }
0xbd: {  	[spmem:s2] =	stream.indirect.scatter.add.f32 [tilespmem:s23], [sflag:$0x9], $0x1, s30, s1, $0xb8;
	[tilespmem:$0x1EE80] =	vst v63  }
0xbe: {  	_ =	swait.ge @!p0 [sflag:s6], $0x640  }
0xbf: {  	s23 =	rddreg [dreg:$0xb]  }
0xc0: {  	s11 =	sadd.s32 s15, s23  }
0xc1: {  	[sflag:s6] =	ssyncset.done @!p0 $0x0;
	s11 =	sshrl.u32 s11, $0x3  }
0xc2: {  	[sflag:s6] =	ssyncadd.s32 @!p0 $0xFFFFF9C0;
	s23 =	sadd.s32 s5, s11  }
0xc3: {  	[tilespmem:s29], [sflag:$0x2] =	stream.linear.gather [hbm4b:s23+s3], $0x640, $0x38;
	[tilespmem:$0x1EE80] =	vst v63  }
0xc4: {  	s6 =	sadd.s32 $0xC3500, s23  }
0xc5: {  	[tilespmem:s21], [sflag:$0x6] =	stream.linear.gather [hbm4b:s6+s3], $0x640, $0x38;
	[tilespmem:$0x1EE80] =	vst v63  }
0xc6: {  	_ =	swait.ge [sflag:s31], $0x640  }
0xc7: {  	[sflag:s31] =	ssyncset.done $0x0  }
0xc8: {  	[sflag:s31] =	ssyncadd.s32 $0xFFFFF9C0  }
0xc9: {  	_ =	swait.ge [sflag:s22], $0x640  }
0xca: {  	[sflag:s22] =	ssyncset.done $0x0  }
0xcb: {  	s11 =	simm.s32 $0x18820;
	[sflag:s22] =	ssyncadd.s32 $0xFFFFF9C0  }
0xcc: {  	v1 =	vld [tilespmem:s11+$0x20]  }
0xcd: {  	v2 =	vld [tilespmem:s11+$0xFFFFFFF0]  }
0xce: {  	v3 =	vld [tilespmem:s11+$0x0]  }
0xcf: {  	v4 =	vld [tilespmem:s11+$0x10]  }
0xd0: {  	s23 =	simm.s32 $0x18870;
	v5 =	vld [tilespmem:s11+$0xFFFFFFE0]  }
0xd1: {  	v11 =	vld [tilespmem:s23+$0x20]  }
0xd2: {  	v12 =	vld [tilespmem:s23+$0xFFFFFFF0]  }
0xd3: {  	v6 =	vld [tilespmem:s23+$0xFFFFFFE0]  }
0xd4: {  	v9 =	vld.idx.msk [tilespmem:v1+s3+$0x0], $0xffff  }
0xd5: {  	v10 =	vld.idx.msk [tilespmem:v2+s3+$0x0], $0xffff  }
0xd6: {  	v2 =	vld [tilespmem:s23+$0x0]  }
0xd7: {  	v1 =	vld [tilespmem:s23+$0x10]  }
0xd8: {  	v8 =	vld.idx.msk [tilespmem:v5+s3+$0x0], $0xffff  }
0xd9: {  	v7 =	vld.idx.msk [tilespmem:v3+s3+$0x0], $0xffff  }
0xda: {  	s11 =	simm.s32 $0x1C2A0;
	v4 =	vld.idx.msk [tilespmem:v4+s3+$0x0], $0xffff  }
0xdb: {  	v3 =	vld.idx.msk [tilespmem:v11+s3+$0x0], $0xffff;
	[tilespmem:s11+$0x20] =	vst v9  }
0xdc: {  	s6 =	simm.s32 $0x188C0;
	s23 =	simm.s32 $0x5;
	v5 =	vld.idx.msk [tilespmem:v12+s3+$0x0], $0xffff;
	[tilespmem:s11+$0xFFFFFFF0] =	vst v10  }
.LBB2_9:
0xdd: {  	v9 =	vld [tilespmem:s6+$0x20];
	s23 =	sadd.s32 $0x5, s23  }
0xde: {  	v10 =	vld [tilespmem:s6+$0xFFFFFFF0];
	p0 =	slt.u32 s23, $0x5F;
	[tilespmem:s11+$0xFFFFFFE0] =	vst v8  }
0xdf: {  	v11 =	vld [tilespmem:s6+$0x0];
	[tilespmem:s11+$0x0] =	vst v7  }
0xe0: {  	v12 =	vld [tilespmem:s6+$0x10];
	[tilespmem:s11+$0x10] =	vst v4;
	s11 =	sadd.s32 $0x50, s11  }
0xe1: {  	v13 =	vld [tilespmem:s6+$0xFFFFFFE0];
	[tilespmem:s11+$0x20] =	vst v3  }
.Ltmp5:
0xe2: {  	v8 =	vld.idx.msk [tilespmem:v6+s3+$0x0], $0xffff;
	[tilespmem:s11+$0xFFFFFFF0] =	vst v5;
	(pc) =	sbr.rel @p0 .LBB2_9-.Ltmp5, $4  }
0xe3: {  	v7 =	vld.idx.msk [tilespmem:v2+s3+$0x0], $0xffff  }
0xe4: {  	v4 =	vld.idx.msk [tilespmem:v1+s3+$0x0], $0xffff;
	v2 =	vmov v11  }
0xe5: {  	v3 =	vld.idx.msk [tilespmem:v9+s3+$0x0], $0xffff;
	v1 =	vmov v12  }
0xe6: {  	s6 =	sadd.s32 $0x50, s6;
	v5 =	vld.idx.msk [tilespmem:v10+s3+$0x0], $0xffff;
	v6 =	vmov v13  }
0xe7: {  	_ =	sdelay $0x3  }
0xe8: {  	[tilespmem:s11+$0xFFFFFFE0] =	vst v8;
	v6 =	vld.idx.msk [tilespmem:v6+s3+$0x0], $0xffff  }
0xe9: {  	v2 =	vld.idx.msk [tilespmem:v2+s3+$0x0], $0xffff;
	[tilespmem:s11+$0x0] =	vst v7  }
0xea: {  	s6 =	sadd.s32 $0x50, s11;
	v1 =	vld.idx.msk [tilespmem:v1+s3+$0x0], $0xffff;
	[tilespmem:s11+$0x10] =	vst v4  }
0xeb: {  	[tilespmem:s6+$0x20] =	vst v3  }
0xec: {  	[tilespmem:s6+$0xFFFFFFF0] =	vst v5  }
0xed: {  	s4 =	sadd.s32 $0xFFFFFFFF, s4;
	[tilespmem:s6+$0xFFFFFFE0] =	vst v6  }
0xee: {  	p0 =	sgt.u32 s4, $0x7C;
	[tilespmem:s6+$0x0] =	vst v2  }
0xef: {  	s11 =	simm.s32 $0x1C280;
	s4 =	simm.s32 @!p0 $0xC;
	[tilespmem:s6+$0x10] =	vst v1  }
0xf0: {  	[spmem:s2] =	stream.indirect.scatter.add.f32 [tilespmem:s11], [sflag:$0xA], $0x1, s7, s1, $0xb8;
	[tilespmem:$0x1EE80] =	vst v63  }
0xf1: {  	_ =	swait.ge @!p0 [sflag:s4], $0x640  }
0xf2: {  	s23 =	rddreg [dreg:$0xc]  }
0xf3: {  	s6 =	sadd.s32 s15, s23  }
0xf4: {  	[sflag:s4] =	ssyncset.done @!p0 $0x0;
	s6 =	sshrl.u32 s6, $0x3  }
0xf5: {  	[sflag:s4] =	ssyncadd.s32 @!p0 $0xFFFFF9C0;
	s6 =	sadd.s32 s5, s6  }
0xf6: {  	[tilespmem:s24], [sflag:$0x1] =	stream.linear.gather [hbm4b:s6+s3], $0x640, $0x38;
	[tilespmem:$0x1EE80] =	vst v63  }
0xf7: {  	s4 =	sadd.s32 $0xC3500, s6  }
0xf8: {  	[tilespmem:s8], [sflag:$0x7] =	stream.linear.gather [hbm4b:s4+s3], $0x640, $0x38;
	[tilespmem:$0x1EE80] =	vst v63  }
0xf9: {  	_ =	swait.ge [sflag:s9], $0x640  }
0xfa: {  	[sflag:s9] =	ssyncset.done $0x0  }
0xfb: {  	[sflag:s9] =	ssyncadd.s32 $0xFFFFF9C0  }
0xfc: {  	_ =	swait.ge [sflag:s26], $0x640  }
0xfd: {  	[sflag:s26] =	ssyncset.done $0x0  }
0xfe: {  	s11 =	simm.s32 $0x18EA0;
	[sflag:s26] =	ssyncadd.s32 $0xFFFFF9C0  }
0xff: {  	v1 =	vld [tilespmem:s11+$0x20]  }
0x100: {  	v2 =	vld [tilespmem:s11+$0xFFFFFFF0]  }
0x101: {  	v3 =	vld [tilespmem:s11+$0x0]  }
0x102: {  	v4 =	vld [tilespmem:s11+$0x10]  }
0x103: {  	s23 =	simm.s32 $0x18EF0;
	v5 =	vld [tilespmem:s11+$0xFFFFFFE0]  }
0x104: {  	v11 =	vld [tilespmem:s23+$0x20]  }
0x105: {  	v12 =	vld [tilespmem:s23+$0xFFFFFFF0]  }
0x106: {  	v6 =	vld [tilespmem:s23+$0xFFFFFFE0]  }
0x107: {  	v9 =	vld.idx.msk [tilespmem:v1+s3+$0x0], $0xffff  }
0x108: {  	v10 =	vld.idx.msk [tilespmem:v2+s3+$0x0], $0xffff  }
0x109: {  	v2 =	vld [tilespmem:s23+$0x0]  }
0x10a: {  	v1 =	vld [tilespmem:s23+$0x10]  }
0x10b: {  	v8 =	vld.idx.msk [tilespmem:v5+s3+$0x0], $0xffff  }
0x10c: {  	v7 =	vld.idx.msk [tilespmem:v3+s3+$0x0], $0xffff  }
0x10d: {  	s4 =	simm.s32 $0x1C920;
	v4 =	vld.idx.msk [tilespmem:v4+s3+$0x0], $0xffff  }
0x10e: {  	v3 =	vld.idx.msk [tilespmem:v11+s3+$0x0], $0xffff;
	[tilespmem:s4+$0x20] =	vst v9  }
0x10f: {  	s6 =	simm.s32 $0x18F40;
	s11 =	simm.s32 $0x5;
	v5 =	vld.idx.msk [tilespmem:v12+s3+$0x0], $0xffff;
	[tilespmem:s4+$0xFFFFFFF0] =	vst v10  }
.LBB2_11:
0x110: {  	v9 =	vld [tilespmem:s6+$0x20];
	s11 =	sadd.s32 $0x5, s11  }
0x111: {  	v10 =	vld [tilespmem:s6+$0xFFFFFFF0];
	p0 =	slt.u32 s11, $0x5F;
	[tilespmem:s4+$0xFFFFFFE0] =	vst v8  }
0x112: {  	v11 =	vld [tilespmem:s6+$0x0];
	[tilespmem:s4+$0x0] =	vst v7  }
0x113: {  	v12 =	vld [tilespmem:s6+$0x10];
	[tilespmem:s4+$0x10] =	vst v4;
	s4 =	sadd.s32 $0x50, s4  }
0x114: {  	v13 =	vld [tilespmem:s6+$0xFFFFFFE0];
	[tilespmem:s4+$0x20] =	vst v3  }
.Ltmp6:
0x115: {  	v8 =	vld.idx.msk [tilespmem:v6+s3+$0x0], $0xffff;
	[tilespmem:s4+$0xFFFFFFF0] =	vst v5;
	(pc) =	sbr.rel @p0 .LBB2_11-.Ltmp6, $4  }
0x116: {  	v7 =	vld.idx.msk [tilespmem:v2+s3+$0x0], $0xffff  }
0x117: {  	v4 =	vld.idx.msk [tilespmem:v1+s3+$0x0], $0xffff;
	v2 =	vmov v11  }
0x118: {  	v3 =	vld.idx.msk [tilespmem:v9+s3+$0x0], $0xffff;
	v1 =	vmov v12  }
0x119: {  	s6 =	sadd.s32 $0x50, s6;
	v5 =	vld.idx.msk [tilespmem:v10+s3+$0x0], $0xffff;
	v6 =	vmov v13  }
0x11a: {  	_ =	sdelay $0x3  }
0x11b: {  	[tilespmem:s4+$0xFFFFFFE0] =	vst v8;
	v6 =	vld.idx.msk [tilespmem:v6+s3+$0x0], $0xffff  }
0x11c: {  	v2 =	vld.idx.msk [tilespmem:v2+s3+$0x0], $0xffff;
	[tilespmem:s4+$0x0] =	vst v7  }
0x11d: {  	s6 =	sadd.s32 $0x50, s4;
	v1 =	vld.idx.msk [tilespmem:v1+s3+$0x0], $0xffff;
	[tilespmem:s4+$0x10] =	vst v4  }
0x11e: {  	[tilespmem:s6+$0x20] =	vst v3  }
0x11f: {  	[tilespmem:s6+$0xFFFFFFF0] =	vst v5  }
0x120: {  	[tilespmem:s6+$0xFFFFFFE0] =	vst v6  }
0x121: {  	[tilespmem:s6+$0x0] =	vst v2  }
0x122: {  	[tilespmem:s6+$0x10] =	vst v1  }
0x123: {  	[spmem:s2] =	stream.indirect.scatter.add.f32 [tilespmem:s16], [sflag:$0xB], $0x1, s21, s1, $0xb8;
	[tilespmem:$0x1EE80] =	vst v63  }
0x124: {  	_ =	swait.ge [sflag:s17], $0x640  }
0x125: {  	p0 =	seq.s32 s14, $0xC;
	s4 =	rddreg [dreg:$0xd]  }
0x126: {  	s4 =	sadd.s32 @!p0 s15, s4  }
0x127: {  	s11 =	simm.s32 @!p0 $0x18E80;
	[sflag:s17] =	ssyncset.done $0x0;
	s4 =	sshrl.u32 @!p0 s4, $0x3  }
0x128: {  	s6 =	simm.s32 @!p0 $0x0;
	[sflag:s17] =	ssyncadd.s32 $0xFFFFF9C0;
	s4 =	sadd.s32 @!p0 s5, s4  }
0x129: {  	[tilespmem:s11], [sflag:$0x2] =	stream.linear.gather @!p0 [hbm4b:s4+s6], $0x640, $0x38;
	[tilespmem:$0x1EE80] =	vst v63  }
0x12a: {  	s4 =	sadd.s32 @!p0 $0xC3500, s4;
	s11 =	simm.s32 @!p0 $0x19500  }
0x12b: {  	[tilespmem:s11], [sflag:$0x3] =	stream.linear.gather @!p0 [hbm4b:s4+s6], $0x640, $0x38;
	[tilespmem:$0x1EE80] =	vst v63  }
0x12c: {  	_ =	swait.ge [sflag:s31], $0x640  }
0x12d: {  	[sflag:s31] =	ssyncset.done $0x0  }
0x12e: {  	[sflag:s31] =	ssyncadd.s32 $0xFFFFF9C0  }
0x12f: {  	_ =	swait.ge [sflag:s18], $0x640  }
0x130: {  	[sflag:s18] =	ssyncset.done $0x0  }
0x131: {  	s11 =	simm.s32 $0x18820;
	[sflag:s18] =	ssyncadd.s32 $0xFFFFF9C0  }
0x132: {  	v1 =	vld [tilespmem:s11+$0x20]  }
0x133: {  	v2 =	vld [tilespmem:s11+$0xFFFFFFF0]  }
0x134: {  	v3 =	vld [tilespmem:s11+$0x0]  }
0x135: {  	v4 =	vld [tilespmem:s11+$0x10]  }
0x136: {  	s23 =	simm.s32 $0x18870;
	v5 =	vld [tilespmem:s11+$0xFFFFFFE0]  }
0x137: {  	v11 =	vld [tilespmem:s23+$0x20]  }
0x138: {  	v12 =	vld [tilespmem:s23+$0xFFFFFFF0]  }
0x139: {  	v6 =	vld [tilespmem:s23+$0xFFFFFFE0]  }
0x13a: {  	v9 =	vld.idx.msk [tilespmem:v1+s3+$0x0], $0xffff  }
0x13b: {  	v10 =	vld.idx.msk [tilespmem:v2+s3+$0x0], $0xffff  }
0x13c: {  	v2 =	vld [tilespmem:s23+$0x0]  }
0x13d: {  	v1 =	vld [tilespmem:s23+$0x10]  }
0x13e: {  	v8 =	vld.idx.msk [tilespmem:v5+s3+$0x0], $0xffff  }
0x13f: {  	v7 =	vld.idx.msk [tilespmem:v3+s3+$0x0], $0xffff  }
0x140: {  	s4 =	simm.s32 $0x1CFA0;
	v4 =	vld.idx.msk [tilespmem:v4+s3+$0x0], $0xffff  }
0x141: {  	v3 =	vld.idx.msk [tilespmem:v11+s3+$0x0], $0xffff;
	[tilespmem:s4+$0x20] =	vst v9  }
0x142: {  	s6 =	simm.s32 $0x188C0;
	s11 =	simm.s32 $0x5;
	v5 =	vld.idx.msk [tilespmem:v12+s3+$0x0], $0xffff;
	[tilespmem:s4+$0xFFFFFFF0] =	vst v10  }
.LBB2_13:
0x143: {  	v9 =	vld [tilespmem:s6+$0x20];
	s11 =	sadd.s32 $0x5, s11  }
0x144: {  	v10 =	vld [tilespmem:s6+$0xFFFFFFF0];
	p1 =	slt.u32 s11, $0x5F;
	[tilespmem:s4+$0xFFFFFFE0] =	vst v8  }
0x145: {  	v11 =	vld [tilespmem:s6+$0x0];
	[tilespmem:s4+$0x0] =	vst v7  }
0x146: {  	v12 =	vld [tilespmem:s6+$0x10];
	[tilespmem:s4+$0x10] =	vst v4;
	s4 =	sadd.s32 $0x50, s4  }
0x147: {  	v13 =	vld [tilespmem:s6+$0xFFFFFFE0];
	[tilespmem:s4+$0x20] =	vst v3  }
.Ltmp7:
0x148: {  	v8 =	vld.idx.msk [tilespmem:v6+s3+$0x0], $0xffff;
	[tilespmem:s4+$0xFFFFFFF0] =	vst v5;
	(pc) =	sbr.rel @p1 .LBB2_13-.Ltmp7, $4  }
0x149: {  	v7 =	vld.idx.msk [tilespmem:v2+s3+$0x0], $0xffff  }
0x14a: {  	v4 =	vld.idx.msk [tilespmem:v1+s3+$0x0], $0xffff;
	v2 =	vmov v11  }
0x14b: {  	v3 =	vld.idx.msk [tilespmem:v9+s3+$0x0], $0xffff;
	v1 =	vmov v12  }
0x14c: {  	s6 =	sadd.s32 $0x50, s6;
	v5 =	vld.idx.msk [tilespmem:v10+s3+$0x0], $0xffff;
	v6 =	vmov v13  }
0x14d: {  	_ =	sdelay $0x3  }
0x14e: {  	[tilespmem:s4+$0xFFFFFFE0] =	vst v8;
	v6 =	vld.idx.msk [tilespmem:v6+s3+$0x0], $0xffff  }
0x14f: {  	v2 =	vld.idx.msk [tilespmem:v2+s3+$0x0], $0xffff;
	[tilespmem:s4+$0x0] =	vst v7  }
0x150: {  	s23 =	sadd.s32 $0x50, s4;
	v1 =	vld.idx.msk [tilespmem:v1+s3+$0x0], $0xffff;
	[tilespmem:s4+$0x10] =	vst v4  }
0x151: {  	[tilespmem:s23+$0x20] =	vst v3  }
0x152: {  	[tilespmem:s23+$0xFFFFFFF0] =	vst v5  }
0x153: {  	[tilespmem:s23+$0xFFFFFFE0] =	vst v6  }
0x154: {  	[tilespmem:s23+$0x0] =	vst v2  }
.Ltmp8:
0x155: {  	[tilespmem:s23+$0x10] =	vst v1;
	(pc) =	sbr.rel @p0 .LBB2_26-.Ltmp8, $4  }
0x156: {  	[spmem:s2] =	stream.indirect.scatter.add.f32 [tilespmem:s28], [sflag:$0xC], $0x1, s8, s1, $0xb8;
	[tilespmem:$0x1EE80] =	vst v63  }
0x157: {  	_ =	swait.ge [sflag:s19], $0x640  }
0x158: {  	[sflag:s19] =	ssyncset.done $0x0  }
0x159: {  	[sflag:s19] =	ssyncadd.s32 $0xFFFFF9C0  }
0x15a: {  	s4 =	rddreg [dreg:$0xe]  }
0x15b: {  	s4 =	sadd.s32 s15, s4  }
0x15c: {  	s4 =	sshrl.u32 s4, $0x3  }
0x15d: {  	s4 =	sadd.s32 s5, s4  }
0x15e: {  	[tilespmem:s24], [sflag:$0x1] =	stream.linear.gather [hbm4b:s4+s3], $0x640, $0x38;
	[tilespmem:$0x1EE80] =	vst v63  }
0x15f: {  	s4 =	sadd.s32 $0xC3500, s4  }
0x160: {  	[tilespmem:s30], [sflag:$0x4] =	stream.linear.gather [hbm4b:s4+s3], $0x640, $0x38;
	[tilespmem:$0x1EE80] =	vst v63  }
0x161: {  	_ =	swait.ge [sflag:s9], $0x640  }
0x162: {  	[sflag:s9] =	ssyncset.done $0x0  }
0x163: {  	[sflag:s9] =	ssyncadd.s32 $0xFFFFF9C0  }
0x164: {  	_ =	swait.ge [sflag:s0], $0x640  }
0x165: {  	[sflag:s0] =	ssyncset.done $0x0  }
0x166: {  	s11 =	simm.s32 $0x18EA0;
	[sflag:s0] =	ssyncadd.s32 $0xFFFFF9C0  }
0x167: {  	v1 =	vld [tilespmem:s11+$0x20]  }
0x168: {  	v2 =	vld [tilespmem:s11+$0xFFFFFFF0]  }
0x169: {  	v3 =	vld [tilespmem:s11+$0x0]  }
0x16a: {  	v4 =	vld [tilespmem:s11+$0x10]  }
0x16b: {  	s23 =	simm.s32 $0x18EF0;
	v5 =	vld [tilespmem:s11+$0xFFFFFFE0]  }
0x16c: {  	v11 =	vld [tilespmem:s23+$0x20]  }
0x16d: {  	v12 =	vld [tilespmem:s23+$0xFFFFFFF0]  }
0x16e: {  	v6 =	vld [tilespmem:s23+$0xFFFFFFE0]  }
0x16f: {  	v9 =	vld.idx.msk [tilespmem:v1+s3+$0x0], $0xffff  }
0x170: {  	v10 =	vld.idx.msk [tilespmem:v2+s3+$0x0], $0xffff  }
0x171: {  	v2 =	vld [tilespmem:s23+$0x0]  }
0x172: {  	v1 =	vld [tilespmem:s23+$0x10]  }
0x173: {  	v8 =	vld.idx.msk [tilespmem:v5+s3+$0x0], $0xffff  }
0x174: {  	v7 =	vld.idx.msk [tilespmem:v3+s3+$0x0], $0xffff  }
0x175: {  	s4 =	simm.s32 $0x1B5A0;
	v4 =	vld.idx.msk [tilespmem:v4+s3+$0x0], $0xffff  }
0x176: {  	v3 =	vld.idx.msk [tilespmem:v11+s3+$0x0], $0xffff;
	[tilespmem:s4+$0x20] =	vst v9  }
0x177: {  	s6 =	simm.s32 $0x18F40;
	s11 =	simm.s32 $0x5;
	v5 =	vld.idx.msk [tilespmem:v12+s3+$0x0], $0xffff;
	[tilespmem:s4+$0xFFFFFFF0] =	vst v10  }
.LBB2_16:
0x178: {  	v9 =	vld [tilespmem:s6+$0x20];
	s11 =	sadd.s32 $0x5, s11  }
0x179: {  	v10 =	vld [tilespmem:s6+$0xFFFFFFF0];
	p0 =	slt.u32 s11, $0x5F;
	[tilespmem:s4+$0xFFFFFFE0] =	vst v8  }
0x17a: {  	v11 =	vld [tilespmem:s6+$0x0];
	[tilespmem:s4+$0x0] =	vst v7  }
0x17b: {  	v12 =	vld [tilespmem:s6+$0x10];
	[tilespmem:s4+$0x10] =	vst v4;
	s4 =	sadd.s32 $0x50, s4  }
0x17c: {  	v13 =	vld [tilespmem:s6+$0xFFFFFFE0];
	[tilespmem:s4+$0x20] =	vst v3  }
.Ltmp9:
0x17d: {  	v8 =	vld.idx.msk [tilespmem:v6+s3+$0x0], $0xffff;
	[tilespmem:s4+$0xFFFFFFF0] =	vst v5;
	(pc) =	sbr.rel @p0 .LBB2_16-.Ltmp9, $4  }
0x17e: {  	v7 =	vld.idx.msk [tilespmem:v2+s3+$0x0], $0xffff  }
0x17f: {  	v4 =	vld.idx.msk [tilespmem:v1+s3+$0x0], $0xffff;
	v2 =	vmov v11  }
0x180: {  	v3 =	vld.idx.msk [tilespmem:v9+s3+$0x0], $0xffff;
	v1 =	vmov v12  }
0x181: {  	s6 =	sadd.s32 $0x50, s6;
	v5 =	vld.idx.msk [tilespmem:v10+s3+$0x0], $0xffff;
	v6 =	vmov v13  }
0x182: {  	_ =	sdelay $0x3  }
0x183: {  	[tilespmem:s4+$0xFFFFFFE0] =	vst v8;
	v6 =	vld.idx.msk [tilespmem:v6+s3+$0x0], $0xffff  }
0x184: {  	v2 =	vld.idx.msk [tilespmem:v2+s3+$0x0], $0xffff;
	[tilespmem:s4+$0x0] =	vst v7  }
0x185: {  	s11 =	sadd.s32 $0x50, s4;
	v1 =	vld.idx.msk [tilespmem:v1+s3+$0x0], $0xffff;
	[tilespmem:s4+$0x10] =	vst v4  }
0x186: {  	[tilespmem:s11+$0x20] =	vst v3  }
0x187: {  	[tilespmem:s11+$0xFFFFFFF0] =	vst v5  }
0x188: {  	[tilespmem:s11+$0xFFFFFFE0] =	vst v6  }
0x189: {  	[tilespmem:s11+$0x0] =	vst v2  }
0x18a: {  	s23 =	simm.s32 $0x1B580;
	[tilespmem:s11+$0x10] =	vst v1  }
0x18b: {  	[spmem:s2] =	stream.indirect.scatter.add.f32 [tilespmem:s23], [sflag:$0x8], $0x1, s25, s1, $0xb8;
	[tilespmem:$0x1EE80] =	vst v63  }
0x18c: {  	_ =	swait.ge [sflag:s20], $0x640  }
0x18d: {  	s6 =	rddreg [dreg:$0xf]  }
0x18e: {  	s4 =	sadd.s32 s15, s6  }
0x18f: {  	[sflag:s20] =	ssyncset.done $0x0;
	s4 =	sshrl.u32 s4, $0x3  }
0x190: {  	[sflag:s20] =	ssyncadd.s32 $0xFFFFF9C0;
	s4 =	sadd.s32 s5, s4  }
0x191: {  	[tilespmem:s29], [sflag:$0x2] =	stream.linear.gather [hbm4b:s4+s3], $0x640, $0x38;
	[tilespmem:$0x1EE80] =	vst v63  }
0x192: {  	s4 =	sadd.s32 $0xC3500, s4  }
0x193: {  	[tilespmem:s7], [sflag:$0x5] =	stream.linear.gather [hbm4b:s4+s3], $0x640, $0x38;
	[tilespmem:$0x1EE80] =	vst v63  }
0x194: {  	_ =	swait.ge [sflag:s31], $0x640  }
0x195: {  	[sflag:s31] =	ssyncset.done $0x0  }
0x196: {  	[sflag:s31] =	ssyncadd.s32 $0xFFFFF9C0  }
0x197: {  	_ =	swait.ge [sflag:s10], $0x640  }
0x198: {  	[sflag:s10] =	ssyncset.done $0x0  }
0x199: {  	s11 =	simm.s32 $0x18820;
	[sflag:s10] =	ssyncadd.s32 $0xFFFFF9C0  }
0x19a: {  	v1 =	vld [tilespmem:s11+$0x20]  }
0x19b: {  	v2 =	vld [tilespmem:s11+$0xFFFFFFF0]  }
0x19c: {  	v3 =	vld [tilespmem:s11+$0x0]  }
0x19d: {  	v4 =	vld [tilespmem:s11+$0x10]  }
0x19e: {  	s23 =	simm.s32 $0x18870;
	v5 =	vld [tilespmem:s11+$0xFFFFFFE0]  }
0x19f: {  	v11 =	vld [tilespmem:s23+$0x20]  }
0x1a0: {  	v12 =	vld [tilespmem:s23+$0xFFFFFFF0]  }
0x1a1: {  	v6 =	vld [tilespmem:s23+$0xFFFFFFE0]  }
0x1a2: {  	v9 =	vld.idx.msk [tilespmem:v1+s3+$0x0], $0xffff  }
0x1a3: {  	v10 =	vld.idx.msk [tilespmem:v2+s3+$0x0], $0xffff  }
0x1a4: {  	v2 =	vld [tilespmem:s23+$0x0]  }
0x1a5: {  	v1 =	vld [tilespmem:s23+$0x10]  }
0x1a6: {  	v8 =	vld.idx.msk [tilespmem:v5+s3+$0x0], $0xffff  }
0x1a7: {  	v7 =	vld.idx.msk [tilespmem:v3+s3+$0x0], $0xffff  }
0x1a8: {  	s4 =	simm.s32 $0x1BC20;
	v4 =	vld.idx.msk [tilespmem:v4+s3+$0x0], $0xffff  }
0x1a9: {  	v3 =	vld.idx.msk [tilespmem:v11+s3+$0x0], $0xffff;
	[tilespmem:s4+$0x20] =	vst v9  }
0x1aa: {  	s6 =	simm.s32 $0x188C0;
	s11 =	simm.s32 $0x5;
	v5 =	vld.idx.msk [tilespmem:v12+s3+$0x0], $0xffff;
	[tilespmem:s4+$0xFFFFFFF0] =	vst v10  }
.LBB2_18:
0x1ab: {  	v9 =	vld [tilespmem:s6+$0x20];
	s11 =	sadd.s32 $0x5, s11  }
0x1ac: {  	v10 =	vld [tilespmem:s6+$0xFFFFFFF0];
	p0 =	slt.u32 s11, $0x5F;
	[tilespmem:s4+$0xFFFFFFE0] =	vst v8  }
0x1ad: {  	v11 =	vld [tilespmem:s6+$0x0];
	[tilespmem:s4+$0x0] =	vst v7  }
0x1ae: {  	v12 =	vld [tilespmem:s6+$0x10];
	[tilespmem:s4+$0x10] =	vst v4;
	s4 =	sadd.s32 $0x50, s4  }
0x1af: {  	v13 =	vld [tilespmem:s6+$0xFFFFFFE0];
	[tilespmem:s4+$0x20] =	vst v3  }
.Ltmp10:
0x1b0: {  	v8 =	vld.idx.msk [tilespmem:v6+s3+$0x0], $0xffff;
	[tilespmem:s4+$0xFFFFFFF0] =	vst v5;
	(pc) =	sbr.rel @p0 .LBB2_18-.Ltmp10, $4  }
0x1b1: {  	v7 =	vld.idx.msk [tilespmem:v2+s3+$0x0], $0xffff  }
0x1b2: {  	v4 =	vld.idx.msk [tilespmem:v1+s3+$0x0], $0xffff;
	v2 =	vmov v11  }
0x1b3: {  	v3 =	vld.idx.msk [tilespmem:v9+s3+$0x0], $0xffff;
	v1 =	vmov v12  }
0x1b4: {  	s6 =	sadd.s32 $0x50, s6;
	v5 =	vld.idx.msk [tilespmem:v10+s3+$0x0], $0xffff;
	v6 =	vmov v13  }
0x1b5: {  	_ =	sdelay $0x3  }
0x1b6: {  	[tilespmem:s4+$0xFFFFFFE0] =	vst v8;
	v6 =	vld.idx.msk [tilespmem:v6+s3+$0x0], $0xffff  }
0x1b7: {  	v2 =	vld.idx.msk [tilespmem:v2+s3+$0x0], $0xffff;
	[tilespmem:s4+$0x0] =	vst v7  }
0x1b8: {  	s11 =	sadd.s32 $0x50, s4;
	v1 =	vld.idx.msk [tilespmem:v1+s3+$0x0], $0xffff;
	[tilespmem:s4+$0x10] =	vst v4  }
0x1b9: {  	[tilespmem:s11+$0x20] =	vst v3  }
0x1ba: {  	[tilespmem:s11+$0xFFFFFFF0] =	vst v5  }
0x1bb: {  	[tilespmem:s11+$0xFFFFFFE0] =	vst v6  }
0x1bc: {  	[tilespmem:s11+$0x0] =	vst v2  }
0x1bd: {  	s23 =	simm.s32 $0x1BC00;
	[tilespmem:s11+$0x10] =	vst v1  }
0x1be: {  	[spmem:s2] =	stream.indirect.scatter.add.f32 [tilespmem:s23], [sflag:$0x9], $0x1, s30, s1, $0xb8;
	[tilespmem:$0x1EE80] =	vst v63  }
0x1bf: {  	_ =	swait.ge [sflag:s12], $0x640  }
0x1c0: {  	s6 =	rddreg [dreg:$0x10]  }
0x1c1: {  	s4 =	sadd.s32 s15, s6  }
0x1c2: {  	[sflag:s12] =	ssyncset.done $0x0;
	s4 =	sshrl.u32 s4, $0x3  }
0x1c3: {  	[sflag:s12] =	ssyncadd.s32 $0xFFFFF9C0;
	s4 =	sadd.s32 s5, s4  }
0x1c4: {  	[tilespmem:s24], [sflag:$0x1] =	stream.linear.gather [hbm4b:s4+s3], $0x640, $0x38;
	[tilespmem:$0x1EE80] =	vst v63  }
0x1c5: {  	s4 =	sadd.s32 $0xC3500, s4  }
0x1c6: {  	[tilespmem:s21], [sflag:$0x6] =	stream.linear.gather [hbm4b:s4+s3], $0x640, $0x38;
	[tilespmem:$0x1EE80] =	vst v63  }
0x1c7: {  	_ =	swait.ge [sflag:s9], $0x640  }
0x1c8: {  	[sflag:s9] =	ssyncset.done $0x0  }
0x1c9: {  	[sflag:s9] =	ssyncadd.s32 $0xFFFFF9C0  }
0x1ca: {  	_ =	swait.ge [sflag:s22], $0x640  }
0x1cb: {  	[sflag:s22] =	ssyncset.done $0x0  }
0x1cc: {  	s11 =	simm.s32 $0x18EA0;
	[sflag:s22] =	ssyncadd.s32 $0xFFFFF9C0  }
0x1cd: {  	v1 =	vld [tilespmem:s11+$0x20]  }
0x1ce: {  	v2 =	vld [tilespmem:s11+$0xFFFFFFF0]  }
0x1cf: {  	v3 =	vld [tilespmem:s11+$0x0]  }
0x1d0: {  	v4 =	vld [tilespmem:s11+$0x10]  }
0x1d1: {  	s23 =	simm.s32 $0x18EF0;
	v5 =	vld [tilespmem:s11+$0xFFFFFFE0]  }
0x1d2: {  	v11 =	vld [tilespmem:s23+$0x20]  }
0x1d3: {  	v12 =	vld [tilespmem:s23+$0xFFFFFFF0]  }
0x1d4: {  	v6 =	vld [tilespmem:s23+$0xFFFFFFE0]  }
0x1d5: {  	v9 =	vld.idx.msk [tilespmem:v1+s3+$0x0], $0xffff  }
0x1d6: {  	v10 =	vld.idx.msk [tilespmem:v2+s3+$0x0], $0xffff  }
0x1d7: {  	v2 =	vld [tilespmem:s23+$0x0]  }
0x1d8: {  	v1 =	vld [tilespmem:s23+$0x10]  }
0x1d9: {  	v8 =	vld.idx.msk [tilespmem:v5+s3+$0x0], $0xffff  }
0x1da: {  	v7 =	vld.idx.msk [tilespmem:v3+s3+$0x0], $0xffff  }
0x1db: {  	s4 =	simm.s32 $0x1C2A0;
	v4 =	vld.idx.msk [tilespmem:v4+s3+$0x0], $0xffff  }
0x1dc: {  	v3 =	vld.idx.msk [tilespmem:v11+s3+$0x0], $0xffff;
	[tilespmem:s4+$0x20] =	vst v9  }
0x1dd: {  	s6 =	simm.s32 $0x18F40;
	s11 =	simm.s32 $0x5;
	v5 =	vld.idx.msk [tilespmem:v12+s3+$0x0], $0xffff;
	[tilespmem:s4+$0xFFFFFFF0] =	vst v10  }
.LBB2_20:
0x1de: {  	v9 =	vld [tilespmem:s6+$0x20];
	s11 =	sadd.s32 $0x5, s11  }
0x1df: {  	v10 =	vld [tilespmem:s6+$0xFFFFFFF0];
	p0 =	slt.u32 s11, $0x5F;
	[tilespmem:s4+$0xFFFFFFE0] =	vst v8  }
0x1e0: {  	v11 =	vld [tilespmem:s6+$0x0];
	[tilespmem:s4+$0x0] =	vst v7  }
0x1e1: {  	v12 =	vld [tilespmem:s6+$0x10];
	[tilespmem:s4+$0x10] =	vst v4;
	s4 =	sadd.s32 $0x50, s4  }
0x1e2: {  	v13 =	vld [tilespmem:s6+$0xFFFFFFE0];
	[tilespmem:s4+$0x20] =	vst v3  }
.Ltmp11:
0x1e3: {  	v8 =	vld.idx.msk [tilespmem:v6+s3+$0x0], $0xffff;
	[tilespmem:s4+$0xFFFFFFF0] =	vst v5;
	(pc) =	sbr.rel @p0 .LBB2_20-.Ltmp11, $4  }
0x1e4: {  	v7 =	vld.idx.msk [tilespmem:v2+s3+$0x0], $0xffff  }
0x1e5: {  	v4 =	vld.idx.msk [tilespmem:v1+s3+$0x0], $0xffff;
	v2 =	vmov v11  }
0x1e6: {  	v3 =	vld.idx.msk [tilespmem:v9+s3+$0x0], $0xffff;
	v1 =	vmov v12  }
0x1e7: {  	s6 =	sadd.s32 $0x50, s6;
	v5 =	vld.idx.msk [tilespmem:v10+s3+$0x0], $0xffff;
	v6 =	vmov v13  }
0x1e8: {  	_ =	sdelay $0x3  }
0x1e9: {  	[tilespmem:s4+$0xFFFFFFE0] =	vst v8;
	v6 =	vld.idx.msk [tilespmem:v6+s3+$0x0], $0xffff  }
0x1ea: {  	v2 =	vld.idx.msk [tilespmem:v2+s3+$0x0], $0xffff;
	[tilespmem:s4+$0x0] =	vst v7  }
0x1eb: {  	s11 =	sadd.s32 $0x50, s4;
	v1 =	vld.idx.msk [tilespmem:v1+s3+$0x0], $0xffff;
	[tilespmem:s4+$0x10] =	vst v4  }
0x1ec: {  	[tilespmem:s11+$0x20] =	vst v3  }
0x1ed: {  	[tilespmem:s11+$0xFFFFFFF0] =	vst v5  }
0x1ee: {  	[tilespmem:s11+$0xFFFFFFE0] =	vst v6  }
0x1ef: {  	[tilespmem:s11+$0x0] =	vst v2  }
0x1f0: {  	s23 =	simm.s32 $0x1C280;
	[tilespmem:s11+$0x10] =	vst v1  }
0x1f1: {  	[spmem:s2] =	stream.indirect.scatter.add.f32 [tilespmem:s23], [sflag:$0xA], $0x1, s7, s1, $0xb8;
	[tilespmem:$0x1EE80] =	vst v63  }
0x1f2: {  	_ =	swait.ge [sflag:s13], $0x640  }
0x1f3: {  	s6 =	rddreg [dreg:$0x11]  }
0x1f4: {  	s4 =	sadd.s32 s15, s6  }
0x1f5: {  	[sflag:s13] =	ssyncset.done $0x0;
	s4 =	sshrl.u32 s4, $0x3  }
0x1f6: {  	[sflag:s13] =	ssyncadd.s32 $0xFFFFF9C0;
	s4 =	sadd.s32 s5, s4  }
0x1f7: {  	[tilespmem:s29], [sflag:$0x2] =	stream.linear.gather [hbm4b:s4+s3], $0x640, $0x38;
	[tilespmem:$0x1EE80] =	vst v63  }
0x1f8: {  	s4 =	sadd.s32 $0xC3500, s4  }
0x1f9: {  	[tilespmem:s8], [sflag:$0x7] =	stream.linear.gather [hbm4b:s4+s3], $0x640, $0x38;
	[tilespmem:$0x1EE80] =	vst v63  }
0x1fa: {  	_ =	swait.ge [sflag:s31], $0x640  }
0x1fb: {  	[sflag:s31] =	ssyncset.done $0x0  }
0x1fc: {  	[sflag:s31] =	ssyncadd.s32 $0xFFFFF9C0  }
0x1fd: {  	_ =	swait.ge [sflag:s26], $0x640  }
0x1fe: {  	[sflag:s26] =	ssyncset.done $0x0  }
0x1ff: {  	s11 =	simm.s32 $0x18820;
	[sflag:s26] =	ssyncadd.s32 $0xFFFFF9C0  }
0x200: {  	v1 =	vld [tilespmem:s11+$0x20]  }
0x201: {  	v2 =	vld [tilespmem:s11+$0xFFFFFFF0]  }
0x202: {  	v3 =	vld [tilespmem:s11+$0x0]  }
0x203: {  	v4 =	vld [tilespmem:s11+$0x10]  }
0x204: {  	s23 =	simm.s32 $0x18870;
	v5 =	vld [tilespmem:s11+$0xFFFFFFE0]  }
0x205: {  	v11 =	vld [tilespmem:s23+$0x20]  }
0x206: {  	v12 =	vld [tilespmem:s23+$0xFFFFFFF0]  }
0x207: {  	v6 =	vld [tilespmem:s23+$0xFFFFFFE0]  }
0x208: {  	v9 =	vld.idx.msk [tilespmem:v1+s3+$0x0], $0xffff  }
0x209: {  	v10 =	vld.idx.msk [tilespmem:v2+s3+$0x0], $0xffff  }
0x20a: {  	v2 =	vld [tilespmem:s23+$0x0]  }
0x20b: {  	v1 =	vld [tilespmem:s23+$0x10]  }
0x20c: {  	v8 =	vld.idx.msk [tilespmem:v5+s3+$0x0], $0xffff  }
0x20d: {  	v7 =	vld.idx.msk [tilespmem:v3+s3+$0x0], $0xffff  }
0x20e: {  	s4 =	simm.s32 $0x1C920;
	v4 =	vld.idx.msk [tilespmem:v4+s3+$0x0], $0xffff  }
0x20f: {  	v3 =	vld.idx.msk [tilespmem:v11+s3+$0x0], $0xffff;
	[tilespmem:s4+$0x20] =	vst v9  }
0x210: {  	s6 =	simm.s32 $0x188C0;
	s11 =	simm.s32 $0x5;
	v5 =	vld.idx.msk [tilespmem:v12+s3+$0x0], $0xffff;
	[tilespmem:s4+$0xFFFFFFF0] =	vst v10  }
.LBB2_22:
0x211: {  	v9 =	vld [tilespmem:s6+$0x20];
	s11 =	sadd.s32 $0x5, s11  }
0x212: {  	v10 =	vld [tilespmem:s6+$0xFFFFFFF0];
	p0 =	slt.u32 s11, $0x5F;
	[tilespmem:s4+$0xFFFFFFE0] =	vst v8  }
0x213: {  	v11 =	vld [tilespmem:s6+$0x0];
	[tilespmem:s4+$0x0] =	vst v7  }
0x214: {  	v12 =	vld [tilespmem:s6+$0x10];
	[tilespmem:s4+$0x10] =	vst v4;
	s4 =	sadd.s32 $0x50, s4  }
0x215: {  	v13 =	vld [tilespmem:s6+$0xFFFFFFE0];
	[tilespmem:s4+$0x20] =	vst v3  }
.Ltmp12:
0x216: {  	v8 =	vld.idx.msk [tilespmem:v6+s3+$0x0], $0xffff;
	[tilespmem:s4+$0xFFFFFFF0] =	vst v5;
	(pc) =	sbr.rel @p0 .LBB2_22-.Ltmp12, $4  }
0x217: {  	v7 =	vld.idx.msk [tilespmem:v2+s3+$0x0], $0xffff  }
0x218: {  	v4 =	vld.idx.msk [tilespmem:v1+s3+$0x0], $0xffff;
	v2 =	vmov v11  }
0x219: {  	v3 =	vld.idx.msk [tilespmem:v9+s3+$0x0], $0xffff;
	v1 =	vmov v12  }
0x21a: {  	s6 =	sadd.s32 $0x50, s6;
	v5 =	vld.idx.msk [tilespmem:v10+s3+$0x0], $0xffff;
	v6 =	vmov v13  }
0x21b: {  	_ =	sdelay $0x3  }
0x21c: {  	[tilespmem:s4+$0xFFFFFFE0] =	vst v8;
	v6 =	vld.idx.msk [tilespmem:v6+s3+$0x0], $0xffff  }
0x21d: {  	v2 =	vld.idx.msk [tilespmem:v2+s3+$0x0], $0xffff;
	[tilespmem:s4+$0x0] =	vst v7  }
0x21e: {  	s6 =	sadd.s32 $0x50, s4;
	v1 =	vld.idx.msk [tilespmem:v1+s3+$0x0], $0xffff;
	[tilespmem:s4+$0x10] =	vst v4  }
0x21f: {  	[tilespmem:s6+$0x20] =	vst v3  }
0x220: {  	[tilespmem:s6+$0xFFFFFFF0] =	vst v5  }
0x221: {  	[tilespmem:s6+$0xFFFFFFE0] =	vst v6  }
0x222: {  	[tilespmem:s6+$0x0] =	vst v2  }
0x223: {  	[tilespmem:s6+$0x10] =	vst v1  }
0x224: {  	[spmem:s2] =	stream.indirect.scatter.add.f32 [tilespmem:s16], [sflag:$0xB], $0x1, s21, s1, $0xb8;
	[tilespmem:$0x1EE80] =	vst v63  }
0x225: {  	_ =	swait.ge [sflag:s17], $0x640  }
0x226: {  	s11 =	rddreg [dreg:$0x12]  }
0x227: {  	s4 =	sadd.s32 s15, s11  }
0x228: {  	[sflag:s17] =	ssyncset.done $0x0;
	s4 =	sshrl.u32 s4, $0x3  }
0x229: {  	[sflag:s17] =	ssyncadd.s32 $0xFFFFF9C0;
	s4 =	sadd.s32 s5, s4  }
0x22a: {  	[tilespmem:s24], [sflag:$0x1] =	stream.linear.gather [hbm4b:s4+s3], $0x640, $0x38;
	[tilespmem:$0x1EE80] =	vst v63  }
0x22b: {  	s4 =	sadd.s32 $0xC3500, s4  }
0x22c: {  	[tilespmem:s25], [sflag:$0x3] =	stream.linear.gather [hbm4b:s4+s3], $0x640, $0x38;
	[tilespmem:$0x1EE80] =	vst v63  }
0x22d: {  	_ =	swait.ge [sflag:s9], $0x640  }
0x22e: {  	[sflag:s9] =	ssyncset.done $0x0  }
0x22f: {  	[sflag:s9] =	ssyncadd.s32 $0xFFFFF9C0  }
0x230: {  	_ =	swait.ge [sflag:s18], $0x640  }
0x231: {  	[sflag:s18] =	ssyncset.done $0x0  }
0x232: {  	s15 =	simm.s32 $0x18EA0;
	[sflag:s18] =	ssyncadd.s32 $0xFFFFF9C0  }
0x233: {  	v1 =	vld [tilespmem:s15+$0x20]  }
0x234: {  	v2 =	vld [tilespmem:s15+$0xFFFFFFF0]  }
0x235: {  	v3 =	vld [tilespmem:s15+$0x0]  }
0x236: {  	v4 =	vld [tilespmem:s15+$0x10]  }
0x237: {  	s23 =	simm.s32 $0x18EF0;
	v5 =	vld [tilespmem:s15+$0xFFFFFFE0]  }
0x238: {  	v11 =	vld [tilespmem:s23+$0x20]  }
0x239: {  	v12 =	vld [tilespmem:s23+$0xFFFFFFF0]  }
0x23a: {  	v6 =	vld [tilespmem:s23+$0xFFFFFFE0]  }
0x23b: {  	v9 =	vld.idx.msk [tilespmem:v1+s3+$0x0], $0xffff  }
0x23c: {  	v10 =	vld.idx.msk [tilespmem:v2+s3+$0x0], $0xffff  }
0x23d: {  	v2 =	vld [tilespmem:s23+$0x0]  }
0x23e: {  	v1 =	vld [tilespmem:s23+$0x10]  }
0x23f: {  	v8 =	vld.idx.msk [tilespmem:v5+s3+$0x0], $0xffff  }
0x240: {  	v7 =	vld.idx.msk [tilespmem:v3+s3+$0x0], $0xffff  }
0x241: {  	s4 =	simm.s32 $0x1CFA0;
	v4 =	vld.idx.msk [tilespmem:v4+s3+$0x0], $0xffff  }
0x242: {  	v3 =	vld.idx.msk [tilespmem:v11+s3+$0x0], $0xffff;
	[tilespmem:s4+$0x20] =	vst v9  }
0x243: {  	s6 =	simm.s32 $0x18F40;
	s11 =	simm.s32 $0x5;
	v5 =	vld.idx.msk [tilespmem:v12+s3+$0x0], $0xffff;
	[tilespmem:s4+$0xFFFFFFF0] =	vst v10  }
.LBB2_24:
0x244: {  	v9 =	vld [tilespmem:s6+$0x20];
	s11 =	sadd.s32 $0x5, s11  }
0x245: {  	v10 =	vld [tilespmem:s6+$0xFFFFFFF0];
	p0 =	slt.u32 s11, $0x5F;
	[tilespmem:s4+$0xFFFFFFE0] =	vst v8  }
0x246: {  	v11 =	vld [tilespmem:s6+$0x0];
	[tilespmem:s4+$0x0] =	vst v7  }
0x247: {  	v12 =	vld [tilespmem:s6+$0x10];
	[tilespmem:s4+$0x10] =	vst v4;
	s4 =	sadd.s32 $0x50, s4  }
0x248: {  	v13 =	vld [tilespmem:s6+$0xFFFFFFE0];
	[tilespmem:s4+$0x20] =	vst v3  }
.Ltmp13:
0x249: {  	v8 =	vld.idx.msk [tilespmem:v6+s3+$0x0], $0xffff;
	[tilespmem:s4+$0xFFFFFFF0] =	vst v5;
	(pc) =	sbr.rel @p0 .LBB2_24-.Ltmp13, $4  }
0x24a: {  	v7 =	vld.idx.msk [tilespmem:v2+s3+$0x0], $0xffff  }
0x24b: {  	v4 =	vld.idx.msk [tilespmem:v1+s3+$0x0], $0xffff;
	v2 =	vmov v11  }
0x24c: {  	v3 =	vld.idx.msk [tilespmem:v9+s3+$0x0], $0xffff;
	v1 =	vmov v12  }
0x24d: {  	s6 =	sadd.s32 $0x50, s6;
	v5 =	vld.idx.msk [tilespmem:v10+s3+$0x0], $0xffff;
	v6 =	vmov v13  }
0x24e: {  	_ =	sdelay $0x3  }
0x24f: {  	[tilespmem:s4+$0xFFFFFFE0] =	vst v8;
	v6 =	vld.idx.msk [tilespmem:v6+s3+$0x0], $0xffff  }
0x250: {  	v2 =	vld.idx.msk [tilespmem:v2+s3+$0x0], $0xffff;
	[tilespmem:s4+$0x0] =	vst v7  }
0x251: {  	s23 =	sadd.s32 $0x50, s4;
	v1 =	vld.idx.msk [tilespmem:v1+s3+$0x0], $0xffff;
	[tilespmem:s4+$0x10] =	vst v4  }
0x252: {  	[tilespmem:s23+$0x20] =	vst v3  }
.Ltmp14:
0x253: {  	[tilespmem:s23+$0xFFFFFFF0] =	vst v5;
	(pc) =	sbr.rel .LBB2_4-.Ltmp14, $4  }
0x254: {  	[tilespmem:s23+$0xFFFFFFE0] =	vst v6  }
0x255: {  	[tilespmem:s23+$0x0] =	vst v2  }
0x256: {  	s14 =	sadd.s32 $0x1, s14;
	[tilespmem:s23+$0x10] =	vst v1  }
0x257: {  	[spmem:s2] =	stream.indirect.scatter.add.f32 [tilespmem:s28], [sflag:$0xC], $0x1, s8, s1, $0xb8;
	[tilespmem:$0x1EE80] =	vst v63  }
.LBB2_27:
0x258: {  	_ =	sfence.sel $0x180000  }
0x259: {  	[bflag:$0x0] =	sbarrier.arrive $0xFFFF  }
0x25a: {  	_ =	strace $0x9000004D  }
0x25b: {  	s0 =	stileid.u32;
	[bflag:$0x2] =	sbarrier.arrive $0xFFFF  }
0x25c: {  	p0 =	sne.s32 s0, $0x0;
	s0 =	rddreg [dreg:$0x2]  }
0x25d: {  	s0 =	sadd.s32 @!p0 $0x100000, s0  }
0x25e: {  	[sflag:s0] =	ssyncadd.tile.s32 @!p0 $0x1;
	_ =	shalt  }
.Lfunc_end2:
_tile_overlayer_lowered:
.L_overlay_start_2:
0x25f: {  	(tag) =	ssettag $0x2  }
0x260: {  	s0 =	rddreg [dreg:$0x0];
	s2 =	stileid.u32  }
0x261: {  	s1 =	rddreg [dreg:$0x1];
	p0 =	sne.s32 s2, $0x0  }
0x262: {  	s3 =	rddreg [dreg:$0x2];
	[bflag:$0x3] =	sbarrier.arrive $0xFFFF;
	s2 =	simm.s32 @!p0 $0x1C0D  }
0x263: {  	[timem:s3], [sflag:s2] =	dma.local @!p0 [hbm:s0], s1  }
0x264: {  	s0 =	simm.s32 @!p0 $0xD  }
0x265: {  	_ =	swait.ge @!p0 [sflag:s0], s1  }
0x266: {  	s1 =	ssub.s32 @!p0 $0x0, s1;
	[sflag:s0] =	ssyncset.done @!p0 $0x0  }
0x267: {  	[sflag:s0] =	ssyncadd.s32 @!p0 s1  }
0x268: {  	[bflag:$0x3] =	sbarrier.arrive $0xFFFF  }
0x269: {  	_ =	shalt  }

// kernel: sparse-core-data-format-call.cloned.1.call-start
scs
called_computation_lowered:
.L_overlay_start_0:
0x0: {  	s2 =	sld [smem:$0x3FD9]  }
0x1: {  	s3 =	sld [smem:$0x3FFE];
	_ =	sdelay $0x1  }
0x2: {  	s1 =	srdreg.scid  }
0x3: {  	s0 =	sand.u32 $0x1, s1  }
0x4: {  	s18 =	sshll.u32 s0, $0xA;
	s2 =	sadd.s32 s3, s2  }
0x5: {  	s2 =	sadd.s32 s2, s18  }
0x6: {  	[smem:$0x3FC2] =	sst s2  }
0x7: {  	_ = 	snop  }
0x8: {  	s2 =	sld [smem:$0x3FC8];
	(tm) =	ssettm $0x1  }
0x9: {  	s19 =	sld [smem:$0x3FFB];
	_ =	sdelay $0x3  }
0xa: {  	_ =	strace s19  }
0xb: {  	s3 =	sld [smem:$0x3FFC];
	_ =	sdelay $0x3  }
0xc: {  	_ =	strace s3  }
0xd: {  	s3 =	sld [smem:$0x3FFD];
	_ =	sdelay $0x3  }
0xe: {  	_ =	strace s3  }
0xf: {  	_ =	strace $0x8FFFFFFF  }
0x10: {  	s20 =	sld [smem:$0x3FDB];
	_ =	sdelay $0x1  }
0x11: {  	s4 =	simm.s32 $_scs_section_size  }
0x12: {  	s5 =	simm.s32 $_size__tile_overlayer_lowered;
	s6 =	simm.s32 $_tile_overlayer_lowered  }
0x13: {  	s23 =	simm.s32 $0x1BFF;
	s22 =	sshll.u32 s6, $0x1;
	s3 =	sadd.s32 s4, s20  }
0x14: {  	s7 =	simm.s32 $0x0;
	s21 =	sshll.u32 s5, $0x1;
	s5 =	sadd.s32 s22, s3  }
0x15: {  	[timem:s7], [sflag:s23] =	dma.local [hbm:s5], s21  }
0x16: {  	_ =	swait.ge [sflag:s23], s21  }
0x17: {  	s4 =	ssub.s32 $0x0, s21;
	[sflag:s23] =	ssyncset.done $0x0  }
0x18: {  	[sflag:s23] =	ssyncadd.s32 s4;
	_ =	sdelay $0x1  }
0x19: {  	s24 =	simm.s32 $0x1B8B  }
0x1a: {  	_ =	swait.ge [sflag:s24], $0x1  }
0x1b: {  	[sflag:s24] =	ssyncset.done $0x0  }
0x1c: {  	s26 =	simm.s32 $0x1B8E;
	s25 =	sld [smem:$0x3FFE];
	[sflag:s24] =	ssyncadd.s32 $0xFFFFFFFF  }
0x1d: {  	s27 =	simm.s32 $execute0_lowered;
	[smem:$0x3FD2] =	sst s26  }
0x1e: {  	s5 =	sshll.u32 s27, $0x1;
	_ =	strace $0x80000046;
	[dreg:$0x1] =	wrdreg $0xFFFFFFFF  }
0x1f: {  	s28 =	simm.s32 $_size_execute0_lowered;
	s3 =	sadd.s32 s3, s5;
	[dreg:$0x0] =	wrdreg $0x0  }
0x20: {  	s5 =	sshll.u32 s28, $0x1;
	[dreg:$0x2] =	wrdreg s3  }
0x21: {  	[dreg:$0x3] =	wrdreg s5  }
0x22: {  	[dreg:$0x4] =	wrdreg $0xC0  }
0x23: {  	_ =	task [dreg:s7], $0x5FFFF  }
0x24: {  	[dreg:$0x1] =	wrdreg $0xFFFFFFFF  }
0x25: {  	[dreg:$0x0] =	wrdreg $0x60  }
0x26: {  	[dreg:$0x2] =	wrdreg s2  }
0x27: {  	[dreg:$0x3] =	wrdreg s25  }
0x28: {  	[dreg:$0x4] =	wrdreg $0x9  }
0x29: {  	_ =	task.clear_ibuf [dreg:s7], $0x5FFFF;
	_ =	strace $0x90000046  }
0x2a: {  	s29 =	simm.s32 $0x9;
	_ =	strace $0x80000048  }
0x2b: {  	_ =	swait.ge [sflag:s29], $0x1  }
0x2c: {  	[sflag:s29] =	ssyncadd.s32 $0xFFFFFFFF  }
0x2d: {  	_ =	strace $0x90000048  }
0x2e: {  	_ =	sfence  }
0x2f: {  	s30 =	sld [smem:$0x0];
	_ =	sdelay $0x2  }
0x30: {  	s31 =	sshll.u32 s1, $0xD;
	s1 =	sshrl.u32 s1, $0x2  }
0x31: {  	s3 =	sand.u32 $0x4000, s31;
	s1 =	sadd.s32 s1, s30  }
0x32: {  	s0 =	sor.u32 s3, s0;
	s1 =	sshll.u32 s1, $0x11  }
0x33: {  	s0 =	sor.u32 s1, s0  }
0x34: {  	s0 =	sadd.s32 $0x8F2B, s0  }
0x35: {  	[sflag:s0] =	ssyncadd.remote.s32 $0x1  }
0x36: {  	_ =	sfence.sel $0xFFFF  }
0x37: {  	[dreg:$0x0] =	wrdreg $0xFFFFFFFF;
	(pc) =	sbr.abs _section_cstart, $3  }
0x38: {  	[dreg:$0x1] =	wrdreg $0xFFFFFFFF  }
0x39: {  	_ =	task.clear_ibuf [dreg:s7], $0x2FFFF;
	_ =	strace $0x9FFFFFFF  }
0x3a: {  	(tm) =	ssettm $0x7FFFFFFF  }
0x3b: {  	_ =	shalt  }
tec
execute0_lowered:
.L_overlay_start_1:
0x0: {  	(tag) =	ssettag $0x1  }
0x1: {  	s0 =	stileid.u32;
	s7 =	rddreg [dreg:$0x0]  }
0x2: {  	s1 =	srdreg.scid;
	s4 =	rddreg [dreg:$0x1]  }
0x3: {  	s30 =	simm.s32 $0x2;
	s10 =	simm.s32 $0x0;
	s14 =	simm.s32 $0x0  }
0x4: {  	s15 =	simm.s32 $0x0;
	s11 =	simm.s32 $0x0;
	s13 =	simm.s32 $0x0  }
0x5: {  	s2 =	sand.u32 $0x1, s1;
	s3 =	sshll.u32 s0, $0x7;
	s1 =	rddreg [dreg:$0x2]  }
0x6: {  	_ =	strace $0x80000047;
	s5 =	ssub.s32 $0xC300, s3;
	s6 =	ssub.s32 $0x2, s2  }
.Ltmp0:
0x7: {  	s5 =	sshrl.u32 s5, $0xB;
	s8 =	sshrl.u32 s6, $0x1;
	(pc) =	sbr.rel .LBB1_1-.Ltmp0, $4  }
0x8: {  	s4 =	sadd.s32 $0x1E00, s4;
	s9 =	sadd.s32 $0x1, s5;
	s6 =	ssub.s32 s6, s8  }
0x9: {  	s31 =	sshll.u32 s2, $0x4;
	s5 =	simm.s32 $0x1;
	s6 =	smul.u32 s9, s6  }
0xa: {  	s12 =	smov.u32 s3;
	s7 =	sadd.s32 s7, s31;
	[sflag:s5] =	ssyncpa.u1 $0x0  }
0xb: {  	s9 =	simm.s32 $0x0;
	[sflag:s30] =	ssyncpa.u1 $0x0;
	s8 =	sadd.s32 $0x1, s6  }
.LBB1_4:
0xc: {  	s21 =	simm.s32 $0x0  }
.LBB1_8:
0xd: {  	_ =	sdelay $0x3  }
0xe: {  	v6 =	vld [tilespmem:s18+$0xFFFFFFC0];
	[tilespmem:v0+s20+$0x30 ss:$0x1] =	vst.idx.msk @p0 $0xffff, v2  }
0xf: {  	v58 =	vld [tilespmem:s18+$0xFFFFFFD0];
	[tilespmem:v0+s20+$0x40 ss:$0x1] =	vst.idx.msk @p0 $0xffff, v3;
	s21 =	sadd.s32 @p0 $0x80, s21  }
0x10: {  	v59 =	vld [tilespmem:s18+$0xFFFFFFE0];
	[tilespmem:v0+s20+$0x50 ss:$0x1] =	vst.idx.msk @p0 $0xffff, v5;
	s19 =	smov.u32 @p0 s21  }
0x11: {  	v60 =	vld [tilespmem:s18+$0xFFFFFFF0];
	[tilespmem:v0+s20+$0x60 ss:$0x1] =	vst.idx.msk @p0 $0xffff, v4;
	s19 =	sand.u32 $0x3F80, s19  }
0x12: {  	v61 =	vld [tilespmem:s18+$0x0];
	[tilespmem:v0+s19+$0x70 ss:$0x1] =	vst.idx.msk $0xffff, v1  }
0x13: {  	v62 =	vld [tilespmem:s18+$0x10];
	[tilespmem:v0+s19+$0x0 ss:$0x1] =	vst.idx.msk $0xffff, v6  }
0x14: {  	v63 =	vld [tilespmem:s18+$0x20];
	[tilespmem:v0+s19+$0x10 ss:$0x1] =	vst.idx.msk $0xffff, v58  }
0x15: {  	[tilespmem:v0+s19+$0x20 ss:$0x1] =	vst.idx.msk $0xffff, v59  }
0x16: {  	[tilespmem:v0+s19+$0x30 ss:$0x1] =	vst.idx.msk $0xffff, v60  }
0x17: {  	[tilespmem:v0+s19+$0x40 ss:$0x1] =	vst.idx.msk $0xffff, v61  }
0x18: {  	[tilespmem:v0+s19+$0x50 ss:$0x1] =	vst.idx.msk $0xffff, v62  }
0x19: {  	[tilespmem:v0+s19+$0x60 ss:$0x1] =	vst.idx.msk $0xffff, v63  }
.LBB1_9:
0x1a: {  	s18 =	sand.u32 $0x1FFFFFF, s11  }
0x1b: {  	s19 =	smulhi.u32 $0x14F8B59, s18;
	_ =	sdelay $0x1  }
0x1c: {  	s19 =	sshrl.u32 s19, $0x8  }
0x1d: {  	s19 =	smul.u32 $0xC350, s19  }
0x1e: {  	s15 =	smul.u32 $0xC3500, s15  }
0x1f: {  	s18 =	ssub.s32 s18, s19  }
0x20: {  	s15 =	sadd.s32 s4, s15;
	s18 =	sshll.u32 s18, $0x4  }
0x21: {  	s15 =	sadd.s32 s18, s15  }
0x22: {  	[hbm4b:s15+s9] =	stream.linear.scatter [tilespmem:s17], [sflag:$0x2], s16, $0x38;
	[tilespmem:$0x10000] =	vst v63  }
.LBB1_10:
0x23: {  	p0 =	slt.u32 s13, $0x2  }
0x24: {  	p1 =	sgt.s32 @!p0 s14, $0xC2D0  }
0x25: {  	s15 =	smov.u32 s14;
	s16 =	sshra.s32 @!p0 s14, $0x1F;
	p1 =	por !p1, p0  }
0x26: {  	s14 =	sand.u32 @!p0 s16, s14;
	s15 =	simm.s32 @p1 $0xC2D0  }
0x27: {  	s14 =	ssub.s32 @!p0 s15, s14  }
0x28: {  	s14 =	sadd.s32 @!p0 $0xFFFF3D30, s14  }
0x29: {  	s15 =	sshll.u32 @!p0 s14, $0x7  }
0x2a: {  	p1 =	sgt.s32 @!p0 s14, $0x7F;
	s14 =	ssub.s32 @!p0 $0x4000, s15  }
0x2b: {  	s16 =	sadd.s32 $0x800, s12;
	p1 =	por !p1, p0;
	s14 =	sand.u32 @!p0 $0x3FFFFF80, s14  }
0x2c: {  	s14 =	simm.s32 @!p1 $0x0;
	p1 =	sgt.s32 s16, $0xC34F  }
0x2d: {  	s16 =	smov.u32 @p1 s3;
	p1 =	sne.s32 s13, s8  }
.Ltmp1:
0x2e: {  	_ = 	snop;
	(pc) =	sbr.rel @!p1 .LBB1_11-.Ltmp1, $4  }
0x2f: {  	s10 =	sadd.s32 $0x4000, s10;
	s15 =	simm.s32 @!p0 $0x2  }
0x30: {  	_ =	swait.ge @!p0 [sflag:s15], s14;
	s17 =	ssub.s32 @!p0 $0x0, s14;
	s14 =	smov.u32 s11  }
0x31: {  	s13 =	sadd.s32 $0x1, s13;
	s11 =	smov.u32 s12;
	[sflag:s15] =	ssyncset.done @!p0 $0x0  }
0x32: {  	s12 =	smov.u32 s16;
	[sflag:s15] =	ssyncadd.s32 @!p0 s17;
	s15 =	smov.u32 s2  }
.LBB1_1:
0x33: {  	p0 =	sge.u32 s13, s6  }
0x34: {  	p1 =	sgt.s32 @!p0 s12, $0xC2D0  }
0x35: {  	s16 =	smov.u32 s12;
	s17 =	sshra.s32 @!p0 s12, $0x1F;
	p1 =	por !p1, p0  }
0x36: {  	s17 =	sand.u32 @!p0 s17, s12;
	s16 =	simm.s32 @p1 $0xC2D0  }
0x37: {  	s16 =	ssub.s32 @!p0 s16, s17  }
0x38: {  	s31 =	sadd.s32 $0xFFFFFFFF, s13;
	s18 =	sxor.u32 @!p0 $0xFFFFFFFF, s13;
	s16 =	sadd.s32 @!p0 $0xFFFF3D30, s16  }
0x39: {  	s19 =	simm.s32 @!p0 $0x80;
	s20 =	simm.s32 @!p0 $0x100;
	s17 =	sshll.u32 @!p0 s16, $0x7  }
0x3a: {  	p1 =	sgt.s32 @!p0 s16, $0x7F;
	s16 =	ssub.s32 @!p0 $0x4000, s17;
	s17 =	sshll.u32 @!p0 s18, $0xE  }
0x3b: {  	p1 =	por !p1, p0;
	s18 =	sshll.u32 @!p0 s12, $0x5;
	s16 =	sand.u32 @!p0 $0x3FFFFF80, s16  }
0x3c: {  	s17 =	sand.u32 @!p0 $0x4000, s17;
	s18 =	sadd.s32 @!p0 s18, s7;
	s16 =	simm.s32 @!p1 $0x0  }
0x3d: {  	[tilespmem:s17], [sflag:$0x1] =	stream.strided.gather @!p0 [hbm4b:s18+s19], s16, s20, s19, $0x38;
	[tilespmem:$0x10000] =	vst v63  }
0x3e: {  	p0 =	sge.u32 s31, s6  }
.Ltmp2:
0x3f: {  	_ = 	snop;
	(pc) =	sbr.rel @p0 .LBB1_10-.Ltmp2, $1  }
0x40: {  	_ =	sdelay $0x3  }
0x41: {  	p0 =	sgt.s32 s11, $0xC2D0;
	s16 =	smov.u32 s11;
	s17 =	sshra.s32 s11, $0x1F  }
0x42: {  	s16 =	simm.s32 @!p0 $0xC2D0;
	s17 =	sand.u32 s17, s11  }
0x43: {  	s16 =	ssub.s32 s16, s17  }
0x44: {  	s16 =	sadd.s32 $0xFFFF3D30, s16  }
0x45: {  	s30 =	sshll.u32 s16, $0x7  }
0x46: {  	s17 =	ssub.s32 $0x4000, s30  }
0x47: {  	p0 =	sgt.s32 s16, $0x7F;
	s16 =	sand.u32 $0x3FFFFF80, s17;
	s17 =	sadd.s32 $0x80, s11  }
0x48: {  	s16 =	simm.s32 @p0 $0x0;
	p0 =	slt.s32 s17, $0xC350  }
0x49: {  	s17 =	simm.s32 @!p0 $0xC350  }
0x4a: {  	s20 =	ssub.s32 s17, s11  }
0x4b: {  	p0 =	slt.s32 s20, $0x1  }
.Ltmp3:
0x4c: {  	_ = 	snop;
	(pc) =	sbr.rel @p0 .LBB1_9-.Ltmp3, $4  }
0x4d: {  	_ = 	snop  }
0x4e: {  	s19 =	sshll.u32 s13, $0xE;
	_ =	swait.ge [sflag:s5], s16  }
0x4f: {  	s31 =	sand.u32 $0x4000, s19;
	s18 =	ssub.s32 $0x0, s16;
	[sflag:s5] =	ssyncset.done $0x0  }
0x50: {  	s17 =	sor.u32 $0x8000, s31;
	[sflag:s5] =	ssyncadd.s32 s18  }
0x51: {  	p1 =	sne.s32 s20, $0x1  }
.Ltmp4:
0x52: {  	v0 =	vmov s17;
	(pc) =	sbr.rel @!p1 .LBB1_4-.Ltmp4, $4  }
0x53: {  	_ = 	snop  }
0x54: {  	s18 =	sand.u32 $0x4000, s10  }
0x55: {  	s18 =	sor.u32 $0x40, s18  }
0x56: {  	s19 =	simm.s32 $0x0;
	s21 =	sadd.s32 $0xFFFFFFFF, s20;
	p0 =	por $0x0, $0x0;
	v1 =	vld [tilespmem:s18+$0x30]  }
0x57: {  	v4 =	vld [tilespmem:s18+$0xFFFFFFC0]  }
0x58: {  	v6 =	vld [tilespmem:s18+$0xFFFFFFD0]  }
0x59: {  	v7 =	vld [tilespmem:s18+$0xFFFFFFE0];
	p1 =	sne.s32 s21, $0x1  }
.Ltmp5:
0x5a: {  	v2 =	vld [tilespmem:s18+$0xFFFFFFF0];
	s20 =	sand.u32 $0x3F80, s19;
	(pc) =	sbr.rel @!p1 .LBB1_6-.Ltmp5, $4  }
0x5b: {  	v3 =	vld [tilespmem:s18+$0x0];
	[tilespmem:v0+s20+$0x70 ss:$0x1] =	vst.idx.msk $0xffff, v1  }
0x5c: {  	v5 =	vld [tilespmem:s18+$0x10];
	[tilespmem:v0+s20+$0x0 ss:$0x1] =	vst.idx.msk $0xffff, v4  }
0x5d: {  	v4 =	vld [tilespmem:s18+$0x20];
	[tilespmem:v0+s20+$0x10 ss:$0x1] =	vst.idx.msk $0xffff, v6;
	s18 =	sadd.s32 $0x80, s18  }
0x5e: {  	s22 =	sadd.s32 $0xFFFFFFFF, s21;
	p0 =	por $0x1, $0x1;
	s21 =	simm.s32 $0x0;
	[tilespmem:v0+s20+$0x20 ss:$0x1] =	vst.idx.msk $0xffff, v7;
	v1 =	vld [tilespmem:s18+$0x30]  }
.LBB1_7:
0x5f: {  	p1 =	sne.s32 s22, $0x1;
	v6 =	vld [tilespmem:s18+$0xFFFFFFC0];
	[tilespmem:v0+s20+$0x30 ss:$0x1] =	vst.idx.msk $0xffff, v2  }
0x60: {  	v7 =	vld [tilespmem:s18+$0xFFFFFFD0];
	[tilespmem:v0+s20+$0x40 ss:$0x1] =	vst.idx.msk $0xffff, v3  }
0x61: {  	s21 =	sadd.s32 $0x80, s21;
	v8 =	vld [tilespmem:s18+$0xFFFFFFE0];
	[tilespmem:v0+s20+$0x50 ss:$0x1] =	vst.idx.msk $0xffff, v5  }
.Ltmp6:
0x62: {  	v2 =	vld [tilespmem:s18+$0xFFFFFFF0];
	[tilespmem:v0+s20+$0x60 ss:$0x1] =	vst.idx.msk $0xffff, v4;
	s20 =	sand.u32 $0x3F80, s21;
	(pc) =	sbr.rel @p1 .LBB1_7-.Ltmp6, $4  }
0x63: {  	v3 =	vld [tilespmem:s18+$0x0];
	[tilespmem:v0+s20+$0x70 ss:$0x1] =	vst.idx.msk $0xffff, v1  }
0x64: {  	[tilespmem:v0+s20+$0x0 ss:$0x1] =	vst.idx.msk $0xffff, v6;
	v5 =	vld [tilespmem:s18+$0x10]  }
0x65: {  	[tilespmem:v0+s20+$0x10 ss:$0x1] =	vst.idx.msk $0xffff, v7;
	v4 =	vld [tilespmem:s18+$0x20];
	s18 =	sadd.s32 $0x80, s18  }
0x66: {  	s22 =	sadd.s32 $0xFFFFFFFF, s22;
	v1 =	vld [tilespmem:s18+$0x30];
	[tilespmem:v0+s20+$0x20 ss:$0x1] =	vst.idx.msk $0xffff, v8  }
.Ltmp7:
0x67: {  	_ = 	snop;
	(pc) =	sbr.rel .LBB1_8-.Ltmp7, $1  }
0x68: {  	_ =	sdelay $0x3  }
.LBB1_6:
.Ltmp8:
0x69: {  	(pc) =	sbr.rel .LBB1_8-.Ltmp8, $2  }
0x6a: {  	_ =	sdelay $0x2  }
0x6b: {  	s21 =	simm.s32 $0x0  }
.LBB1_11:
0x6c: {  	_ =	sfence.sel $0x180000  }
0x6d: {  	s2 =	simm.s32 $0x1;
	[bflag:$0x0] =	sbarrier.arrive $0xFFFF  }
0x6e: {  	s31 =	simm.s32 $0x2;
	[sflag:s2] =	ssyncpa.u1 $0x1  }
0x6f: {  	[sflag:s31] =	ssyncpa.u1 $0x1  }
0x70: {  	p0 =	sne.s32 s0, $0x0;
	_ =	strace $0x90000047  }
0x71: {  	s0 =	sadd.s32 @!p0 $0x100000, s1;
	[bflag:$0x2] =	sbarrier.arrive $0xFFFF  }
0x72: {  	[sflag:s0] =	ssyncadd.tile.s32 @!p0 $0x1;
	_ =	shalt  }
.Lfunc_end1:
_tile_overlayer_lowered:
.L_overlay_start_2:
0x73: {  	(tag) =	ssettag $0x2  }
0x74: {  	s0 =	rddreg [dreg:$0x0];
	s2 =	stileid.u32  }
0x75: {  	s1 =	rddreg [dreg:$0x1];
	p0 =	sne.s32 s2, $0x0  }
0x76: {  	s3 =	rddreg [dreg:$0x2];
	[bflag:$0x3] =	sbarrier.arrive $0xFFFF;
	s2 =	simm.s32 @!p0 $0x1C01  }
0x77: {  	[timem:s3], [sflag:s2] =	dma.local @!p0 [hbm:s0], s1  }
0x78: {  	s0 =	simm.s32 @!p0 $0x1  }
0x79: {  	_ =	swait.ge @!p0 [sflag:s0], s1  }
0x7a: {  	s1 =	ssub.s32 @!p0 $0x0, s1;
	[sflag:s0] =	ssyncset.done @!p0 $0x0  }
0x7b: {  	[sflag:s0] =	ssyncadd.s32 @!p0 s1  }
0x7c: {  	[bflag:$0x3] =	sbarrier.arrive $0xFFFF  }
0x7d: {  	_ =	shalt  }

</sc_bundles>
